<compile_context>
chip_gen: v7x
topology: tpu7x:2x2x1
jax: 0.10.2.dev20260603
libtpu: 0.0.44.dev20260713+nightly
codegen_flags: <defaults>
</compile_context>

<pallas_src>
import functools

import jax
import jax.numpy as jnp
from jax import lax
from jax.experimental import pallas as pl
from jax.experimental.pallas import tpu as pltpu
from jax.experimental.pallas import tpu_sc as plsc

N = 10000
E = 320000
F_IN = 128
HID = 64
OUT = 32

NP = 10240
NC, NS, L = 2, 16, 16
E2 = E // NC
TE = E2 // NS
CH = 4000
NEG = 0.2
NB = 2048


def _lrelu(v):
    return jnp.where(v >= 0, v, NEG * v)


def _make_edge_kernel(C):
    CPT2 = C // (2 * NS)
    CPT = 2 * CPT2
    NK = E2 // CH
    mesh = plsc.VectorSubcoreMesh(
        core_axis_name="c", subcore_axis_name="s", num_cores=NC, num_subcores=NS)

    @functools.partial(
        pl.kernel,
        out_type=[
            jax.ShapeDtypeStruct((NC, C, NP), jnp.float32),
            jax.ShapeDtypeStruct((NC, NS, NP), jnp.float32),
        ],
        mesh=mesh,
        compiler_params=pltpu.CompilerParams(needs_layout_passes=False),
        scratch_types=[
            pltpu.VMEM((NP,), jnp.int32),
            pltpu.VMEM((NP,), jnp.int32),
            pltpu.VMEM((NP,), jnp.float32),
            pltpu.VMEM((CPT2, NP), jnp.int32),
            pltpu.VMEM((CPT, NP), jnp.float32),
            pltpu.VMEM((CH,), jnp.int32),
            pltpu.VMEM((CH,), jnp.int32),
            pltpu.VMEM((CH,), jnp.int32),
            pltpu.VMEM((CH,), jnp.int32),
            pltpu.SemaphoreType.DMA,
            pltpu.SemaphoreType.DMA,
        ],
    )
    def edge_kernel(src_h, dst_h, asrc_h, adst_h, hT_h, S_h, den_h,
                    asrc_l, adst_l, den_l, h_l, s_l, src_b0, src_b1,
                    dst_b0, dst_b1, sem0, sem1):
        c = lax.axis_index("c")
        s = lax.axis_index("s")

        pltpu.sync_copy(asrc_h, asrc_l)
        pltpu.sync_copy(adst_h, adst_l)
        pltpu.sync_copy(hT_h.at[pl.ds(s * CPT2, CPT2)], h_l)

        def zero_all(i, _):
            den_l[pl.ds(i * L, L)] = jnp.zeros((L,), jnp.float32)
            for cc in range(CPT):
                s_l[cc, pl.ds(i * L, L)] = jnp.zeros((L,), jnp.float32)
            return 0
        lax.fori_loop(0, NP // L, zero_all, 0)

        ebase = c * E2
        bufs = ((src_b0, dst_b0, sem0), (src_b1, dst_b1, sem1))

        def fetch(k, b):
            off = ebase + k * CH
            sb, db, sem = bufs[b]
            cp_s = pltpu.make_async_copy(src_h.at[pl.ds(off, CH)], sb, sem)
            cp_d = pltpu.make_async_copy(dst_h.at[pl.ds(off, CH)], db, sem)
            return cp_s, cp_d

        def start_fetch(k, b):
            cp_s, cp_d = fetch(k, b)
            cp_s.start()
            cp_d.start()

        def wait_fetch(k, b):
            cp_s, cp_d = fetch(k, b)
            cp_s.wait()
            cp_d.wait()

        def run_inner(b, with_den):
            sb, db, _ = bufs[b]

            @plsc.parallel_loop(0, CH // L, unroll=8)
            def inner(i):
                sv = sb[pl.ds(i * L, L)]
                dv = db[pl.ds(i * L, L)]
                ea, ea2 = plsc.unpack(
                    plsc.bitcast(plsc.load_gather(asrc_l, [sv]), jnp.bfloat16),
                    format=plsc.PackFormat.INTERLEAVED)
                ed, ed2 = plsc.unpack(
                    plsc.bitcast(plsc.load_gather(adst_l, [dv]), jnp.bfloat16),
                    format=plsc.PackFormat.INTERLEAVED)
                wpos = ea * ed
                wv = jnp.where(wpos >= 1.0, wpos, ea2 * ed2)
                if with_den:
                    plsc.addupdate_scatter(den_l, [dv], wv)
                for j in range(CPT2):
                    jv = jnp.full((L,), j, jnp.int32)
                    pv = plsc.load_gather(h_l, [jv, sv])
                    hlo, hhi = plsc.unpack(
                        plsc.bitcast(pv, jnp.bfloat16),
                        format=plsc.PackFormat.INTERLEAVED)
                    plsc.addupdate_scatter(s_l, [jv, dv], hlo * wv)
                    jv2 = jnp.full((L,), CPT2 + j, jnp.int32)
                    plsc.addupdate_scatter(s_l, [jv2, dv], hhi * wv)

        def process(k, b):
            mine = jnp.logical_and(k >= (s * NK) // NS,
                                   k < ((s + 1) * NK) // NS)
            lax.cond(
                mine,
                lambda: run_inner(b, True),
                lambda: run_inner(b, False),
            )

        start_fetch(0, 0)

        def chunk_pair(kk, _):
            k0 = 2 * kk
            start_fetch(k0 + 1, 1)
            wait_fetch(k0, 0)
            process(k0, 0)

            @pl.when(k0 + 2 < NK)
            def _():
                start_fetch(k0 + 2, 0)

            wait_fetch(k0 + 1, 1)
            process(k0 + 1, 1)
            return 0
        lax.fori_loop(0, NK // 2, chunk_pair, 0)

        pltpu.sync_copy(den_l, den_h.at[c, s])
        pltpu.sync_copy(s_l.at[pl.ds(0, CPT2)],
                        S_h.at[c, pl.ds(s * CPT2, CPT2)])
        pltpu.sync_copy(s_l.at[pl.ds(CPT2, CPT2)],
                        S_h.at[c, pl.ds(C // 2 + s * CPT2, CPT2)])

    return edge_kernel


_edge_kernel0 = _make_edge_kernel(HID)
_edge_kernel1 = _make_edge_kernel(OUT)


def _pack2(lo_f, hi_f):
    lo = lax.bitcast_convert_type(
        lo_f.astype(jnp.bfloat16), jnp.uint16).astype(jnp.uint32)
    hi = lax.bitcast_convert_type(
        hi_f.astype(jnp.bfloat16), jnp.uint16).astype(jnp.uint32)
    return lax.bitcast_convert_type(lo | (hi << 16), jnp.int32)


def _pack_pairs(hT, C):
    return _pack2(hT[0:C // 2, :], hT[C // 2:C, :])


def _pack_exp(a):
    ac = jnp.minimum(a, 44.0)
    return _pack2(jnp.exp(ac), jnp.exp(NEG * ac))


def _tc1_body(x_ref, w0T_ref, as_ref, ad_ref,
              hT_ref, hp_ref, aso_ref, ado_ref, ws_ref):
    hT = lax.dot_general(
        w0T_ref[...], x_ref[...], (((1,), (1,)), ((), ())),
        preferred_element_type=jnp.float32)
    hT_ref[...] = hT
    hp_ref[...] = _pack_pairs(hT, HID)
    a_s = jnp.dot(as_ref[...], hT, preferred_element_type=jnp.float32)
    a_d = jnp.dot(ad_ref[...], hT, preferred_element_type=jnp.float32)
    aso_ref[...] = _pack_exp(a_s)
    ado_ref[...] = _pack_exp(a_d)
    ws_ref[...] = jnp.exp(_lrelu(a_s + a_d))


def _tc2_body(S_ref, den_ref, ws_ref, hT_ref, b0_ref, w1T_ref, as1_ref, ad1_ref,
              h1T_ref, hp_ref, aso_ref, ado_ref, wso_ref):
    ws = ws_ref[...]
    den = jnp.sum(den_ref[...], axis=0, keepdims=True) + ws + 1e-16
    Sb = S_ref[0:HID, :] + S_ref[HID:2 * HID, :] + ws * hT_ref[...]
    x1 = Sb / den + b0_ref[...]
    x1 = jnp.where(x1 > 0, x1, jnp.exp(x1) - 1.0)
    h1T = jnp.dot(w1T_ref[...], x1, preferred_element_type=jnp.float32)
    h1T_ref[...] = h1T
    hp_ref[...] = _pack_pairs(h1T, OUT)
    a_s = jnp.dot(as1_ref[...], h1T, preferred_element_type=jnp.float32)
    a_d = jnp.dot(ad1_ref[...], h1T, preferred_element_type=jnp.float32)
    aso_ref[...] = _pack_exp(a_s)
    ado_ref[...] = _pack_exp(a_d)
    wso_ref[...] = jnp.exp(_lrelu(a_s + a_d))


def _tc3_body(S_ref, den_ref, ws_ref, hT_ref, b1_ref, o_ref):
    ws = ws_ref[...]
    den = jnp.sum(den_ref[...], axis=0, keepdims=True) + ws + 1e-16
    Ob = (S_ref[0:OUT, :] + S_ref[OUT:2 * OUT, :] + ws * hT_ref[...]) / den \
        + b1_ref[...]
    m = jnp.max(Ob, axis=0, keepdims=True)
    lse = m + jnp.log(jnp.sum(jnp.exp(Ob - m), axis=0, keepdims=True))
    o_ref[...] = jnp.transpose(Ob - lse)


def _row_spec(rows):
    return pl.BlockSpec((rows, NB), lambda i: (0, i))


def _fix_spec(shape):
    return pl.BlockSpec(shape, lambda i: tuple(0 for _ in shape))


_GRID = NP // NB

_tc1 = pl.pallas_call(
    _tc1_body,
    grid=(_GRID,),
    in_specs=[pl.BlockSpec((NB, F_IN), lambda i: (i, 0)),
              _fix_spec((HID, F_IN)), _fix_spec((1, HID)),
              _fix_spec((1, HID))],
    out_specs=[_row_spec(HID), _row_spec(HID // 2), _row_spec(1), _row_spec(1),
               _row_spec(1)],
    out_shape=[jax.ShapeDtypeStruct((HID, NP), jnp.float32),
               jax.ShapeDtypeStruct((HID // 2, NP), jnp.int32),
               jax.ShapeDtypeStruct((1, NP), jnp.int32),
               jax.ShapeDtypeStruct((1, NP), jnp.int32),
               jax.ShapeDtypeStruct((1, NP), jnp.float32)],
)

_tc2 = pl.pallas_call(
    _tc2_body,
    grid=(_GRID,),
    in_specs=[_row_spec(2 * HID), _row_spec(NC * NS), _row_spec(1),
              _row_spec(HID), _fix_spec((HID, NB)), _fix_spec((OUT, HID)),
              _fix_spec((1, OUT)), _fix_spec((1, OUT))],
    out_specs=[_row_spec(OUT), _row_spec(OUT // 2), _row_spec(1), _row_spec(1),
               _row_spec(1)],
    out_shape=[jax.ShapeDtypeStruct((OUT, NP), jnp.float32),
               jax.ShapeDtypeStruct((OUT // 2, NP), jnp.int32),
               jax.ShapeDtypeStruct((1, NP), jnp.int32),
               jax.ShapeDtypeStruct((1, NP), jnp.int32),
               jax.ShapeDtypeStruct((1, NP), jnp.float32)],
)

_tc3 = pl.pallas_call(
    _tc3_body,
    grid=(_GRID,),
    in_specs=[_row_spec(2 * OUT), _row_spec(NC * NS), _row_spec(1),
              _row_spec(OUT), _fix_spec((OUT, NB))],
    out_specs=pl.BlockSpec((NB, OUT), lambda i: (i, 0)),
    out_shape=jax.ShapeDtypeStruct((NP, OUT), jnp.float32),
)


def kernel(x, edge_index, W0, att_src0, att_dst0, b0, W1, att_src1, att_dst1, b1):
    src = edge_index[0]
    dst = edge_index[1]
    as0 = att_src0.reshape(1, HID)
    ad0 = att_dst0.reshape(1, HID)
    as1 = att_src1.reshape(1, OUT)
    ad1 = att_dst1.reshape(1, OUT)
    b0b = jnp.broadcast_to(b0[:, None], (HID, NB))
    b1b = jnp.broadcast_to(b1[:, None], (OUT, NB))

    hT0, hp0, p_s0, p_d0, ws0 = _tc1(x, W0.T, as0, ad0)
    S0, den0 = _edge_kernel0(src, dst, p_s0.reshape(NP), p_d0.reshape(NP), hp0)
    h1T, hp1, p_s1, p_d1, ws1 = _tc2(
        S0.reshape(NC * HID, NP), den0.reshape(NC * NS, NP), ws0, hT0, b0b,
        W1.T, as1, ad1)
    S1, den1 = _edge_kernel1(src, dst, p_s1.reshape(NP), p_d1.reshape(NP), hp1)
    o = _tc3(S1.reshape(NC * OUT, NP), den1.reshape(NC * NS, NP), ws1, h1T, b1b)
    return o[:N, :]

# --- scband reference (transcript-rebuilt; emitter-appended) ---
"""Pipeline reference for scband-gat-13683765805694 (READ-ONLY COPY).

The authoritative reference and input builder live on the scoring server;
editing this copy changes nothing except your own understanding.
"""

import jax, jax.numpy as jnp
import numpy as np

N = 10000
E = 320000
F_IN = 128
HID = 64
OUT = 32


def setup_inputs(seed: int = 0) -> dict:
    key = jax.random.key(seed)
    ks = jax.random.split(key, 12)
    x = jax.random.normal(ks[0], (N, F_IN), dtype=jnp.float32)
    edge_index = jax.random.randint(ks[1], (2, E), 0, N, dtype=jnp.int32)
    # Layer 0: in=128 -> out=64, heads=1, concat=True
    W0 = jax.random.normal(ks[2], (F_IN, 1 * HID), dtype=jnp.float32) * 0.1
    att_src0 = jax.random.normal(ks[3], (1, 1, HID), dtype=jnp.float32) * 0.1
    att_dst0 = jax.random.normal(ks[4], (1, 1, HID), dtype=jnp.float32) * 0.1
    b0 = jnp.zeros((HID,), dtype=jnp.float32)
    # Layer 1: in=64 -> out=32, heads=1, concat=False
    W1 = jax.random.normal(ks[5], (HID, 1 * OUT), dtype=jnp.float32) * 0.1
    att_src1 = jax.random.normal(ks[6], (1, 1, OUT), dtype=jnp.float32) * 0.1
    att_dst1 = jax.random.normal(ks[7], (1, 1, OUT), dtype=jnp.float32) * 0.1
    b1 = jnp.zeros((OUT,), dtype=jnp.float32)
    return {"x": x, "edge_index": edge_index, "W0": W0, "att_src0": att_src0,
            "att_dst0": att_dst0, "b0": b0, "W1": W1, "att_src1": att_src1,
            "att_dst1": att_dst1, "b1": b1}


def gat_conv(x, edge_index, W, att_src, att_dst, bias, heads, out_ch, concat):
    n = x.shape[0]
    # PyG GATConv default: add self-loops
    loop = jnp.arange(n, dtype=edge_index.dtype)
    src = jnp.concatenate([edge_index[0], loop])
    dst = jnp.concatenate([edge_index[1], loop])
    h = (x @ W).reshape(n, heads, out_ch)
    a_src = (h * att_src).sum(axis=-1)  # [N, H]
    a_dst = (h * att_dst).sum(axis=-1)  # [N, H]
    alpha = a_src[src] + a_dst[dst]  # [E', H]
    alpha = jax.nn.leaky_relu(alpha, negative_slope=0.2)
    amax = jax.ops.segment_max(alpha, dst, num_segments=n)
    alpha = jnp.exp(alpha - amax[dst])
    denom = jax.ops.segment_sum(alpha, dst, num_segments=n)
    alpha = alpha / (denom[dst] + 1e-16)
    msg = h[src] * alpha[..., None]  # [E', H, C]
    out = jax.ops.segment_sum(msg, dst, num_segments=n)  # [N, H, C]
    if concat:
        out = out.reshape(n, heads * out_ch)
    else:
        out = out.mean(axis=1)
    return out + bias


def reference(x, edge_index, W0, att_src0, att_dst0, b0, W1, att_src1, att_dst1, b1):
    h = gat_conv(x, edge_index, W0, att_src0, att_dst0, b0, 1, HID, True)
    h = jax.nn.elu(h)
    h = gat_conv(h, edge_index, W1, att_src1, att_dst1, b1, 1, OUT, False)
    return jax.nn.log_softmax(h, axis=1)

if __name__ == "__main__":
    import jax
    _d = setup_inputs()
    print(jax.jit(kernel)(*tuple(_d.values())))

</pallas_src>

<mosaic_0001>
#map = affine_map<(d0, d1) -> (0)>
#map1 = affine_map<(d0, d1) -> (0, 0)>
#map2 = affine_map<(d0, d1) -> (0, 0, 0)>
module attributes {stable_mosaic.version = 14 : i64} {
  func.func @edge_kernel(%arg0: i32, %arg1: i32, %arg2: memref<320000xi32, #tpu.memory_space<hbm>>, %arg3: memref<320000xi32, #tpu.memory_space<hbm>>, %arg4: memref<10240xi32, #tpu.memory_space<hbm>>, %arg5: memref<10240xi32, #tpu.memory_space<hbm>>, %arg6: memref<32x10240xi32, #tpu.memory_space<hbm>>, %arg7: memref<2x64x10240xf32, #tpu.memory_space<hbm>>, %arg8: memref<2x16x10240xf32, #tpu.memory_space<hbm>>, %arg9: memref<10240xi32, #tpu.memory_space<vmem>>, %arg10: memref<10240xi32, #tpu.memory_space<vmem>>, %arg11: memref<10240xf32, #tpu.memory_space<vmem>>, %arg12: memref<2x10240xi32, #tpu.memory_space<vmem>>, %arg13: memref<4x10240xf32, #tpu.memory_space<vmem>>, %arg14: memref<4000xi32, #tpu.memory_space<vmem>>, %arg15: memref<4000xi32, #tpu.memory_space<vmem>>, %arg16: memref<4000xi32, #tpu.memory_space<vmem>>, %arg17: memref<4000xi32, #tpu.memory_space<vmem>>, %arg18: memref<!tpu.dma_semaphore, #tpu.memory_space<semaphore_mem>>, %arg19: memref<!tpu.dma_semaphore, #tpu.memory_space<semaphore_mem>>) attributes {dimension_semantics = [#tpu.dimension_semantics<core_parallel>, #tpu.dimension_semantics<subcore_parallel>], iteration_bounds = array<i64: 2, 16>, scalar_prefetch = 0 : i64, scratch_operands = 11 : i64, tpu.core_type = #tpu.core_type<sc_vector_subcore>, window_params = [{transform_indices = #map}, {transform_indices = #map}, {transform_indices = #map}, {transform_indices = #map}, {transform_indices = #map1}, {transform_indices = #map2}, {transform_indices = #map2}]} {
    "tpu.region"() ({
      %run_scoped3A = tpu.sem_alloc : memref<!tpu.dma_semaphore, #tpu.memory_space<semaphore_mem>>
      tpu.enqueue_dma source(%arg4 : memref<10240xi32, #tpu.memory_space<hbm>>) target(%arg9 : memref<10240xi32, #tpu.memory_space<vmem>>) target_semaphore(%run_scoped3A : memref<!tpu.dma_semaphore, #tpu.memory_space<semaphore_mem>>)
      tpu.wait_dma2 semaphore(%run_scoped3A : memref<!tpu.dma_semaphore, #tpu.memory_space<semaphore_mem>>) src(%arg4 : memref<10240xi32, #tpu.memory_space<hbm>>) dst(%arg9 : memref<10240xi32, #tpu.memory_space<vmem>>)
      tpu.yield
    }) : () -> ()
    "tpu.region"() ({
      %run_scoped3A = tpu.sem_alloc : memref<!tpu.dma_semaphore, #tpu.memory_space<semaphore_mem>>
      tpu.enqueue_dma source(%arg5 : memref<10240xi32, #tpu.memory_space<hbm>>) target(%arg10 : memref<10240xi32, #tpu.memory_space<vmem>>) target_semaphore(%run_scoped3A : memref<!tpu.dma_semaphore, #tpu.memory_space<semaphore_mem>>)
      tpu.wait_dma2 semaphore(%run_scoped3A : memref<!tpu.dma_semaphore, #tpu.memory_space<semaphore_mem>>) src(%arg5 : memref<10240xi32, #tpu.memory_space<hbm>>) dst(%arg10 : memref<10240xi32, #tpu.memory_space<vmem>>)
      tpu.yield
    }) : () -> ()
    %mul3A = arith.constant 2 : i32
    %mul3A_0 = arith.muli %arg1, %mul3A : i32
    "tpu.region"() ({
      %run_scoped3A = tpu.sem_alloc : memref<!tpu.dma_semaphore, #tpu.memory_space<semaphore_mem>>
      %dma_start3A_26 = arith.constant 0 : i32
      %dma_start3A_27 = tpu.memref_slice %arg6[%mul3A_0, %dma_start3A_26] : memref<32x10240xi32, #tpu.memory_space<hbm>> -> memref<2x10240xi32, #tpu.memory_space<hbm>>
      %dma_start3A_28 = arith.constant 0 : i32
      %dma_start3A_29 = tpu.memref_slice %arg6[%mul3A_0, %dma_start3A_28] : memref<32x10240xi32, #tpu.memory_space<hbm>> -> memref<2x10240xi32, #tpu.memory_space<hbm>>
      tpu.enqueue_dma source(%dma_start3A_29 : memref<2x10240xi32, #tpu.memory_space<hbm>>) target(%arg12 : memref<2x10240xi32, #tpu.memory_space<vmem>>) target_semaphore(%run_scoped3A : memref<!tpu.dma_semaphore, #tpu.memory_space<semaphore_mem>>)
      %dma_wait3A = arith.constant 0 : i32
      %dma_wait3A_30 = tpu.memref_slice %arg6[%mul3A_0, %dma_wait3A] : memref<32x10240xi32, #tpu.memory_space<hbm>> -> memref<2x10240xi32, #tpu.memory_space<hbm>>
      %dma_wait3A_31 = arith.constant 0 : i32
      %dma_wait3A_32 = tpu.memref_slice %arg6[%mul3A_0, %dma_wait3A_31] : memref<32x10240xi32, #tpu.memory_space<hbm>> -> memref<2x10240xi32, #tpu.memory_space<hbm>>
      tpu.wait_dma2 semaphore(%run_scoped3A : memref<!tpu.dma_semaphore, #tpu.memory_space<semaphore_mem>>) src(%dma_wait3A_32 : memref<2x10240xi32, #tpu.memory_space<hbm>>) dst(%arg12 : memref<2x10240xi32, #tpu.memory_space<vmem>>)
      tpu.yield
    }) : () -> ()
    %scan3A = arith.constant 0 : i32
    %scan3A_1 = arith.constant 0 : i32
    %scan3A_2 = arith.constant 640 : i32
    %scan3A_3 = arith.addi %scan3A_1, %scan3A_2 : i32
    %scan3A_4 = arith.constant 1 : i32
    %scan3A_5 = scf.for %scan3A_26 = %scan3A_1 to %scan3A_3 step %scan3A_4 iter_args(%scan3A_27 = %scan3A) -> (i32)  : i32 {
      %broadcast_in_dim3A = arith.constant 0.000000e+00 : f32
      %broadcast_in_dim3A_28 = vector.broadcast %broadcast_in_dim3A : f32 to vector<16xf32>
      %mul3A_29 = arith.constant 16 : i32
      %mul3A_30 = arith.muli %scan3A_26, %mul3A_29 : i32
      %swap3A = arith.index_cast %mul3A_30 : i32 to index
      %swap3A_31 = tpu.vector_load %arg11[%swap3A] {strides = array<i32>} : memref<10240xf32, #tpu.memory_space<vmem>>, vector<16xf32>,
      tpu.vector_store %arg11[%swap3A], %broadcast_in_dim3A_28 {strides = array<i32>} : memref<10240xf32, #tpu.memory_space<vmem>>, vector<16xf32>,
      %broadcast_in_dim3A_32 = arith.constant 0.000000e+00 : f32
      %broadcast_in_dim3A_33 = vector.broadcast %broadcast_in_dim3A_32 : f32 to vector<16xf32>
      %mul3A_34 = arith.constant 16 : i32
      %mul3A_35 = arith.muli %scan3A_26, %mul3A_34 : i32
      %swap3A_36 = arith.constant 0 : i32
      %swap3A_37 = arith.index_cast %swap3A_36 : i32 to index
      %swap3A_38 = arith.index_cast %mul3A_35 : i32 to index
      %swap3A_39 = tpu.vector_load %arg13[%swap3A_37, %swap3A_38] {strides = array<i32>} : memref<4x10240xf32, #tpu.memory_space<vmem>>, vector<16xf32>,
      tpu.vector_store %arg13[%swap3A_37, %swap3A_38], %broadcast_in_dim3A_33 {strides = array<i32>} : memref<4x10240xf32, #tpu.memory_space<vmem>>, vector<16xf32>,
      %broadcast_in_dim3A_40 = arith.constant 0.000000e+00 : f32
      %broadcast_in_dim3A_41 = vector.broadcast %broadcast_in_dim3A_40 : f32 to vector<16xf32>
      %mul3A_42 = arith.constant 16 : i32
      %mul3A_43 = arith.muli %scan3A_26, %mul3A_42 : i32
      %swap3A_44 = arith.constant 1 : i32
      %swap3A_45 = arith.index_cast %swap3A_44 : i32 to index
      %swap3A_46 = arith.index_cast %mul3A_43 : i32 to index
      %swap3A_47 = tpu.vector_load %arg13[%swap3A_45, %swap3A_46] {strides = array<i32>} : memref<4x10240xf32, #tpu.memory_space<vmem>>, vector<16xf32>,
      tpu.vector_store %arg13[%swap3A_45, %swap3A_46], %broadcast_in_dim3A_41 {strides = array<i32>} : memref<4x10240xf32, #tpu.memory_space<vmem>>, vector<16xf32>,
      %broadcast_in_dim3A_48 = arith.constant 0.000000e+00 : f32
      %broadcast_in_dim3A_49 = vector.broadcast %broadcast_in_dim3A_48 : f32 to vector<16xf32>
      %mul3A_50 = arith.constant 16 : i32
      %mul3A_51 = arith.muli %scan3A_26, %mul3A_50 : i32
      %swap3A_52 = arith.constant 2 : i32
      %swap3A_53 = arith.index_cast %swap3A_52 : i32 to index
      %swap3A_54 = arith.index_cast %mul3A_51 : i32 to index
      %swap3A_55 = tpu.vector_load %arg13[%swap3A_53, %swap3A_54] {strides = array<i32>} : memref<4x10240xf32, #tpu.memory_space<vmem>>, vector<16xf32>,
      tpu.vector_store %arg13[%swap3A_53, %swap3A_54], %broadcast_in_dim3A_49 {strides = array<i32>} : memref<4x10240xf32, #tpu.memory_space<vmem>>, vector<16xf32>,
      %broadcast_in_dim3A_56 = arith.constant 0.000000e+00 : f32
      %broadcast_in_dim3A_57 = vector.broadcast %broadcast_in_dim3A_56 : f32 to vector<16xf32>
      %mul3A_58 = arith.constant 16 : i32
      %mul3A_59 = arith.muli %scan3A_26, %mul3A_58 : i32
      %swap3A_60 = arith.constant 3 : i32
      %swap3A_61 = arith.index_cast %swap3A_60 : i32 to index
      %swap3A_62 = arith.index_cast %mul3A_59 : i32 to index
      %swap3A_63 = tpu.vector_load %arg13[%swap3A_61, %swap3A_62] {strides = array<i32>} : memref<4x10240xf32, #tpu.memory_space<vmem>>, vector<16xf32>,
      tpu.vector_store %arg13[%swap3A_61, %swap3A_62], %broadcast_in_dim3A_57 {strides = array<i32>} : memref<4x10240xf32, #tpu.memory_space<vmem>>, vector<16xf32>,
      %scan3A_64 = arith.constant 0 : i32
      scf.yield %scan3A_64 : i32
    }
    %scan3A_6 = arith.constant 640 : i32
    %mul3A_7 = arith.constant 160000 : i32
    %mul3A_8 = arith.muli %arg0, %mul3A_7 : i32
    %add3A = arith.constant 0 : i32
    %add3A_9 = arith.addi %mul3A_8, %add3A : i32
    %dma_start3A = tpu.memref_slice %arg2[%add3A_9] : memref<320000xi32, #tpu.memory_space<hbm>> -> memref<4000xi32, #tpu.memory_space<hbm>>
    %dma_start3A_10 = tpu.memref_slice %arg2[%add3A_9] : memref<320000xi32, #tpu.memory_space<hbm>> -> memref<4000xi32, #tpu.memory_space<hbm>>
    tpu.enqueue_dma source(%dma_start3A_10 : memref<4000xi32, #tpu.memory_space<hbm>>) target(%arg14 : memref<4000xi32, #tpu.memory_space<vmem>>) target_semaphore(%arg18 : memref<!tpu.dma_semaphore, #tpu.memory_space<semaphore_mem>>)
    %dma_start3A_11 = tpu.memref_slice %arg3[%add3A_9] : memref<320000xi32, #tpu.memory_space<hbm>> -> memref<4000xi32, #tpu.memory_space<hbm>>
    %dma_start3A_12 = tpu.memref_slice %arg3[%add3A_9] : memref<320000xi32, #tpu.memory_space<hbm>> -> memref<4000xi32, #tpu.memory_space<hbm>>
    tpu.enqueue_dma source(%dma_start3A_12 : memref<4000xi32, #tpu.memory_space<hbm>>) target(%arg16 : memref<4000xi32, #tpu.memory_space<vmem>>) target_semaphore(%arg18 : memref<!tpu.dma_semaphore, #tpu.memory_space<semaphore_mem>>)
    %scan3A_13 = arith.constant 0 : i32
    %scan3A_14 = arith.constant 0 : i32
    %scan3A_15 = arith.constant 20 : i32
    %scan3A_16 = arith.addi %scan3A_14, %scan3A_15 : i32
    %scan3A_17 = arith.constant 1 : i32
    %scan3A_18 = scf.for %scan3A_26 = %scan3A_14 to %scan3A_16 step %scan3A_17 iter_args(%scan3A_27 = %scan3A_13) -> (i32)  : i32 {
      %mul3A_28 = arith.constant 2 : i32
      %mul3A_29 = arith.muli %mul3A_28, %scan3A_26 : i32
      %add3A_30 = arith.constant 1 : i32
      %add3A_31 = arith.addi %mul3A_29, %add3A_30 : i32
      %mul3A_32 = arith.constant 4000 : i32
      %mul3A_33 = arith.muli %add3A_31, %mul3A_32 : i32
      %add3A_34 = arith.addi %mul3A_8, %mul3A_33 : i32
      %dma_start3A_35 = tpu.memref_slice %arg2[%add3A_34] : memref<320000xi32, #tpu.memory_space<hbm>> -> memref<4000xi32, #tpu.memory_space<hbm>>
      %dma_start3A_36 = tpu.memref_slice %arg2[%add3A_34] : memref<320000xi32, #tpu.memory_space<hbm>> -> memref<4000xi32, #tpu.memory_space<hbm>>
      tpu.enqueue_dma source(%dma_start3A_36 : memref<4000xi32, #tpu.memory_space<hbm>>) target(%arg15 : memref<4000xi32, #tpu.memory_space<vmem>>) target_semaphore(%arg19 : memref<!tpu.dma_semaphore, #tpu.memory_space<semaphore_mem>>)
      %dma_start3A_37 = tpu.memref_slice %arg3[%add3A_34] : memref<320000xi32, #tpu.memory_space<hbm>> -> memref<4000xi32, #tpu.memory_space<hbm>>
      %dma_start3A_38 = tpu.memref_slice %arg3[%add3A_34] : memref<320000xi32, #tpu.memory_space<hbm>> -> memref<4000xi32, #tpu.memory_space<hbm>>
      tpu.enqueue_dma source(%dma_start3A_38 : memref<4000xi32, #tpu.memory_space<hbm>>) target(%arg17 : memref<4000xi32, #tpu.memory_space<vmem>>) target_semaphore(%arg19 : memref<!tpu.dma_semaphore, #tpu.memory_space<semaphore_mem>>)
      %mul3A_39 = arith.constant 4000 : i32
      %mul3A_40 = arith.muli %mul3A_29, %mul3A_39 : i32
      %add3A_41 = arith.addi %mul3A_8, %mul3A_40 : i32
      %dma_wait3A = tpu.memref_slice %arg2[%add3A_41] : memref<320000xi32, #tpu.memory_space<hbm>> -> memref<4000xi32, #tpu.memory_space<hbm>>
      %dma_wait3A_42 = tpu.memref_slice %arg2[%add3A_41] : memref<320000xi32, #tpu.memory_space<hbm>> -> memref<4000xi32, #tpu.memory_space<hbm>>
      tpu.wait_dma2 semaphore(%arg18 : memref<!tpu.dma_semaphore, #tpu.memory_space<semaphore_mem>>) src(%dma_wait3A_42 : memref<4000xi32, #tpu.memory_space<hbm>>) dst(%arg14 : memref<4000xi32, #tpu.memory_space<vmem>>)
      %dma_wait3A_43 = tpu.memref_slice %arg3[%add3A_41] : memref<320000xi32, #tpu.memory_space<hbm>> -> memref<4000xi32, #tpu.memory_space<hbm>>
      %dma_wait3A_44 = tpu.memref_slice %arg3[%add3A_41] : memref<320000xi32, #tpu.memory_space<hbm>> -> memref<4000xi32, #tpu.memory_space<hbm>>
      tpu.wait_dma2 semaphore(%arg18 : memref<!tpu.dma_semaphore, #tpu.memory_space<semaphore_mem>>) src(%dma_wait3A_44 : memref<4000xi32, #tpu.memory_space<hbm>>) dst(%arg16 : memref<4000xi32, #tpu.memory_space<vmem>>)
      %mul3A_45 = arith.constant 40 : i32
      %mul3A_46 = arith.muli %arg1, %mul3A_45 : i32
      %jit3A = arith.constant 16 : i32
      %div3A = arith.divsi %mul3A_46, %jit3A : i32
      %sign3A = arith.constant 0 : i32
      %sign3A_47 = arith.cmpi sgt, %mul3A_46, %sign3A : i32
      %sign3A_48 = arith.extui %sign3A_47 : i1 to i32
      %sign3A_49 = arith.constant 0 : i32
      %sign3A_50 = arith.cmpi slt, %mul3A_46, %sign3A_49 : i32
      %sign3A_51 = arith.extui %sign3A_50 : i1 to i32
      %sign3A_52 = arith.subi %sign3A_48, %sign3A_51 : i32
      %sign3A_53 = arith.constant 0 : i32
      %sign3A_54 = arith.cmpi sgt, %jit3A, %sign3A_53 : i32
      %sign3A_55 = arith.extui %sign3A_54 : i1 to i32
      %sign3A_56 = arith.constant 0 : i32
      %sign3A_57 = arith.cmpi slt, %jit3A, %sign3A_56 : i32
      %sign3A_58 = arith.extui %sign3A_57 : i1 to i32
      %sign3A_59 = arith.subi %sign3A_55, %sign3A_58 : i32
      %ne3A = arith.cmpi ne, %sign3A_52, %sign3A_59 : i32
      %rem3A = arith.remsi %mul3A_46, %jit3A : i32
      %ne3A_60 = arith.constant 0 : i32
      %ne3A_61 = arith.cmpi ne, %rem3A, %ne3A_60 : i32
      %and3A = arith.andi %ne3A, %ne3A_61 : i1
      %sub3A = arith.constant 1 : i32
      %sub3A_62 = arith.subi %div3A, %sub3A : i32
      %select_n3A = arith.select %and3A, %sub3A_62, %div3A : i32
      %ge3A = arith.cmpi sge, %mul3A_29, %select_n3A : i32
      %add3A_63 = arith.constant 1 : i32
      %add3A_64 = arith.addi %arg1, %add3A_63 : i32
      %mul3A_65 = arith.constant 40 : i32
      %mul3A_66 = arith.muli %add3A_64, %mul3A_65 : i32
      %jit3A_67 = arith.constant 16 : i32
      %div3A_68 = arith.divsi %mul3A_66, %jit3A_67 : i32
      %sign3A_69 = arith.constant 0 : i32
      %sign3A_70 = arith.cmpi sgt, %mul3A_66, %sign3A_69 : i32
      %sign3A_71 = arith.extui %sign3A_70 : i1 to i32
      %sign3A_72 = arith.constant 0 : i32
      %sign3A_73 = arith.cmpi slt, %mul3A_66, %sign3A_72 : i32
      %sign3A_74 = arith.extui %sign3A_73 : i1 to i32
      %sign3A_75 = arith.subi %sign3A_71, %sign3A_74 : i32
      %sign3A_76 = arith.constant 0 : i32
      %sign3A_77 = arith.cmpi sgt, %jit3A_67, %sign3A_76 : i32
      %sign3A_78 = arith.extui %sign3A_77 : i1 to i32
      %sign3A_79 = arith.constant 0 : i32
      %sign3A_80 = arith.cmpi slt, %jit3A_67, %sign3A_79 : i32
      %sign3A_81 = arith.extui %sign3A_80 : i1 to i32
      %sign3A_82 = arith.subi %sign3A_78, %sign3A_81 : i32
      %ne3A_83 = arith.cmpi ne, %sign3A_75, %sign3A_82 : i32
      %rem3A_84 = arith.remsi %mul3A_66, %jit3A_67 : i32
      %ne3A_85 = arith.constant 0 : i32
      %ne3A_86 = arith.cmpi ne, %rem3A_84, %ne3A_85 : i32
      %and3A_87 = arith.andi %ne3A_83, %ne3A_86 : i1
      %sub3A_88 = arith.constant 1 : i32
      %sub3A_89 = arith.subi %div3A_68, %sub3A_88 : i32
      %select_n3A_90 = arith.select %and3A_87, %sub3A_89, %div3A_68 : i32
      %lt3A = arith.cmpi slt, %mul3A_29, %select_n3A_90 : i32
      %and3A_91 = arith.andi %ge3A, %lt3A : i1
      %convert_element_type3A = arith.extui %and3A_91 : i1 to i32
      %cond3A = arith.constant 0 : i32
      %cond3A_92 = arith.cmpi ne, %convert_element_type3A, %cond3A : i32
      scf.if %cond3A_92 {
        %parallel_loop3A = arith.constant 0 : i32
        %parallel_loop3A_172 = arith.constant 250 : i32
        %parallel_loop3A_173 = arith.constant 1 : i32
        scf.for %parallel_loop3A_174 = %parallel_loop3A to %parallel_loop3A_172 step %parallel_loop3A_173  : i32 {
          %parallel_loop3A_175 = arith.constant 16 : i32
          %parallel_loop3A_176 = arith.muli %parallel_loop3A_174, %parallel_loop3A_175 : i32
          %parallel_loop3A_177 = arith.index_cast %parallel_loop3A_176 : i32 to index
          %parallel_loop3A_178 = tpu.vector_load %arg14[%parallel_loop3A_177] {strides = array<i32>} : memref<4000xi32, #tpu.memory_space<vmem>>, vector<16xi32>,
          %parallel_loop3A_179 = arith.constant 16 : i32
          %parallel_loop3A_180 = arith.muli %parallel_loop3A_174, %parallel_loop3A_179 : i32
          %parallel_loop3A_181 = arith.index_cast %parallel_loop3A_180 : i32 to index
          %parallel_loop3A_182 = tpu.vector_load %arg16[%parallel_loop3A_181] {strides = array<i32>} : memref<4000xi32, #tpu.memory_space<vmem>>, vector<16xi32>,
          %parallel_loop3A_183 = tpu.vector_load_idx %arg9[%parallel_loop3A_178] : memref<10240xi32, #tpu.memory_space<vmem>>[vector<16xi32>], vector<16xi32>,
          %parallel_loop3A_184 = vector.bitcast %parallel_loop3A_183 : vector<16xi32> to vector<32xbf16>
          %parallel_loop3A_185 = tpu.unpack_subelements %parallel_loop3A_184, 0 {pack_format = #tpu.pack_format<interleaved>} : vector<32xbf16> -> vector<16xf32>
          %parallel_loop3A_186 = tpu.unpack_subelements %parallel_loop3A_184, 1 {pack_format = #tpu.pack_format<interleaved>} : vector<32xbf16> -> vector<16xf32>
          %parallel_loop3A_187 = tpu.vector_load_idx %arg10[%parallel_loop3A_182] : memref<10240xi32, #tpu.memory_space<vmem>>[vector<16xi32>], vector<16xi32>,
          %parallel_loop3A_188 = vector.bitcast %parallel_loop3A_187 : vector<16xi32> to vector<32xbf16>
          %parallel_loop3A_189 = tpu.unpack_subelements %parallel_loop3A_188, 0 {pack_format = #tpu.pack_format<interleaved>} : vector<32xbf16> -> vector<16xf32>
          %parallel_loop3A_190 = tpu.unpack_subelements %parallel_loop3A_188, 1 {pack_format = #tpu.pack_format<interleaved>} : vector<32xbf16> -> vector<16xf32>
          %parallel_loop3A_191 = arith.mulf %parallel_loop3A_185, %parallel_loop3A_189 : vector<16xf32>
          %parallel_loop3A_192 = arith.constant 1.000000e+00 : f32
          %parallel_loop3A_193 = vector.broadcast %parallel_loop3A_192 : f32 to vector<16xf32>
          %parallel_loop3A_194 = arith.cmpf oge, %parallel_loop3A_191, %parallel_loop3A_193 : vector<16xf32>
          %parallel_loop3A_195 = arith.mulf %parallel_loop3A_186, %parallel_loop3A_190 : vector<16xf32>
          %parallel_loop3A_196 = arith.select %parallel_loop3A_194, %parallel_loop3A_191, %parallel_loop3A_195 : vector<16xi1>, vector<16xf32>
          tpu.vector_store_idx %arg11[%parallel_loop3A_182], %parallel_loop3A_196 {add = true} : memref<10240xf32, #tpu.memory_space<vmem>>[vector<16xi32>], vector<16xf32>,
          %parallel_loop3A_197 = arith.constant 0 : i32
          %parallel_loop3A_198 = vector.broadcast %parallel_loop3A_197 : i32 to vector<16xi32>
          %parallel_loop3A_199 = tpu.vector_load_idx %arg12[%parallel_loop3A_198, %parallel_loop3A_178] : memref<2x10240xi32, #tpu.memory_space<vmem>>[vector<16xi32>, vector<16xi32>], vector<16xi32>,
          %parallel_loop3A_200 = vector.bitcast %parallel_loop3A_199 : vector<16xi32> to vector<32xbf16>
          %parallel_loop3A_201 = tpu.unpack_subelements %parallel_loop3A_200, 0 {pack_format = #tpu.pack_format<interleaved>} : vector<32xbf16> -> vector<16xf32>
          %parallel_loop3A_202 = tpu.unpack_subelements %parallel_loop3A_200, 1 {pack_format = #tpu.pack_format<interleaved>} : vector<32xbf16> -> vector<16xf32>
          %parallel_loop3A_203 = arith.mulf %parallel_loop3A_201, %parallel_loop3A_196 : vector<16xf32>
          tpu.vector_store_idx %arg13[%parallel_loop3A_198, %parallel_loop3A_182], %parallel_loop3A_203 {add = true} : memref<4x10240xf32, #tpu.memory_space<vmem>>[vector<16xi32>, vector<16xi32>], vector<16xf32>,
          %parallel_loop3A_204 = arith.constant 2 : i32
          %parallel_loop3A_205 = vector.broadcast %parallel_loop3A_204 : i32 to vector<16xi32>
          %parallel_loop3A_206 = arith.mulf %parallel_loop3A_202, %parallel_loop3A_196 : vector<16xf32>
          tpu.vector_store_idx %arg13[%parallel_loop3A_205, %parallel_loop3A_182], %parallel_loop3A_206 {add = true} : memref<4x10240xf32, #tpu.memory_space<vmem>>[vector<16xi32>, vector<16xi32>], vector<16xf32>,
          %parallel_loop3A_207 = arith.constant 1 : i32
          %parallel_loop3A_208 = vector.broadcast %parallel_loop3A_207 : i32 to vector<16xi32>
          %parallel_loop3A_209 = tpu.vector_load_idx %arg12[%parallel_loop3A_208, %parallel_loop3A_178] : memref<2x10240xi32, #tpu.memory_space<vmem>>[vector<16xi32>, vector<16xi32>], vector<16xi32>,
          %parallel_loop3A_210 = vector.bitcast %parallel_loop3A_209 : vector<16xi32> to vector<32xbf16>
          %parallel_loop3A_211 = tpu.unpack_subelements %parallel_loop3A_210, 0 {pack_format = #tpu.pack_format<interleaved>} : vector<32xbf16> -> vector<16xf32>
          %parallel_loop3A_212 = tpu.unpack_subelements %parallel_loop3A_210, 1 {pack_format = #tpu.pack_format<interleaved>} : vector<32xbf16> -> vector<16xf32>
          %parallel_loop3A_213 = arith.mulf %parallel_loop3A_211, %parallel_loop3A_196 : vector<16xf32>
          tpu.vector_store_idx %arg13[%parallel_loop3A_208, %parallel_loop3A_182], %parallel_loop3A_213 {add = true} : memref<4x10240xf32, #tpu.memory_space<vmem>>[vector<16xi32>, vector<16xi32>], vector<16xf32>,
          %parallel_loop3A_214 = arith.constant 3 : i32
          %parallel_loop3A_215 = vector.broadcast %parallel_loop3A_214 : i32 to vector<16xi32>
          %parallel_loop3A_216 = arith.mulf %parallel_loop3A_212, %parallel_loop3A_196 : vector<16xf32>
          tpu.vector_store_idx %arg13[%parallel_loop3A_215, %parallel_loop3A_182], %parallel_loop3A_216 {add = true} : memref<4x10240xf32, #tpu.memory_space<vmem>>[vector<16xi32>, vector<16xi32>], vector<16xf32>,
        } {sc.loop_unroll_factor = 8 : i64, sc.parallel_access}
      } else {
        %parallel_loop3A = arith.constant 0 : i32
        %parallel_loop3A_172 = arith.constant 250 : i32
        %parallel_loop3A_173 = arith.constant 1 : i32
        scf.for %parallel_loop3A_174 = %parallel_loop3A to %parallel_loop3A_172 step %parallel_loop3A_173  : i32 {
          %parallel_loop3A_175 = arith.constant 16 : i32
          %parallel_loop3A_176 = arith.muli %parallel_loop3A_174, %parallel_loop3A_175 : i32
          %parallel_loop3A_177 = arith.index_cast %parallel_loop3A_176 : i32 to index
          %parallel_loop3A_178 = tpu.vector_load %arg14[%parallel_loop3A_177] {strides = array<i32>} : memref<4000xi32, #tpu.memory_space<vmem>>, vector<16xi32>,
          %parallel_loop3A_179 = arith.constant 16 : i32
          %parallel_loop3A_180 = arith.muli %parallel_loop3A_174, %parallel_loop3A_179 : i32
          %parallel_loop3A_181 = arith.index_cast %parallel_loop3A_180 : i32 to index
          %parallel_loop3A_182 = tpu.vector_load %arg16[%parallel_loop3A_181] {strides = array<i32>} : memref<4000xi32, #tpu.memory_space<vmem>>, vector<16xi32>,
          %parallel_loop3A_183 = tpu.vector_load_idx %arg9[%parallel_loop3A_178] : memref<10240xi32, #tpu.memory_space<vmem>>[vector<16xi32>], vector<16xi32>,
          %parallel_loop3A_184 = vector.bitcast %parallel_loop3A_183 : vector<16xi32> to vector<32xbf16>
          %parallel_loop3A_185 = tpu.unpack_subelements %parallel_loop3A_184, 0 {pack_format = #tpu.pack_format<interleaved>} : vector<32xbf16> -> vector<16xf32>
          %parallel_loop3A_186 = tpu.unpack_subelements %parallel_loop3A_184, 1 {pack_format = #tpu.pack_format<interleaved>} : vector<32xbf16> -> vector<16xf32>
          %parallel_loop3A_187 = tpu.vector_load_idx %arg10[%parallel_loop3A_182] : memref<10240xi32, #tpu.memory_space<vmem>>[vector<16xi32>], vector<16xi32>,
          %parallel_loop3A_188 = vector.bitcast %parallel_loop3A_187 : vector<16xi32> to vector<32xbf16>
          %parallel_loop3A_189 = tpu.unpack_subelements %parallel_loop3A_188, 0 {pack_format = #tpu.pack_format<interleaved>} : vector<32xbf16> -> vector<16xf32>
          %parallel_loop3A_190 = tpu.unpack_subelements %parallel_loop3A_188, 1 {pack_format = #tpu.pack_format<interleaved>} : vector<32xbf16> -> vector<16xf32>
          %parallel_loop3A_191 = arith.mulf %parallel_loop3A_185, %parallel_loop3A_189 : vector<16xf32>
          %parallel_loop3A_192 = arith.constant 1.000000e+00 : f32
          %parallel_loop3A_193 = vector.broadcast %parallel_loop3A_192 : f32 to vector<16xf32>
          %parallel_loop3A_194 = arith.cmpf oge, %parallel_loop3A_191, %parallel_loop3A_193 : vector<16xf32>
          %parallel_loop3A_195 = arith.mulf %parallel_loop3A_186, %parallel_loop3A_190 : vector<16xf32>
          %parallel_loop3A_196 = arith.select %parallel_loop3A_194, %parallel_loop3A_191, %parallel_loop3A_195 : vector<16xi1>, vector<16xf32>
          %parallel_loop3A_197 = arith.constant 0 : i32
          %parallel_loop3A_198 = vector.broadcast %parallel_loop3A_197 : i32 to vector<16xi32>
          %parallel_loop3A_199 = tpu.vector_load_idx %arg12[%parallel_loop3A_198, %parallel_loop3A_178] : memref<2x10240xi32, #tpu.memory_space<vmem>>[vector<16xi32>, vector<16xi32>], vector<16xi32>,
          %parallel_loop3A_200 = vector.bitcast %parallel_loop3A_199 : vector<16xi32> to vector<32xbf16>
          %parallel_loop3A_201 = tpu.unpack_subelements %parallel_loop3A_200, 0 {pack_format = #tpu.pack_format<interleaved>} : vector<32xbf16> -> vector<16xf32>
          %parallel_loop3A_202 = tpu.unpack_subelements %parallel_loop3A_200, 1 {pack_format = #tpu.pack_format<interleaved>} : vector<32xbf16> -> vector<16xf32>
          %parallel_loop3A_203 = arith.mulf %parallel_loop3A_201, %parallel_loop3A_196 : vector<16xf32>
          tpu.vector_store_idx %arg13[%parallel_loop3A_198, %parallel_loop3A_182], %parallel_loop3A_203 {add = true} : memref<4x10240xf32, #tpu.memory_space<vmem>>[vector<16xi32>, vector<16xi32>], vector<16xf32>,
          %parallel_loop3A_204 = arith.constant 2 : i32
          %parallel_loop3A_205 = vector.broadcast %parallel_loop3A_204 : i32 to vector<16xi32>
          %parallel_loop3A_206 = arith.mulf %parallel_loop3A_202, %parallel_loop3A_196 : vector<16xf32>
          tpu.vector_store_idx %arg13[%parallel_loop3A_205, %parallel_loop3A_182], %parallel_loop3A_206 {add = true} : memref<4x10240xf32, #tpu.memory_space<vmem>>[vector<16xi32>, vector<16xi32>], vector<16xf32>,
          %parallel_loop3A_207 = arith.constant 1 : i32
          %parallel_loop3A_208 = vector.broadcast %parallel_loop3A_207 : i32 to vector<16xi32>
          %parallel_loop3A_209 = tpu.vector_load_idx %arg12[%parallel_loop3A_208, %parallel_loop3A_178] : memref<2x10240xi32, #tpu.memory_space<vmem>>[vector<16xi32>, vector<16xi32>], vector<16xi32>,
          %parallel_loop3A_210 = vector.bitcast %parallel_loop3A_209 : vector<16xi32> to vector<32xbf16>
          %parallel_loop3A_211 = tpu.unpack_subelements %parallel_loop3A_210, 0 {pack_format = #tpu.pack_format<interleaved>} : vector<32xbf16> -> vector<16xf32>
          %parallel_loop3A_212 = tpu.unpack_subelements %parallel_loop3A_210, 1 {pack_format = #tpu.pack_format<interleaved>} : vector<32xbf16> -> vector<16xf32>
          %parallel_loop3A_213 = arith.mulf %parallel_loop3A_211, %parallel_loop3A_196 : vector<16xf32>
          tpu.vector_store_idx %arg13[%parallel_loop3A_208, %parallel_loop3A_182], %parallel_loop3A_213 {add = true} : memref<4x10240xf32, #tpu.memory_space<vmem>>[vector<16xi32>, vector<16xi32>], vector<16xf32>,
          %parallel_loop3A_214 = arith.constant 3 : i32
          %parallel_loop3A_215 = vector.broadcast %parallel_loop3A_214 : i32 to vector<16xi32>
          %parallel_loop3A_216 = arith.mulf %parallel_loop3A_212, %parallel_loop3A_196 : vector<16xf32>
          tpu.vector_store_idx %arg13[%parallel_loop3A_215, %parallel_loop3A_182], %parallel_loop3A_216 {add = true} : memref<4x10240xf32, #tpu.memory_space<vmem>>[vector<16xi32>, vector<16xi32>], vector<16xf32>,
        } {sc.loop_unroll_factor = 8 : i64, sc.parallel_access}
      }
      %add3A_93 = arith.constant 2 : i32
      %add3A_94 = arith.addi %mul3A_29, %add3A_93 : i32
      %lt3A_95 = arith.constant 40 : i32
      %lt3A_96 = arith.cmpi slt, %add3A_94, %lt3A_95 : i32
      %convert_element_type3A_97 = arith.extui %lt3A_96 : i1 to i32
      %cond3A_98 = arith.constant 0 : i32
      %cond3A_99 = arith.cmpi ne, %convert_element_type3A_97, %cond3A_98 : i32
      scf.if %cond3A_99 {
        %add3A_172 = arith.constant 2 : i32
        %add3A_173 = arith.addi %mul3A_29, %add3A_172 : i32
        %mul3A_174 = arith.constant 4000 : i32
        %mul3A_175 = arith.muli %add3A_173, %mul3A_174 : i32
        %add3A_176 = arith.addi %mul3A_8, %mul3A_175 : i32
        %dma_start3A_177 = tpu.memref_slice %arg2[%add3A_176] : memref<320000xi32, #tpu.memory_space<hbm>> -> memref<4000xi32, #tpu.memory_space<hbm>>
        %dma_start3A_178 = tpu.memref_slice %arg2[%add3A_176] : memref<320000xi32, #tpu.memory_space<hbm>> -> memref<4000xi32, #tpu.memory_space<hbm>>
        tpu.enqueue_dma source(%dma_start3A_178 : memref<4000xi32, #tpu.memory_space<hbm>>) target(%arg14 : memref<4000xi32, #tpu.memory_space<vmem>>) target_semaphore(%arg18 : memref<!tpu.dma_semaphore, #tpu.memory_space<semaphore_mem>>)
        %dma_start3A_179 = tpu.memref_slice %arg3[%add3A_176] : memref<320000xi32, #tpu.memory_space<hbm>> -> memref<4000xi32, #tpu.memory_space<hbm>>
        %dma_start3A_180 = tpu.memref_slice %arg3[%add3A_176] : memref<320000xi32, #tpu.memory_space<hbm>> -> memref<4000xi32, #tpu.memory_space<hbm>>
        tpu.enqueue_dma source(%dma_start3A_180 : memref<4000xi32, #tpu.memory_space<hbm>>) target(%arg16 : memref<4000xi32, #tpu.memory_space<vmem>>) target_semaphore(%arg18 : memref<!tpu.dma_semaphore, #tpu.memory_space<semaphore_mem>>)
      } else {
      }
      %add3A_100 = arith.constant 1 : i32
      %add3A_101 = arith.addi %mul3A_29, %add3A_100 : i32
      %mul3A_102 = arith.constant 4000 : i32
      %mul3A_103 = arith.muli %add3A_101, %mul3A_102 : i32
      %add3A_104 = arith.addi %mul3A_8, %mul3A_103 : i32
      %dma_wait3A_105 = tpu.memref_slice %arg2[%add3A_104] : memref<320000xi32, #tpu.memory_space<hbm>> -> memref<4000xi32, #tpu.memory_space<hbm>>
      %dma_wait3A_106 = tpu.memref_slice %arg2[%add3A_104] : memref<320000xi32, #tpu.memory_space<hbm>> -> memref<4000xi32, #tpu.memory_space<hbm>>
      tpu.wait_dma2 semaphore(%arg19 : memref<!tpu.dma_semaphore, #tpu.memory_space<semaphore_mem>>) src(%dma_wait3A_106 : memref<4000xi32, #tpu.memory_space<hbm>>) dst(%arg15 : memref<4000xi32, #tpu.memory_space<vmem>>)
      %dma_wait3A_107 = tpu.memref_slice %arg3[%add3A_104] : memref<320000xi32, #tpu.memory_space<hbm>> -> memref<4000xi32, #tpu.memory_space<hbm>>
      %dma_wait3A_108 = tpu.memref_slice %arg3[%add3A_104] : memref<320000xi32, #tpu.memory_space<hbm>> -> memref<4000xi32, #tpu.memory_space<hbm>>
      tpu.wait_dma2 semaphore(%arg19 : memref<!tpu.dma_semaphore, #tpu.memory_space<semaphore_mem>>) src(%dma_wait3A_108 : memref<4000xi32, #tpu.memory_space<hbm>>) dst(%arg17 : memref<4000xi32, #tpu.memory_space<vmem>>)
      %add3A_109 = arith.constant 1 : i32
      %add3A_110 = arith.addi %mul3A_29, %add3A_109 : i32
      %mul3A_111 = arith.constant 40 : i32
      %mul3A_112 = arith.muli %arg1, %mul3A_111 : i32
      %jit3A_113 = arith.constant 16 : i32
      %div3A_114 = arith.divsi %mul3A_112, %jit3A_113 : i32
      %sign3A_115 = arith.constant 0 : i32
      %sign3A_116 = arith.cmpi sgt, %mul3A_112, %sign3A_115 : i32
      %sign3A_117 = arith.extui %sign3A_116 : i1 to i32
      %sign3A_118 = arith.constant 0 : i32
      %sign3A_119 = arith.cmpi slt, %mul3A_112, %sign3A_118 : i32
      %sign3A_120 = arith.extui %sign3A_119 : i1 to i32
      %sign3A_121 = arith.subi %sign3A_117, %sign3A_120 : i32
      %sign3A_122 = arith.constant 0 : i32
      %sign3A_123 = arith.cmpi sgt, %jit3A_113, %sign3A_122 : i32
      %sign3A_124 = arith.extui %sign3A_123 : i1 to i32
      %sign3A_125 = arith.constant 0 : i32
      %sign3A_126 = arith.cmpi slt, %jit3A_113, %sign3A_125 : i32
      %sign3A_127 = arith.extui %sign3A_126 : i1 to i32
      %sign3A_128 = arith.subi %sign3A_124, %sign3A_127 : i32
      %ne3A_129 = arith.cmpi ne, %sign3A_121, %sign3A_128 : i32
      %rem3A_130 = arith.remsi %mul3A_112, %jit3A_113 : i32
      %ne3A_131 = arith.constant 0 : i32
      %ne3A_132 = arith.cmpi ne, %rem3A_130, %ne3A_131 : i32
      %and3A_133 = arith.andi %ne3A_129, %ne3A_132 : i1
      %sub3A_134 = arith.constant 1 : i32
      %sub3A_135 = arith.subi %div3A_114, %sub3A_134 : i32
      %select_n3A_136 = arith.select %and3A_133, %sub3A_135, %div3A_114 : i32
      %ge3A_137 = arith.cmpi sge, %add3A_110, %select_n3A_136 : i32
      %add3A_138 = arith.constant 1 : i32
      %add3A_139 = arith.addi %arg1, %add3A_138 : i32
      %mul3A_140 = arith.constant 40 : i32
      %mul3A_141 = arith.muli %add3A_139, %mul3A_140 : i32
      %jit3A_142 = arith.constant 16 : i32
      %div3A_143 = arith.divsi %mul3A_141, %jit3A_142 : i32
      %sign3A_144 = arith.constant 0 : i32
      %sign3A_145 = arith.cmpi sgt, %mul3A_141, %sign3A_144 : i32
      %sign3A_146 = arith.extui %sign3A_145 : i1 to i32
      %sign3A_147 = arith.constant 0 : i32
      %sign3A_148 = arith.cmpi slt, %mul3A_141, %sign3A_147 : i32
      %sign3A_149 = arith.extui %sign3A_148 : i1 to i32
      %sign3A_150 = arith.subi %sign3A_146, %sign3A_149 : i32
      %sign3A_151 = arith.constant 0 : i32
      %sign3A_152 = arith.cmpi sgt, %jit3A_142, %sign3A_151 : i32
      %sign3A_153 = arith.extui %sign3A_152 : i1 to i32
      %sign3A_154 = arith.constant 0 : i32
      %sign3A_155 = arith.cmpi slt, %jit3A_142, %sign3A_154 : i32
      %sign3A_156 = arith.extui %sign3A_155 : i1 to i32
      %sign3A_157 = arith.subi %sign3A_153, %sign3A_156 : i32
      %ne3A_158 = arith.cmpi ne, %sign3A_150, %sign3A_157 : i32
      %rem3A_159 = arith.remsi %mul3A_141, %jit3A_142 : i32
      %ne3A_160 = arith.constant 0 : i32
      %ne3A_161 = arith.cmpi ne, %rem3A_159, %ne3A_160 : i32
      %and3A_162 = arith.andi %ne3A_158, %ne3A_161 : i1
      %sub3A_163 = arith.constant 1 : i32
      %sub3A_164 = arith.subi %div3A_143, %sub3A_163 : i32
      %select_n3A_165 = arith.select %and3A_162, %sub3A_164, %div3A_143 : i32
      %lt3A_166 = arith.cmpi slt, %add3A_110, %select_n3A_165 : i32
      %and3A_167 = arith.andi %ge3A_137, %lt3A_166 : i1
      %convert_element_type3A_168 = arith.extui %and3A_167 : i1 to i32
      %cond3A_169 = arith.constant 0 : i32
      %cond3A_170 = arith.cmpi ne, %convert_element_type3A_168, %cond3A_169 : i32
      scf.if %cond3A_170 {
        %parallel_loop3A = arith.constant 0 : i32
        %parallel_loop3A_172 = arith.constant 250 : i32
        %parallel_loop3A_173 = arith.constant 1 : i32
        scf.for %parallel_loop3A_174 = %parallel_loop3A to %parallel_loop3A_172 step %parallel_loop3A_173  : i32 {
          %parallel_loop3A_175 = arith.constant 16 : i32
          %parallel_loop3A_176 = arith.muli %parallel_loop3A_174, %parallel_loop3A_175 : i32
          %parallel_loop3A_177 = arith.index_cast %parallel_loop3A_176 : i32 to index
          %parallel_loop3A_178 = tpu.vector_load %arg15[%parallel_loop3A_177] {strides = array<i32>} : memref<4000xi32, #tpu.memory_space<vmem>>, vector<16xi32>,
          %parallel_loop3A_179 = arith.constant 16 : i32
          %parallel_loop3A_180 = arith.muli %parallel_loop3A_174, %parallel_loop3A_179 : i32
          %parallel_loop3A_181 = arith.index_cast %parallel_loop3A_180 : i32 to index
          %parallel_loop3A_182 = tpu.vector_load %arg17[%parallel_loop3A_181] {strides = array<i32>} : memref<4000xi32, #tpu.memory_space<vmem>>, vector<16xi32>,
          %parallel_loop3A_183 = tpu.vector_load_idx %arg9[%parallel_loop3A_178] : memref<10240xi32, #tpu.memory_space<vmem>>[vector<16xi32>], vector<16xi32>,
          %parallel_loop3A_184 = vector.bitcast %parallel_loop3A_183 : vector<16xi32> to vector<32xbf16>
          %parallel_loop3A_185 = tpu.unpack_subelements %parallel_loop3A_184, 0 {pack_format = #tpu.pack_format<interleaved>} : vector<32xbf16> -> vector<16xf32>
          %parallel_loop3A_186 = tpu.unpack_subelements %parallel_loop3A_184, 1 {pack_format = #tpu.pack_format<interleaved>} : vector<32xbf16> -> vector<16xf32>
          %parallel_loop3A_187 = tpu.vector_load_idx %arg10[%parallel_loop3A_182] : memref<10240xi32, #tpu.memory_space<vmem>>[vector<16xi32>], vector<16xi32>,
          %parallel_loop3A_188 = vector.bitcast %parallel_loop3A_187 : vector<16xi32> to vector<32xbf16>
          %parallel_loop3A_189 = tpu.unpack_subelements %parallel_loop3A_188, 0 {pack_format = #tpu.pack_format<interleaved>} : vector<32xbf16> -> vector<16xf32>
          %parallel_loop3A_190 = tpu.unpack_subelements %parallel_loop3A_188, 1 {pack_format = #tpu.pack_format<interleaved>} : vector<32xbf16> -> vector<16xf32>
          %parallel_loop3A_191 = arith.mulf %parallel_loop3A_185, %parallel_loop3A_189 : vector<16xf32>
          %parallel_loop3A_192 = arith.constant 1.000000e+00 : f32
          %parallel_loop3A_193 = vector.broadcast %parallel_loop3A_192 : f32 to vector<16xf32>
          %parallel_loop3A_194 = arith.cmpf oge, %parallel_loop3A_191, %parallel_loop3A_193 : vector<16xf32>
          %parallel_loop3A_195 = arith.mulf %parallel_loop3A_186, %parallel_loop3A_190 : vector<16xf32>
          %parallel_loop3A_196 = arith.select %parallel_loop3A_194, %parallel_loop3A_191, %parallel_loop3A_195 : vector<16xi1>, vector<16xf32>
          tpu.vector_store_idx %arg11[%parallel_loop3A_182], %parallel_loop3A_196 {add = true} : memref<10240xf32, #tpu.memory_space<vmem>>[vector<16xi32>], vector<16xf32>,
          %parallel_loop3A_197 = arith.constant 0 : i32
          %parallel_loop3A_198 = vector.broadcast %parallel_loop3A_197 : i32 to vector<16xi32>
          %parallel_loop3A_199 = tpu.vector_load_idx %arg12[%parallel_loop3A_198, %parallel_loop3A_178] : memref<2x10240xi32, #tpu.memory_space<vmem>>[vector<16xi32>, vector<16xi32>], vector<16xi32>,
          %parallel_loop3A_200 = vector.bitcast %parallel_loop3A_199 : vector<16xi32> to vector<32xbf16>
          %parallel_loop3A_201 = tpu.unpack_subelements %parallel_loop3A_200, 0 {pack_format = #tpu.pack_format<interleaved>} : vector<32xbf16> -> vector<16xf32>
          %parallel_loop3A_202 = tpu.unpack_subelements %parallel_loop3A_200, 1 {pack_format = #tpu.pack_format<interleaved>} : vector<32xbf16> -> vector<16xf32>
          %parallel_loop3A_203 = arith.mulf %parallel_loop3A_201, %parallel_loop3A_196 : vector<16xf32>
          tpu.vector_store_idx %arg13[%parallel_loop3A_198, %parallel_loop3A_182], %parallel_loop3A_203 {add = true} : memref<4x10240xf32, #tpu.memory_space<vmem>>[vector<16xi32>, vector<16xi32>], vector<16xf32>,
          %parallel_loop3A_204 = arith.constant 2 : i32
          %parallel_loop3A_205 = vector.broadcast %parallel_loop3A_204 : i32 to vector<16xi32>
          %parallel_loop3A_206 = arith.mulf %parallel_loop3A_202, %parallel_loop3A_196 : vector<16xf32>
          tpu.vector_store_idx %arg13[%parallel_loop3A_205, %parallel_loop3A_182], %parallel_loop3A_206 {add = true} : memref<4x10240xf32, #tpu.memory_space<vmem>>[vector<16xi32>, vector<16xi32>], vector<16xf32>,
          %parallel_loop3A_207 = arith.constant 1 : i32
          %parallel_loop3A_208 = vector.broadcast %parallel_loop3A_207 : i32 to vector<16xi32>
          %parallel_loop3A_209 = tpu.vector_load_idx %arg12[%parallel_loop3A_208, %parallel_loop3A_178] : memref<2x10240xi32, #tpu.memory_space<vmem>>[vector<16xi32>, vector<16xi32>], vector<16xi32>,
          %parallel_loop3A_210 = vector.bitcast %parallel_loop3A_209 : vector<16xi32> to vector<32xbf16>
          %parallel_loop3A_211 = tpu.unpack_subelements %parallel_loop3A_210, 0 {pack_format = #tpu.pack_format<interleaved>} : vector<32xbf16> -> vector<16xf32>
          %parallel_loop3A_212 = tpu.unpack_subelements %parallel_loop3A_210, 1 {pack_format = #tpu.pack_format<interleaved>} : vector<32xbf16> -> vector<16xf32>
          %parallel_loop3A_213 = arith.mulf %parallel_loop3A_211, %parallel_loop3A_196 : vector<16xf32>
          tpu.vector_store_idx %arg13[%parallel_loop3A_208, %parallel_loop3A_182], %parallel_loop3A_213 {add = true} : memref<4x10240xf32, #tpu.memory_space<vmem>>[vector<16xi32>, vector<16xi32>], vector<16xf32>,
          %parallel_loop3A_214 = arith.constant 3 : i32
          %parallel_loop3A_215 = vector.broadcast %parallel_loop3A_214 : i32 to vector<16xi32>
          %parallel_loop3A_216 = arith.mulf %parallel_loop3A_212, %parallel_loop3A_196 : vector<16xf32>
          tpu.vector_store_idx %arg13[%parallel_loop3A_215, %parallel_loop3A_182], %parallel_loop3A_216 {add = true} : memref<4x10240xf32, #tpu.memory_space<vmem>>[vector<16xi32>, vector<16xi32>], vector<16xf32>,
        } {sc.loop_unroll_factor = 8 : i64, sc.parallel_access}
      } else {
        %parallel_loop3A = arith.constant 0 : i32
        %parallel_loop3A_172 = arith.constant 250 : i32
        %parallel_loop3A_173 = arith.constant 1 : i32
        scf.for %parallel_loop3A_174 = %parallel_loop3A to %parallel_loop3A_172 step %parallel_loop3A_173  : i32 {
          %parallel_loop3A_175 = arith.constant 16 : i32
          %parallel_loop3A_176 = arith.muli %parallel_loop3A_174, %parallel_loop3A_175 : i32
          %parallel_loop3A_177 = arith.index_cast %parallel_loop3A_176 : i32 to index
          %parallel_loop3A_178 = tpu.vector_load %arg15[%parallel_loop3A_177] {strides = array<i32>} : memref<4000xi32, #tpu.memory_space<vmem>>, vector<16xi32>,
          %parallel_loop3A_179 = arith.constant 16 : i32
          %parallel_loop3A_180 = arith.muli %parallel_loop3A_174, %parallel_loop3A_179 : i32
          %parallel_loop3A_181 = arith.index_cast %parallel_loop3A_180 : i32 to index
          %parallel_loop3A_182 = tpu.vector_load %arg17[%parallel_loop3A_181] {strides = array<i32>} : memref<4000xi32, #tpu.memory_space<vmem>>, vector<16xi32>,
          %parallel_loop3A_183 = tpu.vector_load_idx %arg9[%parallel_loop3A_178] : memref<10240xi32, #tpu.memory_space<vmem>>[vector<16xi32>], vector<16xi32>,
          %parallel_loop3A_184 = vector.bitcast %parallel_loop3A_183 : vector<16xi32> to vector<32xbf16>
          %parallel_loop3A_185 = tpu.unpack_subelements %parallel_loop3A_184, 0 {pack_format = #tpu.pack_format<interleaved>} : vector<32xbf16> -> vector<16xf32>
          %parallel_loop3A_186 = tpu.unpack_subelements %parallel_loop3A_184, 1 {pack_format = #tpu.pack_format<interleaved>} : vector<32xbf16> -> vector<16xf32>
          %parallel_loop3A_187 = tpu.vector_load_idx %arg10[%parallel_loop3A_182] : memref<10240xi32, #tpu.memory_space<vmem>>[vector<16xi32>], vector<16xi32>,
          %parallel_loop3A_188 = vector.bitcast %parallel_loop3A_187 : vector<16xi32> to vector<32xbf16>
          %parallel_loop3A_189 = tpu.unpack_subelements %parallel_loop3A_188, 0 {pack_format = #tpu.pack_format<interleaved>} : vector<32xbf16> -> vector<16xf32>
          %parallel_loop3A_190 = tpu.unpack_subelements %parallel_loop3A_188, 1 {pack_format = #tpu.pack_format<interleaved>} : vector<32xbf16> -> vector<16xf32>
          %parallel_loop3A_191 = arith.mulf %parallel_loop3A_185, %parallel_loop3A_189 : vector<16xf32>
          %parallel_loop3A_192 = arith.constant 1.000000e+00 : f32
          %parallel_loop3A_193 = vector.broadcast %parallel_loop3A_192 : f32 to vector<16xf32>
          %parallel_loop3A_194 = arith.cmpf oge, %parallel_loop3A_191, %parallel_loop3A_193 : vector<16xf32>
          %parallel_loop3A_195 = arith.mulf %parallel_loop3A_186, %parallel_loop3A_190 : vector<16xf32>
          %parallel_loop3A_196 = arith.select %parallel_loop3A_194, %parallel_loop3A_191, %parallel_loop3A_195 : vector<16xi1>, vector<16xf32>
          %parallel_loop3A_197 = arith.constant 0 : i32
          %parallel_loop3A_198 = vector.broadcast %parallel_loop3A_197 : i32 to vector<16xi32>
          %parallel_loop3A_199 = tpu.vector_load_idx %arg12[%parallel_loop3A_198, %parallel_loop3A_178] : memref<2x10240xi32, #tpu.memory_space<vmem>>[vector<16xi32>, vector<16xi32>], vector<16xi32>,
          %parallel_loop3A_200 = vector.bitcast %parallel_loop3A_199 : vector<16xi32> to vector<32xbf16>
          %parallel_loop3A_201 = tpu.unpack_subelements %parallel_loop3A_200, 0 {pack_format = #tpu.pack_format<interleaved>} : vector<32xbf16> -> vector<16xf32>
          %parallel_loop3A_202 = tpu.unpack_subelements %parallel_loop3A_200, 1 {pack_format = #tpu.pack_format<interleaved>} : vector<32xbf16> -> vector<16xf32>
          %parallel_loop3A_203 = arith.mulf %parallel_loop3A_201, %parallel_loop3A_196 : vector<16xf32>
          tpu.vector_store_idx %arg13[%parallel_loop3A_198, %parallel_loop3A_182], %parallel_loop3A_203 {add = true} : memref<4x10240xf32, #tpu.memory_space<vmem>>[vector<16xi32>, vector<16xi32>], vector<16xf32>,
          %parallel_loop3A_204 = arith.constant 2 : i32
          %parallel_loop3A_205 = vector.broadcast %parallel_loop3A_204 : i32 to vector<16xi32>
          %parallel_loop3A_206 = arith.mulf %parallel_loop3A_202, %parallel_loop3A_196 : vector<16xf32>
          tpu.vector_store_idx %arg13[%parallel_loop3A_205, %parallel_loop3A_182], %parallel_loop3A_206 {add = true} : memref<4x10240xf32, #tpu.memory_space<vmem>>[vector<16xi32>, vector<16xi32>], vector<16xf32>,
          %parallel_loop3A_207 = arith.constant 1 : i32
          %parallel_loop3A_208 = vector.broadcast %parallel_loop3A_207 : i32 to vector<16xi32>
          %parallel_loop3A_209 = tpu.vector_load_idx %arg12[%parallel_loop3A_208, %parallel_loop3A_178] : memref<2x10240xi32, #tpu.memory_space<vmem>>[vector<16xi32>, vector<16xi32>], vector<16xi32>,
          %parallel_loop3A_210 = vector.bitcast %parallel_loop3A_209 : vector<16xi32> to vector<32xbf16>
          %parallel_loop3A_211 = tpu.unpack_subelements %parallel_loop3A_210, 0 {pack_format = #tpu.pack_format<interleaved>} : vector<32xbf16> -> vector<16xf32>
          %parallel_loop3A_212 = tpu.unpack_subelements %parallel_loop3A_210, 1 {pack_format = #tpu.pack_format<interleaved>} : vector<32xbf16> -> vector<16xf32>
          %parallel_loop3A_213 = arith.mulf %parallel_loop3A_211, %parallel_loop3A_196 : vector<16xf32>
          tpu.vector_store_idx %arg13[%parallel_loop3A_208, %parallel_loop3A_182], %parallel_loop3A_213 {add = true} : memref<4x10240xf32, #tpu.memory_space<vmem>>[vector<16xi32>, vector<16xi32>], vector<16xf32>,
          %parallel_loop3A_214 = arith.constant 3 : i32
          %parallel_loop3A_215 = vector.broadcast %parallel_loop3A_214 : i32 to vector<16xi32>
          %parallel_loop3A_216 = arith.mulf %parallel_loop3A_212, %parallel_loop3A_196 : vector<16xf32>
          tpu.vector_store_idx %arg13[%parallel_loop3A_215, %parallel_loop3A_182], %parallel_loop3A_216 {add = true} : memref<4x10240xf32, #tpu.memory_space<vmem>>[vector<16xi32>, vector<16xi32>], vector<16xf32>,
        } {sc.loop_unroll_factor = 8 : i64, sc.parallel_access}
      }
      %scan3A_171 = arith.constant 0 : i32
      scf.yield %scan3A_171 : i32
    }
    %scan3A_19 = arith.constant 20 : i32
    "tpu.region"() ({
      %run_scoped3A = tpu.sem_alloc : memref<!tpu.dma_semaphore, #tpu.memory_space<semaphore_mem>>
      %dma_start3A_26 = arith.constant 0 : i32
      %dma_start3A_27 = tpu.memref_slice %arg8[%arg0, %arg1, %dma_start3A_26] : memref<2x16x10240xf32, #tpu.memory_space<hbm>> -> memref<1x1x10240xf32, #tpu.memory_space<hbm>>
      %dma_start3A_28 = tpu.memref_squeeze %dma_start3A_27 : memref<1x1x10240xf32, #tpu.memory_space<hbm>> -> memref<10240xf32, #tpu.memory_space<hbm>>
      %dma_start3A_29 = arith.constant 0 : i32
      %dma_start3A_30 = tpu.memref_slice %arg8[%arg0, %arg1, %dma_start3A_29] : memref<2x16x10240xf32, #tpu.memory_space<hbm>> -> memref<1x1x10240xf32, #tpu.memory_space<hbm>>
      %dma_start3A_31 = tpu.memref_squeeze %dma_start3A_30 : memref<1x1x10240xf32, #tpu.memory_space<hbm>> -> memref<10240xf32, #tpu.memory_space<hbm>>
      tpu.enqueue_dma source(%arg11 : memref<10240xf32, #tpu.memory_space<vmem>>) target(%dma_start3A_31 : memref<10240xf32, #tpu.memory_space<hbm>>) target_semaphore(%run_scoped3A : memref<!tpu.dma_semaphore, #tpu.memory_space<semaphore_mem>>)
      %dma_wait3A = arith.constant 0 : i32
      %dma_wait3A_32 = tpu.memref_slice %arg8[%arg0, %arg1, %dma_wait3A] : memref<2x16x10240xf32, #tpu.memory_space<hbm>> -> memref<1x1x10240xf32, #tpu.memory_space<hbm>>
      %dma_wait3A_33 = tpu.memref_squeeze %dma_wait3A_32 : memref<1x1x10240xf32, #tpu.memory_space<hbm>> -> memref<10240xf32, #tpu.memory_space<hbm>>
      %dma_wait3A_34 = arith.constant 0 : i32
      %dma_wait3A_35 = tpu.memref_slice %arg8[%arg0, %arg1, %dma_wait3A_34] : memref<2x16x10240xf32, #tpu.memory_space<hbm>> -> memref<1x1x10240xf32, #tpu.memory_space<hbm>>
      %dma_wait3A_36 = tpu.memref_squeeze %dma_wait3A_35 : memref<1x1x10240xf32, #tpu.memory_space<hbm>> -> memref<10240xf32, #tpu.memory_space<hbm>>
      tpu.wait_dma2 semaphore(%run_scoped3A : memref<!tpu.dma_semaphore, #tpu.memory_space<semaphore_mem>>) src(%arg11 : memref<10240xf32, #tpu.memory_space<vmem>>) dst(%dma_wait3A_36 : memref<10240xf32, #tpu.memory_space<hbm>>)
      tpu.yield
    }) : () -> ()
    %mul3A_20 = arith.constant 2 : i32
    %mul3A_21 = arith.muli %arg1, %mul3A_20 : i32
    "tpu.region"() ({
      %run_scoped3A = tpu.sem_alloc : memref<!tpu.dma_semaphore, #tpu.memory_space<semaphore_mem>>
      %dma_start3A_26 = arith.constant 0 : i32
      %dma_start3A_27 = arith.constant 0 : i32
      %dma_start3A_28 = tpu.memref_slice %arg13[%dma_start3A_26, %dma_start3A_27] : memref<4x10240xf32, #tpu.memory_space<vmem>> -> memref<2x10240xf32, #tpu.memory_space<vmem>>
      %dma_start3A_29 = arith.constant 0 : i32
      %dma_start3A_30 = tpu.memref_slice %arg7[%arg0, %mul3A_21, %dma_start3A_29] : memref<2x64x10240xf32, #tpu.memory_space<hbm>> -> memref<1x2x10240xf32, #tpu.memory_space<hbm>>
      %dma_start3A_31 = tpu.memref_squeeze %dma_start3A_30 : memref<1x2x10240xf32, #tpu.memory_space<hbm>> -> memref<2x10240xf32, #tpu.memory_space<hbm>>
      %dma_start3A_32 = arith.constant 0 : i32
      %dma_start3A_33 = tpu.memref_slice %arg7[%arg0, %mul3A_21, %dma_start3A_32] : memref<2x64x10240xf32, #tpu.memory_space<hbm>> -> memref<1x2x10240xf32, #tpu.memory_space<hbm>>
      %dma_start3A_34 = tpu.memref_squeeze %dma_start3A_33 : memref<1x2x10240xf32, #tpu.memory_space<hbm>> -> memref<2x10240xf32, #tpu.memory_space<hbm>>
      %dma_start3A_35 = arith.constant 0 : i32
      %dma_start3A_36 = arith.constant 0 : i32
      %dma_start3A_37 = tpu.memref_slice %arg13[%dma_start3A_35, %dma_start3A_36] : memref<4x10240xf32, #tpu.memory_space<vmem>> -> memref<2x10240xf32, #tpu.memory_space<vmem>>
      tpu.enqueue_dma source(%dma_start3A_37 : memref<2x10240xf32, #tpu.memory_space<vmem>>) target(%dma_start3A_34 : memref<2x10240xf32, #tpu.memory_space<hbm>>) target_semaphore(%run_scoped3A : memref<!tpu.dma_semaphore, #tpu.memory_space<semaphore_mem>>)
      %dma_wait3A = arith.constant 0 : i32
      %dma_wait3A_38 = arith.constant 0 : i32
      %dma_wait3A_39 = tpu.memref_slice %arg13[%dma_wait3A, %dma_wait3A_38] : memref<4x10240xf32, #tpu.memory_space<vmem>> -> memref<2x10240xf32, #tpu.memory_space<vmem>>
      %dma_wait3A_40 = arith.constant 0 : i32
      %dma_wait3A_41 = tpu.memref_slice %arg7[%arg0, %mul3A_21, %dma_wait3A_40] : memref<2x64x10240xf32, #tpu.memory_space<hbm>> -> memref<1x2x10240xf32, #tpu.memory_space<hbm>>
      %dma_wait3A_42 = tpu.memref_squeeze %dma_wait3A_41 : memref<1x2x10240xf32, #tpu.memory_space<hbm>> -> memref<2x10240xf32, #tpu.memory_space<hbm>>
      %dma_wait3A_43 = arith.constant 0 : i32
      %dma_wait3A_44 = tpu.memref_slice %arg7[%arg0, %mul3A_21, %dma_wait3A_43] : memref<2x64x10240xf32, #tpu.memory_space<hbm>> -> memref<1x2x10240xf32, #tpu.memory_space<hbm>>
      %dma_wait3A_45 = tpu.memref_squeeze %dma_wait3A_44 : memref<1x2x10240xf32, #tpu.memory_space<hbm>> -> memref<2x10240xf32, #tpu.memory_space<hbm>>
      %dma_wait3A_46 = arith.constant 0 : i32
      %dma_wait3A_47 = arith.constant 0 : i32
      %dma_wait3A_48 = tpu.memref_slice %arg13[%dma_wait3A_46, %dma_wait3A_47] : memref<4x10240xf32, #tpu.memory_space<vmem>> -> memref<2x10240xf32, #tpu.memory_space<vmem>>
      tpu.wait_dma2 semaphore(%run_scoped3A : memref<!tpu.dma_semaphore, #tpu.memory_space<semaphore_mem>>) src(%dma_wait3A_48 : memref<2x10240xf32, #tpu.memory_space<vmem>>) dst(%dma_wait3A_45 : memref<2x10240xf32, #tpu.memory_space<hbm>>)
      tpu.yield
    }) : () -> ()
    %mul3A_22 = arith.constant 2 : i32
    %mul3A_23 = arith.muli %arg1, %mul3A_22 : i32
    %add3A_24 = arith.constant 32 : i32
    %add3A_25 = arith.addi %add3A_24, %mul3A_23 : i32
    "tpu.region"() ({
      %run_scoped3A = tpu.sem_alloc : memref<!tpu.dma_semaphore, #tpu.memory_space<semaphore_mem>>
      %dma_start3A_26 = arith.constant 2 : i32
      %dma_start3A_27 = arith.constant 0 : i32
      %dma_start3A_28 = tpu.memref_slice %arg13[%dma_start3A_26, %dma_start3A_27] : memref<4x10240xf32, #tpu.memory_space<vmem>> -> memref<2x10240xf32, #tpu.memory_space<vmem>>
      %dma_start3A_29 = arith.constant 0 : i32
      %dma_start3A_30 = tpu.memref_slice %arg7[%arg0, %add3A_25, %dma_start3A_29] : memref<2x64x10240xf32, #tpu.memory_space<hbm>> -> memref<1x2x10240xf32, #tpu.memory_space<hbm>>
      %dma_start3A_31 = tpu.memref_squeeze %dma_start3A_30 : memref<1x2x10240xf32, #tpu.memory_space<hbm>> -> memref<2x10240xf32, #tpu.memory_space<hbm>>
      %dma_start3A_32 = arith.constant 0 : i32
      %dma_start3A_33 = tpu.memref_slice %arg7[%arg0, %add3A_25, %dma_start3A_32] : memref<2x64x10240xf32, #tpu.memory_space<hbm>> -> memref<1x2x10240xf32, #tpu.memory_space<hbm>>
      %dma_start3A_34 = tpu.memref_squeeze %dma_start3A_33 : memref<1x2x10240xf32, #tpu.memory_space<hbm>> -> memref<2x10240xf32, #tpu.memory_space<hbm>>
      %dma_start3A_35 = arith.constant 2 : i32
      %dma_start3A_36 = arith.constant 0 : i32
      %dma_start3A_37 = tpu.memref_slice %arg13[%dma_start3A_35, %dma_start3A_36] : memref<4x10240xf32, #tpu.memory_space<vmem>> -> memref<2x10240xf32, #tpu.memory_space<vmem>>
      tpu.enqueue_dma source(%dma_start3A_37 : memref<2x10240xf32, #tpu.memory_space<vmem>>) target(%dma_start3A_34 : memref<2x10240xf32, #tpu.memory_space<hbm>>) target_semaphore(%run_scoped3A : memref<!tpu.dma_semaphore, #tpu.memory_space<semaphore_mem>>)
      %dma_wait3A = arith.constant 2 : i32
      %dma_wait3A_38 = arith.constant 0 : i32
      %dma_wait3A_39 = tpu.memref_slice %arg13[%dma_wait3A, %dma_wait3A_38] : memref<4x10240xf32, #tpu.memory_space<vmem>> -> memref<2x10240xf32, #tpu.memory_space<vmem>>
      %dma_wait3A_40 = arith.constant 0 : i32
      %dma_wait3A_41 = tpu.memref_slice %arg7[%arg0, %add3A_25, %dma_wait3A_40] : memref<2x64x10240xf32, #tpu.memory_space<hbm>> -> memref<1x2x10240xf32, #tpu.memory_space<hbm>>
      %dma_wait3A_42 = tpu.memref_squeeze %dma_wait3A_41 : memref<1x2x10240xf32, #tpu.memory_space<hbm>> -> memref<2x10240xf32, #tpu.memory_space<hbm>>
      %dma_wait3A_43 = arith.constant 0 : i32
      %dma_wait3A_44 = tpu.memref_slice %arg7[%arg0, %add3A_25, %dma_wait3A_43] : memref<2x64x10240xf32, #tpu.memory_space<hbm>> -> memref<1x2x10240xf32, #tpu.memory_space<hbm>>
      %dma_wait3A_45 = tpu.memref_squeeze %dma_wait3A_44 : memref<1x2x10240xf32, #tpu.memory_space<hbm>> -> memref<2x10240xf32, #tpu.memory_space<hbm>>
      %dma_wait3A_46 = arith.constant 2 : i32
      %dma_wait3A_47 = arith.constant 0 : i32
      %dma_wait3A_48 = tpu.memref_slice %arg13[%dma_wait3A_46, %dma_wait3A_47] : memref<4x10240xf32, #tpu.memory_space<vmem>> -> memref<2x10240xf32, #tpu.memory_space<vmem>>
      tpu.wait_dma2 semaphore(%run_scoped3A : memref<!tpu.dma_semaphore, #tpu.memory_space<semaphore_mem>>) src(%dma_wait3A_48 : memref<2x10240xf32, #tpu.memory_space<vmem>>) dst(%dma_wait3A_45 : memref<2x10240xf32, #tpu.memory_space<hbm>>)
      tpu.yield
    }) : () -> ()
    return
  }
}

#map = affine_map<(d0, d1) -> (0)>
#map1 = affine_map<(d0, d1) -> (0, 0)>
#map2 = affine_map<(d0, d1) -> (0, 0, 0)>
module attributes {stable_mosaic.version = 14 : i64} {
  func.func @edge_kernel(%arg0: i32, %arg1: i32, %arg2: memref<320000xi32, #tpu.memory_space<hbm>>, %arg3: memref<320000xi32, #tpu.memory_space<hbm>>, %arg4: memref<10240xi32, #tpu.memory_space<hbm>>, %arg5: memref<10240xi32, #tpu.memory_space<hbm>>, %arg6: memref<16x10240xi32, #tpu.memory_space<hbm>>, %arg7: memref<2x32x10240xf32, #tpu.memory_space<hbm>>, %arg8: memref<2x16x10240xf32, #tpu.memory_space<hbm>>, %arg9: memref<10240xi32, #tpu.memory_space<vmem>>, %arg10: memref<10240xi32, #tpu.memory_space<vmem>>, %arg11: memref<10240xf32, #tpu.memory_space<vmem>>, %arg12: memref<1x10240xi32, #tpu.memory_space<vmem>>, %arg13: memref<2x10240xf32, #tpu.memory_space<vmem>>, %arg14: memref<4000xi32, #tpu.memory_space<vmem>>, %arg15: memref<4000xi32, #tpu.memory_space<vmem>>, %arg16: memref<4000xi32, #tpu.memory_space<vmem>>, %arg17: memref<4000xi32, #tpu.memory_space<vmem>>, %arg18: memref<!tpu.dma_semaphore, #tpu.memory_space<semaphore_mem>>, %arg19: memref<!tpu.dma_semaphore, #tpu.memory_space<semaphore_mem>>) attributes {dimension_semantics = [#tpu.dimension_semantics<core_parallel>, #tpu.dimension_semantics<subcore_parallel>], iteration_bounds = array<i64: 2, 16>, scalar_prefetch = 0 : i64, scratch_operands = 11 : i64, tpu.core_type = #tpu.core_type<sc_vector_subcore>, window_params = [{transform_indices = #map}, {transform_indices = #map}, {transform_indices = #map}, {transform_indices = #map}, {transform_indices = #map1}, {transform_indices = #map2}, {transform_indices = #map2}]} {
    "tpu.region"() ({
      %run_scoped3A = tpu.sem_alloc : memref<!tpu.dma_semaphore, #tpu.memory_space<semaphore_mem>>
      tpu.enqueue_dma source(%arg4 : memref<10240xi32, #tpu.memory_space<hbm>>) target(%arg9 : memref<10240xi32, #tpu.memory_space<vmem>>) target_semaphore(%run_scoped3A : memref<!tpu.dma_semaphore, #tpu.memory_space<semaphore_mem>>)
      tpu.wait_dma2 semaphore(%run_scoped3A : memref<!tpu.dma_semaphore, #tpu.memory_space<semaphore_mem>>) src(%arg4 : memref<10240xi32, #tpu.memory_space<hbm>>) dst(%arg9 : memref<10240xi32, #tpu.memory_space<vmem>>)
      tpu.yield
    }) : () -> ()
    "tpu.region"() ({
      %run_scoped3A = tpu.sem_alloc : memref<!tpu.dma_semaphore, #tpu.memory_space<semaphore_mem>>
      tpu.enqueue_dma source(%arg5 : memref<10240xi32, #tpu.memory_space<hbm>>) target(%arg10 : memref<10240xi32, #tpu.memory_space<vmem>>) target_semaphore(%run_scoped3A : memref<!tpu.dma_semaphore, #tpu.memory_space<semaphore_mem>>)
      tpu.wait_dma2 semaphore(%run_scoped3A : memref<!tpu.dma_semaphore, #tpu.memory_space<semaphore_mem>>) src(%arg5 : memref<10240xi32, #tpu.memory_space<hbm>>) dst(%arg10 : memref<10240xi32, #tpu.memory_space<vmem>>)
      tpu.yield
    }) : () -> ()
    %mul3A = arith.constant 1 : i32
    %mul3A_0 = arith.muli %arg1, %mul3A : i32
    "tpu.region"() ({
      %run_scoped3A = tpu.sem_alloc : memref<!tpu.dma_semaphore, #tpu.memory_space<semaphore_mem>>
      %dma_start3A_26 = arith.constant 0 : i32
      %dma_start3A_27 = tpu.memref_slice %arg6[%mul3A_0, %dma_start3A_26] : memref<16x10240xi32, #tpu.memory_space<hbm>> -> memref<1x10240xi32, #tpu.memory_space<hbm>>
      %dma_start3A_28 = arith.constant 0 : i32
      %dma_start3A_29 = tpu.memref_slice %arg6[%mul3A_0, %dma_start3A_28] : memref<16x10240xi32, #tpu.memory_space<hbm>> -> memref<1x10240xi32, #tpu.memory_space<hbm>>
      tpu.enqueue_dma source(%dma_start3A_29 : memref<1x10240xi32, #tpu.memory_space<hbm>>) target(%arg12 : memref<1x10240xi32, #tpu.memory_space<vmem>>) target_semaphore(%run_scoped3A : memref<!tpu.dma_semaphore, #tpu.memory_space<semaphore_mem>>)
      %dma_wait3A = arith.constant 0 : i32
      %dma_wait3A_30 = tpu.memref_slice %arg6[%mul3A_0, %dma_wait3A] : memref<16x10240xi32, #tpu.memory_space<hbm>> -> memref<1x10240xi32, #tpu.memory_space<hbm>>
      %dma_wait3A_31 = arith.constant 0 : i32
      %dma_wait3A_32 = tpu.memref_slice %arg6[%mul3A_0, %dma_wait3A_31] : memref<16x10240xi32, #tpu.memory_space<hbm>> -> memref<1x10240xi32, #tpu.memory_space<hbm>>
      tpu.wait_dma2 semaphore(%run_scoped3A : memref<!tpu.dma_semaphore, #tpu.memory_space<semaphore_mem>>) src(%dma_wait3A_32 : memref<1x10240xi32, #tpu.memory_space<hbm>>) dst(%arg12 : memref<1x10240xi32, #tpu.memory_space<vmem>>)
      tpu.yield
    }) : () -> ()
    %scan3A = arith.constant 0 : i32
    %scan3A_1 = arith.constant 0 : i32
    %scan3A_2 = arith.constant 640 : i32
    %scan3A_3 = arith.addi %scan3A_1, %scan3A_2 : i32
    %scan3A_4 = arith.constant 1 : i32
    %scan3A_5 = scf.for %scan3A_26 = %scan3A_1 to %scan3A_3 step %scan3A_4 iter_args(%scan3A_27 = %scan3A) -> (i32)  : i32 {
      %broadcast_in_dim3A = arith.constant 0.000000e+00 : f32
      %broadcast_in_dim3A_28 = vector.broadcast %broadcast_in_dim3A : f32 to vector<16xf32>
      %mul3A_29 = arith.constant 16 : i32
      %mul3A_30 = arith.muli %scan3A_26, %mul3A_29 : i32
      %swap3A = arith.index_cast %mul3A_30 : i32 to index
      %swap3A_31 = tpu.vector_load %arg11[%swap3A] {strides = array<i32>} : memref<10240xf32, #tpu.memory_space<vmem>>, vector<16xf32>,
      tpu.vector_store %arg11[%swap3A], %broadcast_in_dim3A_28 {strides = array<i32>} : memref<10240xf32, #tpu.memory_space<vmem>>, vector<16xf32>,
      %broadcast_in_dim3A_32 = arith.constant 0.000000e+00 : f32
      %broadcast_in_dim3A_33 = vector.broadcast %broadcast_in_dim3A_32 : f32 to vector<16xf32>
      %mul3A_34 = arith.constant 16 : i32
      %mul3A_35 = arith.muli %scan3A_26, %mul3A_34 : i32
      %swap3A_36 = arith.constant 0 : i32
      %swap3A_37 = arith.index_cast %swap3A_36 : i32 to index
      %swap3A_38 = arith.index_cast %mul3A_35 : i32 to index
      %swap3A_39 = tpu.vector_load %arg13[%swap3A_37, %swap3A_38] {strides = array<i32>} : memref<2x10240xf32, #tpu.memory_space<vmem>>, vector<16xf32>,
      tpu.vector_store %arg13[%swap3A_37, %swap3A_38], %broadcast_in_dim3A_33 {strides = array<i32>} : memref<2x10240xf32, #tpu.memory_space<vmem>>, vector<16xf32>,
      %broadcast_in_dim3A_40 = arith.constant 0.000000e+00 : f32
      %broadcast_in_dim3A_41 = vector.broadcast %broadcast_in_dim3A_40 : f32 to vector<16xf32>
      %mul3A_42 = arith.constant 16 : i32
      %mul3A_43 = arith.muli %scan3A_26, %mul3A_42 : i32
      %swap3A_44 = arith.constant 1 : i32
      %swap3A_45 = arith.index_cast %swap3A_44 : i32 to index
      %swap3A_46 = arith.index_cast %mul3A_43 : i32 to index
      %swap3A_47 = tpu.vector_load %arg13[%swap3A_45, %swap3A_46] {strides = array<i32>} : memref<2x10240xf32, #tpu.memory_space<vmem>>, vector<16xf32>,
      tpu.vector_store %arg13[%swap3A_45, %swap3A_46], %broadcast_in_dim3A_41 {strides = array<i32>} : memref<2x10240xf32, #tpu.memory_space<vmem>>, vector<16xf32>,
      %scan3A_48 = arith.constant 0 : i32
      scf.yield %scan3A_48 : i32
    }
    %scan3A_6 = arith.constant 640 : i32
    %mul3A_7 = arith.constant 160000 : i32
    %mul3A_8 = arith.muli %arg0, %mul3A_7 : i32
    %add3A = arith.constant 0 : i32
    %add3A_9 = arith.addi %mul3A_8, %add3A : i32
    %dma_start3A = tpu.memref_slice %arg2[%add3A_9] : memref<320000xi32, #tpu.memory_space<hbm>> -> memref<4000xi32, #tpu.memory_space<hbm>>
    %dma_start3A_10 = tpu.memref_slice %arg2[%add3A_9] : memref<320000xi32, #tpu.memory_space<hbm>> -> memref<4000xi32, #tpu.memory_space<hbm>>
    tpu.enqueue_dma source(%dma_start3A_10 : memref<4000xi32, #tpu.memory_space<hbm>>) target(%arg14 : memref<4000xi32, #tpu.memory_space<vmem>>) target_semaphore(%arg18 : memref<!tpu.dma_semaphore, #tpu.memory_space<semaphore_mem>>)
    %dma_start3A_11 = tpu.memref_slice %arg3[%add3A_9] : memref<320000xi32, #tpu.memory_space<hbm>> -> memref<4000xi32, #tpu.memory_space<hbm>>
    %dma_start3A_12 = tpu.memref_slice %arg3[%add3A_9] : memref<320000xi32, #tpu.memory_space<hbm>> -> memref<4000xi32, #tpu.memory_space<hbm>>
    tpu.enqueue_dma source(%dma_start3A_12 : memref<4000xi32, #tpu.memory_space<hbm>>) target(%arg16 : memref<4000xi32, #tpu.memory_space<vmem>>) target_semaphore(%arg18 : memref<!tpu.dma_semaphore, #tpu.memory_space<semaphore_mem>>)
    %scan3A_13 = arith.constant 0 : i32
    %scan3A_14 = arith.constant 0 : i32
    %scan3A_15 = arith.constant 20 : i32
    %scan3A_16 = arith.addi %scan3A_14, %scan3A_15 : i32
    %scan3A_17 = arith.constant 1 : i32
    %scan3A_18 = scf.for %scan3A_26 = %scan3A_14 to %scan3A_16 step %scan3A_17 iter_args(%scan3A_27 = %scan3A_13) -> (i32)  : i32 {
      %mul3A_28 = arith.constant 2 : i32
      %mul3A_29 = arith.muli %mul3A_28, %scan3A_26 : i32
      %add3A_30 = arith.constant 1 : i32
      %add3A_31 = arith.addi %mul3A_29, %add3A_30 : i32
      %mul3A_32 = arith.constant 4000 : i32
      %mul3A_33 = arith.muli %add3A_31, %mul3A_32 : i32
      %add3A_34 = arith.addi %mul3A_8, %mul3A_33 : i32
      %dma_start3A_35 = tpu.memref_slice %arg2[%add3A_34] : memref<320000xi32, #tpu.memory_space<hbm>> -> memref<4000xi32, #tpu.memory_space<hbm>>
      %dma_start3A_36 = tpu.memref_slice %arg2[%add3A_34] : memref<320000xi32, #tpu.memory_space<hbm>> -> memref<4000xi32, #tpu.memory_space<hbm>>
      tpu.enqueue_dma source(%dma_start3A_36 : memref<4000xi32, #tpu.memory_space<hbm>>) target(%arg15 : memref<4000xi32, #tpu.memory_space<vmem>>) target_semaphore(%arg19 : memref<!tpu.dma_semaphore, #tpu.memory_space<semaphore_mem>>)
      %dma_start3A_37 = tpu.memref_slice %arg3[%add3A_34] : memref<320000xi32, #tpu.memory_space<hbm>> -> memref<4000xi32, #tpu.memory_space<hbm>>
      %dma_start3A_38 = tpu.memref_slice %arg3[%add3A_34] : memref<320000xi32, #tpu.memory_space<hbm>> -> memref<4000xi32, #tpu.memory_space<hbm>>
      tpu.enqueue_dma source(%dma_start3A_38 : memref<4000xi32, #tpu.memory_space<hbm>>) target(%arg17 : memref<4000xi32, #tpu.memory_space<vmem>>) target_semaphore(%arg19 : memref<!tpu.dma_semaphore, #tpu.memory_space<semaphore_mem>>)
      %mul3A_39 = arith.constant 4000 : i32
      %mul3A_40 = arith.muli %mul3A_29, %mul3A_39 : i32
      %add3A_41 = arith.addi %mul3A_8, %mul3A_40 : i32
      %dma_wait3A = tpu.memref_slice %arg2[%add3A_41] : memref<320000xi32, #tpu.memory_space<hbm>> -> memref<4000xi32, #tpu.memory_space<hbm>>
      %dma_wait3A_42 = tpu.memref_slice %arg2[%add3A_41] : memref<320000xi32, #tpu.memory_space<hbm>> -> memref<4000xi32, #tpu.memory_space<hbm>>
      tpu.wait_dma2 semaphore(%arg18 : memref<!tpu.dma_semaphore, #tpu.memory_space<semaphore_mem>>) src(%dma_wait3A_42 : memref<4000xi32, #tpu.memory_space<hbm>>) dst(%arg14 : memref<4000xi32, #tpu.memory_space<vmem>>)
      %dma_wait3A_43 = tpu.memref_slice %arg3[%add3A_41] : memref<320000xi32, #tpu.memory_space<hbm>> -> memref<4000xi32, #tpu.memory_space<hbm>>
      %dma_wait3A_44 = tpu.memref_slice %arg3[%add3A_41] : memref<320000xi32, #tpu.memory_space<hbm>> -> memref<4000xi32, #tpu.memory_space<hbm>>
      tpu.wait_dma2 semaphore(%arg18 : memref<!tpu.dma_semaphore, #tpu.memory_space<semaphore_mem>>) src(%dma_wait3A_44 : memref<4000xi32, #tpu.memory_space<hbm>>) dst(%arg16 : memref<4000xi32, #tpu.memory_space<vmem>>)
      %mul3A_45 = arith.constant 40 : i32
      %mul3A_46 = arith.muli %arg1, %mul3A_45 : i32
      %jit3A = arith.constant 16 : i32
      %div3A = arith.divsi %mul3A_46, %jit3A : i32
      %sign3A = arith.constant 0 : i32
      %sign3A_47 = arith.cmpi sgt, %mul3A_46, %sign3A : i32
      %sign3A_48 = arith.extui %sign3A_47 : i1 to i32
      %sign3A_49 = arith.constant 0 : i32
      %sign3A_50 = arith.cmpi slt, %mul3A_46, %sign3A_49 : i32
      %sign3A_51 = arith.extui %sign3A_50 : i1 to i32
      %sign3A_52 = arith.subi %sign3A_48, %sign3A_51 : i32
      %sign3A_53 = arith.constant 0 : i32
      %sign3A_54 = arith.cmpi sgt, %jit3A, %sign3A_53 : i32
      %sign3A_55 = arith.extui %sign3A_54 : i1 to i32
      %sign3A_56 = arith.constant 0 : i32
      %sign3A_57 = arith.cmpi slt, %jit3A, %sign3A_56 : i32
      %sign3A_58 = arith.extui %sign3A_57 : i1 to i32
      %sign3A_59 = arith.subi %sign3A_55, %sign3A_58 : i32
      %ne3A = arith.cmpi ne, %sign3A_52, %sign3A_59 : i32
      %rem3A = arith.remsi %mul3A_46, %jit3A : i32
      %ne3A_60 = arith.constant 0 : i32
      %ne3A_61 = arith.cmpi ne, %rem3A, %ne3A_60 : i32
      %and3A = arith.andi %ne3A, %ne3A_61 : i1
      %sub3A = arith.constant 1 : i32
      %sub3A_62 = arith.subi %div3A, %sub3A : i32
      %select_n3A = arith.select %and3A, %sub3A_62, %div3A : i32
      %ge3A = arith.cmpi sge, %mul3A_29, %select_n3A : i32
      %add3A_63 = arith.constant 1 : i32
      %add3A_64 = arith.addi %arg1, %add3A_63 : i32
      %mul3A_65 = arith.constant 40 : i32
      %mul3A_66 = arith.muli %add3A_64, %mul3A_65 : i32
      %jit3A_67 = arith.constant 16 : i32
      %div3A_68 = arith.divsi %mul3A_66, %jit3A_67 : i32
      %sign3A_69 = arith.constant 0 : i32
      %sign3A_70 = arith.cmpi sgt, %mul3A_66, %sign3A_69 : i32
      %sign3A_71 = arith.extui %sign3A_70 : i1 to i32
      %sign3A_72 = arith.constant 0 : i32
      %sign3A_73 = arith.cmpi slt, %mul3A_66, %sign3A_72 : i32
      %sign3A_74 = arith.extui %sign3A_73 : i1 to i32
      %sign3A_75 = arith.subi %sign3A_71, %sign3A_74 : i32
      %sign3A_76 = arith.constant 0 : i32
      %sign3A_77 = arith.cmpi sgt, %jit3A_67, %sign3A_76 : i32
      %sign3A_78 = arith.extui %sign3A_77 : i1 to i32
      %sign3A_79 = arith.constant 0 : i32
      %sign3A_80 = arith.cmpi slt, %jit3A_67, %sign3A_79 : i32
      %sign3A_81 = arith.extui %sign3A_80 : i1 to i32
      %sign3A_82 = arith.subi %sign3A_78, %sign3A_81 : i32
      %ne3A_83 = arith.cmpi ne, %sign3A_75, %sign3A_82 : i32
      %rem3A_84 = arith.remsi %mul3A_66, %jit3A_67 : i32
      %ne3A_85 = arith.constant 0 : i32
      %ne3A_86 = arith.cmpi ne, %rem3A_84, %ne3A_85 : i32
      %and3A_87 = arith.andi %ne3A_83, %ne3A_86 : i1
      %sub3A_88 = arith.constant 1 : i32
      %sub3A_89 = arith.subi %div3A_68, %sub3A_88 : i32
      %select_n3A_90 = arith.select %and3A_87, %sub3A_89, %div3A_68 : i32
      %lt3A = arith.cmpi slt, %mul3A_29, %select_n3A_90 : i32
      %and3A_91 = arith.andi %ge3A, %lt3A : i1
      %convert_element_type3A = arith.extui %and3A_91 : i1 to i32
      %cond3A = arith.constant 0 : i32
      %cond3A_92 = arith.cmpi ne, %convert_element_type3A, %cond3A : i32
      scf.if %cond3A_92 {
        %parallel_loop3A = arith.constant 0 : i32
        %parallel_loop3A_172 = arith.constant 250 : i32
        %parallel_loop3A_173 = arith.constant 1 : i32
        scf.for %parallel_loop3A_174 = %parallel_loop3A to %parallel_loop3A_172 step %parallel_loop3A_173  : i32 {
          %parallel_loop3A_175 = arith.constant 16 : i32
          %parallel_loop3A_176 = arith.muli %parallel_loop3A_174, %parallel_loop3A_175 : i32
          %parallel_loop3A_177 = arith.index_cast %parallel_loop3A_176 : i32 to index
          %parallel_loop3A_178 = tpu.vector_load %arg14[%parallel_loop3A_177] {strides = array<i32>} : memref<4000xi32, #tpu.memory_space<vmem>>, vector<16xi32>,
          %parallel_loop3A_179 = arith.constant 16 : i32
          %parallel_loop3A_180 = arith.muli %parallel_loop3A_174, %parallel_loop3A_179 : i32
          %parallel_loop3A_181 = arith.index_cast %parallel_loop3A_180 : i32 to index
          %parallel_loop3A_182 = tpu.vector_load %arg16[%parallel_loop3A_181] {strides = array<i32>} : memref<4000xi32, #tpu.memory_space<vmem>>, vector<16xi32>,
          %parallel_loop3A_183 = tpu.vector_load_idx %arg9[%parallel_loop3A_178] : memref<10240xi32, #tpu.memory_space<vmem>>[vector<16xi32>], vector<16xi32>,
          %parallel_loop3A_184 = vector.bitcast %parallel_loop3A_183 : vector<16xi32> to vector<32xbf16>
          %parallel_loop3A_185 = tpu.unpack_subelements %parallel_loop3A_184, 0 {pack_format = #tpu.pack_format<interleaved>} : vector<32xbf16> -> vector<16xf32>
          %parallel_loop3A_186 = tpu.unpack_subelements %parallel_loop3A_184, 1 {pack_format = #tpu.pack_format<interleaved>} : vector<32xbf16> -> vector<16xf32>
          %parallel_loop3A_187 = tpu.vector_load_idx %arg10[%parallel_loop3A_182] : memref<10240xi32, #tpu.memory_space<vmem>>[vector<16xi32>], vector<16xi32>,
          %parallel_loop3A_188 = vector.bitcast %parallel_loop3A_187 : vector<16xi32> to vector<32xbf16>
          %parallel_loop3A_189 = tpu.unpack_subelements %parallel_loop3A_188, 0 {pack_format = #tpu.pack_format<interleaved>} : vector<32xbf16> -> vector<16xf32>
          %parallel_loop3A_190 = tpu.unpack_subelements %parallel_loop3A_188, 1 {pack_format = #tpu.pack_format<interleaved>} : vector<32xbf16> -> vector<16xf32>
          %parallel_loop3A_191 = arith.mulf %parallel_loop3A_185, %parallel_loop3A_189 : vector<16xf32>
          %parallel_loop3A_192 = arith.constant 1.000000e+00 : f32
          %parallel_loop3A_193 = vector.broadcast %parallel_loop3A_192 : f32 to vector<16xf32>
          %parallel_loop3A_194 = arith.cmpf oge, %parallel_loop3A_191, %parallel_loop3A_193 : vector<16xf32>
          %parallel_loop3A_195 = arith.mulf %parallel_loop3A_186, %parallel_loop3A_190 : vector<16xf32>
          %parallel_loop3A_196 = arith.select %parallel_loop3A_194, %parallel_loop3A_191, %parallel_loop3A_195 : vector<16xi1>, vector<16xf32>
          tpu.vector_store_idx %arg11[%parallel_loop3A_182], %parallel_loop3A_196 {add = true} : memref<10240xf32, #tpu.memory_space<vmem>>[vector<16xi32>], vector<16xf32>,
          %parallel_loop3A_197 = arith.constant 0 : i32
          %parallel_loop3A_198 = vector.broadcast %parallel_loop3A_197 : i32 to vector<16xi32>
          %parallel_loop3A_199 = tpu.vector_load_idx %arg12[%parallel_loop3A_198, %parallel_loop3A_178] : memref<1x10240xi32, #tpu.memory_space<vmem>>[vector<16xi32>, vector<16xi32>], vector<16xi32>,
          %parallel_loop3A_200 = vector.bitcast %parallel_loop3A_199 : vector<16xi32> to vector<32xbf16>
          %parallel_loop3A_201 = tpu.unpack_subelements %parallel_loop3A_200, 0 {pack_format = #tpu.pack_format<interleaved>} : vector<32xbf16> -> vector<16xf32>
          %parallel_loop3A_202 = tpu.unpack_subelements %parallel_loop3A_200, 1 {pack_format = #tpu.pack_format<interleaved>} : vector<32xbf16> -> vector<16xf32>
          %parallel_loop3A_203 = arith.mulf %parallel_loop3A_201, %parallel_loop3A_196 : vector<16xf32>
          tpu.vector_store_idx %arg13[%parallel_loop3A_198, %parallel_loop3A_182], %parallel_loop3A_203 {add = true} : memref<2x10240xf32, #tpu.memory_space<vmem>>[vector<16xi32>, vector<16xi32>], vector<16xf32>,
          %parallel_loop3A_204 = arith.constant 1 : i32
          %parallel_loop3A_205 = vector.broadcast %parallel_loop3A_204 : i32 to vector<16xi32>
          %parallel_loop3A_206 = arith.mulf %parallel_loop3A_202, %parallel_loop3A_196 : vector<16xf32>
          tpu.vector_store_idx %arg13[%parallel_loop3A_205, %parallel_loop3A_182], %parallel_loop3A_206 {add = true} : memref<2x10240xf32, #tpu.memory_space<vmem>>[vector<16xi32>, vector<16xi32>], vector<16xf32>,
        } {sc.loop_unroll_factor = 8 : i64, sc.parallel_access}
      } else {
        %parallel_loop3A = arith.constant 0 : i32
        %parallel_loop3A_172 = arith.constant 250 : i32
        %parallel_loop3A_173 = arith.constant 1 : i32
        scf.for %parallel_loop3A_174 = %parallel_loop3A to %parallel_loop3A_172 step %parallel_loop3A_173  : i32 {
          %parallel_loop3A_175 = arith.constant 16 : i32
          %parallel_loop3A_176 = arith.muli %parallel_loop3A_174, %parallel_loop3A_175 : i32
          %parallel_loop3A_177 = arith.index_cast %parallel_loop3A_176 : i32 to index
          %parallel_loop3A_178 = tpu.vector_load %arg14[%parallel_loop3A_177] {strides = array<i32>} : memref<4000xi32, #tpu.memory_space<vmem>>, vector<16xi32>,
          %parallel_loop3A_179 = arith.constant 16 : i32
          %parallel_loop3A_180 = arith.muli %parallel_loop3A_174, %parallel_loop3A_179 : i32
          %parallel_loop3A_181 = arith.index_cast %parallel_loop3A_180 : i32 to index
          %parallel_loop3A_182 = tpu.vector_load %arg16[%parallel_loop3A_181] {strides = array<i32>} : memref<4000xi32, #tpu.memory_space<vmem>>, vector<16xi32>,
          %parallel_loop3A_183 = tpu.vector_load_idx %arg9[%parallel_loop3A_178] : memref<10240xi32, #tpu.memory_space<vmem>>[vector<16xi32>], vector<16xi32>,
          %parallel_loop3A_184 = vector.bitcast %parallel_loop3A_183 : vector<16xi32> to vector<32xbf16>
          %parallel_loop3A_185 = tpu.unpack_subelements %parallel_loop3A_184, 0 {pack_format = #tpu.pack_format<interleaved>} : vector<32xbf16> -> vector<16xf32>
          %parallel_loop3A_186 = tpu.unpack_subelements %parallel_loop3A_184, 1 {pack_format = #tpu.pack_format<interleaved>} : vector<32xbf16> -> vector<16xf32>
          %parallel_loop3A_187 = tpu.vector_load_idx %arg10[%parallel_loop3A_182] : memref<10240xi32, #tpu.memory_space<vmem>>[vector<16xi32>], vector<16xi32>,
          %parallel_loop3A_188 = vector.bitcast %parallel_loop3A_187 : vector<16xi32> to vector<32xbf16>
          %parallel_loop3A_189 = tpu.unpack_subelements %parallel_loop3A_188, 0 {pack_format = #tpu.pack_format<interleaved>} : vector<32xbf16> -> vector<16xf32>
          %parallel_loop3A_190 = tpu.unpack_subelements %parallel_loop3A_188, 1 {pack_format = #tpu.pack_format<interleaved>} : vector<32xbf16> -> vector<16xf32>
          %parallel_loop3A_191 = arith.mulf %parallel_loop3A_185, %parallel_loop3A_189 : vector<16xf32>
          %parallel_loop3A_192 = arith.constant 1.000000e+00 : f32
          %parallel_loop3A_193 = vector.broadcast %parallel_loop3A_192 : f32 to vector<16xf32>
          %parallel_loop3A_194 = arith.cmpf oge, %parallel_loop3A_191, %parallel_loop3A_193 : vector<16xf32>
          %parallel_loop3A_195 = arith.mulf %parallel_loop3A_186, %parallel_loop3A_190 : vector<16xf32>
          %parallel_loop3A_196 = arith.select %parallel_loop3A_194, %parallel_loop3A_191, %parallel_loop3A_195 : vector<16xi1>, vector<16xf32>
          %parallel_loop3A_197 = arith.constant 0 : i32
          %parallel_loop3A_198 = vector.broadcast %parallel_loop3A_197 : i32 to vector<16xi32>
          %parallel_loop3A_199 = tpu.vector_load_idx %arg12[%parallel_loop3A_198, %parallel_loop3A_178] : memref<1x10240xi32, #tpu.memory_space<vmem>>[vector<16xi32>, vector<16xi32>], vector<16xi32>,
          %parallel_loop3A_200 = vector.bitcast %parallel_loop3A_199 : vector<16xi32> to vector<32xbf16>
          %parallel_loop3A_201 = tpu.unpack_subelements %parallel_loop3A_200, 0 {pack_format = #tpu.pack_format<interleaved>} : vector<32xbf16> -> vector<16xf32>
          %parallel_loop3A_202 = tpu.unpack_subelements %parallel_loop3A_200, 1 {pack_format = #tpu.pack_format<interleaved>} : vector<32xbf16> -> vector<16xf32>
          %parallel_loop3A_203 = arith.mulf %parallel_loop3A_201, %parallel_loop3A_196 : vector<16xf32>
          tpu.vector_store_idx %arg13[%parallel_loop3A_198, %parallel_loop3A_182], %parallel_loop3A_203 {add = true} : memref<2x10240xf32, #tpu.memory_space<vmem>>[vector<16xi32>, vector<16xi32>], vector<16xf32>,
          %parallel_loop3A_204 = arith.constant 1 : i32
          %parallel_loop3A_205 = vector.broadcast %parallel_loop3A_204 : i32 to vector<16xi32>
          %parallel_loop3A_206 = arith.mulf %parallel_loop3A_202, %parallel_loop3A_196 : vector<16xf32>
          tpu.vector_store_idx %arg13[%parallel_loop3A_205, %parallel_loop3A_182], %parallel_loop3A_206 {add = true} : memref<2x10240xf32, #tpu.memory_space<vmem>>[vector<16xi32>, vector<16xi32>], vector<16xf32>,
        } {sc.loop_unroll_factor = 8 : i64, sc.parallel_access}
      }
      %add3A_93 = arith.constant 2 : i32
      %add3A_94 = arith.addi %mul3A_29, %add3A_93 : i32
      %lt3A_95 = arith.constant 40 : i32
      %lt3A_96 = arith.cmpi slt, %add3A_94, %lt3A_95 : i32
      %convert_element_type3A_97 = arith.extui %lt3A_96 : i1 to i32
      %cond3A_98 = arith.constant 0 : i32
      %cond3A_99 = arith.cmpi ne, %convert_element_type3A_97, %cond3A_98 : i32
      scf.if %cond3A_99 {
        %add3A_172 = arith.constant 2 : i32
        %add3A_173 = arith.addi %mul3A_29, %add3A_172 : i32
        %mul3A_174 = arith.constant 4000 : i32
        %mul3A_175 = arith.muli %add3A_173, %mul3A_174 : i32
        %add3A_176 = arith.addi %mul3A_8, %mul3A_175 : i32
        %dma_start3A_177 = tpu.memref_slice %arg2[%add3A_176] : memref<320000xi32, #tpu.memory_space<hbm>> -> memref<4000xi32, #tpu.memory_space<hbm>>
        %dma_start3A_178 = tpu.memref_slice %arg2[%add3A_176] : memref<320000xi32, #tpu.memory_space<hbm>> -> memref<4000xi32, #tpu.memory_space<hbm>>
        tpu.enqueue_dma source(%dma_start3A_178 : memref<4000xi32, #tpu.memory_space<hbm>>) target(%arg14 : memref<4000xi32, #tpu.memory_space<vmem>>) target_semaphore(%arg18 : memref<!tpu.dma_semaphore, #tpu.memory_space<semaphore_mem>>)
        %dma_start3A_179 = tpu.memref_slice %arg3[%add3A_176] : memref<320000xi32, #tpu.memory_space<hbm>> -> memref<4000xi32, #tpu.memory_space<hbm>>
        %dma_start3A_180 = tpu.memref_slice %arg3[%add3A_176] : memref<320000xi32, #tpu.memory_space<hbm>> -> memref<4000xi32, #tpu.memory_space<hbm>>
        tpu.enqueue_dma source(%dma_start3A_180 : memref<4000xi32, #tpu.memory_space<hbm>>) target(%arg16 : memref<4000xi32, #tpu.memory_space<vmem>>) target_semaphore(%arg18 : memref<!tpu.dma_semaphore, #tpu.memory_space<semaphore_mem>>)
      } else {
      }
      %add3A_100 = arith.constant 1 : i32
      %add3A_101 = arith.addi %mul3A_29, %add3A_100 : i32
      %mul3A_102 = arith.constant 4000 : i32
      %mul3A_103 = arith.muli %add3A_101, %mul3A_102 : i32
      %add3A_104 = arith.addi %mul3A_8, %mul3A_103 : i32
      %dma_wait3A_105 = tpu.memref_slice %arg2[%add3A_104] : memref<320000xi32, #tpu.memory_space<hbm>> -> memref<4000xi32, #tpu.memory_space<hbm>>
      %dma_wait3A_106 = tpu.memref_slice %arg2[%add3A_104] : memref<320000xi32, #tpu.memory_space<hbm>> -> memref<4000xi32, #tpu.memory_space<hbm>>
      tpu.wait_dma2 semaphore(%arg19 : memref<!tpu.dma_semaphore, #tpu.memory_space<semaphore_mem>>) src(%dma_wait3A_106 : memref<4000xi32, #tpu.memory_space<hbm>>) dst(%arg15 : memref<4000xi32, #tpu.memory_space<vmem>>)
      %dma_wait3A_107 = tpu.memref_slice %arg3[%add3A_104] : memref<320000xi32, #tpu.memory_space<hbm>> -> memref<4000xi32, #tpu.memory_space<hbm>>
      %dma_wait3A_108 = tpu.memref_slice %arg3[%add3A_104] : memref<320000xi32, #tpu.memory_space<hbm>> -> memref<4000xi32, #tpu.memory_space<hbm>>
      tpu.wait_dma2 semaphore(%arg19 : memref<!tpu.dma_semaphore, #tpu.memory_space<semaphore_mem>>) src(%dma_wait3A_108 : memref<4000xi32, #tpu.memory_space<hbm>>) dst(%arg17 : memref<4000xi32, #tpu.memory_space<vmem>>)
      %add3A_109 = arith.constant 1 : i32
      %add3A_110 = arith.addi %mul3A_29, %add3A_109 : i32
      %mul3A_111 = arith.constant 40 : i32
      %mul3A_112 = arith.muli %arg1, %mul3A_111 : i32
      %jit3A_113 = arith.constant 16 : i32
      %div3A_114 = arith.divsi %mul3A_112, %jit3A_113 : i32
      %sign3A_115 = arith.constant 0 : i32
      %sign3A_116 = arith.cmpi sgt, %mul3A_112, %sign3A_115 : i32
      %sign3A_117 = arith.extui %sign3A_116 : i1 to i32
      %sign3A_118 = arith.constant 0 : i32
      %sign3A_119 = arith.cmpi slt, %mul3A_112, %sign3A_118 : i32
      %sign3A_120 = arith.extui %sign3A_119 : i1 to i32
      %sign3A_121 = arith.subi %sign3A_117, %sign3A_120 : i32
      %sign3A_122 = arith.constant 0 : i32
      %sign3A_123 = arith.cmpi sgt, %jit3A_113, %sign3A_122 : i32
      %sign3A_124 = arith.extui %sign3A_123 : i1 to i32
      %sign3A_125 = arith.constant 0 : i32
      %sign3A_126 = arith.cmpi slt, %jit3A_113, %sign3A_125 : i32
      %sign3A_127 = arith.extui %sign3A_126 : i1 to i32
      %sign3A_128 = arith.subi %sign3A_124, %sign3A_127 : i32
      %ne3A_129 = arith.cmpi ne, %sign3A_121, %sign3A_128 : i32
      %rem3A_130 = arith.remsi %mul3A_112, %jit3A_113 : i32
      %ne3A_131 = arith.constant 0 : i32
      %ne3A_132 = arith.cmpi ne, %rem3A_130, %ne3A_131 : i32
      %and3A_133 = arith.andi %ne3A_129, %ne3A_132 : i1
      %sub3A_134 = arith.constant 1 : i32
      %sub3A_135 = arith.subi %div3A_114, %sub3A_134 : i32
      %select_n3A_136 = arith.select %and3A_133, %sub3A_135, %div3A_114 : i32
      %ge3A_137 = arith.cmpi sge, %add3A_110, %select_n3A_136 : i32
      %add3A_138 = arith.constant 1 : i32
      %add3A_139 = arith.addi %arg1, %add3A_138 : i32
      %mul3A_140 = arith.constant 40 : i32
      %mul3A_141 = arith.muli %add3A_139, %mul3A_140 : i32
      %jit3A_142 = arith.constant 16 : i32
      %div3A_143 = arith.divsi %mul3A_141, %jit3A_142 : i32
      %sign3A_144 = arith.constant 0 : i32
      %sign3A_145 = arith.cmpi sgt, %mul3A_141, %sign3A_144 : i32
      %sign3A_146 = arith.extui %sign3A_145 : i1 to i32
      %sign3A_147 = arith.constant 0 : i32
      %sign3A_148 = arith.cmpi slt, %mul3A_141, %sign3A_147 : i32
      %sign3A_149 = arith.extui %sign3A_148 : i1 to i32
      %sign3A_150 = arith.subi %sign3A_146, %sign3A_149 : i32
      %sign3A_151 = arith.constant 0 : i32
      %sign3A_152 = arith.cmpi sgt, %jit3A_142, %sign3A_151 : i32
      %sign3A_153 = arith.extui %sign3A_152 : i1 to i32
      %sign3A_154 = arith.constant 0 : i32
      %sign3A_155 = arith.cmpi slt, %jit3A_142, %sign3A_154 : i32
      %sign3A_156 = arith.extui %sign3A_155 : i1 to i32
      %sign3A_157 = arith.subi %sign3A_153, %sign3A_156 : i32
      %ne3A_158 = arith.cmpi ne, %sign3A_150, %sign3A_157 : i32
      %rem3A_159 = arith.remsi %mul3A_141, %jit3A_142 : i32
      %ne3A_160 = arith.constant 0 : i32
      %ne3A_161 = arith.cmpi ne, %rem3A_159, %ne3A_160 : i32
      %and3A_162 = arith.andi %ne3A_158, %ne3A_161 : i1
      %sub3A_163 = arith.constant 1 : i32
      %sub3A_164 = arith.subi %div3A_143, %sub3A_163 : i32
      %select_n3A_165 = arith.select %and3A_162, %sub3A_164, %div3A_143 : i32
      %lt3A_166 = arith.cmpi slt, %add3A_110, %select_n3A_165 : i32
      %and3A_167 = arith.andi %ge3A_137, %lt3A_166 : i1
      %convert_element_type3A_168 = arith.extui %and3A_167 : i1 to i32
      %cond3A_169 = arith.constant 0 : i32
      %cond3A_170 = arith.cmpi ne, %convert_element_type3A_168, %cond3A_169 : i32
      scf.if %cond3A_170 {
        %parallel_loop3A = arith.constant 0 : i32
        %parallel_loop3A_172 = arith.constant 250 : i32
        %parallel_loop3A_173 = arith.constant 1 : i32
        scf.for %parallel_loop3A_174 = %parallel_loop3A to %parallel_loop3A_172 step %parallel_loop3A_173  : i32 {
          %parallel_loop3A_175 = arith.constant 16 : i32
          %parallel_loop3A_176 = arith.muli %parallel_loop3A_174, %parallel_loop3A_175 : i32
          %parallel_loop3A_177 = arith.index_cast %parallel_loop3A_176 : i32 to index
          %parallel_loop3A_178 = tpu.vector_load %arg15[%parallel_loop3A_177] {strides = array<i32>} : memref<4000xi32, #tpu.memory_space<vmem>>, vector<16xi32>,
          %parallel_loop3A_179 = arith.constant 16 : i32
          %parallel_loop3A_180 = arith.muli %parallel_loop3A_174, %parallel_loop3A_179 : i32
          %parallel_loop3A_181 = arith.index_cast %parallel_loop3A_180 : i32 to index
          %parallel_loop3A_182 = tpu.vector_load %arg17[%parallel_loop3A_181] {strides = array<i32>} : memref<4000xi32, #tpu.memory_space<vmem>>, vector<16xi32>,
          %parallel_loop3A_183 = tpu.vector_load_idx %arg9[%parallel_loop3A_178] : memref<10240xi32, #tpu.memory_space<vmem>>[vector<16xi32>], vector<16xi32>,
          %parallel_loop3A_184 = vector.bitcast %parallel_loop3A_183 : vector<16xi32> to vector<32xbf16>
          %parallel_loop3A_185 = tpu.unpack_subelements %parallel_loop3A_184, 0 {pack_format = #tpu.pack_format<interleaved>} : vector<32xbf16> -> vector<16xf32>
          %parallel_loop3A_186 = tpu.unpack_subelements %parallel_loop3A_184, 1 {pack_format = #tpu.pack_format<interleaved>} : vector<32xbf16> -> vector<16xf32>
          %parallel_loop3A_187 = tpu.vector_load_idx %arg10[%parallel_loop3A_182] : memref<10240xi32, #tpu.memory_space<vmem>>[vector<16xi32>], vector<16xi32>,
          %parallel_loop3A_188 = vector.bitcast %parallel_loop3A_187 : vector<16xi32> to vector<32xbf16>
          %parallel_loop3A_189 = tpu.unpack_subelements %parallel_loop3A_188, 0 {pack_format = #tpu.pack_format<interleaved>} : vector<32xbf16> -> vector<16xf32>
          %parallel_loop3A_190 = tpu.unpack_subelements %parallel_loop3A_188, 1 {pack_format = #tpu.pack_format<interleaved>} : vector<32xbf16> -> vector<16xf32>
          %parallel_loop3A_191 = arith.mulf %parallel_loop3A_185, %parallel_loop3A_189 : vector<16xf32>
          %parallel_loop3A_192 = arith.constant 1.000000e+00 : f32
          %parallel_loop3A_193 = vector.broadcast %parallel_loop3A_192 : f32 to vector<16xf32>
          %parallel_loop3A_194 = arith.cmpf oge, %parallel_loop3A_191, %parallel_loop3A_193 : vector<16xf32>
          %parallel_loop3A_195 = arith.mulf %parallel_loop3A_186, %parallel_loop3A_190 : vector<16xf32>
          %parallel_loop3A_196 = arith.select %parallel_loop3A_194, %parallel_loop3A_191, %parallel_loop3A_195 : vector<16xi1>, vector<16xf32>
          tpu.vector_store_idx %arg11[%parallel_loop3A_182], %parallel_loop3A_196 {add = true} : memref<10240xf32, #tpu.memory_space<vmem>>[vector<16xi32>], vector<16xf32>,
          %parallel_loop3A_197 = arith.constant 0 : i32
          %parallel_loop3A_198 = vector.broadcast %parallel_loop3A_197 : i32 to vector<16xi32>
          %parallel_loop3A_199 = tpu.vector_load_idx %arg12[%parallel_loop3A_198, %parallel_loop3A_178] : memref<1x10240xi32, #tpu.memory_space<vmem>>[vector<16xi32>, vector<16xi32>], vector<16xi32>,
          %parallel_loop3A_200 = vector.bitcast %parallel_loop3A_199 : vector<16xi32> to vector<32xbf16>
          %parallel_loop3A_201 = tpu.unpack_subelements %parallel_loop3A_200, 0 {pack_format = #tpu.pack_format<interleaved>} : vector<32xbf16> -> vector<16xf32>
          %parallel_loop3A_202 = tpu.unpack_subelements %parallel_loop3A_200, 1 {pack_format = #tpu.pack_format<interleaved>} : vector<32xbf16> -> vector<16xf32>
          %parallel_loop3A_203 = arith.mulf %parallel_loop3A_201, %parallel_loop3A_196 : vector<16xf32>
          tpu.vector_store_idx %arg13[%parallel_loop3A_198, %parallel_loop3A_182], %parallel_loop3A_203 {add = true} : memref<2x10240xf32, #tpu.memory_space<vmem>>[vector<16xi32>, vector<16xi32>], vector<16xf32>,
          %parallel_loop3A_204 = arith.constant 1 : i32
          %parallel_loop3A_205 = vector.broadcast %parallel_loop3A_204 : i32 to vector<16xi32>
          %parallel_loop3A_206 = arith.mulf %parallel_loop3A_202, %parallel_loop3A_196 : vector<16xf32>
          tpu.vector_store_idx %arg13[%parallel_loop3A_205, %parallel_loop3A_182], %parallel_loop3A_206 {add = true} : memref<2x10240xf32, #tpu.memory_space<vmem>>[vector<16xi32>, vector<16xi32>], vector<16xf32>,
        } {sc.loop_unroll_factor = 8 : i64, sc.parallel_access}
      } else {
        %parallel_loop3A = arith.constant 0 : i32
        %parallel_loop3A_172 = arith.constant 250 : i32
        %parallel_loop3A_173 = arith.constant 1 : i32
        scf.for %parallel_loop3A_174 = %parallel_loop3A to %parallel_loop3A_172 step %parallel_loop3A_173  : i32 {
          %parallel_loop3A_175 = arith.constant 16 : i32
          %parallel_loop3A_176 = arith.muli %parallel_loop3A_174, %parallel_loop3A_175 : i32
          %parallel_loop3A_177 = arith.index_cast %parallel_loop3A_176 : i32 to index
          %parallel_loop3A_178 = tpu.vector_load %arg15[%parallel_loop3A_177] {strides = array<i32>} : memref<4000xi32, #tpu.memory_space<vmem>>, vector<16xi32>,
          %parallel_loop3A_179 = arith.constant 16 : i32
          %parallel_loop3A_180 = arith.muli %parallel_loop3A_174, %parallel_loop3A_179 : i32
          %parallel_loop3A_181 = arith.index_cast %parallel_loop3A_180 : i32 to index
          %parallel_loop3A_182 = tpu.vector_load %arg17[%parallel_loop3A_181] {strides = array<i32>} : memref<4000xi32, #tpu.memory_space<vmem>>, vector<16xi32>,
          %parallel_loop3A_183 = tpu.vector_load_idx %arg9[%parallel_loop3A_178] : memref<10240xi32, #tpu.memory_space<vmem>>[vector<16xi32>], vector<16xi32>,
          %parallel_loop3A_184 = vector.bitcast %parallel_loop3A_183 : vector<16xi32> to vector<32xbf16>
          %parallel_loop3A_185 = tpu.unpack_subelements %parallel_loop3A_184, 0 {pack_format = #tpu.pack_format<interleaved>} : vector<32xbf16> -> vector<16xf32>
          %parallel_loop3A_186 = tpu.unpack_subelements %parallel_loop3A_184, 1 {pack_format = #tpu.pack_format<interleaved>} : vector<32xbf16> -> vector<16xf32>
          %parallel_loop3A_187 = tpu.vector_load_idx %arg10[%parallel_loop3A_182] : memref<10240xi32, #tpu.memory_space<vmem>>[vector<16xi32>], vector<16xi32>,
          %parallel_loop3A_188 = vector.bitcast %parallel_loop3A_187 : vector<16xi32> to vector<32xbf16>
          %parallel_loop3A_189 = tpu.unpack_subelements %parallel_loop3A_188, 0 {pack_format = #tpu.pack_format<interleaved>} : vector<32xbf16> -> vector<16xf32>
          %parallel_loop3A_190 = tpu.unpack_subelements %parallel_loop3A_188, 1 {pack_format = #tpu.pack_format<interleaved>} : vector<32xbf16> -> vector<16xf32>
          %parallel_loop3A_191 = arith.mulf %parallel_loop3A_185, %parallel_loop3A_189 : vector<16xf32>
          %parallel_loop3A_192 = arith.constant 1.000000e+00 : f32
          %parallel_loop3A_193 = vector.broadcast %parallel_loop3A_192 : f32 to vector<16xf32>
          %parallel_loop3A_194 = arith.cmpf oge, %parallel_loop3A_191, %parallel_loop3A_193 : vector<16xf32>
          %parallel_loop3A_195 = arith.mulf %parallel_loop3A_186, %parallel_loop3A_190 : vector<16xf32>
          %parallel_loop3A_196 = arith.select %parallel_loop3A_194, %parallel_loop3A_191, %parallel_loop3A_195 : vector<16xi1>, vector<16xf32>
          %parallel_loop3A_197 = arith.constant 0 : i32
          %parallel_loop3A_198 = vector.broadcast %parallel_loop3A_197 : i32 to vector<16xi32>
          %parallel_loop3A_199 = tpu.vector_load_idx %arg12[%parallel_loop3A_198, %parallel_loop3A_178] : memref<1x10240xi32, #tpu.memory_space<vmem>>[vector<16xi32>, vector<16xi32>], vector<16xi32>,
          %parallel_loop3A_200 = vector.bitcast %parallel_loop3A_199 : vector<16xi32> to vector<32xbf16>
          %parallel_loop3A_201 = tpu.unpack_subelements %parallel_loop3A_200, 0 {pack_format = #tpu.pack_format<interleaved>} : vector<32xbf16> -> vector<16xf32>
          %parallel_loop3A_202 = tpu.unpack_subelements %parallel_loop3A_200, 1 {pack_format = #tpu.pack_format<interleaved>} : vector<32xbf16> -> vector<16xf32>
          %parallel_loop3A_203 = arith.mulf %parallel_loop3A_201, %parallel_loop3A_196 : vector<16xf32>
          tpu.vector_store_idx %arg13[%parallel_loop3A_198, %parallel_loop3A_182], %parallel_loop3A_203 {add = true} : memref<2x10240xf32, #tpu.memory_space<vmem>>[vector<16xi32>, vector<16xi32>], vector<16xf32>,
          %parallel_loop3A_204 = arith.constant 1 : i32
          %parallel_loop3A_205 = vector.broadcast %parallel_loop3A_204 : i32 to vector<16xi32>
          %parallel_loop3A_206 = arith.mulf %parallel_loop3A_202, %parallel_loop3A_196 : vector<16xf32>
          tpu.vector_store_idx %arg13[%parallel_loop3A_205, %parallel_loop3A_182], %parallel_loop3A_206 {add = true} : memref<2x10240xf32, #tpu.memory_space<vmem>>[vector<16xi32>, vector<16xi32>], vector<16xf32>,
        } {sc.loop_unroll_factor = 8 : i64, sc.parallel_access}
      }
      %scan3A_171 = arith.constant 0 : i32
      scf.yield %scan3A_171 : i32
    }
    %scan3A_19 = arith.constant 20 : i32
    "tpu.region"() ({
      %run_scoped3A = tpu.sem_alloc : memref<!tpu.dma_semaphore, #tpu.memory_space<semaphore_mem>>
      %dma_start3A_26 = arith.constant 0 : i32
      %dma_start3A_27 = tpu.memref_slice %arg8[%arg0, %arg1, %dma_start3A_26] : memref<2x16x10240xf32, #tpu.memory_space<hbm>> -> memref<1x1x10240xf32, #tpu.memory_space<hbm>>
      %dma_start3A_28 = tpu.memref_squeeze %dma_start3A_27 : memref<1x1x10240xf32, #tpu.memory_space<hbm>> -> memref<10240xf32, #tpu.memory_space<hbm>>
      %dma_start3A_29 = arith.constant 0 : i32
      %dma_start3A_30 = tpu.memref_slice %arg8[%arg0, %arg1, %dma_start3A_29] : memref<2x16x10240xf32, #tpu.memory_space<hbm>> -> memref<1x1x10240xf32, #tpu.memory_space<hbm>>
      %dma_start3A_31 = tpu.memref_squeeze %dma_start3A_30 : memref<1x1x10240xf32, #tpu.memory_space<hbm>> -> memref<10240xf32, #tpu.memory_space<hbm>>
      tpu.enqueue_dma source(%arg11 : memref<10240xf32, #tpu.memory_space<vmem>>) target(%dma_start3A_31 : memref<10240xf32, #tpu.memory_space<hbm>>) target_semaphore(%run_scoped3A : memref<!tpu.dma_semaphore, #tpu.memory_space<semaphore_mem>>)
      %dma_wait3A = arith.constant 0 : i32
      %dma_wait3A_32 = tpu.memref_slice %arg8[%arg0, %arg1, %dma_wait3A] : memref<2x16x10240xf32, #tpu.memory_space<hbm>> -> memref<1x1x10240xf32, #tpu.memory_space<hbm>>
      %dma_wait3A_33 = tpu.memref_squeeze %dma_wait3A_32 : memref<1x1x10240xf32, #tpu.memory_space<hbm>> -> memref<10240xf32, #tpu.memory_space<hbm>>
      %dma_wait3A_34 = arith.constant 0 : i32
      %dma_wait3A_35 = tpu.memref_slice %arg8[%arg0, %arg1, %dma_wait3A_34] : memref<2x16x10240xf32, #tpu.memory_space<hbm>> -> memref<1x1x10240xf32, #tpu.memory_space<hbm>>
      %dma_wait3A_36 = tpu.memref_squeeze %dma_wait3A_35 : memref<1x1x10240xf32, #tpu.memory_space<hbm>> -> memref<10240xf32, #tpu.memory_space<hbm>>
      tpu.wait_dma2 semaphore(%run_scoped3A : memref<!tpu.dma_semaphore, #tpu.memory_space<semaphore_mem>>) src(%arg11 : memref<10240xf32, #tpu.memory_space<vmem>>) dst(%dma_wait3A_36 : memref<10240xf32, #tpu.memory_space<hbm>>)
      tpu.yield
    }) : () -> ()
    %mul3A_20 = arith.constant 1 : i32
    %mul3A_21 = arith.muli %arg1, %mul3A_20 : i32
    "tpu.region"() ({
      %run_scoped3A = tpu.sem_alloc : memref<!tpu.dma_semaphore, #tpu.memory_space<semaphore_mem>>
      %dma_start3A_26 = arith.constant 0 : i32
      %dma_start3A_27 = arith.constant 0 : i32
      %dma_start3A_28 = tpu.memref_slice %arg13[%dma_start3A_26, %dma_start3A_27] : memref<2x10240xf32, #tpu.memory_space<vmem>> -> memref<1x10240xf32, #tpu.memory_space<vmem>>
      %dma_start3A_29 = arith.constant 0 : i32
      %dma_start3A_30 = tpu.memref_slice %arg7[%arg0, %mul3A_21, %dma_start3A_29] : memref<2x32x10240xf32, #tpu.memory_space<hbm>> -> memref<1x1x10240xf32, #tpu.memory_space<hbm>>
      %dma_start3A_31 = tpu.memref_squeeze %dma_start3A_30 : memref<1x1x10240xf32, #tpu.memory_space<hbm>> -> memref<1x10240xf32, #tpu.memory_space<hbm>>
      %dma_start3A_32 = arith.constant 0 : i32
      %dma_start3A_33 = tpu.memref_slice %arg7[%arg0, %mul3A_21, %dma_start3A_32] : memref<2x32x10240xf32, #tpu.memory_space<hbm>> -> memref<1x1x10240xf32, #tpu.memory_space<hbm>>
      %dma_start3A_34 = tpu.memref_squeeze %dma_start3A_33 : memref<1x1x10240xf32, #tpu.memory_space<hbm>> -> memref<1x10240xf32, #tpu.memory_space<hbm>>
      %dma_start3A_35 = arith.constant 0 : i32
      %dma_start3A_36 = arith.constant 0 : i32
      %dma_start3A_37 = tpu.memref_slice %arg13[%dma_start3A_35, %dma_start3A_36] : memref<2x10240xf32, #tpu.memory_space<vmem>> -> memref<1x10240xf32, #tpu.memory_space<vmem>>
      tpu.enqueue_dma source(%dma_start3A_37 : memref<1x10240xf32, #tpu.memory_space<vmem>>) target(%dma_start3A_34 : memref<1x10240xf32, #tpu.memory_space<hbm>>) target_semaphore(%run_scoped3A : memref<!tpu.dma_semaphore, #tpu.memory_space<semaphore_mem>>)
      %dma_wait3A = arith.constant 0 : i32
      %dma_wait3A_38 = arith.constant 0 : i32
      %dma_wait3A_39 = tpu.memref_slice %arg13[%dma_wait3A, %dma_wait3A_38] : memref<2x10240xf32, #tpu.memory_space<vmem>> -> memref<1x10240xf32, #tpu.memory_space<vmem>>
      %dma_wait3A_40 = arith.constant 0 : i32
      %dma_wait3A_41 = tpu.memref_slice %arg7[%arg0, %mul3A_21, %dma_wait3A_40] : memref<2x32x10240xf32, #tpu.memory_space<hbm>> -> memref<1x1x10240xf32, #tpu.memory_space<hbm>>
      %dma_wait3A_42 = tpu.memref_squeeze %dma_wait3A_41 : memref<1x1x10240xf32, #tpu.memory_space<hbm>> -> memref<1x10240xf32, #tpu.memory_space<hbm>>
      %dma_wait3A_43 = arith.constant 0 : i32
      %dma_wait3A_44 = tpu.memref_slice %arg7[%arg0, %mul3A_21, %dma_wait3A_43] : memref<2x32x10240xf32, #tpu.memory_space<hbm>> -> memref<1x1x10240xf32, #tpu.memory_space<hbm>>
      %dma_wait3A_45 = tpu.memref_squeeze %dma_wait3A_44 : memref<1x1x10240xf32, #tpu.memory_space<hbm>> -> memref<1x10240xf32, #tpu.memory_space<hbm>>
      %dma_wait3A_46 = arith.constant 0 : i32
      %dma_wait3A_47 = arith.constant 0 : i32
      %dma_wait3A_48 = tpu.memref_slice %arg13[%dma_wait3A_46, %dma_wait3A_47] : memref<2x10240xf32, #tpu.memory_space<vmem>> -> memref<1x10240xf32, #tpu.memory_space<vmem>>
      tpu.wait_dma2 semaphore(%run_scoped3A : memref<!tpu.dma_semaphore, #tpu.memory_space<semaphore_mem>>) src(%dma_wait3A_48 : memref<1x10240xf32, #tpu.memory_space<vmem>>) dst(%dma_wait3A_45 : memref<1x10240xf32, #tpu.memory_space<hbm>>)
      tpu.yield
    }) : () -> ()
    %mul3A_22 = arith.constant 1 : i32
    %mul3A_23 = arith.muli %arg1, %mul3A_22 : i32
    %add3A_24 = arith.constant 16 : i32
    %add3A_25 = arith.addi %add3A_24, %mul3A_23 : i32
    "tpu.region"() ({
      %run_scoped3A = tpu.sem_alloc : memref<!tpu.dma_semaphore, #tpu.memory_space<semaphore_mem>>
      %dma_start3A_26 = arith.constant 1 : i32
      %dma_start3A_27 = arith.constant 0 : i32
      %dma_start3A_28 = tpu.memref_slice %arg13[%dma_start3A_26, %dma_start3A_27] : memref<2x10240xf32, #tpu.memory_space<vmem>> -> memref<1x10240xf32, #tpu.memory_space<vmem>>
      %dma_start3A_29 = arith.constant 0 : i32
      %dma_start3A_30 = tpu.memref_slice %arg7[%arg0, %add3A_25, %dma_start3A_29] : memref<2x32x10240xf32, #tpu.memory_space<hbm>> -> memref<1x1x10240xf32, #tpu.memory_space<hbm>>
      %dma_start3A_31 = tpu.memref_squeeze %dma_start3A_30 : memref<1x1x10240xf32, #tpu.memory_space<hbm>> -> memref<1x10240xf32, #tpu.memory_space<hbm>>
      %dma_start3A_32 = arith.constant 0 : i32
      %dma_start3A_33 = tpu.memref_slice %arg7[%arg0, %add3A_25, %dma_start3A_32] : memref<2x32x10240xf32, #tpu.memory_space<hbm>> -> memref<1x1x10240xf32, #tpu.memory_space<hbm>>
      %dma_start3A_34 = tpu.memref_squeeze %dma_start3A_33 : memref<1x1x10240xf32, #tpu.memory_space<hbm>> -> memref<1x10240xf32, #tpu.memory_space<hbm>>
      %dma_start3A_35 = arith.constant 1 : i32
      %dma_start3A_36 = arith.constant 0 : i32
      %dma_start3A_37 = tpu.memref_slice %arg13[%dma_start3A_35, %dma_start3A_36] : memref<2x10240xf32, #tpu.memory_space<vmem>> -> memref<1x10240xf32, #tpu.memory_space<vmem>>
      tpu.enqueue_dma source(%dma_start3A_37 : memref<1x10240xf32, #tpu.memory_space<vmem>>) target(%dma_start3A_34 : memref<1x10240xf32, #tpu.memory_space<hbm>>) target_semaphore(%run_scoped3A : memref<!tpu.dma_semaphore, #tpu.memory_space<semaphore_mem>>)
      %dma_wait3A = arith.constant 1 : i32
      %dma_wait3A_38 = arith.constant 0 : i32
      %dma_wait3A_39 = tpu.memref_slice %arg13[%dma_wait3A, %dma_wait3A_38] : memref<2x10240xf32, #tpu.memory_space<vmem>> -> memref<1x10240xf32, #tpu.memory_space<vmem>>
      %dma_wait3A_40 = arith.constant 0 : i32
      %dma_wait3A_41 = tpu.memref_slice %arg7[%arg0, %add3A_25, %dma_wait3A_40] : memref<2x32x10240xf32, #tpu.memory_space<hbm>> -> memref<1x1x10240xf32, #tpu.memory_space<hbm>>
      %dma_wait3A_42 = tpu.memref_squeeze %dma_wait3A_41 : memref<1x1x10240xf32, #tpu.memory_space<hbm>> -> memref<1x10240xf32, #tpu.memory_space<hbm>>
      %dma_wait3A_43 = arith.constant 0 : i32
      %dma_wait3A_44 = tpu.memref_slice %arg7[%arg0, %add3A_25, %dma_wait3A_43] : memref<2x32x10240xf32, #tpu.memory_space<hbm>> -> memref<1x1x10240xf32, #tpu.memory_space<hbm>>
      %dma_wait3A_45 = tpu.memref_squeeze %dma_wait3A_44 : memref<1x1x10240xf32, #tpu.memory_space<hbm>> -> memref<1x10240xf32, #tpu.memory_space<hbm>>
      %dma_wait3A_46 = arith.constant 1 : i32
      %dma_wait3A_47 = arith.constant 0 : i32
      %dma_wait3A_48 = tpu.memref_slice %arg13[%dma_wait3A_46, %dma_wait3A_47] : memref<2x10240xf32, #tpu.memory_space<vmem>> -> memref<1x10240xf32, #tpu.memory_space<vmem>>
      tpu.wait_dma2 semaphore(%run_scoped3A : memref<!tpu.dma_semaphore, #tpu.memory_space<semaphore_mem>>) src(%dma_wait3A_48 : memref<1x10240xf32, #tpu.memory_space<vmem>>) dst(%dma_wait3A_45 : memref<1x10240xf32, #tpu.memory_space<hbm>>)
      tpu.yield
    }) : () -> ()
    return
  }
}

module attributes {stable_mosaic.version = 14 : i64} {
  func.func @_tc2_body(%arg0: i32, %arg1: memref<128x2048xf32, #tpu.memory_space<vmem>>, %arg2: memref<32x2048xf32, #tpu.memory_space<vmem>>, %arg3: memref<1x2048xf32, #tpu.memory_space<vmem>>, %arg4: memref<64x2048xf32, #tpu.memory_space<vmem>>, %arg5: memref<64x2048xf32, #tpu.memory_space<vmem>>, %arg6: memref<32x64xf32, #tpu.memory_space<vmem>>, %arg7: memref<1x32xf32, #tpu.memory_space<vmem>>, %arg8: memref<1x32xf32, #tpu.memory_space<vmem>>, %arg9: memref<32x2048xf32, #tpu.memory_space<vmem>>, %arg10: memref<16x2048xi32, #tpu.memory_space<vmem>>, %arg11: memref<1x2048xi32, #tpu.memory_space<vmem>>, %arg12: memref<1x2048xi32, #tpu.memory_space<vmem>>, %arg13: memref<1x2048xf32, #tpu.memory_space<vmem>>) attributes {dimension_semantics = [#tpu.dimension_semantics<arbitrary>], iteration_bounds = array<i64: 5>, scalar_prefetch = 0 : i64, scratch_operands = 0 : i64, tpu.core_type = #tpu.core_type<tc>, window_params = [{transform_indices = @transform_0, window_bounds = array<i64: 128, 2048>}, {transform_indices = @transform_1, window_bounds = array<i64: 32, 2048>}, {transform_indices = @transform_2, window_bounds = array<i64: 1, 2048>}, {transform_indices = @transform_3, window_bounds = array<i64: 64, 2048>}, {pipeline_mode = #tpu.pipeline_mode<synchronous>, transform_indices = @transform_4, window_bounds = array<i64: 64, 2048>}, {pipeline_mode = #tpu.pipeline_mode<synchronous>, transform_indices = @transform_5, window_bounds = array<i64: 32, 64>}, {pipeline_mode = #tpu.pipeline_mode<synchronous>, transform_indices = @transform_6, window_bounds = array<i64: 1, 32>}, {pipeline_mode = #tpu.pipeline_mode<synchronous>, transform_indices = @transform_7, window_bounds = array<i64: 1, 32>}, {transform_indices = @transform_8, window_bounds = array<i64: 32, 2048>}, {transform_indices = @transform_9, window_bounds = array<i64: 16, 2048>}, {transform_indices = @transform_10, window_bounds = array<i64: 1, 2048>}, {transform_indices = @transform_11, window_bounds = array<i64: 1, 2048>}, {transform_indices = @transform_12, window_bounds = array<i64: 1, 2048>}]} {
    %get3A = arith.constant 0 : index
    %get3A_0 = arith.constant 0 : index
    %get3A_1 = vector.load %arg3[%get3A, %get3A_0] : memref<1x2048xf32, #tpu.memory_space<vmem>>, vector<1x2048xf32>
    %get3A_2 = arith.constant 0 : index
    %get3A_3 = arith.constant 0 : index
    %get3A_4 = vector.load %arg2[%get3A_2, %get3A_3] : memref<32x2048xf32, #tpu.memory_space<vmem>>, vector<32x2048xf32>
    %reduce_sum3A = arith.constant dense<0.000000e+00> : vector<2048xf32>
    %reduce_sum3A_5 = vector.multi_reduction <add>, %get3A_4, %reduce_sum3A [0] : vector<32x2048xf32> to vector<2048xf32>
    %broadcast_in_dim3A = vector.shape_cast %reduce_sum3A_5 : vector<2048xf32> to vector<1x2048xf32>
    %add3A = arith.addf %broadcast_in_dim3A, %get3A_1 : vector<1x2048xf32>
    %add3A_6 = arith.constant 1.000000e-16 : f32
    %add3A_7 = vector.broadcast %add3A_6 : f32 to vector<1x2048xf32>
    %add3A_8 = arith.addf %add3A, %add3A_7 : vector<1x2048xf32>
    %get3A_9 = arith.constant 0 : index
    %get3A_10 = arith.constant 0 : index
    %get3A_11 = vector.load %arg1[%get3A_9, %get3A_10] : memref<128x2048xf32, #tpu.memory_space<vmem>>, vector<64x2048xf32>
    %get3A_12 = arith.constant 64 : index
    %get3A_13 = arith.constant 0 : index
    %get3A_14 = vector.load %arg1[%get3A_12, %get3A_13] : memref<128x2048xf32, #tpu.memory_space<vmem>>, vector<64x2048xf32>
    %add3A_15 = arith.addf %get3A_11, %get3A_14 : vector<64x2048xf32>
    %get3A_16 = arith.constant 0 : index
    %get3A_17 = arith.constant 0 : index
    %get3A_18 = vector.load %arg4[%get3A_16, %get3A_17] : memref<64x2048xf32, #tpu.memory_space<vmem>>, vector<64x2048xf32>
    %mul3A = vector.broadcast %get3A_1 : vector<1x2048xf32> to vector<64x2048xf32>
    %mul3A_19 = arith.mulf %mul3A, %get3A_18 : vector<64x2048xf32>
    %add3A_20 = arith.addf %add3A_15, %mul3A_19 : vector<64x2048xf32>
    %div3A = vector.broadcast %add3A_8 : vector<1x2048xf32> to vector<64x2048xf32>
    %div3A_21 = arith.divf %add3A_20, %div3A : vector<64x2048xf32>
    %get3A_22 = arith.constant 0 : index
    %get3A_23 = arith.constant 0 : index
    %get3A_24 = vector.load %arg5[%get3A_22, %get3A_23] : memref<64x2048xf32, #tpu.memory_space<vmem>>, vector<64x2048xf32>
    %add3A_25 = arith.addf %div3A_21, %get3A_24 : vector<64x2048xf32>
    %gt3A = arith.constant 0.000000e+00 : f32
    %gt3A_26 = vector.broadcast %gt3A : f32 to vector<64x2048xf32>
    %gt3A_27 = arith.cmpf ogt, %add3A_25, %gt3A_26 : vector<64x2048xf32>
    %exp3A = math.exp %add3A_25 : vector<64x2048xf32>
    %sub3A = arith.constant 1.000000e+00 : f32
    %sub3A_28 = vector.broadcast %sub3A : f32 to vector<64x2048xf32>
    %sub3A_29 = arith.subf %exp3A, %sub3A_28 : vector<64x2048xf32>
    %select_n3A = arith.select %gt3A_27, %add3A_25, %sub3A_29 : vector<64x2048xi1>, vector<64x2048xf32>
    %get3A_30 = arith.constant 0 : index
    %get3A_31 = arith.constant 0 : index
    %get3A_32 = vector.load %arg6[%get3A_30, %get3A_31] : memref<32x64xf32, #tpu.memory_space<vmem>>, vector<32x64xf32>
    %dot_general3A = arith.constant dense<0.000000e+00> : vector<32x2048xf32>
    %dot_general3A_33 = tpu.matmul %get3A_32, %select_n3A, %dot_general3A {dimension_numbers = #tpu.dot_dimension_numbers<[1], [0], [0], [1], [0, 0, 1, 1], [], []>, transpose_lhs_hint = false} : vector<32x64xf32>, vector<64x2048xf32>, vector<32x2048xf32> -> vector<32x2048xf32>
    %swap3A = arith.constant 0 : index
    %swap3A_34 = arith.constant 0 : index
    %swap3A_35 = vector.load %arg9[%swap3A, %swap3A_34] : memref<32x2048xf32, #tpu.memory_space<vmem>>, vector<32x2048xf32>
    tpu.vector_store %arg9[%swap3A, %swap3A_34], %dot_general3A_33 {strides = array<i32>} : memref<32x2048xf32, #tpu.memory_space<vmem>>, vector<32x2048xf32>,
    %slice3A = vector.extract_strided_slice %dot_general3A_33 {offsets = [0, 0], sizes = [16, 2048], strides = [1, 1]} : vector<32x2048xf32> to vector<16x2048xf32>
    %slice3A_36 = vector.extract_strided_slice %dot_general3A_33 {offsets = [16, 0], sizes = [16, 2048], strides = [1, 1]} : vector<32x2048xf32> to vector<16x2048xf32>
    %convert_element_type3A = arith.truncf %slice3A : vector<16x2048xf32> to vector<16x2048xbf16>
    %bitcast_convert_type3A = tpu.bitcast %convert_element_type3A : vector<16x2048xbf16> -> vector<16x2048xi16>
    %convert_element_type3A_37 = arith.extui %bitcast_convert_type3A : vector<16x2048xi16> to vector<16x2048xi32>
    %convert_element_type3A_38 = arith.truncf %slice3A_36 : vector<16x2048xf32> to vector<16x2048xbf16>
    %bitcast_convert_type3A_39 = tpu.bitcast %convert_element_type3A_38 : vector<16x2048xbf16> -> vector<16x2048xi16>
    %convert_element_type3A_40 = arith.extui %bitcast_convert_type3A_39 : vector<16x2048xi16> to vector<16x2048xi32>
    %shift_left3A = arith.constant 16 : i32
    %shift_left3A_41 = vector.broadcast %shift_left3A : i32 to vector<16x2048xi32>
    %shift_left3A_42 = arith.shli %convert_element_type3A_40, %shift_left3A_41 : vector<16x2048xi32>
    %or3A = arith.ori %convert_element_type3A_37, %shift_left3A_42 : vector<16x2048xi32>
    %bitcast_convert_type3A_43 = tpu.bitcast %or3A : vector<16x2048xi32> -> vector<16x2048xi32>
    %swap3A_44 = arith.constant 0 : index
    %swap3A_45 = arith.constant 0 : index
    %swap3A_46 = vector.load %arg10[%swap3A_44, %swap3A_45] : memref<16x2048xi32, #tpu.memory_space<vmem>>, vector<16x2048xi32>
    tpu.vector_store %arg10[%swap3A_44, %swap3A_45], %bitcast_convert_type3A_43 {strides = array<i32>} : memref<16x2048xi32, #tpu.memory_space<vmem>>, vector<16x2048xi32>,
    %get3A_47 = arith.constant 0 : index
    %get3A_48 = arith.constant 0 : index
    %get3A_49 = vector.load %arg7[%get3A_47, %get3A_48] : memref<1x32xf32, #tpu.memory_space<vmem>>, vector<1x32xf32>
    %dot_general3A_50 = arith.constant dense<0.000000e+00> : vector<1x2048xf32>
    %dot_general3A_51 = tpu.matmul %get3A_49, %dot_general3A_33, %dot_general3A_50 {dimension_numbers = #tpu.dot_dimension_numbers<[1], [0], [0], [1], [0, 0, 1, 1], [], []>, transpose_lhs_hint = false} : vector<1x32xf32>, vector<32x2048xf32>, vector<1x2048xf32> -> vector<1x2048xf32>
    %get3A_52 = arith.constant 0 : index
    %get3A_53 = arith.constant 0 : index
    %get3A_54 = vector.load %arg8[%get3A_52, %get3A_53] : memref<1x32xf32, #tpu.memory_space<vmem>>, vector<1x32xf32>
    %dot_general3A_55 = arith.constant dense<0.000000e+00> : vector<1x2048xf32>
    %dot_general3A_56 = tpu.matmul %get3A_54, %dot_general3A_33, %dot_general3A_55 {dimension_numbers = #tpu.dot_dimension_numbers<[1], [0], [0], [1], [0, 0, 1, 1], [], []>, transpose_lhs_hint = false} : vector<1x32xf32>, vector<32x2048xf32>, vector<1x2048xf32> -> vector<1x2048xf32>
    %min3A = arith.constant 4.400000e+01 : f32
    %min3A_57 = vector.broadcast %min3A : f32 to vector<1x2048xf32>
    %min3A_58 = arith.minimumf %dot_general3A_51, %min3A_57 : vector<1x2048xf32>
    %exp3A_59 = math.exp %min3A_58 : vector<1x2048xf32>
    %mul3A_60 = arith.constant 2.000000e-01 : f32
    %mul3A_61 = vector.broadcast %mul3A_60 : f32 to vector<1x2048xf32>
    %mul3A_62 = arith.mulf %mul3A_61, %min3A_58 : vector<1x2048xf32>
    %exp3A_63 = math.exp %mul3A_62 : vector<1x2048xf32>
    %convert_element_type3A_64 = arith.truncf %exp3A_59 : vector<1x2048xf32> to vector<1x2048xbf16>
    %bitcast_convert_type3A_65 = tpu.bitcast %convert_element_type3A_64 : vector<1x2048xbf16> -> vector<1x2048xi16>
    %convert_element_type3A_66 = arith.extui %bitcast_convert_type3A_65 : vector<1x2048xi16> to vector<1x2048xi32>
    %convert_element_type3A_67 = arith.truncf %exp3A_63 : vector<1x2048xf32> to vector<1x2048xbf16>
    %bitcast_convert_type3A_68 = tpu.bitcast %convert_element_type3A_67 : vector<1x2048xbf16> -> vector<1x2048xi16>
    %convert_element_type3A_69 = arith.extui %bitcast_convert_type3A_68 : vector<1x2048xi16> to vector<1x2048xi32>
    %shift_left3A_70 = arith.constant 16 : i32
    %shift_left3A_71 = vector.broadcast %shift_left3A_70 : i32 to vector<1x2048xi32>
    %shift_left3A_72 = arith.shli %convert_element_type3A_69, %shift_left3A_71 : vector<1x2048xi32>
    %or3A_73 = arith.ori %convert_element_type3A_66, %shift_left3A_72 : vector<1x2048xi32>
    %bitcast_convert_type3A_74 = tpu.bitcast %or3A_73 : vector<1x2048xi32> -> vector<1x2048xi32>
    %swap3A_75 = arith.constant 0 : index
    %swap3A_76 = arith.constant 0 : index
    %swap3A_77 = vector.load %arg11[%swap3A_75, %swap3A_76] : memref<1x2048xi32, #tpu.memory_space<vmem>>, vector<1x2048xi32>
    tpu.vector_store %arg11[%swap3A_75, %swap3A_76], %bitcast_convert_type3A_74 {strides = array<i32>} : memref<1x2048xi32, #tpu.memory_space<vmem>>, vector<1x2048xi32>,
    %min3A_78 = arith.constant 4.400000e+01 : f32
    %min3A_79 = vector.broadcast %min3A_78 : f32 to vector<1x2048xf32>
    %min3A_80 = arith.minimumf %dot_general3A_56, %min3A_79 : vector<1x2048xf32>
    %exp3A_81 = math.exp %min3A_80 : vector<1x2048xf32>
    %mul3A_82 = arith.constant 2.000000e-01 : f32
    %mul3A_83 = vector.broadcast %mul3A_82 : f32 to vector<1x2048xf32>
    %mul3A_84 = arith.mulf %mul3A_83, %min3A_80 : vector<1x2048xf32>
    %exp3A_85 = math.exp %mul3A_84 : vector<1x2048xf32>
    %convert_element_type3A_86 = arith.truncf %exp3A_81 : vector<1x2048xf32> to vector<1x2048xbf16>
    %bitcast_convert_type3A_87 = tpu.bitcast %convert_element_type3A_86 : vector<1x2048xbf16> -> vector<1x2048xi16>
    %convert_element_type3A_88 = arith.extui %bitcast_convert_type3A_87 : vector<1x2048xi16> to vector<1x2048xi32>
    %convert_element_type3A_89 = arith.truncf %exp3A_85 : vector<1x2048xf32> to vector<1x2048xbf16>
    %bitcast_convert_type3A_90 = tpu.bitcast %convert_element_type3A_89 : vector<1x2048xbf16> -> vector<1x2048xi16>
    %convert_element_type3A_91 = arith.extui %bitcast_convert_type3A_90 : vector<1x2048xi16> to vector<1x2048xi32>
    %shift_left3A_92 = arith.constant 16 : i32
    %shift_left3A_93 = vector.broadcast %shift_left3A_92 : i32 to vector<1x2048xi32>
    %shift_left3A_94 = arith.shli %convert_element_type3A_91, %shift_left3A_93 : vector<1x2048xi32>
    %or3A_95 = arith.ori %convert_element_type3A_88, %shift_left3A_94 : vector<1x2048xi32>
    %bitcast_convert_type3A_96 = tpu.bitcast %or3A_95 : vector<1x2048xi32> -> vector<1x2048xi32>
    %swap3A_97 = arith.constant 0 : index
    %swap3A_98 = arith.constant 0 : index
    %swap3A_99 = vector.load %arg12[%swap3A_97, %swap3A_98] : memref<1x2048xi32, #tpu.memory_space<vmem>>, vector<1x2048xi32>
    tpu.vector_store %arg12[%swap3A_97, %swap3A_98], %bitcast_convert_type3A_96 {strides = array<i32>} : memref<1x2048xi32, #tpu.memory_space<vmem>>, vector<1x2048xi32>,
    %add3A_100 = arith.addf %dot_general3A_51, %dot_general3A_56 : vector<1x2048xf32>
    %ge3A = arith.constant 0.000000e+00 : f32
    %ge3A_101 = vector.broadcast %ge3A : f32 to vector<1x2048xf32>
    %ge3A_102 = arith.cmpf oge, %add3A_100, %ge3A_101 : vector<1x2048xf32>
    %mul3A_103 = arith.constant 2.000000e-01 : f32
    %mul3A_104 = vector.broadcast %mul3A_103 : f32 to vector<1x2048xf32>
    %mul3A_105 = arith.mulf %mul3A_104, %add3A_100 : vector<1x2048xf32>
    %select_n3A_106 = arith.select %ge3A_102, %add3A_100, %mul3A_105 : vector<1x2048xi1>, vector<1x2048xf32>
    %exp3A_107 = math.exp %select_n3A_106 : vector<1x2048xf32>
    %swap3A_108 = arith.constant 0 : index
    %swap3A_109 = arith.constant 0 : index
    %swap3A_110 = vector.load %arg13[%swap3A_108, %swap3A_109] : memref<1x2048xf32, #tpu.memory_space<vmem>>, vector<1x2048xf32>
    tpu.vector_store %arg13[%swap3A_108, %swap3A_109], %exp3A_107 {strides = array<i32>} : memref<1x2048xf32, #tpu.memory_space<vmem>>, vector<1x2048xf32>,
    return
  }
  func.func @transform_0(%arg0: i32) -> (i32, i32) {
    %c0_i32 = arith.constant 0 : i32
    %c0_i32_0 = arith.constant 0 : i32
    return %c0_i32, %arg0 : i32, i32
  }
  func.func @transform_1(%arg0: i32) -> (i32, i32) {
    %c0_i32 = arith.constant 0 : i32
    %c0_i32_0 = arith.constant 0 : i32
    return %c0_i32, %arg0 : i32, i32
  }
  func.func @transform_2(%arg0: i32) -> (i32, i32) {
    %c0_i32 = arith.constant 0 : i32
    %c0_i32_0 = arith.constant 0 : i32
    return %c0_i32, %arg0 : i32, i32
  }
  func.func @transform_3(%arg0: i32) -> (i32, i32) {
    %c0_i32 = arith.constant 0 : i32
    %c0_i32_0 = arith.constant 0 : i32
    return %c0_i32, %arg0 : i32, i32
  }
  func.func @transform_4(%arg0: i32) -> (i32, i32) {
    %c0_i32 = arith.constant 0 : i32
    %c0_i32_0 = arith.constant 0 : i32
    %c0_i32_1 = arith.constant 0 : i32
    return %c0_i32, %c0_i32_0 : i32, i32
  }
  func.func @transform_5(%arg0: i32) -> (i32, i32) {
    %c0_i32 = arith.constant 0 : i32
    %c0_i32_0 = arith.constant 0 : i32
    %c0_i32_1 = arith.constant 0 : i32
    return %c0_i32, %c0_i32_0 : i32, i32
  }
  func.func @transform_6(%arg0: i32) -> (i32, i32) {
    %c0_i32 = arith.constant 0 : i32
    %c0_i32_0 = arith.constant 0 : i32
    %c0_i32_1 = arith.constant 0 : i32
    return %c0_i32, %c0_i32_0 : i32, i32
  }
  func.func @transform_7(%arg0: i32) -> (i32, i32) {
    %c0_i32 = arith.constant 0 : i32
    %c0_i32_0 = arith.constant 0 : i32
    %c0_i32_1 = arith.constant 0 : i32
    return %c0_i32, %c0_i32_0 : i32, i32
  }
  func.func @transform_8(%arg0: i32) -> (i32, i32) {
    %c0_i32 = arith.constant 0 : i32
    %c0_i32_0 = arith.constant 0 : i32
    return %c0_i32, %arg0 : i32, i32
  }
  func.func @transform_9(%arg0: i32) -> (i32, i32) {
    %c0_i32 = arith.constant 0 : i32
    %c0_i32_0 = arith.constant 0 : i32
    return %c0_i32, %arg0 : i32, i32
  }
  func.func @transform_10(%arg0: i32) -> (i32, i32) {
    %c0_i32 = arith.constant 0 : i32
    %c0_i32_0 = arith.constant 0 : i32
    return %c0_i32, %arg0 : i32, i32
  }
  func.func @transform_11(%arg0: i32) -> (i32, i32) {
    %c0_i32 = arith.constant 0 : i32
    %c0_i32_0 = arith.constant 0 : i32
    return %c0_i32, %arg0 : i32, i32
  }
  func.func @transform_12(%arg0: i32) -> (i32, i32) {
    %c0_i32 = arith.constant 0 : i32
    %c0_i32_0 = arith.constant 0 : i32
    return %c0_i32, %arg0 : i32, i32
  }
}

module attributes {stable_mosaic.version = 14 : i64} {
  func.func @_tc1_body(%arg0: i32, %arg1: memref<2048x128xf32, #tpu.memory_space<vmem>>, %arg2: memref<64x128xf32, #tpu.memory_space<vmem>>, %arg3: memref<1x64xf32, #tpu.memory_space<vmem>>, %arg4: memref<1x64xf32, #tpu.memory_space<vmem>>, %arg5: memref<64x2048xf32, #tpu.memory_space<vmem>>, %arg6: memref<32x2048xi32, #tpu.memory_space<vmem>>, %arg7: memref<1x2048xi32, #tpu.memory_space<vmem>>, %arg8: memref<1x2048xi32, #tpu.memory_space<vmem>>, %arg9: memref<1x2048xf32, #tpu.memory_space<vmem>>) attributes {dimension_semantics = [#tpu.dimension_semantics<arbitrary>], iteration_bounds = array<i64: 5>, scalar_prefetch = 0 : i64, scratch_operands = 0 : i64, tpu.core_type = #tpu.core_type<tc>, window_params = [{transform_indices = @transform_0, window_bounds = array<i64: 2048, 128>}, {pipeline_mode = #tpu.pipeline_mode<synchronous>, transform_indices = @transform_1, window_bounds = array<i64: 64, 128>}, {pipeline_mode = #tpu.pipeline_mode<synchronous>, transform_indices = @transform_2, window_bounds = array<i64: 1, 64>}, {pipeline_mode = #tpu.pipeline_mode<synchronous>, transform_indices = @transform_3, window_bounds = array<i64: 1, 64>}, {transform_indices = @transform_4, window_bounds = array<i64: 64, 2048>}, {transform_indices = @transform_5, window_bounds = array<i64: 32, 2048>}, {transform_indices = @transform_6, window_bounds = array<i64: 1, 2048>}, {transform_indices = @transform_7, window_bounds = array<i64: 1, 2048>}, {transform_indices = @transform_8, window_bounds = array<i64: 1, 2048>}]} {
    %get3A = arith.constant 0 : index
    %get3A_0 = arith.constant 0 : index
    %get3A_1 = vector.load %arg2[%get3A, %get3A_0] : memref<64x128xf32, #tpu.memory_space<vmem>>, vector<64x128xf32>
    %get3A_2 = arith.constant 0 : index
    %get3A_3 = arith.constant 0 : index
    %get3A_4 = vector.load %arg1[%get3A_2, %get3A_3] : memref<2048x128xf32, #tpu.memory_space<vmem>>, vector<2048x128xf32>
    %dot_general3A = arith.constant dense<0.000000e+00> : vector<64x2048xf32>
    %dot_general3A_5 = tpu.matmul %get3A_1, %get3A_4, %dot_general3A {dimension_numbers = #tpu.dot_dimension_numbers<[1], [1], [0], [0], [0, 0, 1, 0], [], []>, transpose_lhs_hint = false} : vector<64x128xf32>, vector<2048x128xf32>, vector<64x2048xf32> -> vector<64x2048xf32>
    %swap3A = arith.constant 0 : index
    %swap3A_6 = arith.constant 0 : index
    %swap3A_7 = vector.load %arg5[%swap3A, %swap3A_6] : memref<64x2048xf32, #tpu.memory_space<vmem>>, vector<64x2048xf32>
    tpu.vector_store %arg5[%swap3A, %swap3A_6], %dot_general3A_5 {strides = array<i32>} : memref<64x2048xf32, #tpu.memory_space<vmem>>, vector<64x2048xf32>,
    %slice3A = vector.extract_strided_slice %dot_general3A_5 {offsets = [0, 0], sizes = [32, 2048], strides = [1, 1]} : vector<64x2048xf32> to vector<32x2048xf32>
    %slice3A_8 = vector.extract_strided_slice %dot_general3A_5 {offsets = [32, 0], sizes = [32, 2048], strides = [1, 1]} : vector<64x2048xf32> to vector<32x2048xf32>
    %convert_element_type3A = arith.truncf %slice3A : vector<32x2048xf32> to vector<32x2048xbf16>
    %bitcast_convert_type3A = tpu.bitcast %convert_element_type3A : vector<32x2048xbf16> -> vector<32x2048xi16>
    %convert_element_type3A_9 = arith.extui %bitcast_convert_type3A : vector<32x2048xi16> to vector<32x2048xi32>
    %convert_element_type3A_10 = arith.truncf %slice3A_8 : vector<32x2048xf32> to vector<32x2048xbf16>
    %bitcast_convert_type3A_11 = tpu.bitcast %convert_element_type3A_10 : vector<32x2048xbf16> -> vector<32x2048xi16>
    %convert_element_type3A_12 = arith.extui %bitcast_convert_type3A_11 : vector<32x2048xi16> to vector<32x2048xi32>
    %shift_left3A = arith.constant 16 : i32
    %shift_left3A_13 = vector.broadcast %shift_left3A : i32 to vector<32x2048xi32>
    %shift_left3A_14 = arith.shli %convert_element_type3A_12, %shift_left3A_13 : vector<32x2048xi32>
    %or3A = arith.ori %convert_element_type3A_9, %shift_left3A_14 : vector<32x2048xi32>
    %bitcast_convert_type3A_15 = tpu.bitcast %or3A : vector<32x2048xi32> -> vector<32x2048xi32>
    %swap3A_16 = arith.constant 0 : index
    %swap3A_17 = arith.constant 0 : index
    %swap3A_18 = vector.load %arg6[%swap3A_16, %swap3A_17] : memref<32x2048xi32, #tpu.memory_space<vmem>>, vector<32x2048xi32>
    tpu.vector_store %arg6[%swap3A_16, %swap3A_17], %bitcast_convert_type3A_15 {strides = array<i32>} : memref<32x2048xi32, #tpu.memory_space<vmem>>, vector<32x2048xi32>,
    %get3A_19 = arith.constant 0 : index
    %get3A_20 = arith.constant 0 : index
    %get3A_21 = vector.load %arg3[%get3A_19, %get3A_20] : memref<1x64xf32, #tpu.memory_space<vmem>>, vector<1x64xf32>
    %dot_general3A_22 = arith.constant dense<0.000000e+00> : vector<1x2048xf32>
    %dot_general3A_23 = tpu.matmul %get3A_21, %dot_general3A_5, %dot_general3A_22 {dimension_numbers = #tpu.dot_dimension_numbers<[1], [0], [0], [1], [0, 0, 1, 1], [], []>, transpose_lhs_hint = false} : vector<1x64xf32>, vector<64x2048xf32>, vector<1x2048xf32> -> vector<1x2048xf32>
    %get3A_24 = arith.constant 0 : index
    %get3A_25 = arith.constant 0 : index
    %get3A_26 = vector.load %arg4[%get3A_24, %get3A_25] : memref<1x64xf32, #tpu.memory_space<vmem>>, vector<1x64xf32>
    %dot_general3A_27 = arith.constant dense<0.000000e+00> : vector<1x2048xf32>
    %dot_general3A_28 = tpu.matmul %get3A_26, %dot_general3A_5, %dot_general3A_27 {dimension_numbers = #tpu.dot_dimension_numbers<[1], [0], [0], [1], [0, 0, 1, 1], [], []>, transpose_lhs_hint = false} : vector<1x64xf32>, vector<64x2048xf32>, vector<1x2048xf32> -> vector<1x2048xf32>
    %min3A = arith.constant 4.400000e+01 : f32
    %min3A_29 = vector.broadcast %min3A : f32 to vector<1x2048xf32>
    %min3A_30 = arith.minimumf %dot_general3A_23, %min3A_29 : vector<1x2048xf32>
    %exp3A = math.exp %min3A_30 : vector<1x2048xf32>
    %mul3A = arith.constant 2.000000e-01 : f32
    %mul3A_31 = vector.broadcast %mul3A : f32 to vector<1x2048xf32>
    %mul3A_32 = arith.mulf %mul3A_31, %min3A_30 : vector<1x2048xf32>
    %exp3A_33 = math.exp %mul3A_32 : vector<1x2048xf32>
    %convert_element_type3A_34 = arith.truncf %exp3A : vector<1x2048xf32> to vector<1x2048xbf16>
    %bitcast_convert_type3A_35 = tpu.bitcast %convert_element_type3A_34 : vector<1x2048xbf16> -> vector<1x2048xi16>
    %convert_element_type3A_36 = arith.extui %bitcast_convert_type3A_35 : vector<1x2048xi16> to vector<1x2048xi32>
    %convert_element_type3A_37 = arith.truncf %exp3A_33 : vector<1x2048xf32> to vector<1x2048xbf16>
    %bitcast_convert_type3A_38 = tpu.bitcast %convert_element_type3A_37 : vector<1x2048xbf16> -> vector<1x2048xi16>
    %convert_element_type3A_39 = arith.extui %bitcast_convert_type3A_38 : vector<1x2048xi16> to vector<1x2048xi32>
    %shift_left3A_40 = arith.constant 16 : i32
    %shift_left3A_41 = vector.broadcast %shift_left3A_40 : i32 to vector<1x2048xi32>
    %shift_left3A_42 = arith.shli %convert_element_type3A_39, %shift_left3A_41 : vector<1x2048xi32>
    %or3A_43 = arith.ori %convert_element_type3A_36, %shift_left3A_42 : vector<1x2048xi32>
    %bitcast_convert_type3A_44 = tpu.bitcast %or3A_43 : vector<1x2048xi32> -> vector<1x2048xi32>
    %swap3A_45 = arith.constant 0 : index
    %swap3A_46 = arith.constant 0 : index
    %swap3A_47 = vector.load %arg7[%swap3A_45, %swap3A_46] : memref<1x2048xi32, #tpu.memory_space<vmem>>, vector<1x2048xi32>
    tpu.vector_store %arg7[%swap3A_45, %swap3A_46], %bitcast_convert_type3A_44 {strides = array<i32>} : memref<1x2048xi32, #tpu.memory_space<vmem>>, vector<1x2048xi32>,
    %min3A_48 = arith.constant 4.400000e+01 : f32
    %min3A_49 = vector.broadcast %min3A_48 : f32 to vector<1x2048xf32>
    %min3A_50 = arith.minimumf %dot_general3A_28, %min3A_49 : vector<1x2048xf32>
    %exp3A_51 = math.exp %min3A_50 : vector<1x2048xf32>
    %mul3A_52 = arith.constant 2.000000e-01 : f32
    %mul3A_53 = vector.broadcast %mul3A_52 : f32 to vector<1x2048xf32>
    %mul3A_54 = arith.mulf %mul3A_53, %min3A_50 : vector<1x2048xf32>
    %exp3A_55 = math.exp %mul3A_54 : vector<1x2048xf32>
    %convert_element_type3A_56 = arith.truncf %exp3A_51 : vector<1x2048xf32> to vector<1x2048xbf16>
    %bitcast_convert_type3A_57 = tpu.bitcast %convert_element_type3A_56 : vector<1x2048xbf16> -> vector<1x2048xi16>
    %convert_element_type3A_58 = arith.extui %bitcast_convert_type3A_57 : vector<1x2048xi16> to vector<1x2048xi32>
    %convert_element_type3A_59 = arith.truncf %exp3A_55 : vector<1x2048xf32> to vector<1x2048xbf16>
    %bitcast_convert_type3A_60 = tpu.bitcast %convert_element_type3A_59 : vector<1x2048xbf16> -> vector<1x2048xi16>
    %convert_element_type3A_61 = arith.extui %bitcast_convert_type3A_60 : vector<1x2048xi16> to vector<1x2048xi32>
    %shift_left3A_62 = arith.constant 16 : i32
    %shift_left3A_63 = vector.broadcast %shift_left3A_62 : i32 to vector<1x2048xi32>
    %shift_left3A_64 = arith.shli %convert_element_type3A_61, %shift_left3A_63 : vector<1x2048xi32>
    %or3A_65 = arith.ori %convert_element_type3A_58, %shift_left3A_64 : vector<1x2048xi32>
    %bitcast_convert_type3A_66 = tpu.bitcast %or3A_65 : vector<1x2048xi32> -> vector<1x2048xi32>
    %swap3A_67 = arith.constant 0 : index
    %swap3A_68 = arith.constant 0 : index
    %swap3A_69 = vector.load %arg8[%swap3A_67, %swap3A_68] : memref<1x2048xi32, #tpu.memory_space<vmem>>, vector<1x2048xi32>
    tpu.vector_store %arg8[%swap3A_67, %swap3A_68], %bitcast_convert_type3A_66 {strides = array<i32>} : memref<1x2048xi32, #tpu.memory_space<vmem>>, vector<1x2048xi32>,
    %add3A = arith.addf %dot_general3A_23, %dot_general3A_28 : vector<1x2048xf32>
    %ge3A = arith.constant 0.000000e+00 : f32
    %ge3A_70 = vector.broadcast %ge3A : f32 to vector<1x2048xf32>
    %ge3A_71 = arith.cmpf oge, %add3A, %ge3A_70 : vector<1x2048xf32>
    %mul3A_72 = arith.constant 2.000000e-01 : f32
    %mul3A_73 = vector.broadcast %mul3A_72 : f32 to vector<1x2048xf32>
    %mul3A_74 = arith.mulf %mul3A_73, %add3A : vector<1x2048xf32>
    %select_n3A = arith.select %ge3A_71, %add3A, %mul3A_74 : vector<1x2048xi1>, vector<1x2048xf32>
    %exp3A_75 = math.exp %select_n3A : vector<1x2048xf32>
    %swap3A_76 = arith.constant 0 : index
    %swap3A_77 = arith.constant 0 : index
    %swap3A_78 = vector.load %arg9[%swap3A_76, %swap3A_77] : memref<1x2048xf32, #tpu.memory_space<vmem>>, vector<1x2048xf32>
    tpu.vector_store %arg9[%swap3A_76, %swap3A_77], %exp3A_75 {strides = array<i32>} : memref<1x2048xf32, #tpu.memory_space<vmem>>, vector<1x2048xf32>,
    return
  }
  func.func @transform_0(%arg0: i32) -> (i32, i32) {
    %c0_i32 = arith.constant 0 : i32
    %c0_i32_0 = arith.constant 0 : i32
    return %arg0, %c0_i32 : i32, i32
  }
  func.func @transform_1(%arg0: i32) -> (i32, i32) {
    %c0_i32 = arith.constant 0 : i32
    %c0_i32_0 = arith.constant 0 : i32
    %c0_i32_1 = arith.constant 0 : i32
    return %c0_i32, %c0_i32_0 : i32, i32
  }
  func.func @transform_2(%arg0: i32) -> (i32, i32) {
    %c0_i32 = arith.constant 0 : i32
    %c0_i32_0 = arith.constant 0 : i32
    %c0_i32_1 = arith.constant 0 : i32
    return %c0_i32, %c0_i32_0 : i32, i32
  }
  func.func @transform_3(%arg0: i32) -> (i32, i32) {
    %c0_i32 = arith.constant 0 : i32
    %c0_i32_0 = arith.constant 0 : i32
    %c0_i32_1 = arith.constant 0 : i32
    return %c0_i32, %c0_i32_0 : i32, i32
  }
  func.func @transform_4(%arg0: i32) -> (i32, i32) {
    %c0_i32 = arith.constant 0 : i32
    %c0_i32_0 = arith.constant 0 : i32
    return %c0_i32, %arg0 : i32, i32
  }
  func.func @transform_5(%arg0: i32) -> (i32, i32) {
    %c0_i32 = arith.constant 0 : i32
    %c0_i32_0 = arith.constant 0 : i32
    return %c0_i32, %arg0 : i32, i32
  }
  func.func @transform_6(%arg0: i32) -> (i32, i32) {
    %c0_i32 = arith.constant 0 : i32
    %c0_i32_0 = arith.constant 0 : i32
    return %c0_i32, %arg0 : i32, i32
  }
  func.func @transform_7(%arg0: i32) -> (i32, i32) {
    %c0_i32 = arith.constant 0 : i32
    %c0_i32_0 = arith.constant 0 : i32
    return %c0_i32, %arg0 : i32, i32
  }
  func.func @transform_8(%arg0: i32) -> (i32, i32) {
    %c0_i32 = arith.constant 0 : i32
    %c0_i32_0 = arith.constant 0 : i32
    return %c0_i32, %arg0 : i32, i32
  }
}

module attributes {stable_mosaic.version = 14 : i64} {
  func.func @_tc3_body(%arg0: i32, %arg1: memref<64x2048xf32, #tpu.memory_space<vmem>>, %arg2: memref<32x2048xf32, #tpu.memory_space<vmem>>, %arg3: memref<1x2048xf32, #tpu.memory_space<vmem>>, %arg4: memref<32x2048xf32, #tpu.memory_space<vmem>>, %arg5: memref<32x2048xf32, #tpu.memory_space<vmem>>, %arg6: memref<2048x32xf32, #tpu.memory_space<vmem>>) attributes {dimension_semantics = [#tpu.dimension_semantics<arbitrary>], iteration_bounds = array<i64: 5>, scalar_prefetch = 0 : i64, scratch_operands = 0 : i64, tpu.core_type = #tpu.core_type<tc>, window_params = [{transform_indices = @transform_0, window_bounds = array<i64: 64, 2048>}, {transform_indices = @transform_1, window_bounds = array<i64: 32, 2048>}, {transform_indices = @transform_2, window_bounds = array<i64: 1, 2048>}, {transform_indices = @transform_3, window_bounds = array<i64: 32, 2048>}, {pipeline_mode = #tpu.pipeline_mode<synchronous>, transform_indices = @transform_4, window_bounds = array<i64: 32, 2048>}, {transform_indices = @transform_5, window_bounds = array<i64: 2048, 32>}]} {
    %get3A = arith.constant 0 : index
    %get3A_0 = arith.constant 0 : index
    %get3A_1 = vector.load %arg3[%get3A, %get3A_0] : memref<1x2048xf32, #tpu.memory_space<vmem>>, vector<1x2048xf32>
    %get3A_2 = arith.constant 0 : index
    %get3A_3 = arith.constant 0 : index
    %get3A_4 = vector.load %arg2[%get3A_2, %get3A_3] : memref<32x2048xf32, #tpu.memory_space<vmem>>, vector<32x2048xf32>
    %reduce_sum3A = arith.constant dense<0.000000e+00> : vector<2048xf32>
    %reduce_sum3A_5 = vector.multi_reduction <add>, %get3A_4, %reduce_sum3A [0] : vector<32x2048xf32> to vector<2048xf32>
    %broadcast_in_dim3A = vector.shape_cast %reduce_sum3A_5 : vector<2048xf32> to vector<1x2048xf32>
    %add3A = arith.addf %broadcast_in_dim3A, %get3A_1 : vector<1x2048xf32>
    %add3A_6 = arith.constant 1.000000e-16 : f32
    %add3A_7 = vector.broadcast %add3A_6 : f32 to vector<1x2048xf32>
    %add3A_8 = arith.addf %add3A, %add3A_7 : vector<1x2048xf32>
    %get3A_9 = arith.constant 0 : index
    %get3A_10 = arith.constant 0 : index
    %get3A_11 = vector.load %arg1[%get3A_9, %get3A_10] : memref<64x2048xf32, #tpu.memory_space<vmem>>, vector<32x2048xf32>
    %get3A_12 = arith.constant 32 : index
    %get3A_13 = arith.constant 0 : index
    %get3A_14 = vector.load %arg1[%get3A_12, %get3A_13] : memref<64x2048xf32, #tpu.memory_space<vmem>>, vector<32x2048xf32>
    %add3A_15 = arith.addf %get3A_11, %get3A_14 : vector<32x2048xf32>
    %get3A_16 = arith.constant 0 : index
    %get3A_17 = arith.constant 0 : index
    %get3A_18 = vector.load %arg4[%get3A_16, %get3A_17] : memref<32x2048xf32, #tpu.memory_space<vmem>>, vector<32x2048xf32>
    %mul3A = vector.broadcast %get3A_1 : vector<1x2048xf32> to vector<32x2048xf32>
    %mul3A_19 = arith.mulf %mul3A, %get3A_18 : vector<32x2048xf32>
    %add3A_20 = arith.addf %add3A_15, %mul3A_19 : vector<32x2048xf32>
    %div3A = vector.broadcast %add3A_8 : vector<1x2048xf32> to vector<32x2048xf32>
    %div3A_21 = arith.divf %add3A_20, %div3A : vector<32x2048xf32>
    %get3A_22 = arith.constant 0 : index
    %get3A_23 = arith.constant 0 : index
    %get3A_24 = vector.load %arg5[%get3A_22, %get3A_23] : memref<32x2048xf32, #tpu.memory_space<vmem>>, vector<32x2048xf32>
    %add3A_25 = arith.addf %div3A_21, %get3A_24 : vector<32x2048xf32>
    %reduce_max3A = arith.constant dense<0xFF800000> : vector<2048xf32>
    %reduce_max3A_26 = vector.multi_reduction <maximumf>, %add3A_25, %reduce_max3A [0] : vector<32x2048xf32> to vector<2048xf32>
    %broadcast_in_dim3A_27 = vector.shape_cast %reduce_max3A_26 : vector<2048xf32> to vector<1x2048xf32>
    %sub3A = vector.broadcast %broadcast_in_dim3A_27 : vector<1x2048xf32> to vector<32x2048xf32>
    %sub3A_28 = arith.subf %add3A_25, %sub3A : vector<32x2048xf32>
    %exp3A = math.exp %sub3A_28 : vector<32x2048xf32>
    %reduce_sum3A_29 = arith.constant dense<0.000000e+00> : vector<2048xf32>
    %reduce_sum3A_30 = vector.multi_reduction <add>, %exp3A, %reduce_sum3A_29 [0] : vector<32x2048xf32> to vector<2048xf32>
    %broadcast_in_dim3A_31 = vector.shape_cast %reduce_sum3A_30 : vector<2048xf32> to vector<1x2048xf32>
    %log3A = math.log %broadcast_in_dim3A_31 : vector<1x2048xf32>
    %add3A_32 = arith.addf %broadcast_in_dim3A_27, %log3A : vector<1x2048xf32>
    %sub3A_33 = vector.broadcast %add3A_32 : vector<1x2048xf32> to vector<32x2048xf32>
    %sub3A_34 = arith.subf %add3A_25, %sub3A_33 : vector<32x2048xf32>
    %transpose3A = tpu.transpose %sub3A_34, [1, 0] : vector<32x2048xf32> -> vector<2048x32xf32>
    %swap3A = arith.constant 0 : index
    %swap3A_35 = arith.constant 0 : index
    %swap3A_36 = vector.load %arg6[%swap3A, %swap3A_35] : memref<2048x32xf32, #tpu.memory_space<vmem>>, vector<2048x32xf32>
    tpu.vector_store %arg6[%swap3A, %swap3A_35], %transpose3A {strides = array<i32>} : memref<2048x32xf32, #tpu.memory_space<vmem>>, vector<2048x32xf32>,
    return
  }
  func.func @transform_0(%arg0: i32) -> (i32, i32) {
    %c0_i32 = arith.constant 0 : i32
    %c0_i32_0 = arith.constant 0 : i32
    return %c0_i32, %arg0 : i32, i32
  }
  func.func @transform_1(%arg0: i32) -> (i32, i32) {
    %c0_i32 = arith.constant 0 : i32
    %c0_i32_0 = arith.constant 0 : i32
    return %c0_i32, %arg0 : i32, i32
  }
  func.func @transform_2(%arg0: i32) -> (i32, i32) {
    %c0_i32 = arith.constant 0 : i32
    %c0_i32_0 = arith.constant 0 : i32
    return %c0_i32, %arg0 : i32, i32
  }
  func.func @transform_3(%arg0: i32) -> (i32, i32) {
    %c0_i32 = arith.constant 0 : i32
    %c0_i32_0 = arith.constant 0 : i32
    return %c0_i32, %arg0 : i32, i32
  }
  func.func @transform_4(%arg0: i32) -> (i32, i32) {
    %c0_i32 = arith.constant 0 : i32
    %c0_i32_0 = arith.constant 0 : i32
    %c0_i32_1 = arith.constant 0 : i32
    return %c0_i32, %c0_i32_0 : i32, i32
  }
  func.func @transform_5(%arg0: i32) -> (i32, i32) {
    %c0_i32 = arith.constant 0 : i32
    %c0_i32_0 = arith.constant 0 : i32
    return %arg0, %c0_i32 : i32, i32
  }
}

</mosaic_0001>

<sc_bundles>
// kernel: kernel.10.cloned.1.call-start
scs
__scs_entry_jumppad:
0x0: {  	(pc) =	sbr.rel $0x88, $3  }
0x1: {  	(tag) =	ssettag $0x0;
	lr =	simm.s32 $0x1  }
0x2: {  	[smem:$0x3F97] =	sst lr;
	_ =	strace $0xD0000000  }
0x3: {  	_ = 	snop  }
0x4: {  	_ = 	snop  }
0x5: {  	_ = 	snop  }
0x6: {  	_ = 	snop  }
0x7: {  	_ = 	snop  }
__scs_overlays_trampoline_lowered:
0x8: {  	[smem:$0x3FA6] =	sst s0  }
0x9: {  	[smem:$0x3FA7] =	sst s1  }
0xa: {  	[smem:$0x3FA8] =	sst s2  }
0xb: {  	[smem:$0x3FA9] =	sst s3  }
0xc: {  	[smem:$0x3FAA] =	sst s4  }
0xd: {  	[smem:$0x3FAB] =	sst s5  }
0xe: {  	[smem:$0x3FAC] =	sst s6  }
0xf: {  	[smem:$0x3FAD] =	sst s7  }
0x10: {  	[smem:$0x3FAE] =	sst s8  }
0x11: {  	[smem:$0x3FAF] =	sst s9;
	s0 =	simm.s32 @!p0 $0x0  }
0x12: {  	s1 =	sld [smem:$0x3F95];
	s0 =	simm.s32 @p0 $0x1  }
0x13: {  	[smem:$0x3FB0] =	sst s0;
	s0 =	simm.s32 @!p1 $0x0  }
0x14: {  	s2 =	sld [smem:$0x3F94];
	s0 =	simm.s32 @p1 $0x1  }
0x15: {  	[smem:$0x3FB1] =	sst s0;
	s0 =	simm.s32 @!p2 $0x0  }
0x16: {  	s3 =	sld [smem:$0x3FDB];
	s0 =	simm.s32 @p2 $0x1  }
0x17: {  	s4 =	simm.s32 $0x1BF5;
	[smem:$0x3FB3] =	sst s0  }
0x18: {  	s0 =	sld [smem:$0x3F96];
	_ =	swait.ge [sflag:s4], $0x0  }
0x19: {  	s7 =	sld [smem:$0x3F97]  }
0x1a: {  	s8 =	sadd.s32 $0xFFFFE003, lr  }
0x1b: {  	s9 =	sadd.s32 $0xFFFFFEF7, lr;
	s5 =	simm.s32 $0xFFFFFFFF;
	p2 =	slt.u32 s8, $0xFFFFF086  }
0x1c: {  	p1 =	slt.u32 s9, $0xF7A;
	s5 =	simm.s32 @!p2 $0x0  }
0x1d: {  	s5 =	simm.s32 @p1 $0x1;
	p0 =	seq.s32 s7, s2  }
0x1e: {  	s7 =	smul.u32 @!p0 $0xF7A, s2;
	p2 =	seq.s32 @!p0 s5, $0x0  }
0x1f: {  	s9 =	smul.u32 $0xF7A, s1;
	s8 =	simm.s32 @!p0 $0x1BF5;
	p2 =	por !p2, p0  }
0x20: {  	[sflag:s8] =	ssyncset.s32 @!p0 $0xFFFFF086;
	s6 =	sadd.s32 @!p0 s3, s7;
	s7 =	simm.s32 @!p0 $0x108  }
0x21: {  	s3 =	sadd.s32 s3, s9;
	s6 =	sadd.s32 @!p0 $0x88, s6;
	s7 =	simm.s32 @p2 $0x1082  }
0x22: {  	[simem:s7], [sflag:s8] =	dma.local @!p0 [hbm:s6], $0xF7A  }
0x23: {  	s9 =	sor.u32 $0xD0000000, s2;
	s6 =	simm.s32 $0x108;
	_ =	swait.ge @!p0 [sflag:s8], $0x0  }
0x24: {  	s3 =	sadd.s32 $0x88, s3;
	s6 =	simm.s32 @!p1 $0x1082;
	[sflag:s4] =	ssyncset.s32 $0xFFFFF086  }
0x25: {  	[simem:s6], [sflag:s4] =	dma.local [hbm:s3], $0xF7A  }
0x26: {  	[smem:$0x3F97] =	sst s1;
	(tag) =	ssettag s2;
	_ =	strace s9  }
0x27: {  	s1 =	sld [smem:$0x3FA7]  }
0x28: {  	s2 =	sld [smem:$0x3FA8]  }
0x29: {  	s4 =	sld [smem:$0x3FAA]  }
0x2a: {  	p0 =	seq.s32 s5, $0x0;
	s5 =	sld [smem:$0x3FAB]  }
0x2b: {  	s6 =	sld [smem:$0x3FAC]  }
0x2c: {  	s7 =	sld [smem:$0x3FAD]  }
0x2d: {  	s3 =	simm.s32 $0x108;
	s8 =	sld [smem:$0x3FAE]  }
0x2e: {  	s3 =	simm.s32 @!p0 $0x1082;
	s9 =	sld [smem:$0x3FAF]  }
0x2f: {  	lr =	sadd.s32 s0, s3;
	s0 =	sld [smem:$0x3FA6]  }
0x30: {  	s3 =	sld [smem:$0x3FA9]  }
0x31: {  	[smem:$0x3FB2] =	sst s10  }
0x32: {  	s10 =	sld [smem:$0x3FB0];
	_ =	sdelay $0x3  }
0x33: {  	p0 =	seq.s32 s10, $0x1;
	s10 =	sld [smem:$0x3FB2];
	_ =	sdelay $0x3  }
0x34: {  	[smem:$0x3FB2] =	sst s10  }
0x35: {  	s10 =	sld [smem:$0x3FB1];
	_ =	sdelay $0x3  }
0x36: {  	p1 =	seq.s32 s10, $0x1;
	s10 =	sld [smem:$0x3FB2];
	_ =	sdelay $0x3  }
0x37: {  	[smem:$0x3FB2] =	sst s10  }
0x38: {  	s10 =	sld [smem:$0x3FB3]  }
0x39: {  	_ = 	snop;
	(pc) =	sbr.ind lr, $3  }
0x3a: {  	_ = 	snop  }
0x3b: {  	_ = 	snop  }
0x3c: {  	p2 =	seq.s32 s10, $0x1;
	s10 =	sld [smem:$0x3FB2]  }
0x3d: {  	_ =	shalt  }
0x3e: {  	_ =	shalt  }
0x3f: {  	_ =	shalt  }
0x40: {  	_ =	shalt  }
0x41: {  	_ =	shalt  }
0x42: {  	_ =	shalt  }
0x43: {  	_ =	shalt  }
0x44: {  	_ =	shalt  }
0x45: {  	_ =	shalt  }
0x46: {  	_ =	shalt  }
0x47: {  	_ =	shalt  }
0x48: {  	_ =	shalt  }
0x49: {  	_ =	shalt  }
0x4a: {  	_ =	shalt  }
0x4b: {  	_ =	shalt  }
0x4c: {  	_ =	shalt  }
0x4d: {  	_ =	shalt  }
0x4e: {  	_ =	shalt  }
0x4f: {  	_ =	shalt  }
0x50: {  	_ =	shalt  }
0x51: {  	_ =	shalt  }
0x52: {  	_ =	shalt  }
0x53: {  	_ =	shalt  }
0x54: {  	_ =	shalt  }
0x55: {  	_ =	shalt  }
0x56: {  	_ =	shalt  }
0x57: {  	_ =	shalt  }
0x58: {  	_ =	shalt  }
0x59: {  	_ =	shalt  }
0x5a: {  	_ =	shalt  }
0x5b: {  	_ =	shalt  }
0x5c: {  	_ =	shalt  }
0x5d: {  	_ =	shalt  }
0x5e: {  	_ =	shalt  }
0x5f: {  	_ =	shalt  }
0x60: {  	_ =	shalt  }
0x61: {  	_ =	shalt  }
0x62: {  	_ =	shalt  }
0x63: {  	_ =	shalt  }
0x64: {  	_ =	shalt  }
0x65: {  	_ =	shalt  }
0x66: {  	_ =	shalt  }
0x67: {  	_ =	shalt  }
0x68: {  	_ =	shalt  }
0x69: {  	_ =	shalt  }
0x6a: {  	_ =	shalt  }
0x6b: {  	_ =	shalt  }
0x6c: {  	_ =	shalt  }
0x6d: {  	_ =	shalt  }
0x6e: {  	_ =	shalt  }
0x6f: {  	_ =	shalt  }
0x70: {  	_ =	shalt  }
0x71: {  	_ =	shalt  }
0x72: {  	_ =	shalt  }
0x73: {  	_ =	shalt  }
0x74: {  	_ =	shalt  }
0x75: {  	_ =	shalt  }
0x76: {  	_ =	shalt  }
0x77: {  	_ =	shalt  }
0x78: {  	_ =	shalt  }
0x79: {  	_ =	shalt  }
0x7a: {  	_ =	shalt  }
0x7b: {  	_ =	shalt  }
0x7c: {  	_ =	shalt  }
0x7d: {  	_ =	shalt  }
0x7e: {  	_ =	shalt  }
0x7f: {  	_ =	shalt  }
0x80: {  	_ =	shalt  }
0x81: {  	_ =	shalt  }
0x82: {  	_ =	shalt  }
0x83: {  	_ =	shalt  }
0x84: {  	_ =	shalt  }
0x85: {  	_ =	shalt  }
0x86: {  	_ =	shalt  }
0x87: {  	_ =	shalt  }
.Lfunc_end0:
.L_simem_size_0:
called_computation.1_lowered:
.L_overlay_start_0:
0x88: {  	s2 =	sld [smem:$0x3FD9]  }
0x89: {  	s3 =	sld [smem:$0x3FFE];
	_ =	sdelay $0x1  }
0x8a: {  	s1 =	srdreg.scid  }
0x8b: {  	s0 =	sand.u32 $0x1, s1  }
0x8c: {  	s17 =	sshll.u32 s0, $0xA;
	s2 =	sadd.s32 s3, s2  }
0x8d: {  	s2 =	sadd.s32 s2, s17  }
0x8e: {  	[smem:$0x3FBE] =	sst s2  }
0x8f: {  	_ = 	snop  }
0x90: {  	s2 =	sld [smem:$0x3FD0];
	(tm) =	ssettm $0x1  }
0x91: {  	s18 =	sld [smem:$0x3FFB];
	_ =	sdelay $0x3  }
0x92: {  	_ =	strace s18  }
0x93: {  	s3 =	sld [smem:$0x3FFC];
	_ =	sdelay $0x3  }
0x94: {  	_ =	strace s3  }
0x95: {  	s3 =	sld [smem:$0x3FFD];
	_ =	sdelay $0x3  }
0x96: {  	_ =	strace s3  }
0x97: {  	_ =	strace $0x8FFFFFFF  }
0x98: {  	s19 =	sld [smem:$0x3FDB];
	_ =	sdelay $0x1  }
0x99: {  	s4 =	simm.s32 $_scs_section_size  }
0x9a: {  	s5 =	simm.s32 $_size__tile_overlayer_lowered;
	s6 =	simm.s32 $_tile_overlayer_lowered  }
0x9b: {  	s22 =	simm.s32 $0x1BFF;
	s21 =	sshll.u32 s6, $0x1;
	s3 =	sadd.s32 s4, s19  }
0x9c: {  	s7 =	simm.s32 $0x0;
	s20 =	sshll.u32 s5, $0x1;
	s5 =	sadd.s32 s21, s3  }
0x9d: {  	[timem:s7], [sflag:s22] =	dma.local [hbm:s5], s20  }
0x9e: {  	_ =	swait.ge [sflag:s22], s20  }
0x9f: {  	s4 =	ssub.s32 $0x0, s20;
	[sflag:s22] =	ssyncset.done $0x0  }
0xa0: {  	[sflag:s22] =	ssyncadd.s32 s4;
	_ =	sdelay $0x1  }
0xa1: {  	s23 =	simm.s32 $0x1B8B  }
0xa2: {  	_ =	swait.ge [sflag:s23], $0x1  }
0xa3: {  	[sflag:s23] =	ssyncset.done $0x0  }
0xa4: {  	s25 =	simm.s32 $0x1B8E;
	s24 =	sld [smem:$0x3FFE];
	[sflag:s23] =	ssyncadd.s32 $0xFFFFFFFF  }
0xa5: {  	s26 =	simm.s32 $execute0_lowered;
	[smem:$0x3FD2] =	sst s25  }
0xa6: {  	s5 =	sshll.u32 s26, $0x1;
	_ =	strace $0x80000049;
	[dreg:$0x1] =	wrdreg $0xFFFFFFFF  }
0xa7: {  	s28 =	simm.s32 $_size_execute0_lowered;
	s3 =	sadd.s32 s3, s5;
	[dreg:$0x0] =	wrdreg $0x0  }
0xa8: {  	s5 =	sshll.u32 s28, $0x1;
	[dreg:$0x2] =	wrdreg s3  }
0xa9: {  	[dreg:$0x3] =	wrdreg s5  }
0xaa: {  	[dreg:$0x4] =	wrdreg $0xC0  }
0xab: {  	_ =	task [dreg:s7], $0x5FFFF  }
0xac: {  	[dreg:$0x1] =	wrdreg $0xFFFFFFFF  }
0xad: {  	[dreg:$0x0] =	wrdreg $0x60  }
0xae: {  	[dreg:$0x2] =	wrdreg s24  }
0xaf: {  	[dreg:$0x3] =	wrdreg s2  }
0xb0: {  	[dreg:$0x4] =	wrdreg $0x9  }
0xb1: {  	_ =	task.clear_ibuf [dreg:s7], $0x5FFFF;
	_ =	strace $0x90000049  }
0xb2: {  	s29 =	simm.s32 $0x9;
	_ =	strace $0x8000004B  }
0xb3: {  	_ =	swait.ge [sflag:s29], $0x1  }
0xb4: {  	[sflag:s29] =	ssyncadd.s32 $0xFFFFFFFF  }
0xb5: {  	_ =	strace $0x9000004B  }
0xb6: {  	_ =	sfence  }
0xb7: {  	s30 =	sld [smem:$0x0];
	_ =	sdelay $0x2  }
0xb8: {  	s31 =	sshll.u32 s1, $0xD;
	s1 =	sshrl.u32 s1, $0x2  }
0xb9: {  	s3 =	sand.u32 $0x4000, s31;
	s1 =	sadd.s32 s1, s30  }
0xba: {  	s0 =	sor.u32 s3, s0;
	s1 =	sshll.u32 s1, $0x11  }
0xbb: {  	s0 =	sor.u32 s1, s0  }
0xbc: {  	s0 =	sadd.s32 $0x8F2B, s0  }
0xbd: {  	[sflag:s0] =	ssyncadd.remote.s32 $0x1  }
0xbe: {  	_ =	sfence.sel $0xFFFF  }
0xbf: {  	[dreg:$0x0] =	wrdreg $0xFFFFFFFF;
	(pc) =	sbr.abs _section_cstart, $3  }
0xc0: {  	[dreg:$0x1] =	wrdreg $0xFFFFFFFF  }
0xc1: {  	_ =	task.clear_ibuf [dreg:s7], $0x2FFFF;
	_ =	strace $0x9FFFFFFF  }
0xc2: {  	(tm) =	ssettm $0x7FFFFFFF  }
0xc3: {  	_ =	shalt  }
tec
execute0_lowered:
.L_overlay_start_1:
0x0: {  	(tag) =	ssettag $0x1  }
0x1: {  	s0 =	rddreg [dreg:$0x0]  }
0x2: {  	s2 =	rddreg [dreg:$0x1]  }
0x3: {  	s3 =	simm.s32 $0x0;
	s13 =	stileid.u32;
	s4 =	srdreg.scid  }
0x4: {  	s18 =	simm.s32 $0x3;
	s19 =	simm.s32 $0x2800;
	s22 =	simm.s32 $0x7800  }
0x5: {  	s28 =	simm.s32 $0x1;
	s29 =	simm.s32 $0x5000;
	s30 =	simm.s32 $0xA000  }
0x6: {  	s31 =	simm.s32 $0x2;
	[smem:$0x7FF] =	sst s3;
	s1 =	sshrl.u32 s13, $0x3  }
0x7: {  	s5 =	sshll.u32 s13, $0x7;
	s8 =	sand.u32 $0x1, s4;
	s4 =	sadd.s32 $0x3200, s0  }
0x8: {  	s6 =	sadd.s32 $0x12000, s0;
	s16 =	sadd.s32 $0x12C00, s0;
	s25 =	smul.u32 $0x28, s13  }
0x9: {  	s1 =	smul.u32 $0x14000, s1;
	_ =	strace $0x8000004A;
	s5 =	sand.u32 $0x380, s5  }
0xa: {  	s7 =	smul.u32 $0x28000, s8;
	[dreg:$0x3] =	wrdreg s6;
	s11 =	ssub.s32 $0x2, s8  }
0xb: {  	s6 =	sadd.s32 $0x12600, s0;
	s12 =	smul.u32 $0x50000, s8;
	s23 =	sshrl.u32 s11, $0x1  }
0xc: {  	s26 =	sadd.s32 $0x28, s25;
	s9 =	sor.u32 s5, s1;
	s7 =	sadd.s32 s7, s1  }
0xd: {  	s17 =	ssub.s32 s11, s23;
	s1 =	sadd.s32 s12, s1;
	s11 =	sshrl.u32 s25, $0x4  }
0xe: {  	s12 =	sshrl.u32 s26, $0x4;
	s23 =	simm.s32 $0x80;
	s25 =	simm.s32 $0x10000  }
0xf: {  	s26 =	simm.s32 $0x12000;
	s9 =	sshrl.u32 s9, $0x3;
	s7 =	sor.u32 s5, s7  }
0x10: {  	s1 =	sor.u32 s5, s1;
	s17 =	smax.u32 s17, $0x1;
	s9 =	sadd.s32 s9, s0  }
0x11: {  	s10 =	sshrl.u32 s7, $0x3;
	s7 =	smul.u32 $0x27100, s8;
	s5 =	sadd.s32 $0x28000, s1  }
0x12: {  	s1 =	sshrl.u32 s1, $0x3;
	s0 =	sadd.s32 s10, s0;
	s8 =	sadd.s32 $0xD000, s9  }
0x13: {  	s5 =	sshrl.u32 s5, $0x3;
	s15 =	sadd.s32 s16, s1;
	s24 =	sshrl.u32 s7, $0x3  }
0x14: {  	s13 =	sadd.s32 $0x1F40, s7;
	s14 =	sadd.s32 $0x26C00, s0;
	s16 =	sadd.s32 s16, s5  }
0x15: {  	v0 =	vimm.f32 $0.0e+00;
	s0 =	simm.s32 $0x0;
	s9 =	sadd.s32 s4, s24;
	s10 =	sadd.s32 s2, s24  }
.LBB2_1:
0x16: {  	s1 =	rddreg [dreg:$0x3]  }
0x17: {  	[tilespmem:s3], [sflag:$0x3] =	stream.linear.gather [hbm4b:s1+s3], $0x2800, $0x38;
	[tilespmem:$0x13000] =	vst v63  }
0x18: {  	_ =	swait.ge [sflag:s18], $0x2800  }
0x19: {  	[sflag:s18] =	ssyncset.done $0x0  }
0x1a: {  	[sflag:s18] =	ssyncadd.s32 $0xFFFFD800  }
0x1b: {  	[tilespmem:s19], [sflag:$0x3] =	stream.linear.gather [hbm4b:s6+s3], $0x2800, $0x38;
	[tilespmem:$0x13000] =	vst v63  }
0x1c: {  	_ =	swait.ge [sflag:s18], $0x2800  }
0x1d: {  	[sflag:s18] =	ssyncset.done $0x0  }
0x1e: {  	s21 =	simm.s32 $0x400;
	[sflag:s18] =	ssyncadd.s32 $0xFFFFD800  }
0x1f: {  	[tilespmem:s22], [sflag:$0x3] =	stream.strided.gather [hbm4b:s8+s23], $0x2800, s21, s23, $0x38;
	[tilespmem:$0x13000] =	vst v63  }
0x20: {  	_ =	swait.ge [sflag:s18], $0x2800  }
0x21: {  	[sflag:s18] =	ssyncset.done $0x0  }
0x22: {  	s24 =	sand.u32 $0x70, s3;
	s5 =	sand.u32 $0x7F00, s3;
	[sflag:s18] =	ssyncadd.s32 $0xFFFFD800  }
0x23: {  	s5 =	sor.u32 s24, s5;
	[tilespmem:s29+$0x0] =	vst v0  }
0x24: {  	[tilespmem:s5+$0xA000] =	vst v0  }
0x25: {  	s20 =	simm.s32 $0x5000;
	s1 =	simm.s32 $0x10;
	[tilespmem:s5+$0xA080] =	vst v0;
	s5 =	simm.s32 $0x0  }
.LBB2_2:
0x26: {  	s21 =	sand.u32 $0x70, s1;
	p0 =	sne.s32 s1, $0x27F0  }
.Ltmp0:
0x27: {  	s5 =	sadd.s32 $0x20, s5;
	s20 =	sadd.s32 $0x10, s20;
	(pc) =	sbr.rel @p0 .LBB2_2-.Ltmp0, $4  }
0x28: {  	s1 =	sadd.s32 $0x10, s1;
	s23 =	sand.u32 $0x7F00, s5  }
0x29: {  	[tilespmem:s20+$0x0] =	vst v0;
	s21 =	sor.u32 s21, s23  }
0x2a: {  	[tilespmem:s21+$0xA000] =	vst v0  }
0x2b: {  	[tilespmem:s21+$0xA080] =	vst v0  }
.Ltmp1:
0x2c: {  	(pc) =	sbr.rel .LBB2_4-.Ltmp1, $4  }
0x2d: {  	s1 =	simm.s32 $0x0;
	s5 =	simm.s32 $0xF000  }
0x2e: {  	[tilespmem:s5], [sflag:$0x1] =	stream.linear.gather [hbm4b:s9+s1], $0xFA0, $0x38;
	[tilespmem:$0x13000] =	vst v63  }
0x2f: {  	s24 =	simm.s32 $0x11000  }
0x30: {  	[tilespmem:s24], [sflag:$0x1] =	stream.linear.gather [hbm4b:s10+s1], $0xFA0, $0x38;
	[tilespmem:$0x13000] =	vst v63  }
.LBB2_22:
0x31: {  	s1 =	sadd.s32 $0x1, s1  }
0x32: {  	p0 =	sne.s32 s1, $0x14  }
.Ltmp2:
0x33: {  	_ = 	snop;
	(pc) =	sbr.rel @!p0 .LBB2_23-.Ltmp2, $2  }
0x34: {  	_ =	sdelay $0x2  }
0x35: {  	v0 =	vimm.f32 $0.0e+00  }
.LBB2_4:
0x36: {  	s23 =	sshllo.u32 s1, $0x1  }
0x37: {  	s5 =	smul.u32 $0xFA0, s23;
	_ =	sdelay $0x1  }
0x38: {  	s5 =	sadd.s32 s7, s5  }
0x39: {  	s5 =	sshrl.u32 s5, $0x3  }
0x3a: {  	s20 =	sadd.s32 s4, s5  }
0x3b: {  	[tilespmem:s25], [sflag:$0x2] =	stream.linear.gather [hbm4b:s20+s3], $0xFA0, $0x38;
	[tilespmem:$0x13000] =	vst v63  }
0x3c: {  	s5 =	sadd.s32 s2, s5  }
0x3d: {  	[tilespmem:s26], [sflag:$0x2] =	stream.linear.gather [hbm4b:s5+s3], $0xFA0, $0x38;
	[tilespmem:$0x13000] =	vst v63  }
0x3e: {  	s5 =	sshll.u32 s1, $0x1  }
0x3f: {  	p0 =	slt.u32 s5, s11  }
0x40: {  	p1 =	sge.u32 @!p0 s5, s12  }
0x41: {  	_ =	swait.ge [sflag:s28], $0xFA0;
	p1 =	por p0, p1  }
.Ltmp3:
0x42: {  	[sflag:s28] =	ssyncset.done $0x0;
	(pc) =	sbr.rel @p1 .LBB2_5-.Ltmp3, $4  }
0x43: {  	[sflag:s28] =	ssyncadd.s32 $0xFFFFF060  }
0x44: {  	_ =	swait.ge [sflag:s28], $0xFA0  }
0x45: {  	s21 =	simm.s32 $0xF040;
	[sflag:s28] =	ssyncset.done $0x0  }
0x46: {  	s24 =	simm.s32 $0x11040;
	s20 =	simm.s32 $0xFFFFFFF8;
	[sflag:s28] =	ssyncadd.s32 $0xFFFFF060  }
0x47: {  	v1 =	vld [tilespmem:s21+$0x30]  }
0x48: {  	v2 =	vld [tilespmem:s24+$0x30]  }
0x49: {  	v5 =	vld [tilespmem:s24+$0xFFFFFFC0]  }
0x4a: {  	v6 =	vld [tilespmem:s21+$0xFFFFFFD0]  }
0x4b: {  	v7 =	vld [tilespmem:s24+$0xFFFFFFD0]  }
0x4c: {  	v3 =	vld [tilespmem:s21+$0xFFFFFFE0]  }
0x4d: {  	v8 =	vld [tilespmem:s24+$0xFFFFFFE0]  }
0x4e: {  	v18 =	vld [tilespmem:s24+$0xFFFFFFF0]  }
0x4f: {  	v11 =	vld [tilespmem:s21+$0x0]  }
0x50: {  	v21 =	vld [tilespmem:s24+$0x10]  }
0x51: {  	v20 =	vld [tilespmem:s21+$0xFFFFFFC0]  }
0x52: {  	s5 =	simm.s32 $0x0;
	v12 =	vld [tilespmem:s21+$0x20]  }
0x53: {  	v9 =	vld.idx.msk [tilespmem:v1+s5+$0x0], $0xffff  }
0x54: {  	v13 =	vld.idx.msk [tilespmem:v2+s19+$0x0], $0xffff  }
0x55: {  	v22 =	vld.idx.msk [tilespmem:v5+s19+$0x0], $0xffff  }
0x56: {  	v23 =	vld.idx.msk [tilespmem:v6+s5+$0x0], $0xffff  }
0x57: {  	v27 =	vld.idx.msk [tilespmem:v3+s5+$0x0], $0xffff  }
0x58: {  	v30 =	vld.idx.msk [tilespmem:v8+s19+$0x0], $0xffff  }
0x59: {  	v16 =	vshll.u32 v8, $0x1;
	v24 =	vand.u32 $0x7F, v8;
	v28 =	vshll.u32 v2, $0x1;
	v31 =	vld.idx.msk [tilespmem:v20+s5+$0x0], $0xffff  }
0x5a: {  	v4 =	vld [tilespmem:s21+$0xFFFFFFF0];
	v25 =	vand.u32 $0xFFFFFF00, v16;
	v28 =	vand.u32 $0xFFFFFF00, v28;
	v14 =	vunpack.i.l.bf16.f32 v9  }
0x5b: {  	v34 =	vld.idx.msk [tilespmem:v18+s19+$0x0], $0xffff;
	v15 =	vunpack.i.l.bf16.f32 v13;
	v9 =	vunpack.i.u.bf16.f32 v9;
	v13 =	vunpack.i.u.bf16.f32 v13  }
0x5c: {  	v19 =	vld [tilespmem:s24+$0x0];
	v29 =	vunpack.i.l.bf16.f32 v22;
	v22 =	vunpack.i.u.bf16.f32 v22;
	v32 =	vunpack.i.l.bf16.f32 v23  }
0x5d: {  	v10 =	vld [tilespmem:s21+$0x10];
	v23 =	vunpack.i.u.bf16.f32 v23;
	v38 =	vunpack.i.l.bf16.f32 v27;
	v27 =	vunpack.i.u.bf16.f32 v27  }
0x5e: {  	v37 =	vld [tilespmem:s24+$0x20];
	v39 =	vunpack.i.l.bf16.f32 v30;
	v40 =	vunpack.i.l.bf16.f32 v31;
	v15 =	vmul.f32 v15, v14  }
0x5f: {  	v57 =	vld.idx.msk [tilespmem:v11+s5+$0x0], $0xffff;
	v31 =	vunpack.i.u.bf16.f32 v31;
	v30 =	vunpack.i.u.bf16.f32 v30;
	v9 =	vmul.f32 v13, v9  }
0x60: {  	v60 =	vld.idx.msk [tilespmem:v21+s19+$0x0], $0xffff;
	v59 =	vunpack.i.l.bf16.f32 v34;
	v34 =	vunpack.i.u.bf16.f32 v34;
	vm0 =	vge.f32 v15, $1.000000000e+00  }
0x61: {  	v14 =	vshll.u32 v5, $0x1;
	v22 =	vmul.f32 v22, v31;
	v31 =	vld.idx.msk [tilespmem:v12+s5+$0x0], $0xffff;
	v9 =	vsel vm0, v15, v9  }
0x62: {  	v13 =	vand.u32 $0x7F, v5;
	v14 =	vand.u32 $0xFFFFFF00, v14;
	v15 =	vshll.u32 v7, $0x1;
	[tilespmem:v2+s29+$0x0] =	vst.idx.add.f32.msk $0xffff, v9  }
0x63: {  	v14 =	vor.u32 v13, v14;
	v13 =	vand.u32 $0x7F, v7;
	v15 =	vand.u32 $0xFFFFFF00, v15;
	v26 =	vld.idx.msk [tilespmem:v1+s22+$0x0], $0xffff  }
0x64: {  	v29 =	vmul.f32 v29, v40;
	v16 =	vor.u32 v13, v15;
	v13 =	vor.u32 v24, v25;
	v24 =	vld.idx.msk [tilespmem:v7+s19+$0x0], $0xffff  }
0x65: {  	v42 =	vunpack.i.u.bf16.f32 v57;
	v38 =	vmul.f32 v39, v38;
	v2 =	vand.u32 $0x7F, v2  }
0x66: {  	v61 =	vunpack.i.l.bf16.f32 v60;
	vm11 =	vge.f32 v29, $1.000000000e+00;
	v2 =	vor.u32 v2, v28;
	v28 =	vld.idx.msk [tilespmem:v4+s5+$0x0], $0xffff  }
0x67: {  	vm2 =	vge.f32 v38, $1.000000000e+00;
	v0 =	vor.u32 $0x80, v14;
	v29 =	vsel vm11, v29, v22  }
0x68: {  	v41 =	vld.idx.msk [tilespmem:v10+s5+$0x0], $0xffff;
	v25 =	vshll.u32 v18, $0x1;
	v22 =	vunpack.i.u.bf16.f32 v31;
	v33 =	vor.u32 $0x80, v2  }
0x69: {  	v35 =	vunpack.i.l.bf16.f32 v26;
	v36 =	vunpack.i.l.bf16.f32 v24;
	v26 =	vunpack.i.u.bf16.f32 v26  }
0x6a: {  	v24 =	vunpack.i.u.bf16.f32 v24;
	v35 =	vmul.f32 v35, v9;
	v9 =	vmul.f32 v9, v26;
	v26 =	vld.idx.msk [tilespmem:v19+s19+$0x0], $0xffff  }
0x6b: {  	v58 =	vunpack.i.l.bf16.f32 v28;
	v32 =	vmul.f32 v36, v32;
	v23 =	vmul.f32 v24, v23;
	v24 =	vld.idx.msk [tilespmem:v37+s19+$0x0], $0xffff  }
0x6c: {  	v31 =	vunpack.i.l.bf16.f32 v31;
	v28 =	vunpack.i.u.bf16.f32 v28;
	v39 =	vmul.f32 v59, v58  }
0x6d: {  	v36 =	vunpack.i.l.bf16.f32 v57;
	vm1 =	vge.f32 v32, $1.000000000e+00;
	[tilespmem:v2+s30+$0x0] =	vst.idx.add.f32.msk $0xffff, v35;
	v2 =	vunpack.i.u.bf16.f32 v41  }
0x6e: {  	vm12 =	vge.f32 v39, $1.000000000e+00;
	[tilespmem:v33+s30+$0x0] =	vst.idx.add.f32.msk $0xffff, v9;
	v9 =	vunpack.i.u.bf16.f32 v60;
	v23 =	vsel vm1, v32, v23  }
0x6f: {  	v2 =	vmul.f32 v9, v2;
	v43 =	vunpack.i.u.bf16.f32 v26;
	v26 =	vunpack.i.l.bf16.f32 v26  }
0x70: {  	[tilespmem:v5+s29+$0x0] =	vst.idx.add.f32.msk $0xffff, v29;
	v5 =	vunpack.i.u.bf16.f32 v24;
	v36 =	vmul.f32 v26, v36;
	v26 =	vmul.f32 v30, v27  }
0x71: {  	v62 =	vld.idx.msk [tilespmem:v20+s22+$0x0], $0xffff;
	v9 =	vunpack.i.l.bf16.f32 v24;
	v27 =	vmul.f32 v34, v28;
	v28 =	vmul.f32 v43, v42  }
0x72: {  	[tilespmem:v7+s29+$0x0] =	vst.idx.add.f32.msk $0xffff, v23;
	v30 =	vunpack.i.l.bf16.f32 v41;
	v7 =	vmul.f32 v9, v31;
	v63 =	vsel vm2, v38, v26  }
0x73: {  	v5 =	vmul.f32 v5, v22;
	vm13 =	vge.f32 v36, $1.000000000e+00;
	v26 =	vsel vm12, v39, v27;
	[tilespmem:v8+s29+$0x0] =	vst.idx.add.f32.msk $0xffff, v63  }
0x74: {  	v30 =	vmul.f32 v61, v30;
	vm15 =	vge.f32 v7, $1.000000000e+00;
	v22 =	vsel vm13, v36, v28;
	[tilespmem:v18+s29+$0x0] =	vst.idx.add.f32.msk $0xffff, v26  }
0x75: {  	v15 =	vor.u32 $0x80, v16;
	v17 =	vor.u32 $0x80, v13;
	v20 =	vsel vm15, v7, v5;
	[tilespmem:v19+s29+$0x0] =	vst.idx.add.f32.msk $0xffff, v22  }
0x76: {  	v25 =	vand.u32 $0xFFFFFF00, v25;
	v9 =	vshll.u32 v21, $0x1;
	vm14 =	vge.f32 v30, $1.000000000e+00;
	[tilespmem:v37+s29+$0x0] =	vst.idx.add.f32.msk $0xffff, v20  }
0x77: {  	v8 =	vshll.u32 v19, $0x1;
	v7 =	vand.u32 $0x7F, v19;
	v24 =	vsel vm14, v30, v2;
	v19 =	vld.idx.msk [tilespmem:v6+s22+$0x0], $0xffff  }
0x78: {  	v9 =	vand.u32 $0xFFFFFF00, v9;
	v27 =	vunpack.i.u.bf16.f32 v62;
	v2 =	vand.u32 $0x7F, v18;
	[tilespmem:v21+s29+$0x0] =	vst.idx.add.f32.msk $0xffff, v24  }
0x79: {  	v8 =	vand.u32 $0xFFFFFF00, v8;
	v18 =	vand.u32 $0x7F, v21;
	v6 =	vand.u32 $0x7F, v37;
	v21 =	vld.idx.msk [tilespmem:v3+s22+$0x0], $0xffff  }
0x7a: {  	v5 =	vor.u32 v2, v25;
	v2 =	vor.u32 v7, v8;
	v3 =	vor.u32 v18, v9;
	v18 =	vld.idx.msk [tilespmem:v4+s22+$0x0], $0xffff  }
0x7b: {  	v8 =	vshll.u32 v37, $0x1;
	v25 =	vunpack.i.l.bf16.f32 v62;
	v11 =	vld.idx.msk [tilespmem:v11+s22+$0x0], $0xffff;
	v7 =	vor.u32 $0x80, v5  }
0x7c: {  	v9 =	vand.u32 $0xFFFFFF00, v8;
	v8 =	vor.u32 $0x80, v2;
	v25 =	vmul.f32 v25, v29;
	v28 =	vld.idx.msk [tilespmem:v10+s22+$0x0], $0xffff  }
0x7d: {  	v10 =	vmul.f32 v29, v27;
	v29 =	vld.idx.msk [tilespmem:v12+s22+$0x0], $0xffff;
	v6 =	vor.u32 v6, v9;
	v9 =	vor.u32 $0x80, v3  }
0x7e: {  	v4 =	vor.u32 $0x80, v6;
	v12 =	vunpack.i.u.bf16.f32 v19;
	v19 =	vunpack.i.l.bf16.f32 v19  }
0x7f: {  	[tilespmem:v14+s30+$0x0] =	vst.idx.add.f32.msk $0xffff, v25;
	v19 =	vmul.f32 v19, v23;
	v25 =	vunpack.i.u.bf16.f32 v21;
	v21 =	vunpack.i.l.bf16.f32 v21  }
0x80: {  	[tilespmem:v0+s30+$0x0] =	vst.idx.add.f32.msk $0xffff, v10;
	v12 =	vmul.f32 v23, v12;
	v14 =	vunpack.i.u.bf16.f32 v18;
	v0 =	vunpack.i.l.bf16.f32 v18  }
0x81: {  	v10 =	vunpack.i.u.bf16.f32 v11;
	v18 =	vmul.f32 v21, v63;
	v27 =	vmul.f32 v63, v25;
	[tilespmem:v16+s30+$0x0] =	vst.idx.add.f32.msk $0xffff, v19  }
0x82: {  	v30 =	vmul.f32 v0, v26;
	v16 =	vunpack.i.l.bf16.f32 v11;
	v11 =	vunpack.i.u.bf16.f32 v29;
	[tilespmem:v15+s30+$0x0] =	vst.idx.add.f32.msk $0xffff, v12  }
0x83: {  	s20 =	simm.s32 $0x0;
	s21 =	simm.s32 $0xF0C0;
	v12 =	vunpack.i.u.bf16.f32 v28;
	v15 =	vunpack.i.l.bf16.f32 v28;
	[tilespmem:v13+s30+$0x0] =	vst.idx.add.f32.msk $0xffff, v18;
	v13 =	vunpack.i.l.bf16.f32 v29  }
.LBB2_10:
0x84: {  	v38 =	vld [tilespmem:s21+$0x30]  }
0x85: {  	v35 =	vmul.f32 v26, v14;
	v14 =	vld [tilespmem:s21+$0xFFFFFFD0]  }
0x86: {  	v29 =	vmul.f32 v15, v24;
	v15 =	vld [tilespmem:s21+$0xFFFFFFE0]  }
0x87: {  	v18 =	vld [tilespmem:s21+$0xFFFFFFF0]  }
0x88: {  	v21 =	vld [tilespmem:s21+$0x0]  }
0x89: {  	s24 =	sadd.s32 $0x80, s24;
	v25 =	vld [tilespmem:s21+$0x20]  }
0x8a: {  	v33 =	vmul.f32 v16, v22;
	v39 =	vld [tilespmem:s24+$0x30]  }
0x8b: {  	v31 =	vmul.f32 v22, v10;
	v26 =	vmul.f32 v24, v12;
	v22 =	vld [tilespmem:s24+$0xFFFFFFC0]  }
0x8c: {  	v24 =	vmul.f32 v13, v20;
	v0 =	vmul.f32 v20, v11;
	v20 =	vld [tilespmem:s24+$0xFFFFFFD0]  }
0x8d: {  	v28 =	vld [tilespmem:s24+$0xFFFFFFF0]  }
0x8e: {  	v19 =	vld [tilespmem:s24+$0xFFFFFFE0]  }
0x8f: {  	v32 =	vld [tilespmem:s24+$0x0]  }
0x90: {  	v36 =	vld [tilespmem:s24+$0x20]  }
0x91: {  	v34 =	vld [tilespmem:s24+$0x10]  }
0x92: {  	v42 =	vshll.u32 v28, $0x1;
	v37 =	vld.idx.msk [tilespmem:v38+s5+$0x0], $0xffff  }
0x93: {  	v46 =	vand.u32 $0x7F, v28;
	v42 =	vand.u32 $0xFFFFFF00, v42;
	v47 =	vld.idx.msk [tilespmem:v14+s5+$0x0], $0xffff  }
0x94: {  	v42 =	vor.u32 v46, v42;
	v46 =	vld.idx.msk [tilespmem:v15+s5+$0x0], $0xffff  }
0x95: {  	v57 =	vshll.u32 v36, $0x1;
	v40 =	vld.idx.msk [tilespmem:v39+s19+$0x0], $0xffff  }
0x96: {  	v58 =	vand.u32 $0xFFFFFF00, v57;
	v57 =	vld.idx.msk [tilespmem:v18+s5+$0x0], $0xffff  }
0x97: {  	v12 =	vshll.u32 v22, $0x1;
	v61 =	vld.idx.msk [tilespmem:v22+s19+$0x0], $0xffff  }
0x98: {  	v11 =	vand.u32 $0x7F, v22;
	v23 =	vshll.u32 v19, $0x1;
	v12 =	vand.u32 $0xFFFFFF00, v12;
	v51 =	vld.idx.msk [tilespmem:v20+s19+$0x0], $0xffff  }
0x99: {  	v23 =	vand.u32 $0xFFFFFF00, v23;
	v16 =	vor.u32 v11, v12;
	v54 =	vld.idx.msk [tilespmem:v19+s19+$0x0], $0xffff  }
0x9a: {  	[tilespmem:$0x1FFF0] =	vst v0;
	v12 =	vshll.u32 v20, $0x1;
	v0 =	vld.idx.msk [tilespmem:v32+s19+$0x0], $0xffff;
	v43 =	vunpack.i.l.bf16.f32 v37;
	v44 =	vunpack.i.l.bf16.f32 v40  }
0x9b: {  	v1 =	vld.idx.msk [tilespmem:v36+s19+$0x0], $0xffff;
	v45 =	vunpack.i.u.bf16.f32 v37;
	v40 =	vunpack.i.u.bf16.f32 v40;
	v43 =	vmul.f32 v44, v43  }
0x9c: {  	v11 =	vand.u32 $0x7F, v20;
	v12 =	vand.u32 $0xFFFFFF00, v12;
	v37 =	vld [tilespmem:s21+$0xFFFFFFC0];
	v40 =	vmul.f32 v40, v45  }
0x9d: {  	[tilespmem:v17+s30+$0x0] =	vst.idx.add.f32.msk $0xffff, v27;
	v12 =	vor.u32 v11, v12;
	v11 =	vand.u32 $0x7F, v19;
	vm0 =	vge.f32 v43, $1.000000000e+00  }
0x9e: {  	v11 =	vor.u32 v11, v23;
	v23 =	vld [tilespmem:s21+$0x10];
	v40 =	vsel vm0, v43, v40  }
0x9f: {  	v60 =	vshll.u32 v32, $0x1;
	v48 =	vand.u32 $0x7F, v32;
	v49 =	vshll.u32 v34, $0x1;
	[tilespmem:v39+s29+$0x0] =	vst.idx.add.f32.msk $0xffff, v40  }
0xa0: {  	v62 =	vand.u32 $0x7F, v34;
	v56 =	vand.u32 $0x7F, v36;
	v59 =	vshll.u32 v39, $0x1;
	v50 =	vld.idx.msk [tilespmem:v38+s22+$0x0], $0xffff  }
0xa1: {  	v63 =	vand.u32 $0xFFFFFF00, v49;
	v41 =	vor.u32 $0x80, v11;
	v44 =	vand.u32 $0xFFFFFF00, v60;
	v60 =	vld.idx.msk [tilespmem:v28+s19+$0x0], $0xffff  }
0xa2: {  	v53 =	vunpack.i.l.bf16.f32 v61;
	[tilespmem:v5+s30+$0x0] =	vst.idx.add.f32.msk $0xffff, v30;
	v39 =	vand.u32 $0x7F, v39;
	v38 =	vand.u32 $0xFFFFFF00, v59  }
0xa3: {  	v45 =	vunpack.i.u.bf16.f32 v61;
	v44 =	vor.u32 v48, v44;
	[tilespmem:v7+s30+$0x0] =	vst.idx.add.f32.msk $0xffff, v35;
	v39 =	vor.u32 v39, v38  }
0xa4: {  	v48 =	vor.u32 v56, v58;
	v56 =	vunpack.i.l.bf16.f32 v47;
	v43 =	vor.u32 v62, v63;
	v55 =	vld.idx.msk [tilespmem:v37+s5+$0x0], $0xffff  }
0xa5: {  	v62 =	vunpack.i.l.bf16.f32 v51;
	v63 =	vld.idx.msk [tilespmem:v21+s5+$0x0], $0xffff;
	v59 =	vor.u32 $0x80, v39;
	v61 =	vunpack.i.l.bf16.f32 v50  }
0xa6: {  	v47 =	vunpack.i.u.bf16.f32 v47;
	[tilespmem:v2+s30+$0x0] =	vst.idx.add.f32.msk $0xffff, v33;
	v56 =	vmul.f32 v62, v56;
	v61 =	vmul.f32 v61, v40  }
0xa7: {  	v62 =	vunpack.i.l.bf16.f32 v46;
	v46 =	vunpack.i.u.bf16.f32 v46;
	[tilespmem:v8+s30+$0x0] =	vst.idx.add.f32.msk $0xffff, v31;
	v50 =	vunpack.i.u.bf16.f32 v50  }
0xa8: {  	v40 =	vmul.f32 v40, v50;
	v50 =	vunpack.i.u.bf16.f32 v51;
	v51 =	vunpack.i.l.bf16.f32 v54;
	[tilespmem:v39+s30+$0x0] =	vst.idx.add.f32.msk $0xffff, v61  }
0xa9: {  	v51 =	vmul.f32 v51, v62;
	v39 =	vunpack.i.u.bf16.f32 v55;
	v55 =	vunpack.i.l.bf16.f32 v55;
	v61 =	vld.idx.msk [tilespmem:v34+s19+$0x0], $0xffff  }
0xaa: {  	v62 =	vunpack.i.l.bf16.f32 v63;
	v47 =	vmul.f32 v50, v47;
	[tilespmem:v59+s30+$0x0] =	vst.idx.add.f32.msk $0xffff, v40;
	v40 =	vmul.f32 v53, v55  }
0xab: {  	v53 =	vunpack.i.u.bf16.f32 v54;
	v54 =	vunpack.i.l.bf16.f32 v57;
	v55 =	vld.idx.msk [tilespmem:v23+s5+$0x0], $0xffff;
	v57 =	vunpack.i.u.bf16.f32 v57  }
0xac: {  	v59 =	vunpack.i.u.bf16.f32 v60;
	v60 =	vunpack.i.l.bf16.f32 v60;
	v39 =	vmul.f32 v45, v39;
	[tilespmem:v3+s30+$0x0] =	vst.idx.add.f32.msk $0xffff, v29  }
0xad: {  	v54 =	vmul.f32 v60, v54;
	v60 =	vunpack.i.u.bf16.f32 v63;
	v63 =	vld.idx.msk [tilespmem:v25+s5+$0x0], $0xffff;
	v27 =	vmul.f32 v53, v46  }
0xae: {  	v45 =	vunpack.i.u.bf16.f32 v0;
	vm2 =	vge.f32 v51, $1.000000000e+00;
	v46 =	vmul.f32 v59, v57;
	[tilespmem:v9+s30+$0x0] =	vst.idx.add.f32.msk $0xffff, v26  }
0xaf: {  	v0 =	vunpack.i.l.bf16.f32 v0;
	[tilespmem:v6+s30+$0x0] =	vst.idx.add.f32.msk $0xffff, v24;
	vm3 =	vge.f32 v54, $1.000000000e+00;
	v27 =	vsel vm2, v51, v27  }
0xb0: {  	vm13 =	vge.f32 v56, $1.000000000e+00;
	v0 =	vmul.f32 v0, v62;
	v26 =	vsel vm3, v54, v46;
	[tilespmem:v19+s29+$0x0] =	vst.idx.add.f32.msk $0xffff, v27  }
0xb1: {  	vm1 =	vge.f32 v40, $1.000000000e+00;
	v30 =	vmul.f32 v45, v60;
	v62 =	vunpack.i.u.bf16.f32 v61;
	[tilespmem:v28+s29+$0x0] =	vst.idx.add.f32.msk $0xffff, v26  }
0xb2: {  	v17 =	vmovc v41;
	v41 =	vunpack.i.l.bf16.f32 v61;
	v45 =	vunpack.i.u.bf16.f32 v55;
	v60 =	vunpack.i.l.bf16.f32 v55;
	v15 =	vld.idx.msk [tilespmem:v15+s22+$0x0], $0xffff  }
0xb3: {  	v57 =	vmul.f32 v41, v60;
	v31 =	vmul.f32 v62, v45;
	v62 =	vsel vm1, v40, v39;
	v18 =	vld.idx.msk [tilespmem:v18+s22+$0x0], $0xffff  }
0xb4: {  	v59 =	vunpack.i.u.bf16.f32 v63;
	v60 =	vunpack.i.l.bf16.f32 v63;
	v63 =	vsel vm13, v56, v47;
	[tilespmem:v22+s29+$0x0] =	vst.idx.add.f32.msk $0xffff, v62  }
0xb5: {  	vm14 =	vge.f32 v0, $1.000000000e+00;
	[tilespmem:v20+s29+$0x0] =	vst.idx.add.f32.msk $0xffff, v63  }
0xb6: {  	v61 =	vunpack.i.u.bf16.f32 v1;
	v1 =	vunpack.i.l.bf16.f32 v1;
	v22 =	vsel vm14, v0, v30;
	v37 =	vld.idx.msk [tilespmem:v37+s22+$0x0], $0xffff  }
0xb7: {  	v1 =	vmul.f32 v1, v60;
	[tilespmem:v32+s29+$0x0] =	vst.idx.add.f32.msk $0xffff, v22  }
0xb8: {  	v29 =	vmul.f32 v61, v59;
	vm4 =	vge.f32 v57, $1.000000000e+00;
	v14 =	vld.idx.msk [tilespmem:v14+s22+$0x0], $0xffff  }
0xb9: {  	vm15 =	vge.f32 v1, $1.000000000e+00;
	v24 =	vsel vm4, v57, v31;
	v19 =	vld.idx.msk [tilespmem:v21+s22+$0x0], $0xffff  }
0xba: {  	v10 =	vor.u32 $0x80, v16;
	v20 =	vsel vm15, v1, v29;
	[tilespmem:v34+s29+$0x0] =	vst.idx.add.f32.msk $0xffff, v24  }
0xbb: {  	[tilespmem:v36+s29+$0x0] =	vst.idx.add.f32.msk $0xffff, v20;
	v1 =	vunpack.i.l.bf16.f32 v37  }
0xbc: {  	v21 =	vld.idx.msk [tilespmem:v23+s22+$0x0], $0xffff;
	v0 =	vunpack.i.u.bf16.f32 v37;
	v1 =	vmul.f32 v1, v62  }
0xbd: {  	v23 =	vld.idx.msk [tilespmem:v25+s22+$0x0], $0xffff;
	v0 =	vmul.f32 v62, v0  }
0xbe: {  	v13 =	vor.u32 $0x80, v12;
	[tilespmem:v16+s30+$0x0] =	vst.idx.add.f32.msk $0xffff, v1  }
0xbf: {  	s20 =	sadd.s32 $0x8, s20;
	v52 =	vor.u32 $0x80, v42;
	v1 =	vunpack.i.u.bf16.f32 v14;
	v14 =	vunpack.i.l.bf16.f32 v14;
	[tilespmem:v10+s30+$0x0] =	vst.idx.add.f32.msk $0xffff, v0  }
0xc0: {  	p0 =	slt.u32 s20, $0xF0;
	v5 =	vmovc v42;
	v25 =	vunpack.i.u.bf16.f32 v15;
	v0 =	vmul.f32 v14, v63;
	v10 =	vunpack.i.l.bf16.f32 v15;
	v15 =	vld [tilespmem:$0x1FFF0]  }
.Ltmp4:
0xc1: {  	v7 =	vmovc v52;
	v49 =	vor.u32 $0x80, v44;
	v2 =	vmovc v44;
	v58 =	vor.u32 $0x80, v43;
	v1 =	vmul.f32 v63, v1;
	(pc) =	sbr.rel @p0 .LBB2_10-.Ltmp4, $4  }
0xc2: {  	v8 =	vmovc v49;
	v14 =	vunpack.i.u.bf16.f32 v18;
	v18 =	vunpack.i.l.bf16.f32 v18;
	[tilespmem:v12+s30+$0x0] =	vst.idx.add.f32.msk $0xffff, v0;
	v0 =	vmul.f32 v10, v27  }
0xc3: {  	v38 =	vor.u32 $0x80, v48;
	v3 =	vmovc v43;
	v16 =	vunpack.i.l.bf16.f32 v19;
	v30 =	vmul.f32 v18, v26;
	[tilespmem:v13+s30+$0x0] =	vst.idx.add.f32.msk $0xffff, v1  }
0xc4: {  	v6 =	vmovc v48;
	v10 =	vunpack.i.u.bf16.f32 v19;
	v27 =	vmul.f32 v27, v25;
	v12 =	vunpack.i.u.bf16.f32 v21;
	[tilespmem:v11+s30+$0x0] =	vst.idx.add.f32.msk $0xffff, v0  }
0xc5: {  	s21 =	sadd.s32 $0x80, s21;
	v9 =	vmovc v58;
	v13 =	vunpack.i.l.bf16.f32 v23;
	v11 =	vunpack.i.u.bf16.f32 v23;
	[tilespmem:v4+s30+$0x0] =	vst.idx.add.f32.msk $0xffff, v15;
	v4 =	vmovc v38;
	v15 =	vunpack.i.l.bf16.f32 v21  }
0xc6: {  	_ =	sdelay $0x3  }
0xc7: {  	v0 =	vmul.f32 v26, v14;
	[tilespmem:v17+s30+$0x0] =	vst.idx.add.f32.msk $0xffff, v27  }
0xc8: {  	v1 =	vmul.f32 v16, v22;
	[tilespmem:v5+s30+$0x0] =	vst.idx.add.f32.msk $0xffff, v30  }
0xc9: {  	v60 =	vmul.f32 v15, v24;
	[tilespmem:v7+s30+$0x0] =	vst.idx.add.f32.msk $0xffff, v0  }
0xca: {  	v62 =	vmul.f32 v13, v20;
	[tilespmem:v2+s30+$0x0] =	vst.idx.add.f32.msk $0xffff, v1  }
0xcb: {  	v59 =	vmul.f32 v22, v10;
	[tilespmem:v3+s30+$0x0] =	vst.idx.add.f32.msk $0xffff, v60  }
0xcc: {  	v61 =	vmul.f32 v24, v12;
	[tilespmem:v6+s30+$0x0] =	vst.idx.add.f32.msk $0xffff, v62  }
0xcd: {  	v63 =	vmul.f32 v20, v11;
	[tilespmem:v8+s30+$0x0] =	vst.idx.add.f32.msk $0xffff, v59  }
0xce: {  	[tilespmem:v9+s30+$0x0] =	vst.idx.add.f32.msk $0xffff, v61  }
0xcf: {  	[tilespmem:v4+s30+$0x0] =	vst.idx.add.f32.msk $0xffff, v63  }
.LBB2_12:
0xd0: {  	s20 =	sshra.s32 s5, $0x2  }
0xd1: {  	v0 =	vld [tilespmem:s20+$0xFF80]  }
0xd2: {  	v1 =	vld [tilespmem:s20+$0x11F80];
	_ =	sdelay $0x6  }
0xd3: {  	v2 =	vld.idx.msk [tilespmem:v0+s3+$0x0], $0xffff  }
0xd4: {  	v3 =	vld.idx.msk [tilespmem:v1+s19+$0x0], $0xffff;
	_ =	sdelay $0x4  }
0xd5: {  	v4 =	vunpack.i.l.bf16.f32 v2;
	v5 =	vunpack.i.l.bf16.f32 v3  }
0xd6: {  	v2 =	vunpack.i.u.bf16.f32 v2;
	v3 =	vunpack.i.u.bf16.f32 v3;
	v4 =	vmul.f32 v5, v4  }
0xd7: {  	v2 =	vmul.f32 v3, v2  }
0xd8: {  	vm0 =	vge.f32 v4, $1.000000000e+00  }
0xd9: {  	v2 =	vsel vm0, v4, v2  }
0xda: {  	[tilespmem:v1+s29+$0x0] =	vst.idx.add.f32.msk $0xffff, v2  }
0xdb: {  	v0 =	vld.idx.msk [tilespmem:v0+s22+$0x0], $0xffff  }
0xdc: {  	v62 =	vshll.u32 v1, $0x1  }
0xdd: {  	v3 =	vand.u32 $0xFFFFFF00, v62;
	v1 =	vand.u32 $0x7F, v1  }
0xde: {  	v1 =	vor.u32 v1, v3  }
0xdf: {  	p0 =	seq.s32 s5, $0x40;
	v3 =	vor.u32 $0x80, v1  }
.Ltmp5:
0xe0: {  	v63 =	vunpack.i.l.bf16.f32 v0;
	(pc) =	sbr.rel @!p0 .LBB2_12-.Ltmp5, $4  }
0xe1: {  	v0 =	vunpack.i.u.bf16.f32 v0;
	v4 =	vmul.f32 v63, v2  }
0xe2: {  	v0 =	vmul.f32 v2, v0  }
0xe3: {  	[tilespmem:v1+s30+$0x0] =	vst.idx.add.f32.msk $0xffff, v4  }
0xe4: {  	s5 =	sadd.s32 $0x40, s5;
	[tilespmem:v3+s30+$0x0] =	vst.idx.add.f32.msk $0xffff, v0  }
.Ltmp6:
0xe5: {  	_ = 	snop;
	(pc) =	sbr.rel .LBB2_13-.Ltmp6, $1  }
0xe6: {  	_ =	sdelay $0x3  }
.LBB2_5:
0xe7: {  	s21 =	simm.s32 @p0 $0xF040  }
0xe8: {  	s24 =	simm.s32 @p0 $0x11040;
	v0 =	vld [tilespmem:s21+$0x30]  }
0xe9: {  	v1 =	vld [tilespmem:s24+$0x30]  }
0xea: {  	v2 =	vld [tilespmem:s24+$0xFFFFFFC0]  }
0xeb: {  	v7 =	vld [tilespmem:s21+$0xFFFFFFD0]  }
0xec: {  	v3 =	vld [tilespmem:s24+$0xFFFFFFD0]  }
0xed: {  	v14 =	vld [tilespmem:s21+$0xFFFFFFE0]  }
0xee: {  	v4 =	vld [tilespmem:s24+$0xFFFFFFE0]  }
0xef: {  	v15 =	vld [tilespmem:s21+$0xFFFFFFF0]  }
0xf0: {  	v17 =	vld [tilespmem:s21+$0x0]  }
0xf1: {  	v19 =	vld [tilespmem:s24+$0x0];
	v5 =	vshll.u32 v2, $0x1  }
0xf2: {  	v21 =	vld [tilespmem:s24+$0x10];
	v8 =	vand.u32 $0x7F, v2;
	v5 =	vand.u32 $0xFFFFFF00, v5  }
0xf3: {  	s5 =	simm.s32 $0x0;
	v10 =	vor.u32 v8, v5;
	v5 =	vld [tilespmem:s24+$0xFFFFFFF0]  }
0xf4: {  	v6 =	vld.idx.msk [tilespmem:v0+s5+$0x0], $0xffff  }
0xf5: {  	v9 =	vshll.u32 v3, $0x1;
	v11 =	vshll.u32 v4, $0x1;
	v18 =	vand.u32 $0x7F, v4;
	v16 =	vld.idx.msk [tilespmem:v1+s19+$0x0], $0xffff  }
0xf6: {  	v9 =	vand.u32 $0xFFFFFF00, v9;
	v11 =	vand.u32 $0xFFFFFF00, v11;
	v8 =	vand.u32 $0x7F, v3;
	v0 =	vld.idx.msk [tilespmem:v0+s22+$0x0], $0xffff  }
0xf7: {  	v12 =	vor.u32 v8, v9;
	v8 =	vor.u32 v18, v11;
	v18 =	vld [tilespmem:s21+$0x10]  }
0xf8: {  	v20 =	vand.u32 $0x7F, v1;
	v40 =	vld.idx.msk [tilespmem:v7+s5+$0x0], $0xffff  }
0xf9: {  	v28 =	vshll.u32 v21, $0x1;
	v32 =	vand.u32 $0x7F, v21;
	v13 =	vor.u32 $0x80, v10;
	v29 =	vld.idx.msk [tilespmem:v3+s19+$0x0], $0xffff  }
0xfa: {  	v1 =	vshll.u32 v1, $0x1;
	v30 =	vld.idx.msk [tilespmem:v2+s19+$0x0], $0xffff;
	v2 =	vand.u32 $0xFFFFFF00, v28;
	v11 =	vor.u32 $0x80, v12  }
0xfb: {  	v41 =	vld.idx.msk [tilespmem:v14+s5+$0x0], $0xffff;
	v9 =	vor.u32 $0x80, v8;
	v1 =	vand.u32 $0xFFFFFF00, v1;
	v2 =	vor.u32 v32, v2  }
0xfc: {  	v37 =	vld.idx.msk [tilespmem:v7+s22+$0x0], $0xffff;
	v20 =	vor.u32 v20, v1;
	v1 =	vshll.u32 v19, $0x1;
	v7 =	vor.u32 $0x80, v2  }
0xfd: {  	v34 =	vld.idx.msk [tilespmem:v4+s19+$0x0], $0xffff;
	v26 =	vor.u32 $0x80, v20;
	v1 =	vand.u32 $0xFFFFFF00, v1;
	v25 =	vshll.u32 v5, $0x1  }
0xfe: {  	v46 =	vld.idx.msk [tilespmem:v17+s5+$0x0], $0xffff;
	v3 =	vand.u32 $0x7F, v5;
	v22 =	vunpack.i.l.bf16.f32 v6;
	v23 =	vunpack.i.l.bf16.f32 v16  }
0xff: {  	v44 =	vld.idx.msk [tilespmem:v15+s5+$0x0], $0xffff;
	v6 =	vunpack.i.u.bf16.f32 v6;
	v16 =	vunpack.i.u.bf16.f32 v16;
	v25 =	vand.u32 $0xFFFFFF00, v25  }
0x100: {  	v14 =	vld.idx.msk [tilespmem:v14+s22+$0x0], $0xffff;
	v27 =	vunpack.i.l.bf16.f32 v0;
	v0 =	vunpack.i.u.bf16.f32 v0;
	v42 =	vunpack.i.l.bf16.f32 v40  }
0x101: {  	v15 =	vld.idx.msk [tilespmem:v15+s22+$0x0], $0xffff;
	v43 =	vunpack.i.l.bf16.f32 v29;
	v29 =	vunpack.i.u.bf16.f32 v29;
	v45 =	vunpack.i.u.bf16.f32 v30  }
0x102: {  	v17 =	vld.idx.msk [tilespmem:v17+s22+$0x0], $0xffff;
	v30 =	vunpack.i.l.bf16.f32 v30;
	v47 =	vunpack.i.u.bf16.f32 v41;
	v28 =	vunpack.i.l.bf16.f32 v41  }
0x103: {  	v63 =	vld [tilespmem:s21+$0xFFFFFFC0];
	v48 =	vunpack.i.l.bf16.f32 v34;
	v34 =	vunpack.i.u.bf16.f32 v34;
	v51 =	vunpack.i.l.bf16.f32 v46  }
0x104: {  	v32 =	vunpack.i.u.bf16.f32 v44;
	v56 =	vunpack.i.u.bf16.f32 v37;
	v57 =	vunpack.i.l.bf16.f32 v37  }
0x105: {  	v58 =	vunpack.i.u.bf16.f32 v14;
	v14 =	vunpack.i.l.bf16.f32 v14;
	v22 =	vmul.f32 v23, v22  }
0x106: {  	v6 =	vmul.f32 v16, v6;
	v16 =	vld [tilespmem:s24+$0x20];
	v3 =	vor.u32 v3, v25;
	v25 =	vmul.f32 v43, v42  }
0x107: {  	v24 =	vld [tilespmem:s21+$0x20];
	v59 =	vunpack.i.u.bf16.f32 v15;
	v60 =	vunpack.i.u.bf16.f32 v17;
	vm0 =	vge.f32 v22, $1.000000000e+00  }
0x108: {  	v17 =	vunpack.i.l.bf16.f32 v17;
	v5 =	vld.idx.msk [tilespmem:v5+s19+$0x0], $0xffff;
	vm12 =	vge.f32 v25, $1.000000000e+00;
	v6 =	vsel vm0, v22, v6  }
0x109: {  	v35 =	vld.idx.msk [tilespmem:v18+s5+$0x0], $0xffff;
	v22 =	vunpack.i.u.bf16.f32 v40;
	v27 =	vmul.f32 v6, v27;
	v0 =	vmul.f32 v6, v0  }
0x10a: {  	v21 =	vld.idx.msk [tilespmem:v21+s19+$0x0], $0xffff;
	v6 =	vand.u32 $0x7F, v19;
	v22 =	vmul.f32 v29, v22;
	v29 =	vunpack.i.u.bf16.f32 v46  }
0x10b: {  	v31 =	vshll.u32 v16, $0x1;
	v33 =	vand.u32 $0x7F, v16;
	v1 =	vor.u32 v6, v1;
	v6 =	vld.idx.msk [tilespmem:v63+s5+$0x0], $0xffff  }
0x10c: {  	v4 =	vand.u32 $0xFFFFFF00, v31;
	v22 =	vsel vm12, v25, v22;
	v25 =	vmul.f32 v48, v28  }
0x10d: {  	v18 =	vld.idx.msk [tilespmem:v18+s22+$0x0], $0xffff;
	v50 =	vunpack.i.l.bf16.f32 v5;
	v5 =	vunpack.i.u.bf16.f32 v5;
	v4 =	vor.u32 v33, v4  }
0x10e: {  	v19 =	vld.idx.msk [tilespmem:v19+s19+$0x0], $0xffff;
	v33 =	vmul.f32 v34, v47;
	v53 =	vunpack.i.l.bf16.f32 v35;
	v32 =	vmul.f32 v5, v32  }
0x10f: {  	[tilespmem:v20+s30+$0x0] =	vst.idx.add.f32.msk $0xffff, v27;
	v5 =	vunpack.i.l.bf16.f32 v21;
	v35 =	vunpack.i.u.bf16.f32 v35;
	v21 =	vunpack.i.u.bf16.f32 v21  }
0x110: {  	[tilespmem:v26+s30+$0x0] =	vst.idx.add.f32.msk $0xffff, v0;
	v0 =	vunpack.i.l.bf16.f32 v15;
	v36 =	vunpack.i.u.bf16.f32 v6;
	v6 =	vunpack.i.l.bf16.f32 v6  }
0x111: {  	v27 =	vmul.f32 v22, v57;
	v16 =	vld.idx.msk [tilespmem:v16+s19+$0x0], $0xffff;
	v49 =	vmul.f32 v30, v6;
	v6 =	vunpack.i.l.bf16.f32 v44  }
0x112: {  	v61 =	vunpack.i.u.bf16.f32 v18;
	v21 =	vmul.f32 v21, v35;
	v30 =	vmul.f32 v50, v6;
	v6 =	vld.idx.msk [tilespmem:v24+s5+$0x0], $0xffff  }
0x113: {  	vm1 =	vge.f32 v25, $1.000000000e+00;
	v52 =	vunpack.i.l.bf16.f32 v19;
	v19 =	vunpack.i.u.bf16.f32 v19  }
0x114: {  	v25 =	vsel vm1, v25, v33;
	v34 =	vmul.f32 v52, v51;
	v19 =	vmul.f32 v19, v29  }
0x115: {  	v23 =	vld.idx.msk [tilespmem:v63+s22+$0x0], $0xffff;
	v18 =	vunpack.i.l.bf16.f32 v18;
	v62 =	vmul.f32 v25, v14;
	v63 =	vmul.f32 v25, v58  }
0x116: {  	v31 =	vmul.f32 v45, v36;
	v36 =	vmul.f32 v5, v53;
	v55 =	vunpack.i.u.bf16.f32 v16  }
0x117: {  	v16 =	vunpack.i.l.bf16.f32 v16;
	v54 =	vunpack.i.u.bf16.f32 v6;
	v6 =	vunpack.i.l.bf16.f32 v6  }
0x118: {  	v5 =	vor.u32 $0x80, v3;
	vm14 =	vge.f32 v34, $1.000000000e+00;
	v16 =	vmul.f32 v16, v6  }
0x119: {  	v24 =	vld.idx.msk [tilespmem:v24+s22+$0x0], $0xffff;
	vm13 =	vge.f32 v49, $1.000000000e+00;
	vm3 =	vge.f32 v36, $1.000000000e+00;
	v29 =	vmul.f32 v55, v54  }
0x11a: {  	s20 =	simm.s32 @p0 $0xFFFFFFF8;
	[tilespmem:v12+s30+$0x0] =	vst.idx.add.f32.msk $0xffff, v27;
	v19 =	vsel vm14, v34, v19;
	v28 =	vsel vm13, v49, v31;
	vm15 =	vge.f32 v16, $1.000000000e+00  }
0x11b: {  	s20 =	sadd.s32 $0x8, s20;
	[tilespmem:v8+s30+$0x0] =	vst.idx.add.f32.msk $0xffff, v62;
	v29 =	vsel vm15, v16, v29;
	v16 =	vunpack.i.u.bf16.f32 v23;
	v23 =	vunpack.i.l.bf16.f32 v23  }
0x11c: {  	p0 =	slt.u32 s20, $0xF0;
	[tilespmem:v9+s30+$0x0] =	vst.idx.add.f32.msk $0xffff, v63;
	vm2 =	vge.f32 v30, $1.000000000e+00;
	v21 =	vsel vm3, v36, v21;
	v23 =	vmul.f32 v28, v23  }
.Ltmp7:
0x11d: {  	v14 =	vmul.f32 v19, v17;
	v30 =	vsel vm2, v30, v32;
	v15 =	vmul.f32 v28, v16;
	(pc) =	sbr.rel @!p0 .LBB2_7-.Ltmp7, $4  }
0x11e: {  	v16 =	vmul.f32 v30, v0;
	v0 =	vunpack.i.u.bf16.f32 v24;
	[tilespmem:v10+s30+$0x0] =	vst.idx.add.f32.msk $0xffff, v23;
	v10 =	vmul.f32 v22, v56  }
0x11f: {  	v8 =	vor.u32 $0x80, v4;
	v12 =	vmul.f32 v21, v18;
	v9 =	vmul.f32 v29, v0;
	[tilespmem:v13+s30+$0x0] =	vst.idx.add.f32.msk $0xffff, v15  }
0x120: {  	v15 =	vmul.f32 v30, v59;
	v13 =	vmul.f32 v19, v60;
	[tilespmem:v11+s30+$0x0] =	vst.idx.add.f32.msk $0xffff, v10;
	v10 =	vunpack.i.l.bf16.f32 v24  }
0x121: {  	s21 =	sadd.s32 $0x80, s21;
	v6 =	vor.u32 $0x80, v1;
	v11 =	vmul.f32 v21, v61;
	v10 =	vmul.f32 v29, v10  }
.LBB2_6:
0x122: {  	v0 =	vld [tilespmem:s21+$0x30];
	s24 =	sadd.s32 $0x80, s24  }
0x123: {  	v27 =	vld [tilespmem:s24+$0x30]  }
0x124: {  	s20 =	sadd.s32 $0x8, s20;
	v28 =	vld [tilespmem:s24+$0xFFFFFFC0]  }
0x125: {  	p0 =	slt.u32 s20, $0xF0;
	v23 =	vld [tilespmem:s21+$0xFFFFFFD0]  }
0x126: {  	v29 =	vld [tilespmem:s24+$0xFFFFFFD0]  }
0x127: {  	v24 =	vld [tilespmem:s21+$0xFFFFFFE0]  }
0x128: {  	v30 =	vld [tilespmem:s24+$0xFFFFFFE0]  }
0x129: {  	s5 =	simm.s32 $0x0;
	v17 =	vand.u32 $0x7F, v28;
	v18 =	vshll.u32 v28, $0x1;
	v25 =	vld [tilespmem:s21+$0xFFFFFFF0]  }
0x12a: {  	v18 =	vand.u32 $0xFFFFFF00, v18;
	v31 =	vld.idx.msk [tilespmem:v0+s5+$0x0], $0xffff  }
0x12b: {  	v17 =	vor.u32 v17, v18;
	v19 =	vand.u32 $0x7F, v29;
	v20 =	vshll.u32 v29, $0x1;
	v32 =	vld.idx.msk [tilespmem:v27+s19+$0x0], $0xffff  }
0x12c: {  	v18 =	vor.u32 $0x80, v17;
	v20 =	vand.u32 $0xFFFFFF00, v20;
	v33 =	vld [tilespmem:s24+$0xFFFFFFF0]  }
0x12d: {  	v19 =	vor.u32 v19, v20;
	v20 =	vand.u32 $0x7F, v30;
	v22 =	vshll.u32 v30, $0x1;
	v26 =	vld [tilespmem:s21+$0x0]  }
0x12e: {  	v21 =	vor.u32 $0x80, v19;
	v22 =	vand.u32 $0xFFFFFF00, v22;
	v34 =	vld [tilespmem:s24+$0x0]  }
0x12f: {  	v22 =	vor.u32 v20, v22;
	v0 =	vld.idx.msk [tilespmem:v0+s22+$0x0], $0xffff  }
0x130: {  	v36 =	vand.u32 $0x7F, v27;
	v27 =	vshll.u32 v27, $0x1;
	v20 =	vor.u32 $0x80, v22;
	v35 =	vld [tilespmem:s21+$0x10]  }
0x131: {  	v27 =	vand.u32 $0xFFFFFF00, v27;
	v38 =	vunpack.i.l.bf16.f32 v31;
	v39 =	vunpack.i.l.bf16.f32 v32;
	v37 =	vld [tilespmem:s24+$0x10]  }
0x132: {  	v31 =	vunpack.i.u.bf16.f32 v31;
	v32 =	vunpack.i.u.bf16.f32 v32;
	v38 =	vmul.f32 v39, v38;
	v40 =	vld [tilespmem:s21+$0x20]  }
0x133: {  	v27 =	vor.u32 v36, v27;
	v39 =	vshll.u32 v33, $0x1;
	v31 =	vmul.f32 v32, v31;
	v41 =	vld [tilespmem:s24+$0x20]  }
0x134: {  	v42 =	vor.u32 $0x80, v27;
	v36 =	vshll.u32 v34, $0x1;
	vm0 =	vge.f32 v38, $1.000000000e+00;
	v32 =	vld [tilespmem:s21+$0xFFFFFFC0]  }
0x135: {  	v39 =	vand.u32 $0xFFFFFF00, v39;
	v31 =	vsel vm0, v38, v31;
	v38 =	vunpack.i.l.bf16.f32 v0;
	v28 =	vld.idx.msk [tilespmem:v28+s19+$0x0], $0xffff  }
0x136: {  	v0 =	vunpack.i.u.bf16.f32 v0;
	v38 =	vmul.f32 v31, v38;
	v43 =	vld.idx.msk [tilespmem:v23+s5+$0x0], $0xffff;
	v44 =	vshll.u32 v37, $0x1  }
0x137: {  	v36 =	vand.u32 $0xFFFFFF00, v36;
	v0 =	vmul.f32 v31, v0;
	v29 =	vld.idx.msk [tilespmem:v29+s19+$0x0], $0xffff;
	v44 =	vand.u32 $0xFFFFFF00, v44  }
0x138: {  	v45 =	vand.u32 $0x7F, v34;
	v31 =	vand.u32 $0x7F, v33;
	v46 =	vshll.u32 v41, $0x1;
	[tilespmem:v27+s30+$0x0] =	vst.idx.add.f32.msk $0xffff, v38  }
0x139: {  	v27 =	vand.u32 $0x7F, v37;
	v38 =	vand.u32 $0x7F, v41;
	v46 =	vand.u32 $0xFFFFFF00, v46;
	[tilespmem:v42+s30+$0x0] =	vst.idx.add.f32.msk $0xffff, v0  }
0x13a: {  	v36 =	vor.u32 v45, v36;
	v31 =	vor.u32 v31, v39;
	v27 =	vor.u32 v27, v44;
	v0 =	vld.idx.msk [tilespmem:v24+s5+$0x0], $0xffff  }
0x13b: {  	v39 =	vunpack.i.u.bf16.f32 v28;
	v28 =	vunpack.i.l.bf16.f32 v28;
	v38 =	vor.u32 v38, v46;
	v30 =	vld.idx.msk [tilespmem:v30+s19+$0x0], $0xffff  }
0x13c: {  	v45 =	vor.u32 $0x80, v31;
	v44 =	vunpack.i.u.bf16.f32 v43;
	v43 =	vunpack.i.l.bf16.f32 v43;
	v42 =	vld.idx.msk [tilespmem:v32+s5+$0x0], $0xffff  }
0x13d: {  	v48 =	vor.u32 $0x80, v36;
	v46 =	vunpack.i.u.bf16.f32 v29;
	v29 =	vunpack.i.l.bf16.f32 v29;
	v47 =	vld.idx.msk [tilespmem:v25+s5+$0x0], $0xffff  }
0x13e: {  	v29 =	vmul.f32 v29, v43;
	v43 =	vmul.f32 v46, v44;
	v44 =	vor.u32 $0x80, v27;
	v33 =	vld.idx.msk [tilespmem:v33+s19+$0x0], $0xffff  }
0x13f: {  	v49 =	vor.u32 $0x80, v38;
	v46 =	vld.idx.msk [tilespmem:v26+s5+$0x0], $0xffff  }
0x140: {  	vm0 =	vge.f32 v29, $1.000000000e+00;
	v50 =	vunpack.i.u.bf16.f32 v0;
	v0 =	vunpack.i.l.bf16.f32 v0;
	v34 =	vld.idx.msk [tilespmem:v34+s19+$0x0], $0xffff  }
0x141: {  	v29 =	vsel vm0, v29, v43;
	v43 =	vunpack.i.u.bf16.f32 v30;
	v30 =	vunpack.i.l.bf16.f32 v30;
	v51 =	vld.idx.msk [tilespmem:v35+s5+$0x0], $0xffff  }
0x142: {  	v52 =	vunpack.i.u.bf16.f32 v42;
	v42 =	vunpack.i.l.bf16.f32 v42;
	v0 =	vmul.f32 v30, v0;
	v30 =	vld.idx.msk [tilespmem:v37+s19+$0x0], $0xffff  }
0x143: {  	v28 =	vmul.f32 v28, v42;
	v37 =	vunpack.i.u.bf16.f32 v47;
	v42 =	vunpack.i.l.bf16.f32 v47;
	v47 =	vld.idx.msk [tilespmem:v40+s5+$0x0], $0xffff  }
0x144: {  	v39 =	vmul.f32 v39, v52;
	v52 =	vunpack.i.u.bf16.f32 v33;
	v33 =	vunpack.i.l.bf16.f32 v33;
	v41 =	vld.idx.msk [tilespmem:v41+s19+$0x0], $0xffff  }
0x145: {  	v33 =	vmul.f32 v33, v42;
	v42 =	vunpack.i.u.bf16.f32 v46;
	v46 =	vunpack.i.l.bf16.f32 v46;
	v32 =	vld.idx.msk [tilespmem:v32+s22+$0x0], $0xffff  }
0x146: {  	v43 =	vmul.f32 v43, v50;
	v50 =	vunpack.i.u.bf16.f32 v34;
	v34 =	vunpack.i.l.bf16.f32 v34;
	v23 =	vld.idx.msk [tilespmem:v23+s22+$0x0], $0xffff  }
0x147: {  	v34 =	vmul.f32 v34, v46;
	v46 =	vunpack.i.u.bf16.f32 v51;
	v51 =	vunpack.i.l.bf16.f32 v51;
	v24 =	vld.idx.msk [tilespmem:v24+s22+$0x0], $0xffff  }
0x148: {  	v37 =	vmul.f32 v52, v37;
	v52 =	vunpack.i.u.bf16.f32 v30;
	v30 =	vunpack.i.l.bf16.f32 v30;
	v25 =	vld.idx.msk [tilespmem:v25+s22+$0x0], $0xffff  }
0x149: {  	v30 =	vmul.f32 v30, v51;
	v51 =	vunpack.i.u.bf16.f32 v47;
	v47 =	vunpack.i.l.bf16.f32 v47;
	v26 =	vld.idx.msk [tilespmem:v26+s22+$0x0], $0xffff  }
0x14a: {  	v42 =	vmul.f32 v50, v42;
	v50 =	vunpack.i.u.bf16.f32 v41;
	v41 =	vunpack.i.l.bf16.f32 v41;
	v35 =	vld.idx.msk [tilespmem:v35+s22+$0x0], $0xffff  }
0x14b: {  	vm0 =	vge.f32 v28, $1.000000000e+00;
	v46 =	vmul.f32 v52, v46;
	v41 =	vmul.f32 v41, v47;
	v40 =	vld.idx.msk [tilespmem:v40+s22+$0x0], $0xffff  }
0x14c: {  	vm1 =	vge.f32 v0, $1.000000000e+00;
	vm2 =	vge.f32 v33, $1.000000000e+00;
	v47 =	vmul.f32 v50, v51;
	[tilespmem:v3+s30+$0x0] =	vst.idx.add.f32.msk $0xffff, v16;
	v3 =	vmovc v31  }
0x14d: {  	vm3 =	vge.f32 v34, $1.000000000e+00;
	vm4 =	vge.f32 v30, $1.000000000e+00;
	vm5 =	vge.f32 v41, $1.000000000e+00;
	[tilespmem:v5+s30+$0x0] =	vst.idx.add.f32.msk $0xffff, v15;
	v5 =	vmovc v45  }
0x14e: {  	v0 =	vsel vm1, v0, v43;
	v15 =	vsel vm0, v28, v39;
	v28 =	vsel vm2, v33, v37  }
0x14f: {  	v30 =	vsel vm4, v30, v46;
	v31 =	vsel vm3, v34, v42;
	v33 =	vsel vm5, v41, v47  }
0x150: {  	v16 =	vunpack.i.u.bf16.f32 v32;
	v32 =	vunpack.i.l.bf16.f32 v32;
	v34 =	vunpack.i.u.bf16.f32 v23;
	[tilespmem:v1+s30+$0x0] =	vst.idx.add.f32.msk $0xffff, v14;
	v1 =	vmovc v36  }
0x151: {  	v14 =	vunpack.i.l.bf16.f32 v23;
	v23 =	vunpack.i.u.bf16.f32 v24;
	v24 =	vunpack.i.l.bf16.f32 v24;
	[tilespmem:v6+s30+$0x0] =	vst.idx.add.f32.msk $0xffff, v13;
	v6 =	vmovc v48  }
0x152: {  	v36 =	vunpack.i.u.bf16.f32 v26;
	v13 =	vunpack.i.u.bf16.f32 v25;
	v25 =	vunpack.i.l.bf16.f32 v25;
	[tilespmem:v2+s30+$0x0] =	vst.idx.add.f32.msk $0xffff, v12;
	v2 =	vmovc v27  }
0x153: {  	v12 =	vunpack.i.l.bf16.f32 v26;
	v26 =	vunpack.i.u.bf16.f32 v35;
	v27 =	vunpack.i.l.bf16.f32 v35;
	[tilespmem:v7+s30+$0x0] =	vst.idx.add.f32.msk $0xffff, v11;
	v7 =	vmovc v44  }
0x154: {  	v35 =	vunpack.i.l.bf16.f32 v40;
	v11 =	vmul.f32 v15, v32;
	v32 =	vunpack.i.u.bf16.f32 v40;
	[tilespmem:v4+s30+$0x0] =	vst.idx.add.f32.msk $0xffff, v10;
	v4 =	vmovc v38  }
0x155: {  	v14 =	vmul.f32 v29, v14;
	v10 =	vmul.f32 v15, v16;
	[tilespmem:v8+s30+$0x0] =	vst.idx.add.f32.msk $0xffff, v9;
	v8 =	vmov v49  }
0x156: {  	v9 =	vmul.f32 v29, v34;
	[tilespmem:v17+s30+$0x0] =	vst.idx.add.f32.msk $0xffff, v11;
	v11 =	vmul.f32 v0, v24  }
.Ltmp8:
0x157: {  	v16 =	vmul.f32 v28, v25;
	v0 =	vmul.f32 v0, v23;
	[tilespmem:v18+s30+$0x0] =	vst.idx.add.f32.msk $0xffff, v10;
	(pc) =	sbr.rel @p0 .LBB2_6-.Ltmp8, $4  }
0x158: {  	v15 =	vmul.f32 v28, v13;
	[tilespmem:v19+s30+$0x0] =	vst.idx.add.f32.msk $0xffff, v14;
	v14 =	vmul.f32 v31, v12  }
0x159: {  	v13 =	vmul.f32 v31, v36;
	v12 =	vmul.f32 v30, v27;
	[tilespmem:v21+s30+$0x0] =	vst.idx.add.f32.msk $0xffff, v9  }
0x15a: {  	v10 =	vmul.f32 v33, v35;
	[tilespmem:v22+s30+$0x0] =	vst.idx.add.f32.msk $0xffff, v11;
	v11 =	vmul.f32 v30, v26  }
0x15b: {  	s21 =	sadd.s32 $0x80, s21;
	v9 =	vmul.f32 v33, v32;
	[tilespmem:v20+s30+$0x0] =	vst.idx.add.f32.msk $0xffff, v0  }
.LBB2_7:
0x15c: {  	_ =	sdelay $0x3  }
0x15d: {  	[tilespmem:v3+s30+$0x0] =	vst.idx.add.f32.msk $0xffff, v16  }
0x15e: {  	[tilespmem:v1+s30+$0x0] =	vst.idx.add.f32.msk $0xffff, v14  }
0x15f: {  	[tilespmem:v2+s30+$0x0] =	vst.idx.add.f32.msk $0xffff, v12  }
0x160: {  	[tilespmem:v5+s30+$0x0] =	vst.idx.add.f32.msk $0xffff, v15  }
0x161: {  	[tilespmem:v6+s30+$0x0] =	vst.idx.add.f32.msk $0xffff, v13  }
0x162: {  	[tilespmem:v7+s30+$0x0] =	vst.idx.add.f32.msk $0xffff, v11  }
0x163: {  	[tilespmem:v4+s30+$0x0] =	vst.idx.add.f32.msk $0xffff, v10  }
0x164: {  	[tilespmem:v8+s30+$0x0] =	vst.idx.add.f32.msk $0xffff, v9  }
.LBB2_8:
0x165: {  	s20 =	sshra.s32 s5, $0x2  }
0x166: {  	v0 =	vld [tilespmem:s20+$0xFF80]  }
0x167: {  	v1 =	vld [tilespmem:s20+$0x11F80];
	_ =	sdelay $0x6  }
0x168: {  	v2 =	vld.idx.msk [tilespmem:v0+s3+$0x0], $0xffff  }
0x169: {  	v3 =	vld.idx.msk [tilespmem:v1+s19+$0x0], $0xffff;
	_ =	sdelay $0x3  }
0x16a: {  	v5 =	vand.u32 $0x7F, v1;
	v0 =	vld.idx.msk [tilespmem:v0+s22+$0x0], $0xffff;
	v1 =	vshll.u32 v1, $0x1  }
0x16b: {  	v4 =	vunpack.i.u.bf16.f32 v2;
	v2 =	vunpack.i.l.bf16.f32 v2;
	v6 =	vunpack.i.l.bf16.f32 v3  }
0x16c: {  	v1 =	vand.u32 $0xFFFFFF00, v1;
	v3 =	vunpack.i.u.bf16.f32 v3;
	v2 =	vmul.f32 v6, v2  }
0x16d: {  	v1 =	vor.u32 v5, v1;
	v3 =	vmul.f32 v3, v4  }
0x16e: {  	p0 =	sne.s32 s5, $0x40;
	v62 =	vor.u32 $0x80, v1;
	vm0 =	vge.f32 v2, $1.000000000e+00  }
.Ltmp9:
0x16f: {  	v63 =	vunpack.i.l.bf16.f32 v0;
	v2 =	vsel vm0, v2, v3;
	(pc) =	sbr.rel @p0 .LBB2_8-.Ltmp9, $4  }
0x170: {  	v0 =	vunpack.i.u.bf16.f32 v0;
	v3 =	vmul.f32 v2, v63  }
0x171: {  	v0 =	vmul.f32 v2, v0  }
0x172: {  	[tilespmem:v1+s30+$0x0] =	vst.idx.add.f32.msk $0xffff, v3  }
0x173: {  	s5 =	sadd.s32 $0x40, s5;
	[tilespmem:v62+s30+$0x0] =	vst.idx.add.f32.msk $0xffff, v0  }
.LBB2_13:
0x174: {  	p0 =	seq.s32 s1, $0x13  }
0x175: {  	s5 =	smul.u32 @!p0 $0x1F40, s1;
	_ =	sdelay $0x1  }
0x176: {  	s5 =	sadd.s32 @!p0 s5, s13  }
0x177: {  	s5 =	sshrl.u32 @!p0 s5, $0x3  }
0x178: {  	s21 =	simm.s32 @!p0 $0x0;
	s24 =	simm.s32 @!p0 $0xF000;
	s20 =	sadd.s32 @!p0 s4, s5  }
0x179: {  	[tilespmem:s24], [sflag:$0x1] =	stream.linear.gather @!p0 [hbm4b:s20+s21], $0xFA0, $0x38;
	[tilespmem:$0x13000] =	vst v63  }
0x17a: {  	s5 =	sadd.s32 @!p0 s2, s5;
	s20 =	simm.s32 @!p0 $0x11000  }
0x17b: {  	[tilespmem:s20], [sflag:$0x1] =	stream.linear.gather @!p0 [hbm4b:s5+s21], $0xFA0, $0x38;
	[tilespmem:$0x13000] =	vst v63  }
0x17c: {  	p0 =	slt.u32 s23, s11  }
0x17d: {  	p1 =	sge.u32 @!p0 s23, s12  }
0x17e: {  	_ =	swait.ge [sflag:s31], $0xFA0;
	p1 =	por p0, p1  }
.Ltmp10:
0x17f: {  	[sflag:s31] =	ssyncset.done $0x0;
	(pc) =	sbr.rel @p1 .LBB2_14-.Ltmp10, $4  }
0x180: {  	[sflag:s31] =	ssyncadd.s32 $0xFFFFF060  }
0x181: {  	_ =	swait.ge [sflag:s31], $0xFA0  }
0x182: {  	s20 =	simm.s32 $0xFFFFFFF8;
	[sflag:s31] =	ssyncset.done $0x0  }
0x183: {  	s21 =	simm.s32 $0x10040;
	s23 =	simm.s32 $0x12040;
	[sflag:s31] =	ssyncadd.s32 $0xFFFFF060  }
0x184: {  	v0 =	vld [tilespmem:s21+$0x30]  }
0x185: {  	v2 =	vld [tilespmem:s23+$0x30]  }
0x186: {  	v5 =	vld [tilespmem:s23+$0xFFFFFFC0]  }
0x187: {  	v6 =	vld [tilespmem:s21+$0xFFFFFFD0]  }
0x188: {  	v7 =	vld [tilespmem:s23+$0xFFFFFFD0]  }
0x189: {  	v3 =	vld [tilespmem:s21+$0xFFFFFFE0]  }
0x18a: {  	v8 =	vld [tilespmem:s23+$0xFFFFFFE0]  }
0x18b: {  	v18 =	vld [tilespmem:s23+$0xFFFFFFF0]  }
0x18c: {  	v11 =	vld [tilespmem:s21+$0x0]  }
0x18d: {  	v10 =	vld [tilespmem:s21+$0x10]  }
0x18e: {  	v20 =	vld [tilespmem:s21+$0xFFFFFFC0]  }
0x18f: {  	v21 =	vld [tilespmem:s23+$0x10]  }
0x190: {  	s5 =	simm.s32 $0x0;
	v12 =	vld [tilespmem:s21+$0x20]  }
0x191: {  	v1 =	vld.idx.msk [tilespmem:v0+s5+$0x0], $0xffff  }
0x192: {  	v9 =	vld.idx.msk [tilespmem:v2+s19+$0x0], $0xffff  }
0x193: {  	v22 =	vld.idx.msk [tilespmem:v5+s19+$0x0], $0xffff  }
0x194: {  	v26 =	vld.idx.msk [tilespmem:v3+s5+$0x0], $0xffff  }
0x195: {  	v29 =	vld.idx.msk [tilespmem:v8+s19+$0x0], $0xffff  }
0x196: {  	v15 =	vshll.u32 v8, $0x1;
	v24 =	vand.u32 $0x7F, v8;
	v25 =	vshll.u32 v18, $0x1;
	v30 =	vld.idx.msk [tilespmem:v20+s5+$0x0], $0xffff  }
0x197: {  	v27 =	vshll.u32 v2, $0x1;
	v15 =	vand.u32 $0xFFFFFF00, v15;
	v25 =	vand.u32 $0xFFFFFF00, v25;
	v33 =	vld.idx.msk [tilespmem:v18+s19+$0x0], $0xffff  }
0x198: {  	v4 =	vld [tilespmem:s21+$0xFFFFFFF0];
	v27 =	vand.u32 $0xFFFFFF00, v27;
	v13 =	vunpack.i.l.bf16.f32 v1;
	v14 =	vunpack.i.l.bf16.f32 v9  }
0x199: {  	v19 =	vld [tilespmem:s23+$0x0];
	v1 =	vunpack.i.u.bf16.f32 v1;
	v9 =	vunpack.i.u.bf16.f32 v9;
	v28 =	vunpack.i.l.bf16.f32 v22  }
0x19a: {  	v57 =	vld.idx.msk [tilespmem:v11+s5+$0x0], $0xffff;
	v22 =	vunpack.i.u.bf16.f32 v22;
	v37 =	vunpack.i.l.bf16.f32 v26;
	v26 =	vunpack.i.u.bf16.f32 v26  }
0x19b: {  	v40 =	vld.idx.msk [tilespmem:v10+s5+$0x0], $0xffff;
	v38 =	vunpack.i.l.bf16.f32 v29;
	v39 =	vunpack.i.l.bf16.f32 v30;
	v30 =	vunpack.i.u.bf16.f32 v30  }
0x19c: {  	v36 =	vld [tilespmem:s23+$0x20];
	v29 =	vunpack.i.u.bf16.f32 v29;
	v59 =	vunpack.i.l.bf16.f32 v33;
	v13 =	vmul.f32 v14, v13  }
0x19d: {  	v60 =	vld.idx.msk [tilespmem:v21+s19+$0x0], $0xffff;
	v14 =	vshll.u32 v5, $0x1;
	v1 =	vmul.f32 v9, v1;
	v9 =	vand.u32 $0x7F, v5  }
0x19e: {  	v22 =	vmul.f32 v22, v30;
	v30 =	vld.idx.msk [tilespmem:v12+s5+$0x0], $0xffff;
	v14 =	vand.u32 $0xFFFFFF00, v14;
	vm0 =	vge.f32 v13, $1.000000000e+00  }
0x19f: {  	v33 =	vunpack.i.u.bf16.f32 v33;
	v14 =	vor.u32 v9, v14;
	v9 =	vld.idx.msk [tilespmem:v6+s5+$0x0], $0xffff;
	v23 =	vsel vm0, v13, v1  }
0x1a0: {  	v41 =	vunpack.i.u.bf16.f32 v57;
	v61 =	vunpack.i.l.bf16.f32 v40;
	v13 =	vshll.u32 v7, $0x1;
	[tilespmem:v2+s29+$0x0] =	vst.idx.add.f32.msk $0xffff, v23  }
0x1a1: {  	v37 =	vmul.f32 v38, v37;
	v1 =	vand.u32 $0x7F, v7;
	v13 =	vand.u32 $0xFFFFFF00, v13;
	v0 =	vld.idx.msk [tilespmem:v0+s22+$0x0], $0xffff  }
0x1a2: {  	v28 =	vmul.f32 v28, v39;
	v16 =	vor.u32 v1, v13;
	v13 =	vor.u32 v24, v15;
	v24 =	vld.idx.msk [tilespmem:v7+s19+$0x0], $0xffff  }
0x1a3: {  	v62 =	vunpack.i.l.bf16.f32 v60;
	v26 =	vmul.f32 v29, v26;
	v2 =	vand.u32 $0x7F, v2  }
0x1a4: {  	vm11 =	vge.f32 v28, $1.000000000e+00;
	vm2 =	vge.f32 v37, $1.000000000e+00;
	v2 =	vor.u32 v2, v27;
	v27 =	vld.idx.msk [tilespmem:v4+s5+$0x0], $0xffff  }
0x1a5: {  	v43 =	vor.u32 $0x80, v14;
	v28 =	vsel vm11, v28, v22;
	v22 =	vunpack.i.u.bf16.f32 v30  }
0x1a6: {  	v30 =	vunpack.i.l.bf16.f32 v30;
	v32 =	vor.u32 $0x80, v2;
	v31 =	vunpack.i.l.bf16.f32 v9  }
0x1a7: {  	v34 =	vunpack.i.l.bf16.f32 v0;
	v35 =	vunpack.i.l.bf16.f32 v24;
	v0 =	vunpack.i.u.bf16.f32 v0  }
0x1a8: {  	v34 =	vmul.f32 v34, v23;
	v0 =	vmul.f32 v23, v0;
	v23 =	vunpack.i.u.bf16.f32 v24;
	v24 =	vld.idx.msk [tilespmem:v19+s19+$0x0], $0xffff  }
0x1a9: {  	v9 =	vunpack.i.u.bf16.f32 v9;
	v58 =	vunpack.i.l.bf16.f32 v27;
	v31 =	vmul.f32 v35, v31  }
0x1aa: {  	v27 =	vunpack.i.u.bf16.f32 v27;
	v38 =	vmul.f32 v59, v58;
	v9 =	vmul.f32 v23, v9;
	v23 =	vld.idx.msk [tilespmem:v36+s19+$0x0], $0xffff  }
0x1ab: {  	v35 =	vunpack.i.l.bf16.f32 v57;
	v27 =	vmul.f32 v33, v27;
	vm1 =	vge.f32 v31, $1.000000000e+00;
	[tilespmem:v2+s30+$0x0] =	vst.idx.add.f32.msk $0xffff, v34  }
0x1ac: {  	v2 =	vunpack.i.u.bf16.f32 v40;
	vm12 =	vge.f32 v38, $1.000000000e+00;
	[tilespmem:v32+s30+$0x0] =	vst.idx.add.f32.msk $0xffff, v0;
	v0 =	vunpack.i.u.bf16.f32 v60  }
0x1ad: {  	[tilespmem:v5+s29+$0x0] =	vst.idx.add.f32.msk $0xffff, v28;
	v32 =	vmul.f32 v62, v61;
	v42 =	vunpack.i.u.bf16.f32 v24;
	v24 =	vunpack.i.l.bf16.f32 v24  }
0x1ae: {  	v63 =	vld.idx.msk [tilespmem:v20+s22+$0x0], $0xffff;
	v31 =	vsel vm1, v31, v9;
	v0 =	vmul.f32 v0, v2;
	v24 =	vmul.f32 v24, v35  }
0x1af: {  	[tilespmem:v7+s29+$0x0] =	vst.idx.add.f32.msk $0xffff, v31;
	v2 =	vunpack.i.u.bf16.f32 v23;
	v5 =	vunpack.i.l.bf16.f32 v23;
	v23 =	vsel vm2, v37, v26  }
0x1b0: {  	vm14 =	vge.f32 v32, $1.000000000e+00;
	v29 =	vmul.f32 v42, v41;
	v26 =	vsel vm12, v38, v27;
	[tilespmem:v8+s29+$0x0] =	vst.idx.add.f32.msk $0xffff, v23  }
0x1b1: {  	v5 =	vmul.f32 v5, v30;
	v2 =	vmul.f32 v2, v22;
	[tilespmem:v18+s29+$0x0] =	vst.idx.add.f32.msk $0xffff, v26;
	vm13 =	vge.f32 v24, $1.000000000e+00  }
0x1b2: {  	v22 =	vsel vm13, v24, v29;
	v24 =	vsel vm14, v32, v0;
	v0 =	vand.u32 $0x7F, v18;
	v18 =	vld.idx.msk [tilespmem:v6+s22+$0x0], $0xffff  }
0x1b3: {  	v15 =	vor.u32 $0x80, v16;
	v17 =	vor.u32 $0x80, v13;
	v7 =	vshll.u32 v19, $0x1;
	[tilespmem:v19+s29+$0x0] =	vst.idx.add.f32.msk $0xffff, v22  }
0x1b4: {  	v9 =	vshll.u32 v36, $0x1;
	v7 =	vand.u32 $0xFFFFFF00, v7;
	vm15 =	vge.f32 v5, $1.000000000e+00;
	[tilespmem:v21+s29+$0x0] =	vst.idx.add.f32.msk $0xffff, v24  }
0x1b5: {  	v8 =	vshll.u32 v21, $0x1;
	v20 =	vsel vm15, v5, v2;
	v2 =	vand.u32 $0x7F, v19;
	v19 =	vld.idx.msk [tilespmem:v3+s22+$0x0], $0xffff  }
0x1b6: {  	v8 =	vand.u32 $0xFFFFFF00, v8;
	v5 =	vor.u32 v0, v25;
	v0 =	vand.u32 $0x7F, v21;
	v21 =	vld.idx.msk [tilespmem:v4+s22+$0x0], $0xffff  }
0x1b7: {  	v6 =	vand.u32 $0x7F, v36;
	v25 =	vunpack.i.u.bf16.f32 v63;
	[tilespmem:v36+s29+$0x0] =	vst.idx.add.f32.msk $0xffff, v20;
	v2 =	vor.u32 v2, v7  }
0x1b8: {  	v7 =	vor.u32 $0x80, v5;
	v3 =	vor.u32 v0, v8;
	v0 =	vand.u32 $0xFFFFFF00, v9;
	v11 =	vld.idx.msk [tilespmem:v11+s22+$0x0], $0xffff  }
0x1b9: {  	v29 =	vld.idx.msk [tilespmem:v10+s22+$0x0], $0xffff;
	v10 =	vmul.f32 v28, v25;
	v6 =	vor.u32 v6, v0;
	v0 =	vunpack.i.l.bf16.f32 v63  }
0x1ba: {  	v8 =	vor.u32 $0x80, v2;
	v9 =	vor.u32 $0x80, v3;
	v25 =	vld.idx.msk [tilespmem:v12+s22+$0x0], $0xffff;
	v0 =	vmul.f32 v0, v28  }
0x1bb: {  	v4 =	vor.u32 $0x80, v6;
	v12 =	vunpack.i.u.bf16.f32 v18;
	v18 =	vunpack.i.l.bf16.f32 v18  }
0x1bc: {  	[tilespmem:v14+s30+$0x0] =	vst.idx.add.f32.msk $0xffff, v0;
	v0 =	vmul.f32 v18, v31;
	v18 =	vunpack.i.u.bf16.f32 v19;
	v19 =	vunpack.i.l.bf16.f32 v19  }
0x1bd: {  	v12 =	vmul.f32 v31, v12;
	v14 =	vunpack.i.u.bf16.f32 v21;
	v1 =	vunpack.i.l.bf16.f32 v21;
	[tilespmem:v43+s30+$0x0] =	vst.idx.add.f32.msk $0xffff, v10  }
0x1be: {  	v10 =	vunpack.i.u.bf16.f32 v11;
	v27 =	vmul.f32 v23, v18;
	[tilespmem:v16+s30+$0x0] =	vst.idx.add.f32.msk $0xffff, v0;
	v0 =	vmul.f32 v19, v23  }
0x1bf: {  	v30 =	vmul.f32 v1, v26;
	v16 =	vunpack.i.l.bf16.f32 v11;
	v11 =	vunpack.i.u.bf16.f32 v25;
	[tilespmem:v15+s30+$0x0] =	vst.idx.add.f32.msk $0xffff, v12  }
0x1c0: {  	s20 =	simm.s32 $0x0;
	s21 =	simm.s32 $0x100C0;
	v12 =	vunpack.i.u.bf16.f32 v29;
	v15 =	vunpack.i.l.bf16.f32 v29;
	[tilespmem:v13+s30+$0x0] =	vst.idx.add.f32.msk $0xffff, v0;
	v13 =	vunpack.i.l.bf16.f32 v25  }
.LBB2_19:
0x1c1: {  	v0 =	vld [tilespmem:s21+$0x30]  }
0x1c2: {  	v35 =	vmul.f32 v26, v14;
	v14 =	vld [tilespmem:s21+$0xFFFFFFD0]  }
0x1c3: {  	v29 =	vmul.f32 v15, v24;
	v15 =	vld [tilespmem:s21+$0xFFFFFFE0]  }
0x1c4: {  	v18 =	vld [tilespmem:s21+$0xFFFFFFF0]  }
0x1c5: {  	v21 =	vld [tilespmem:s21+$0x0]  }
0x1c6: {  	s23 =	sadd.s32 $0x80, s23;
	v25 =	vld [tilespmem:s21+$0x20]  }
0x1c7: {  	v33 =	vmul.f32 v16, v22;
	v38 =	vld [tilespmem:s23+$0x30]  }
0x1c8: {  	v31 =	vmul.f32 v22, v10;
	v26 =	vmul.f32 v24, v12;
	v22 =	vld [tilespmem:s23+$0xFFFFFFC0]  }
0x1c9: {  	v24 =	vmul.f32 v13, v20;
	v1 =	vmul.f32 v20, v11;
	v20 =	vld [tilespmem:s23+$0xFFFFFFD0]  }
0x1ca: {  	v19 =	vld [tilespmem:s23+$0xFFFFFFE0]  }
0x1cb: {  	v28 =	vld [tilespmem:s23+$0xFFFFFFF0]  }
0x1cc: {  	v34 =	vld [tilespmem:s23+$0x10]  }
0x1cd: {  	v32 =	vld [tilespmem:s23+$0x0]  }
0x1ce: {  	v36 =	vld [tilespmem:s23+$0x20]  }
0x1cf: {  	v37 =	vld.idx.msk [tilespmem:v0+s5+$0x0], $0xffff  }
0x1d0: {  	v39 =	vld.idx.msk [tilespmem:v38+s19+$0x0], $0xffff  }
0x1d1: {  	v11 =	vand.u32 $0x7F, v22;
	v48 =	vshll.u32 v34, $0x1;
	v46 =	vld.idx.msk [tilespmem:v14+s5+$0x0], $0xffff  }
0x1d2: {  	v12 =	vshll.u32 v22, $0x1;
	v41 =	vshll.u32 v28, $0x1;
	v56 =	vand.u32 $0xFFFFFF00, v48;
	v48 =	vld.idx.msk [tilespmem:v15+s5+$0x0], $0xffff  }
0x1d3: {  	v45 =	vand.u32 $0x7F, v28;
	v58 =	vshll.u32 v36, $0x1;
	v41 =	vand.u32 $0xFFFFFF00, v41;
	v63 =	vld.idx.msk [tilespmem:v22+s19+$0x0], $0xffff  }
0x1d4: {  	v57 =	vand.u32 $0x7F, v36;
	v59 =	vand.u32 $0xFFFFFF00, v58;
	v41 =	vor.u32 v45, v41;
	v49 =	vld.idx.msk [tilespmem:v20+s19+$0x0], $0xffff  }
0x1d5: {  	v45 =	vor.u32 v57, v59;
	v53 =	vld.idx.msk [tilespmem:v19+s19+$0x0], $0xffff;
	v42 =	vunpack.i.l.bf16.f32 v37;
	v43 =	vunpack.i.l.bf16.f32 v39  }
0x1d6: {  	v59 =	vld.idx.msk [tilespmem:v28+s19+$0x0], $0xffff;
	v44 =	vunpack.i.u.bf16.f32 v37;
	v39 =	vunpack.i.u.bf16.f32 v39;
	v42 =	vmul.f32 v43, v42  }
0x1d7: {  	v23 =	vshll.u32 v19, $0x1;
	v62 =	vshll.u32 v32, $0x1;
	v37 =	vld [tilespmem:s21+$0xFFFFFFC0];
	v39 =	vmul.f32 v39, v44  }
0x1d8: {  	[tilespmem:$0x1FFE0] =	vst v1;
	v47 =	vand.u32 $0x7F, v32;
	v12 =	vand.u32 $0xFFFFFF00, v12;
	v1 =	vld.idx.msk [tilespmem:v36+s19+$0x0], $0xffff;
	vm0 =	vge.f32 v42, $1.000000000e+00  }
0x1d9: {  	v16 =	vor.u32 v11, v12;
	v12 =	vshll.u32 v20, $0x1;
	[tilespmem:v17+s30+$0x0] =	vst.idx.add.f32.msk $0xffff, v27;
	v39 =	vsel vm0, v42, v39  }
0x1da: {  	v55 =	vand.u32 $0x7F, v34;
	v11 =	vand.u32 $0x7F, v20;
	v12 =	vand.u32 $0xFFFFFF00, v12;
	[tilespmem:v38+s29+$0x0] =	vst.idx.add.f32.msk $0xffff, v39  }
0x1db: {  	v23 =	vand.u32 $0xFFFFFF00, v23;
	v12 =	vor.u32 v11, v12;
	v11 =	vand.u32 $0x7F, v19;
	v0 =	vld.idx.msk [tilespmem:v0+s22+$0x0], $0xffff  }
0x1dc: {  	v60 =	vshll.u32 v38, $0x1;
	v11 =	vor.u32 v11, v23;
	v23 =	vld [tilespmem:s21+$0x10];
	v52 =	vunpack.i.l.bf16.f32 v63  }
0x1dd: {  	v61 =	vunpack.i.l.bf16.f32 v49;
	v43 =	vand.u32 $0xFFFFFF00, v62;
	v44 =	vunpack.i.u.bf16.f32 v63;
	v62 =	vld.idx.msk [tilespmem:v21+s5+$0x0], $0xffff  }
0x1de: {  	v63 =	vld.idx.msk [tilespmem:v32+s19+$0x0], $0xffff;
	v43 =	vor.u32 v47, v43;
	v47 =	vand.u32 $0xFFFFFF00, v60;
	v38 =	vand.u32 $0x7F, v38  }
0x1df: {  	v42 =	vor.u32 v55, v56;
	v55 =	vunpack.i.l.bf16.f32 v46;
	v47 =	vor.u32 v38, v47;
	v54 =	vld.idx.msk [tilespmem:v37+s5+$0x0], $0xffff  }
0x1e0: {  	[tilespmem:v2+s30+$0x0] =	vst.idx.add.f32.msk $0xffff, v33;
	v55 =	vmul.f32 v61, v55;
	v58 =	vor.u32 $0x80, v47;
	v60 =	vunpack.i.l.bf16.f32 v0  }
0x1e1: {  	v56 =	vld.idx.msk [tilespmem:v18+s5+$0x0], $0xffff;
	v61 =	vunpack.i.l.bf16.f32 v48;
	v0 =	vunpack.i.u.bf16.f32 v0;
	v60 =	vmul.f32 v60, v39  }
0x1e2: {  	[tilespmem:v8+s30+$0x0] =	vst.idx.add.f32.msk $0xffff, v31;
	v0 =	vmul.f32 v39, v0;
	v39 =	vunpack.i.u.bf16.f32 v49;
	v49 =	vunpack.i.l.bf16.f32 v53  }
0x1e3: {  	v46 =	vunpack.i.u.bf16.f32 v46;
	[tilespmem:v5+s30+$0x0] =	vst.idx.add.f32.msk $0xffff, v30;
	v48 =	vunpack.i.u.bf16.f32 v48;
	v49 =	vmul.f32 v49, v61  }
0x1e4: {  	v61 =	vunpack.i.l.bf16.f32 v62;
	[tilespmem:v47+s30+$0x0] =	vst.idx.add.f32.msk $0xffff, v60;
	v47 =	vunpack.i.u.bf16.f32 v54;
	v54 =	vunpack.i.l.bf16.f32 v54  }
0x1e5: {  	v39 =	vmul.f32 v39, v46;
	[tilespmem:v58+s30+$0x0] =	vst.idx.add.f32.msk $0xffff, v0;
	v0 =	vmul.f32 v52, v54;
	v52 =	vunpack.i.u.bf16.f32 v53  }
0x1e6: {  	[tilespmem:v7+s30+$0x0] =	vst.idx.add.f32.msk $0xffff, v35;
	v53 =	vunpack.i.l.bf16.f32 v56;
	v56 =	vunpack.i.u.bf16.f32 v56;
	v58 =	vunpack.i.u.bf16.f32 v59  }
0x1e7: {  	v60 =	vld.idx.msk [tilespmem:v34+s19+$0x0], $0xffff;
	v59 =	vunpack.i.l.bf16.f32 v59;
	v44 =	vmul.f32 v44, v47;
	v47 =	vunpack.i.u.bf16.f32 v63  }
0x1e8: {  	v54 =	vld.idx.msk [tilespmem:v23+s5+$0x0], $0xffff;
	v63 =	vunpack.i.l.bf16.f32 v63;
	vm2 =	vge.f32 v49, $1.000000000e+00;
	v53 =	vmul.f32 v59, v53  }
0x1e9: {  	v59 =	vunpack.i.u.bf16.f32 v62;
	v62 =	vld.idx.msk [tilespmem:v25+s5+$0x0], $0xffff;
	v46 =	vmul.f32 v63, v61;
	v27 =	vmul.f32 v52, v48  }
0x1ea: {  	[tilespmem:v3+s30+$0x0] =	vst.idx.add.f32.msk $0xffff, v29;
	v48 =	vmul.f32 v58, v56;
	vm1 =	vge.f32 v0, $1.000000000e+00;
	v30 =	vmul.f32 v47, v59  }
0x1eb: {  	[tilespmem:v9+s30+$0x0] =	vst.idx.add.f32.msk $0xffff, v26;
	vm3 =	vge.f32 v53, $1.000000000e+00;
	v0 =	vsel vm1, v0, v44;
	vm14 =	vge.f32 v46, $1.000000000e+00  }
0x1ec: {  	[tilespmem:v6+s30+$0x0] =	vst.idx.add.f32.msk $0xffff, v24;
	v27 =	vsel vm2, v49, v27;
	v63 =	vunpack.i.u.bf16.f32 v60;
	v58 =	vunpack.i.l.bf16.f32 v60  }
0x1ed: {  	[tilespmem:v22+s29+$0x0] =	vst.idx.add.f32.msk $0xffff, v0;
	v26 =	vsel vm3, v53, v48;
	v22 =	vsel vm14, v46, v30;
	v61 =	vunpack.i.l.bf16.f32 v54  }
0x1ee: {  	[tilespmem:v19+s29+$0x0] =	vst.idx.add.f32.msk $0xffff, v27;
	v47 =	vunpack.i.u.bf16.f32 v54;
	v59 =	vmul.f32 v58, v61;
	v60 =	vunpack.i.u.bf16.f32 v62  }
0x1ef: {  	v37 =	vld.idx.msk [tilespmem:v37+s22+$0x0], $0xffff;
	v61 =	vunpack.i.l.bf16.f32 v62;
	v62 =	vunpack.i.u.bf16.f32 v1;
	v1 =	vunpack.i.l.bf16.f32 v1  }
0x1f0: {  	vm13 =	vge.f32 v55, $1.000000000e+00;
	[tilespmem:v28+s29+$0x0] =	vst.idx.add.f32.msk $0xffff, v26;
	v31 =	vmul.f32 v63, v47;
	v1 =	vmul.f32 v1, v61  }
0x1f1: {  	[tilespmem:v32+s29+$0x0] =	vst.idx.add.f32.msk $0xffff, v22;
	v63 =	vsel vm13, v55, v39;
	v29 =	vmul.f32 v62, v60;
	vm4 =	vge.f32 v59, $1.000000000e+00  }
0x1f2: {  	[tilespmem:v20+s29+$0x0] =	vst.idx.add.f32.msk $0xffff, v63;
	vm15 =	vge.f32 v1, $1.000000000e+00;
	v24 =	vsel vm4, v59, v31  }
0x1f3: {  	v20 =	vsel vm15, v1, v29;
	[tilespmem:v34+s29+$0x0] =	vst.idx.add.f32.msk $0xffff, v24  }
0x1f4: {  	v1 =	vunpack.i.u.bf16.f32 v37;
	v19 =	vunpack.i.l.bf16.f32 v37;
	[tilespmem:v36+s29+$0x0] =	vst.idx.add.f32.msk $0xffff, v20  }
0x1f5: {  	v19 =	vmul.f32 v19, v0;
	v0 =	vmul.f32 v0, v1;
	v1 =	vld.idx.msk [tilespmem:v14+s22+$0x0], $0xffff  }
0x1f6: {  	v14 =	vld.idx.msk [tilespmem:v15+s22+$0x0], $0xffff  }
0x1f7: {  	v10 =	vor.u32 $0x80, v16;
	v15 =	vld.idx.msk [tilespmem:v18+s22+$0x0], $0xffff  }
0x1f8: {  	v18 =	vld.idx.msk [tilespmem:v21+s22+$0x0], $0xffff  }
0x1f9: {  	v21 =	vld.idx.msk [tilespmem:v23+s22+$0x0], $0xffff  }
0x1fa: {  	v50 =	vor.u32 $0x80, v41;
	v23 =	vld.idx.msk [tilespmem:v25+s22+$0x0], $0xffff  }
0x1fb: {  	v13 =	vor.u32 $0x80, v12;
	v40 =	vor.u32 $0x80, v11;
	[tilespmem:v16+s30+$0x0] =	vst.idx.add.f32.msk $0xffff, v19;
	v16 =	vunpack.i.u.bf16.f32 v1  }
0x1fc: {  	s20 =	sadd.s32 $0x8, s20;
	[tilespmem:v10+s30+$0x0] =	vst.idx.add.f32.msk $0xffff, v0;
	v1 =	vunpack.i.l.bf16.f32 v1;
	v10 =	vunpack.i.l.bf16.f32 v14;
	v25 =	vunpack.i.l.bf16.f32 v15  }
0x1fd: {  	p0 =	slt.u32 s20, $0xF0;
	v0 =	vmul.f32 v1, v63;
	v1 =	vunpack.i.u.bf16.f32 v14;
	v14 =	vunpack.i.u.bf16.f32 v15;
	v15 =	vld [tilespmem:$0x1FFE0]  }
.Ltmp11:
0x1fe: {  	v17 =	vmovc v40;
	v51 =	vor.u32 $0x80, v43;
	v2 =	vmovc v43;
	v5 =	vmov v41;
	v19 =	vmul.f32 v63, v16;
	(pc) =	sbr.rel @p0 .LBB2_19-.Ltmp11, $4  }
0x1ff: {  	v8 =	vmovc v51;
	v57 =	vor.u32 $0x80, v42;
	v7 =	vmov v50;
	[tilespmem:v12+s30+$0x0] =	vst.idx.add.f32.msk $0xffff, v0;
	v0 =	vmul.f32 v10, v27  }
0x200: {  	v38 =	vor.u32 $0x80, v45;
	v3 =	vmovc v42;
	v16 =	vunpack.i.l.bf16.f32 v18;
	v30 =	vmul.f32 v25, v26;
	[tilespmem:v13+s30+$0x0] =	vst.idx.add.f32.msk $0xffff, v19  }
0x201: {  	v6 =	vmovc v45;
	v10 =	vunpack.i.u.bf16.f32 v18;
	v27 =	vmul.f32 v27, v1;
	v12 =	vunpack.i.u.bf16.f32 v21;
	[tilespmem:v11+s30+$0x0] =	vst.idx.add.f32.msk $0xffff, v0  }
0x202: {  	s21 =	sadd.s32 $0x80, s21;
	v9 =	vmovc v57;
	v13 =	vunpack.i.l.bf16.f32 v23;
	v11 =	vunpack.i.u.bf16.f32 v23;
	[tilespmem:v4+s30+$0x0] =	vst.idx.add.f32.msk $0xffff, v15;
	v4 =	vmovc v38;
	v15 =	vunpack.i.l.bf16.f32 v21  }
0x203: {  	_ =	sdelay $0x3  }
0x204: {  	v0 =	vmul.f32 v26, v14;
	[tilespmem:v17+s30+$0x0] =	vst.idx.add.f32.msk $0xffff, v27  }
0x205: {  	v1 =	vmul.f32 v16, v22;
	[tilespmem:v5+s30+$0x0] =	vst.idx.add.f32.msk $0xffff, v30  }
0x206: {  	v60 =	vmul.f32 v15, v24;
	[tilespmem:v7+s30+$0x0] =	vst.idx.add.f32.msk $0xffff, v0  }
0x207: {  	v62 =	vmul.f32 v13, v20;
	[tilespmem:v2+s30+$0x0] =	vst.idx.add.f32.msk $0xffff, v1  }
0x208: {  	v59 =	vmul.f32 v22, v10;
	[tilespmem:v3+s30+$0x0] =	vst.idx.add.f32.msk $0xffff, v60  }
0x209: {  	v61 =	vmul.f32 v24, v12;
	[tilespmem:v6+s30+$0x0] =	vst.idx.add.f32.msk $0xffff, v62  }
0x20a: {  	v63 =	vmul.f32 v20, v11;
	[tilespmem:v8+s30+$0x0] =	vst.idx.add.f32.msk $0xffff, v59  }
0x20b: {  	[tilespmem:v9+s30+$0x0] =	vst.idx.add.f32.msk $0xffff, v61  }
0x20c: {  	[tilespmem:v4+s30+$0x0] =	vst.idx.add.f32.msk $0xffff, v63  }
.LBB2_21:
0x20d: {  	s20 =	sshra.s32 s5, $0x2  }
0x20e: {  	v0 =	vld [tilespmem:s20+$0x10F80]  }
0x20f: {  	v1 =	vld [tilespmem:s20+$0x12F80];
	_ =	sdelay $0x6  }
0x210: {  	v2 =	vld.idx.msk [tilespmem:v0+s3+$0x0], $0xffff  }
0x211: {  	v3 =	vld.idx.msk [tilespmem:v1+s19+$0x0], $0xffff;
	_ =	sdelay $0x4  }
0x212: {  	v4 =	vunpack.i.l.bf16.f32 v2;
	v5 =	vunpack.i.l.bf16.f32 v3  }
0x213: {  	v2 =	vunpack.i.u.bf16.f32 v2;
	v3 =	vunpack.i.u.bf16.f32 v3;
	v4 =	vmul.f32 v5, v4  }
0x214: {  	v2 =	vmul.f32 v3, v2  }
0x215: {  	vm0 =	vge.f32 v4, $1.000000000e+00  }
0x216: {  	v2 =	vsel vm0, v4, v2  }
0x217: {  	[tilespmem:v1+s29+$0x0] =	vst.idx.add.f32.msk $0xffff, v2  }
0x218: {  	v0 =	vld.idx.msk [tilespmem:v0+s22+$0x0], $0xffff  }
0x219: {  	v62 =	vshll.u32 v1, $0x1  }
0x21a: {  	v3 =	vand.u32 $0xFFFFFF00, v62;
	v1 =	vand.u32 $0x7F, v1  }
0x21b: {  	v1 =	vor.u32 v1, v3  }
0x21c: {  	p0 =	seq.s32 s5, $0x40;
	v3 =	vor.u32 $0x80, v1  }
.Ltmp12:
0x21d: {  	v63 =	vunpack.i.l.bf16.f32 v0;
	(pc) =	sbr.rel @!p0 .LBB2_21-.Ltmp12, $4  }
0x21e: {  	v0 =	vunpack.i.u.bf16.f32 v0;
	v4 =	vmul.f32 v63, v2  }
0x21f: {  	v0 =	vmul.f32 v2, v0  }
0x220: {  	[tilespmem:v1+s30+$0x0] =	vst.idx.add.f32.msk $0xffff, v4  }
0x221: {  	s5 =	sadd.s32 $0x40, s5;
	[tilespmem:v3+s30+$0x0] =	vst.idx.add.f32.msk $0xffff, v0  }
.Ltmp13:
0x222: {  	_ = 	snop;
	(pc) =	sbr.rel .LBB2_22-.Ltmp13, $1  }
0x223: {  	_ =	sdelay $0x3  }
.LBB2_14:
0x224: {  	s21 =	simm.s32 @p0 $0x10040  }
0x225: {  	s23 =	simm.s32 @p0 $0x12040;
	v0 =	vld [tilespmem:s21+$0x30]  }
0x226: {  	v1 =	vld [tilespmem:s23+$0x30]  }
0x227: {  	v2 =	vld [tilespmem:s23+$0xFFFFFFC0]  }
0x228: {  	v7 =	vld [tilespmem:s21+$0xFFFFFFD0]  }
0x229: {  	v3 =	vld [tilespmem:s23+$0xFFFFFFD0]  }
0x22a: {  	v14 =	vld [tilespmem:s21+$0xFFFFFFE0]  }
0x22b: {  	v4 =	vld [tilespmem:s23+$0xFFFFFFE0]  }
0x22c: {  	v15 =	vld [tilespmem:s21+$0xFFFFFFF0]  }
0x22d: {  	v17 =	vld [tilespmem:s21+$0x0]  }
0x22e: {  	v19 =	vld [tilespmem:s23+$0x0];
	v5 =	vshll.u32 v2, $0x1  }
0x22f: {  	v21 =	vld [tilespmem:s23+$0x10];
	v8 =	vand.u32 $0x7F, v2;
	v5 =	vand.u32 $0xFFFFFF00, v5  }
0x230: {  	s5 =	simm.s32 $0x0;
	v10 =	vor.u32 v8, v5;
	v5 =	vld [tilespmem:s23+$0xFFFFFFF0]  }
0x231: {  	v6 =	vld.idx.msk [tilespmem:v0+s5+$0x0], $0xffff  }
0x232: {  	v9 =	vshll.u32 v3, $0x1;
	v11 =	vshll.u32 v4, $0x1;
	v18 =	vand.u32 $0x7F, v4;
	v16 =	vld.idx.msk [tilespmem:v1+s19+$0x0], $0xffff  }
0x233: {  	v9 =	vand.u32 $0xFFFFFF00, v9;
	v11 =	vand.u32 $0xFFFFFF00, v11;
	v8 =	vand.u32 $0x7F, v3;
	v0 =	vld.idx.msk [tilespmem:v0+s22+$0x0], $0xffff  }
0x234: {  	v12 =	vor.u32 v8, v9;
	v8 =	vor.u32 v18, v11;
	v18 =	vld [tilespmem:s21+$0x10]  }
0x235: {  	v20 =	vand.u32 $0x7F, v1;
	v40 =	vld.idx.msk [tilespmem:v7+s5+$0x0], $0xffff  }
0x236: {  	v28 =	vshll.u32 v21, $0x1;
	v32 =	vand.u32 $0x7F, v21;
	v13 =	vor.u32 $0x80, v10;
	v29 =	vld.idx.msk [tilespmem:v3+s19+$0x0], $0xffff  }
0x237: {  	v1 =	vshll.u32 v1, $0x1;
	v30 =	vld.idx.msk [tilespmem:v2+s19+$0x0], $0xffff;
	v2 =	vand.u32 $0xFFFFFF00, v28;
	v11 =	vor.u32 $0x80, v12  }
0x238: {  	v41 =	vld.idx.msk [tilespmem:v14+s5+$0x0], $0xffff;
	v9 =	vor.u32 $0x80, v8;
	v1 =	vand.u32 $0xFFFFFF00, v1;
	v2 =	vor.u32 v32, v2  }
0x239: {  	v37 =	vld.idx.msk [tilespmem:v7+s22+$0x0], $0xffff;
	v20 =	vor.u32 v20, v1;
	v1 =	vshll.u32 v19, $0x1;
	v7 =	vor.u32 $0x80, v2  }
0x23a: {  	v34 =	vld.idx.msk [tilespmem:v4+s19+$0x0], $0xffff;
	v26 =	vor.u32 $0x80, v20;
	v1 =	vand.u32 $0xFFFFFF00, v1;
	v25 =	vshll.u32 v5, $0x1  }
0x23b: {  	v46 =	vld.idx.msk [tilespmem:v17+s5+$0x0], $0xffff;
	v3 =	vand.u32 $0x7F, v5;
	v22 =	vunpack.i.l.bf16.f32 v6;
	v23 =	vunpack.i.l.bf16.f32 v16  }
0x23c: {  	v44 =	vld.idx.msk [tilespmem:v15+s5+$0x0], $0xffff;
	v6 =	vunpack.i.u.bf16.f32 v6;
	v16 =	vunpack.i.u.bf16.f32 v16;
	v25 =	vand.u32 $0xFFFFFF00, v25  }
0x23d: {  	v14 =	vld.idx.msk [tilespmem:v14+s22+$0x0], $0xffff;
	v27 =	vunpack.i.l.bf16.f32 v0;
	v0 =	vunpack.i.u.bf16.f32 v0;
	v42 =	vunpack.i.l.bf16.f32 v40  }
0x23e: {  	v15 =	vld.idx.msk [tilespmem:v15+s22+$0x0], $0xffff;
	v43 =	vunpack.i.l.bf16.f32 v29;
	v29 =	vunpack.i.u.bf16.f32 v29;
	v45 =	vunpack.i.u.bf16.f32 v30  }
0x23f: {  	v17 =	vld.idx.msk [tilespmem:v17+s22+$0x0], $0xffff;
	v30 =	vunpack.i.l.bf16.f32 v30;
	v47 =	vunpack.i.u.bf16.f32 v41;
	v28 =	vunpack.i.l.bf16.f32 v41  }
0x240: {  	v63 =	vld [tilespmem:s21+$0xFFFFFFC0];
	v48 =	vunpack.i.l.bf16.f32 v34;
	v34 =	vunpack.i.u.bf16.f32 v34;
	v51 =	vunpack.i.l.bf16.f32 v46  }
0x241: {  	v32 =	vunpack.i.u.bf16.f32 v44;
	v56 =	vunpack.i.u.bf16.f32 v37;
	v57 =	vunpack.i.l.bf16.f32 v37  }
0x242: {  	v58 =	vunpack.i.u.bf16.f32 v14;
	v14 =	vunpack.i.l.bf16.f32 v14;
	v22 =	vmul.f32 v23, v22  }
0x243: {  	v6 =	vmul.f32 v16, v6;
	v16 =	vld [tilespmem:s23+$0x20];
	v3 =	vor.u32 v3, v25;
	v25 =	vmul.f32 v43, v42  }
0x244: {  	v24 =	vld [tilespmem:s21+$0x20];
	v59 =	vunpack.i.u.bf16.f32 v15;
	v60 =	vunpack.i.u.bf16.f32 v17;
	vm0 =	vge.f32 v22, $1.000000000e+00  }
0x245: {  	v17 =	vunpack.i.l.bf16.f32 v17;
	v5 =	vld.idx.msk [tilespmem:v5+s19+$0x0], $0xffff;
	vm12 =	vge.f32 v25, $1.000000000e+00;
	v6 =	vsel vm0, v22, v6  }
0x246: {  	v35 =	vld.idx.msk [tilespmem:v18+s5+$0x0], $0xffff;
	v22 =	vunpack.i.u.bf16.f32 v40;
	v27 =	vmul.f32 v6, v27;
	v0 =	vmul.f32 v6, v0  }
0x247: {  	v21 =	vld.idx.msk [tilespmem:v21+s19+$0x0], $0xffff;
	v6 =	vand.u32 $0x7F, v19;
	v22 =	vmul.f32 v29, v22;
	v29 =	vunpack.i.u.bf16.f32 v46  }
0x248: {  	v31 =	vshll.u32 v16, $0x1;
	v33 =	vand.u32 $0x7F, v16;
	v1 =	vor.u32 v6, v1;
	v6 =	vld.idx.msk [tilespmem:v63+s5+$0x0], $0xffff  }
0x249: {  	v4 =	vand.u32 $0xFFFFFF00, v31;
	v22 =	vsel vm12, v25, v22;
	v25 =	vmul.f32 v48, v28  }
0x24a: {  	v18 =	vld.idx.msk [tilespmem:v18+s22+$0x0], $0xffff;
	v50 =	vunpack.i.l.bf16.f32 v5;
	v5 =	vunpack.i.u.bf16.f32 v5;
	v4 =	vor.u32 v33, v4  }
0x24b: {  	v19 =	vld.idx.msk [tilespmem:v19+s19+$0x0], $0xffff;
	v33 =	vmul.f32 v34, v47;
	v53 =	vunpack.i.l.bf16.f32 v35;
	v32 =	vmul.f32 v5, v32  }
0x24c: {  	[tilespmem:v20+s30+$0x0] =	vst.idx.add.f32.msk $0xffff, v27;
	v5 =	vunpack.i.l.bf16.f32 v21;
	v35 =	vunpack.i.u.bf16.f32 v35;
	v21 =	vunpack.i.u.bf16.f32 v21  }
0x24d: {  	[tilespmem:v26+s30+$0x0] =	vst.idx.add.f32.msk $0xffff, v0;
	v0 =	vunpack.i.l.bf16.f32 v15;
	v36 =	vunpack.i.u.bf16.f32 v6;
	v6 =	vunpack.i.l.bf16.f32 v6  }
0x24e: {  	v27 =	vmul.f32 v22, v57;
	v16 =	vld.idx.msk [tilespmem:v16+s19+$0x0], $0xffff;
	v49 =	vmul.f32 v30, v6;
	v6 =	vunpack.i.l.bf16.f32 v44  }
0x24f: {  	v61 =	vunpack.i.u.bf16.f32 v18;
	v21 =	vmul.f32 v21, v35;
	v30 =	vmul.f32 v50, v6;
	v6 =	vld.idx.msk [tilespmem:v24+s5+$0x0], $0xffff  }
0x250: {  	vm1 =	vge.f32 v25, $1.000000000e+00;
	v52 =	vunpack.i.l.bf16.f32 v19;
	v19 =	vunpack.i.u.bf16.f32 v19  }
0x251: {  	v25 =	vsel vm1, v25, v33;
	v34 =	vmul.f32 v52, v51;
	v19 =	vmul.f32 v19, v29  }
0x252: {  	v23 =	vld.idx.msk [tilespmem:v63+s22+$0x0], $0xffff;
	v18 =	vunpack.i.l.bf16.f32 v18;
	v62 =	vmul.f32 v25, v14;
	v63 =	vmul.f32 v25, v58  }
0x253: {  	v31 =	vmul.f32 v45, v36;
	v36 =	vmul.f32 v5, v53;
	v55 =	vunpack.i.u.bf16.f32 v16  }
0x254: {  	v16 =	vunpack.i.l.bf16.f32 v16;
	v54 =	vunpack.i.u.bf16.f32 v6;
	v6 =	vunpack.i.l.bf16.f32 v6  }
0x255: {  	v5 =	vor.u32 $0x80, v3;
	vm14 =	vge.f32 v34, $1.000000000e+00;
	v16 =	vmul.f32 v16, v6  }
0x256: {  	v24 =	vld.idx.msk [tilespmem:v24+s22+$0x0], $0xffff;
	vm13 =	vge.f32 v49, $1.000000000e+00;
	vm3 =	vge.f32 v36, $1.000000000e+00;
	v29 =	vmul.f32 v55, v54  }
0x257: {  	s20 =	simm.s32 @p0 $0xFFFFFFF8;
	[tilespmem:v12+s30+$0x0] =	vst.idx.add.f32.msk $0xffff, v27;
	v19 =	vsel vm14, v34, v19;
	v28 =	vsel vm13, v49, v31;
	vm15 =	vge.f32 v16, $1.000000000e+00  }
0x258: {  	s20 =	sadd.s32 $0x8, s20;
	[tilespmem:v8+s30+$0x0] =	vst.idx.add.f32.msk $0xffff, v62;
	v29 =	vsel vm15, v16, v29;
	v16 =	vunpack.i.u.bf16.f32 v23;
	v23 =	vunpack.i.l.bf16.f32 v23  }
0x259: {  	p0 =	slt.u32 s20, $0xF0;
	[tilespmem:v9+s30+$0x0] =	vst.idx.add.f32.msk $0xffff, v63;
	vm2 =	vge.f32 v30, $1.000000000e+00;
	v21 =	vsel vm3, v36, v21;
	v23 =	vmul.f32 v28, v23  }
.Ltmp14:
0x25a: {  	v14 =	vmul.f32 v19, v17;
	v30 =	vsel vm2, v30, v32;
	v15 =	vmul.f32 v28, v16;
	(pc) =	sbr.rel @!p0 .LBB2_16-.Ltmp14, $4  }
0x25b: {  	v16 =	vmul.f32 v30, v0;
	v0 =	vunpack.i.u.bf16.f32 v24;
	[tilespmem:v10+s30+$0x0] =	vst.idx.add.f32.msk $0xffff, v23;
	v10 =	vmul.f32 v22, v56  }
0x25c: {  	v8 =	vor.u32 $0x80, v4;
	v12 =	vmul.f32 v21, v18;
	v9 =	vmul.f32 v29, v0;
	[tilespmem:v13+s30+$0x0] =	vst.idx.add.f32.msk $0xffff, v15  }
0x25d: {  	v15 =	vmul.f32 v30, v59;
	v13 =	vmul.f32 v19, v60;
	[tilespmem:v11+s30+$0x0] =	vst.idx.add.f32.msk $0xffff, v10;
	v10 =	vunpack.i.l.bf16.f32 v24  }
0x25e: {  	s21 =	sadd.s32 $0x80, s21;
	v6 =	vor.u32 $0x80, v1;
	v11 =	vmul.f32 v21, v61;
	v10 =	vmul.f32 v29, v10  }
.LBB2_15:
0x25f: {  	v0 =	vld [tilespmem:s21+$0x30];
	s23 =	sadd.s32 $0x80, s23  }
0x260: {  	v27 =	vld [tilespmem:s23+$0x30]  }
0x261: {  	s20 =	sadd.s32 $0x8, s20;
	v28 =	vld [tilespmem:s23+$0xFFFFFFC0]  }
0x262: {  	p0 =	slt.u32 s20, $0xF0;
	v23 =	vld [tilespmem:s21+$0xFFFFFFD0]  }
0x263: {  	v29 =	vld [tilespmem:s23+$0xFFFFFFD0]  }
0x264: {  	v24 =	vld [tilespmem:s21+$0xFFFFFFE0]  }
0x265: {  	v30 =	vld [tilespmem:s23+$0xFFFFFFE0]  }
0x266: {  	s5 =	simm.s32 $0x0;
	v17 =	vand.u32 $0x7F, v28;
	v18 =	vshll.u32 v28, $0x1;
	v25 =	vld [tilespmem:s21+$0xFFFFFFF0]  }
0x267: {  	v18 =	vand.u32 $0xFFFFFF00, v18;
	v31 =	vld.idx.msk [tilespmem:v0+s5+$0x0], $0xffff  }
0x268: {  	v17 =	vor.u32 v17, v18;
	v19 =	vand.u32 $0x7F, v29;
	v20 =	vshll.u32 v29, $0x1;
	v32 =	vld.idx.msk [tilespmem:v27+s19+$0x0], $0xffff  }
0x269: {  	v18 =	vor.u32 $0x80, v17;
	v20 =	vand.u32 $0xFFFFFF00, v20;
	v33 =	vld [tilespmem:s23+$0xFFFFFFF0]  }
0x26a: {  	v19 =	vor.u32 v19, v20;
	v20 =	vand.u32 $0x7F, v30;
	v22 =	vshll.u32 v30, $0x1;
	v26 =	vld [tilespmem:s21+$0x0]  }
0x26b: {  	v21 =	vor.u32 $0x80, v19;
	v22 =	vand.u32 $0xFFFFFF00, v22;
	v34 =	vld [tilespmem:s23+$0x0]  }
0x26c: {  	v22 =	vor.u32 v20, v22;
	v0 =	vld.idx.msk [tilespmem:v0+s22+$0x0], $0xffff  }
0x26d: {  	v36 =	vand.u32 $0x7F, v27;
	v27 =	vshll.u32 v27, $0x1;
	v20 =	vor.u32 $0x80, v22;
	v35 =	vld [tilespmem:s21+$0x10]  }
0x26e: {  	v27 =	vand.u32 $0xFFFFFF00, v27;
	v38 =	vunpack.i.l.bf16.f32 v31;
	v39 =	vunpack.i.l.bf16.f32 v32;
	v37 =	vld [tilespmem:s23+$0x10]  }
0x26f: {  	v31 =	vunpack.i.u.bf16.f32 v31;
	v32 =	vunpack.i.u.bf16.f32 v32;
	v38 =	vmul.f32 v39, v38;
	v40 =	vld [tilespmem:s21+$0x20]  }
0x270: {  	v27 =	vor.u32 v36, v27;
	v39 =	vshll.u32 v33, $0x1;
	v31 =	vmul.f32 v32, v31;
	v41 =	vld [tilespmem:s23+$0x20]  }
0x271: {  	v42 =	vor.u32 $0x80, v27;
	v36 =	vshll.u32 v34, $0x1;
	vm0 =	vge.f32 v38, $1.000000000e+00;
	v32 =	vld [tilespmem:s21+$0xFFFFFFC0]  }
0x272: {  	v39 =	vand.u32 $0xFFFFFF00, v39;
	v31 =	vsel vm0, v38, v31;
	v38 =	vunpack.i.l.bf16.f32 v0;
	v28 =	vld.idx.msk [tilespmem:v28+s19+$0x0], $0xffff  }
0x273: {  	v0 =	vunpack.i.u.bf16.f32 v0;
	v38 =	vmul.f32 v31, v38;
	v43 =	vld.idx.msk [tilespmem:v23+s5+$0x0], $0xffff;
	v44 =	vshll.u32 v37, $0x1  }
0x274: {  	v36 =	vand.u32 $0xFFFFFF00, v36;
	v0 =	vmul.f32 v31, v0;
	v29 =	vld.idx.msk [tilespmem:v29+s19+$0x0], $0xffff;
	v44 =	vand.u32 $0xFFFFFF00, v44  }
0x275: {  	v45 =	vand.u32 $0x7F, v34;
	v31 =	vand.u32 $0x7F, v33;
	v46 =	vshll.u32 v41, $0x1;
	[tilespmem:v27+s30+$0x0] =	vst.idx.add.f32.msk $0xffff, v38  }
0x276: {  	v27 =	vand.u32 $0x7F, v37;
	v38 =	vand.u32 $0x7F, v41;
	v46 =	vand.u32 $0xFFFFFF00, v46;
	[tilespmem:v42+s30+$0x0] =	vst.idx.add.f32.msk $0xffff, v0  }
0x277: {  	v36 =	vor.u32 v45, v36;
	v31 =	vor.u32 v31, v39;
	v27 =	vor.u32 v27, v44;
	v0 =	vld.idx.msk [tilespmem:v24+s5+$0x0], $0xffff  }
0x278: {  	v39 =	vunpack.i.u.bf16.f32 v28;
	v28 =	vunpack.i.l.bf16.f32 v28;
	v38 =	vor.u32 v38, v46;
	v30 =	vld.idx.msk [tilespmem:v30+s19+$0x0], $0xffff  }
0x279: {  	v45 =	vor.u32 $0x80, v31;
	v44 =	vunpack.i.u.bf16.f32 v43;
	v43 =	vunpack.i.l.bf16.f32 v43;
	v42 =	vld.idx.msk [tilespmem:v32+s5+$0x0], $0xffff  }
0x27a: {  	v48 =	vor.u32 $0x80, v36;
	v46 =	vunpack.i.u.bf16.f32 v29;
	v29 =	vunpack.i.l.bf16.f32 v29;
	v47 =	vld.idx.msk [tilespmem:v25+s5+$0x0], $0xffff  }
0x27b: {  	v29 =	vmul.f32 v29, v43;
	v43 =	vmul.f32 v46, v44;
	v44 =	vor.u32 $0x80, v27;
	v33 =	vld.idx.msk [tilespmem:v33+s19+$0x0], $0xffff  }
0x27c: {  	v49 =	vor.u32 $0x80, v38;
	v46 =	vld.idx.msk [tilespmem:v26+s5+$0x0], $0xffff  }
0x27d: {  	vm0 =	vge.f32 v29, $1.000000000e+00;
	v50 =	vunpack.i.u.bf16.f32 v0;
	v0 =	vunpack.i.l.bf16.f32 v0;
	v34 =	vld.idx.msk [tilespmem:v34+s19+$0x0], $0xffff  }
0x27e: {  	v29 =	vsel vm0, v29, v43;
	v43 =	vunpack.i.u.bf16.f32 v30;
	v30 =	vunpack.i.l.bf16.f32 v30;
	v51 =	vld.idx.msk [tilespmem:v35+s5+$0x0], $0xffff  }
0x27f: {  	v52 =	vunpack.i.u.bf16.f32 v42;
	v42 =	vunpack.i.l.bf16.f32 v42;
	v0 =	vmul.f32 v30, v0;
	v30 =	vld.idx.msk [tilespmem:v37+s19+$0x0], $0xffff  }
0x280: {  	v28 =	vmul.f32 v28, v42;
	v37 =	vunpack.i.u.bf16.f32 v47;
	v42 =	vunpack.i.l.bf16.f32 v47;
	v47 =	vld.idx.msk [tilespmem:v40+s5+$0x0], $0xffff  }
0x281: {  	v39 =	vmul.f32 v39, v52;
	v52 =	vunpack.i.u.bf16.f32 v33;
	v33 =	vunpack.i.l.bf16.f32 v33;
	v41 =	vld.idx.msk [tilespmem:v41+s19+$0x0], $0xffff  }
0x282: {  	v33 =	vmul.f32 v33, v42;
	v42 =	vunpack.i.u.bf16.f32 v46;
	v46 =	vunpack.i.l.bf16.f32 v46;
	v32 =	vld.idx.msk [tilespmem:v32+s22+$0x0], $0xffff  }
0x283: {  	v43 =	vmul.f32 v43, v50;
	v50 =	vunpack.i.u.bf16.f32 v34;
	v34 =	vunpack.i.l.bf16.f32 v34;
	v23 =	vld.idx.msk [tilespmem:v23+s22+$0x0], $0xffff  }
0x284: {  	v34 =	vmul.f32 v34, v46;
	v46 =	vunpack.i.u.bf16.f32 v51;
	v51 =	vunpack.i.l.bf16.f32 v51;
	v24 =	vld.idx.msk [tilespmem:v24+s22+$0x0], $0xffff  }
0x285: {  	v37 =	vmul.f32 v52, v37;
	v52 =	vunpack.i.u.bf16.f32 v30;
	v30 =	vunpack.i.l.bf16.f32 v30;
	v25 =	vld.idx.msk [tilespmem:v25+s22+$0x0], $0xffff  }
0x286: {  	v30 =	vmul.f32 v30, v51;
	v51 =	vunpack.i.u.bf16.f32 v47;
	v47 =	vunpack.i.l.bf16.f32 v47;
	v26 =	vld.idx.msk [tilespmem:v26+s22+$0x0], $0xffff  }
0x287: {  	v42 =	vmul.f32 v50, v42;
	v50 =	vunpack.i.u.bf16.f32 v41;
	v41 =	vunpack.i.l.bf16.f32 v41;
	v35 =	vld.idx.msk [tilespmem:v35+s22+$0x0], $0xffff  }
0x288: {  	vm0 =	vge.f32 v28, $1.000000000e+00;
	v46 =	vmul.f32 v52, v46;
	v41 =	vmul.f32 v41, v47;
	v40 =	vld.idx.msk [tilespmem:v40+s22+$0x0], $0xffff  }
0x289: {  	vm1 =	vge.f32 v0, $1.000000000e+00;
	vm2 =	vge.f32 v33, $1.000000000e+00;
	v47 =	vmul.f32 v50, v51;
	[tilespmem:v3+s30+$0x0] =	vst.idx.add.f32.msk $0xffff, v16;
	v3 =	vmovc v31  }
0x28a: {  	vm3 =	vge.f32 v34, $1.000000000e+00;
	vm4 =	vge.f32 v30, $1.000000000e+00;
	vm5 =	vge.f32 v41, $1.000000000e+00;
	[tilespmem:v5+s30+$0x0] =	vst.idx.add.f32.msk $0xffff, v15;
	v5 =	vmovc v45  }
0x28b: {  	v0 =	vsel vm1, v0, v43;
	v15 =	vsel vm0, v28, v39;
	v28 =	vsel vm2, v33, v37  }
0x28c: {  	v30 =	vsel vm4, v30, v46;
	v31 =	vsel vm3, v34, v42;
	v33 =	vsel vm5, v41, v47  }
0x28d: {  	v16 =	vunpack.i.u.bf16.f32 v32;
	v32 =	vunpack.i.l.bf16.f32 v32;
	v34 =	vunpack.i.u.bf16.f32 v23;
	[tilespmem:v1+s30+$0x0] =	vst.idx.add.f32.msk $0xffff, v14;
	v1 =	vmovc v36  }
0x28e: {  	v14 =	vunpack.i.l.bf16.f32 v23;
	v23 =	vunpack.i.u.bf16.f32 v24;
	v24 =	vunpack.i.l.bf16.f32 v24;
	[tilespmem:v6+s30+$0x0] =	vst.idx.add.f32.msk $0xffff, v13;
	v6 =	vmovc v48  }
0x28f: {  	v36 =	vunpack.i.u.bf16.f32 v26;
	v13 =	vunpack.i.u.bf16.f32 v25;
	v25 =	vunpack.i.l.bf16.f32 v25;
	[tilespmem:v2+s30+$0x0] =	vst.idx.add.f32.msk $0xffff, v12;
	v2 =	vmovc v27  }
0x290: {  	v12 =	vunpack.i.l.bf16.f32 v26;
	v26 =	vunpack.i.u.bf16.f32 v35;
	v27 =	vunpack.i.l.bf16.f32 v35;
	[tilespmem:v7+s30+$0x0] =	vst.idx.add.f32.msk $0xffff, v11;
	v7 =	vmovc v44  }
0x291: {  	v35 =	vunpack.i.l.bf16.f32 v40;
	v11 =	vmul.f32 v15, v32;
	v32 =	vunpack.i.u.bf16.f32 v40;
	[tilespmem:v4+s30+$0x0] =	vst.idx.add.f32.msk $0xffff, v10;
	v4 =	vmovc v38  }
0x292: {  	v14 =	vmul.f32 v29, v14;
	v10 =	vmul.f32 v15, v16;
	[tilespmem:v8+s30+$0x0] =	vst.idx.add.f32.msk $0xffff, v9;
	v8 =	vmov v49  }
0x293: {  	v9 =	vmul.f32 v29, v34;
	[tilespmem:v17+s30+$0x0] =	vst.idx.add.f32.msk $0xffff, v11;
	v11 =	vmul.f32 v0, v24  }
.Ltmp15:
0x294: {  	v16 =	vmul.f32 v28, v25;
	v0 =	vmul.f32 v0, v23;
	[tilespmem:v18+s30+$0x0] =	vst.idx.add.f32.msk $0xffff, v10;
	(pc) =	sbr.rel @p0 .LBB2_15-.Ltmp15, $4  }
0x295: {  	v15 =	vmul.f32 v28, v13;
	[tilespmem:v19+s30+$0x0] =	vst.idx.add.f32.msk $0xffff, v14;
	v14 =	vmul.f32 v31, v12  }
0x296: {  	v13 =	vmul.f32 v31, v36;
	v12 =	vmul.f32 v30, v27;
	[tilespmem:v21+s30+$0x0] =	vst.idx.add.f32.msk $0xffff, v9  }
0x297: {  	v10 =	vmul.f32 v33, v35;
	[tilespmem:v22+s30+$0x0] =	vst.idx.add.f32.msk $0xffff, v11;
	v11 =	vmul.f32 v30, v26  }
0x298: {  	s21 =	sadd.s32 $0x80, s21;
	v9 =	vmul.f32 v33, v32;
	[tilespmem:v20+s30+$0x0] =	vst.idx.add.f32.msk $0xffff, v0  }
.LBB2_16:
0x299: {  	_ =	sdelay $0x3  }
0x29a: {  	[tilespmem:v3+s30+$0x0] =	vst.idx.add.f32.msk $0xffff, v16  }
0x29b: {  	[tilespmem:v1+s30+$0x0] =	vst.idx.add.f32.msk $0xffff, v14  }
0x29c: {  	[tilespmem:v2+s30+$0x0] =	vst.idx.add.f32.msk $0xffff, v12  }
0x29d: {  	[tilespmem:v5+s30+$0x0] =	vst.idx.add.f32.msk $0xffff, v15  }
0x29e: {  	[tilespmem:v6+s30+$0x0] =	vst.idx.add.f32.msk $0xffff, v13  }
0x29f: {  	[tilespmem:v7+s30+$0x0] =	vst.idx.add.f32.msk $0xffff, v11  }
0x2a0: {  	[tilespmem:v4+s30+$0x0] =	vst.idx.add.f32.msk $0xffff, v10  }
0x2a1: {  	[tilespmem:v8+s30+$0x0] =	vst.idx.add.f32.msk $0xffff, v9  }
.LBB2_17:
0x2a2: {  	s20 =	sshra.s32 s5, $0x2  }
0x2a3: {  	v0 =	vld [tilespmem:s20+$0x10F80]  }
0x2a4: {  	v1 =	vld [tilespmem:s20+$0x12F80];
	_ =	sdelay $0x6  }
0x2a5: {  	v2 =	vld.idx.msk [tilespmem:v0+s3+$0x0], $0xffff  }
0x2a6: {  	v3 =	vld.idx.msk [tilespmem:v1+s19+$0x0], $0xffff;
	_ =	sdelay $0x3  }
0x2a7: {  	v5 =	vand.u32 $0x7F, v1;
	v0 =	vld.idx.msk [tilespmem:v0+s22+$0x0], $0xffff;
	v1 =	vshll.u32 v1, $0x1  }
0x2a8: {  	v4 =	vunpack.i.u.bf16.f32 v2;
	v2 =	vunpack.i.l.bf16.f32 v2;
	v6 =	vunpack.i.l.bf16.f32 v3  }
0x2a9: {  	v1 =	vand.u32 $0xFFFFFF00, v1;
	v3 =	vunpack.i.u.bf16.f32 v3;
	v2 =	vmul.f32 v6, v2  }
0x2aa: {  	v1 =	vor.u32 v5, v1;
	v3 =	vmul.f32 v3, v4  }
0x2ab: {  	p0 =	sne.s32 s5, $0x40;
	v62 =	vor.u32 $0x80, v1;
	vm0 =	vge.f32 v2, $1.000000000e+00  }
.Ltmp16:
0x2ac: {  	v63 =	vunpack.i.l.bf16.f32 v0;
	v2 =	vsel vm0, v2, v3;
	(pc) =	sbr.rel @p0 .LBB2_17-.Ltmp16, $4  }
0x2ad: {  	v0 =	vunpack.i.u.bf16.f32 v0;
	v3 =	vmul.f32 v2, v63  }
0x2ae: {  	v0 =	vmul.f32 v2, v0  }
0x2af: {  	[tilespmem:v1+s30+$0x0] =	vst.idx.add.f32.msk $0xffff, v3  }
0x2b0: {  	s5 =	sadd.s32 $0x40, s5;
	[tilespmem:v62+s30+$0x0] =	vst.idx.add.f32.msk $0xffff, v0  }
.Ltmp17:
0x2b1: {  	_ = 	snop;
	(pc) =	sbr.rel .LBB2_22-.Ltmp17, $1  }
0x2b2: {  	_ =	sdelay $0x3  }
.LBB2_23:
0x2b3: {  	s23 =	simm.s32 $0x80;
	s1 =	simm.s32 $0x400  }
0x2b4: {  	[hbm4b:s14+s23] =	stream.strided.scatter [tilespmem:s29], [sflag:$0x3], $0x2800, s1, s23, $0x38;
	[tilespmem:$0x13000] =	vst v63  }
0x2b5: {  	_ =	swait.ge [sflag:s18], $0x2800  }
0x2b6: {  	s5 =	simm.s32 $0x80;
	s21 =	sadd.s32 $0x0, s15;
	[sflag:s18] =	ssyncset.done $0x0  }
0x2b7: {  	s20 =	simm.s32 $0xA100;
	s1 =	simm.s32 $0xA000;
	[sflag:s18] =	ssyncadd.s32 $0xFFFFD800  }
.LBB2_24:
0x2b8: {  	[hbm4b:s21+s3] =	stream.linear.scatter [tilespmem:s1], [sflag:$0x3], $0x80, $0x38;
	[tilespmem:$0x13000] =	vst v63  }
0x2b9: {  	s21 =	smov.u32 s5;
	s1 =	smov.u32 s20;
	p0 =	sne.s32 s5, $0x2780  }
.Ltmp18:
0x2ba: {  	s5 =	sadd.s32 $0x80, s5;
	(pc) =	sbr.rel @p0 .LBB2_24-.Ltmp18, $2  }
0x2bb: {  	_ =	sdelay $0x2  }
0x2bc: {  	s20 =	sadd.s32 $0x100, s20;
	s21 =	sadd.s32 s21, s15  }
0x2bd: {  	[hbm4b:s21+s3] =	stream.linear.scatter [tilespmem:s1], [sflag:$0x3], $0x80, $0x38;
	[tilespmem:$0x13000] =	vst v63  }
0x2be: {  	_ =	swait.ge [sflag:s18], $0x2800  }
0x2bf: {  	s1 =	simm.s32 $0xA080;
	s5 =	simm.s32 $0x80;
	[sflag:s18] =	ssyncset.done $0x0  }
0x2c0: {  	s21 =	sadd.s32 $0x0, s16;
	s20 =	simm.s32 $0xA180;
	[sflag:s18] =	ssyncadd.s32 $0xFFFFD800  }
.LBB2_26:
0x2c1: {  	[hbm4b:s21+s3] =	stream.linear.scatter [tilespmem:s1], [sflag:$0x3], $0x80, $0x38;
	[tilespmem:$0x13000] =	vst v63  }
0x2c2: {  	s21 =	smov.u32 s5;
	s1 =	smov.u32 s20;
	p0 =	sne.s32 s5, $0x2780  }
.Ltmp19:
0x2c3: {  	s5 =	sadd.s32 $0x80, s5;
	(pc) =	sbr.rel @p0 .LBB2_26-.Ltmp19, $2  }
0x2c4: {  	_ =	sdelay $0x2  }
0x2c5: {  	s20 =	sadd.s32 $0x100, s20;
	s21 =	sadd.s32 s21, s16  }
0x2c6: {  	s0 =	sadd.s32 $0x1, s0  }
0x2c7: {  	p0 =	sne.s32 s0, s17  }
.Ltmp20:
0x2c8: {  	_ = 	snop;
	(pc) =	sbr.rel @p0 .LBB2_1-.Ltmp20, $4  }
0x2c9: {  	[hbm4b:s21+s3] =	stream.linear.scatter [tilespmem:s1], [sflag:$0x3], $0x80, $0x38;
	[tilespmem:$0x13000] =	vst v63  }
0x2ca: {  	_ =	swait.ge [sflag:s18], $0x2800  }
0x2cb: {  	[sflag:s18] =	ssyncset.done $0x0  }
0x2cc: {  	[sflag:s18] =	ssyncadd.s32 $0xFFFFD800  }
0x2cd: {  	_ =	sfence.sel $0x180000  }
0x2ce: {  	[bflag:$0x0] =	sbarrier.arrive $0xFFFF  }
0x2cf: {  	_ =	strace $0x9000004A  }
0x2d0: {  	s0 =	stileid.u32;
	[bflag:$0x2] =	sbarrier.arrive $0xFFFF  }
0x2d1: {  	p0 =	sne.s32 s0, $0x0;
	s0 =	rddreg [dreg:$0x2]  }
0x2d2: {  	s0 =	sadd.s32 @!p0 $0x100000, s0  }
0x2d3: {  	[sflag:s0] =	ssyncadd.tile.s32 @!p0 $0x1;
	_ =	shalt  }
.Lfunc_end2:
_tile_overlayer_lowered:
.L_overlay_start_2:
0x2d4: {  	(tag) =	ssettag $0x2  }
0x2d5: {  	s0 =	rddreg [dreg:$0x0];
	s2 =	stileid.u32  }
0x2d6: {  	s1 =	rddreg [dreg:$0x1];
	p0 =	sne.s32 s2, $0x0  }
0x2d7: {  	s3 =	rddreg [dreg:$0x2];
	[bflag:$0x3] =	sbarrier.arrive $0xFFFF;
	s2 =	simm.s32 @!p0 $0x1C03  }
0x2d8: {  	[timem:s3], [sflag:s2] =	dma.local @!p0 [hbm:s0], s1  }
0x2d9: {  	s0 =	simm.s32 @!p0 $0x3  }
0x2da: {  	_ =	swait.ge @!p0 [sflag:s0], s1  }
0x2db: {  	s1 =	ssub.s32 @!p0 $0x0, s1;
	[sflag:s0] =	ssyncset.done @!p0 $0x0  }
0x2dc: {  	[sflag:s0] =	ssyncadd.s32 @!p0 s1  }
0x2dd: {  	[bflag:$0x3] =	sbarrier.arrive $0xFFFF  }
0x2de: {  	_ =	shalt  }

// kernel: kernel.7.cloned.1.call-start
scs
__scs_entry_jumppad:
0x0: {  	(pc) =	sbr.rel $0x88, $3  }
0x1: {  	(tag) =	ssettag $0x0;
	lr =	simm.s32 $0x1  }
0x2: {  	[smem:$0x3F97] =	sst lr;
	_ =	strace $0xD0000000  }
0x3: {  	_ = 	snop  }
0x4: {  	_ = 	snop  }
0x5: {  	_ = 	snop  }
0x6: {  	_ = 	snop  }
0x7: {  	_ = 	snop  }
__scs_overlays_trampoline_lowered:
0x8: {  	[smem:$0x3FA6] =	sst s0  }
0x9: {  	[smem:$0x3FA7] =	sst s1  }
0xa: {  	[smem:$0x3FA8] =	sst s2  }
0xb: {  	[smem:$0x3FA9] =	sst s3  }
0xc: {  	[smem:$0x3FAA] =	sst s4  }
0xd: {  	[smem:$0x3FAB] =	sst s5  }
0xe: {  	[smem:$0x3FAC] =	sst s6  }
0xf: {  	[smem:$0x3FAD] =	sst s7  }
0x10: {  	[smem:$0x3FAE] =	sst s8  }
0x11: {  	[smem:$0x3FAF] =	sst s9;
	s0 =	simm.s32 @!p0 $0x0  }
0x12: {  	s1 =	sld [smem:$0x3F95];
	s0 =	simm.s32 @p0 $0x1  }
0x13: {  	[smem:$0x3FB0] =	sst s0;
	s0 =	simm.s32 @!p1 $0x0  }
0x14: {  	s2 =	sld [smem:$0x3F94];
	s0 =	simm.s32 @p1 $0x1  }
0x15: {  	[smem:$0x3FB1] =	sst s0;
	s0 =	simm.s32 @!p2 $0x0  }
0x16: {  	s3 =	sld [smem:$0x3FDB];
	s0 =	simm.s32 @p2 $0x1  }
0x17: {  	s4 =	simm.s32 $0x1BF5;
	[smem:$0x3FB3] =	sst s0  }
0x18: {  	s0 =	sld [smem:$0x3F96];
	_ =	swait.ge [sflag:s4], $0x0  }
0x19: {  	s7 =	sld [smem:$0x3F97]  }
0x1a: {  	s8 =	sadd.s32 $0xFFFFE003, lr  }
0x1b: {  	s9 =	sadd.s32 $0xFFFFFEF7, lr;
	s5 =	simm.s32 $0xFFFFFFFF;
	p2 =	slt.u32 s8, $0xFFFFF086  }
0x1c: {  	p1 =	slt.u32 s9, $0xF7A;
	s5 =	simm.s32 @!p2 $0x0  }
0x1d: {  	s5 =	simm.s32 @p1 $0x1;
	p0 =	seq.s32 s7, s2  }
0x1e: {  	s7 =	smul.u32 @!p0 $0xF7A, s2;
	p2 =	seq.s32 @!p0 s5, $0x0  }
0x1f: {  	s9 =	smul.u32 $0xF7A, s1;
	s8 =	simm.s32 @!p0 $0x1BF5;
	p2 =	por !p2, p0  }
0x20: {  	[sflag:s8] =	ssyncset.s32 @!p0 $0xFFFFF086;
	s6 =	sadd.s32 @!p0 s3, s7;
	s7 =	simm.s32 @!p0 $0x108  }
0x21: {  	s3 =	sadd.s32 s3, s9;
	s6 =	sadd.s32 @!p0 $0x88, s6;
	s7 =	simm.s32 @p2 $0x1082  }
0x22: {  	[simem:s7], [sflag:s8] =	dma.local @!p0 [hbm:s6], $0xF7A  }
0x23: {  	s9 =	sor.u32 $0xD0000000, s2;
	s6 =	simm.s32 $0x108;
	_ =	swait.ge @!p0 [sflag:s8], $0x0  }
0x24: {  	s3 =	sadd.s32 $0x88, s3;
	s6 =	simm.s32 @!p1 $0x1082;
	[sflag:s4] =	ssyncset.s32 $0xFFFFF086  }
0x25: {  	[simem:s6], [sflag:s4] =	dma.local [hbm:s3], $0xF7A  }
0x26: {  	[smem:$0x3F97] =	sst s1;
	(tag) =	ssettag s2;
	_ =	strace s9  }
0x27: {  	s1 =	sld [smem:$0x3FA7]  }
0x28: {  	s2 =	sld [smem:$0x3FA8]  }
0x29: {  	s4 =	sld [smem:$0x3FAA]  }
0x2a: {  	p0 =	seq.s32 s5, $0x0;
	s5 =	sld [smem:$0x3FAB]  }
0x2b: {  	s6 =	sld [smem:$0x3FAC]  }
0x2c: {  	s7 =	sld [smem:$0x3FAD]  }
0x2d: {  	s3 =	simm.s32 $0x108;
	s8 =	sld [smem:$0x3FAE]  }
0x2e: {  	s3 =	simm.s32 @!p0 $0x1082;
	s9 =	sld [smem:$0x3FAF]  }
0x2f: {  	lr =	sadd.s32 s0, s3;
	s0 =	sld [smem:$0x3FA6]  }
0x30: {  	s3 =	sld [smem:$0x3FA9]  }
0x31: {  	[smem:$0x3FB2] =	sst s10  }
0x32: {  	s10 =	sld [smem:$0x3FB0];
	_ =	sdelay $0x3  }
0x33: {  	p0 =	seq.s32 s10, $0x1;
	s10 =	sld [smem:$0x3FB2];
	_ =	sdelay $0x3  }
0x34: {  	[smem:$0x3FB2] =	sst s10  }
0x35: {  	s10 =	sld [smem:$0x3FB1];
	_ =	sdelay $0x3  }
0x36: {  	p1 =	seq.s32 s10, $0x1;
	s10 =	sld [smem:$0x3FB2];
	_ =	sdelay $0x3  }
0x37: {  	[smem:$0x3FB2] =	sst s10  }
0x38: {  	s10 =	sld [smem:$0x3FB3]  }
0x39: {  	_ = 	snop;
	(pc) =	sbr.ind lr, $3  }
0x3a: {  	_ = 	snop  }
0x3b: {  	_ = 	snop  }
0x3c: {  	p2 =	seq.s32 s10, $0x1;
	s10 =	sld [smem:$0x3FB2]  }
0x3d: {  	_ =	shalt  }
0x3e: {  	_ =	shalt  }
0x3f: {  	_ =	shalt  }
0x40: {  	_ =	shalt  }
0x41: {  	_ =	shalt  }
0x42: {  	_ =	shalt  }
0x43: {  	_ =	shalt  }
0x44: {  	_ =	shalt  }
0x45: {  	_ =	shalt  }
0x46: {  	_ =	shalt  }
0x47: {  	_ =	shalt  }
0x48: {  	_ =	shalt  }
0x49: {  	_ =	shalt  }
0x4a: {  	_ =	shalt  }
0x4b: {  	_ =	shalt  }
0x4c: {  	_ =	shalt  }
0x4d: {  	_ =	shalt  }
0x4e: {  	_ =	shalt  }
0x4f: {  	_ =	shalt  }
0x50: {  	_ =	shalt  }
0x51: {  	_ =	shalt  }
0x52: {  	_ =	shalt  }
0x53: {  	_ =	shalt  }
0x54: {  	_ =	shalt  }
0x55: {  	_ =	shalt  }
0x56: {  	_ =	shalt  }
0x57: {  	_ =	shalt  }
0x58: {  	_ =	shalt  }
0x59: {  	_ =	shalt  }
0x5a: {  	_ =	shalt  }
0x5b: {  	_ =	shalt  }
0x5c: {  	_ =	shalt  }
0x5d: {  	_ =	shalt  }
0x5e: {  	_ =	shalt  }
0x5f: {  	_ =	shalt  }
0x60: {  	_ =	shalt  }
0x61: {  	_ =	shalt  }
0x62: {  	_ =	shalt  }
0x63: {  	_ =	shalt  }
0x64: {  	_ =	shalt  }
0x65: {  	_ =	shalt  }
0x66: {  	_ =	shalt  }
0x67: {  	_ =	shalt  }
0x68: {  	_ =	shalt  }
0x69: {  	_ =	shalt  }
0x6a: {  	_ =	shalt  }
0x6b: {  	_ =	shalt  }
0x6c: {  	_ =	shalt  }
0x6d: {  	_ =	shalt  }
0x6e: {  	_ =	shalt  }
0x6f: {  	_ =	shalt  }
0x70: {  	_ =	shalt  }
0x71: {  	_ =	shalt  }
0x72: {  	_ =	shalt  }
0x73: {  	_ =	shalt  }
0x74: {  	_ =	shalt  }
0x75: {  	_ =	shalt  }
0x76: {  	_ =	shalt  }
0x77: {  	_ =	shalt  }
0x78: {  	_ =	shalt  }
0x79: {  	_ =	shalt  }
0x7a: {  	_ =	shalt  }
0x7b: {  	_ =	shalt  }
0x7c: {  	_ =	shalt  }
0x7d: {  	_ =	shalt  }
0x7e: {  	_ =	shalt  }
0x7f: {  	_ =	shalt  }
0x80: {  	_ =	shalt  }
0x81: {  	_ =	shalt  }
0x82: {  	_ =	shalt  }
0x83: {  	_ =	shalt  }
0x84: {  	_ =	shalt  }
0x85: {  	_ =	shalt  }
0x86: {  	_ =	shalt  }
0x87: {  	_ =	shalt  }
.Lfunc_end0:
.L_simem_size_0:
called_computation_lowered:
.L_overlay_start_0:
0x88: {  	s2 =	sld [smem:$0x3FD9]  }
0x89: {  	s3 =	sld [smem:$0x3FFE];
	_ =	sdelay $0x1  }
0x8a: {  	s1 =	srdreg.scid  }
0x8b: {  	s0 =	sand.u32 $0x1, s1  }
0x8c: {  	s17 =	sshll.u32 s0, $0xA;
	s2 =	sadd.s32 s3, s2  }
0x8d: {  	s2 =	sadd.s32 s2, s17  }
0x8e: {  	[smem:$0x3FBE] =	sst s2  }
0x8f: {  	_ = 	snop  }
0x90: {  	s2 =	sld [smem:$0x3FD0];
	(tm) =	ssettm $0x1  }
0x91: {  	s18 =	sld [smem:$0x3FFB];
	_ =	sdelay $0x3  }
0x92: {  	_ =	strace s18  }
0x93: {  	s3 =	sld [smem:$0x3FFC];
	_ =	sdelay $0x3  }
0x94: {  	_ =	strace s3  }
0x95: {  	s3 =	sld [smem:$0x3FFD];
	_ =	sdelay $0x3  }
0x96: {  	_ =	strace s3  }
0x97: {  	_ =	strace $0x8FFFFFFF  }
0x98: {  	s19 =	sld [smem:$0x3FDB];
	_ =	sdelay $0x1  }
0x99: {  	s4 =	simm.s32 $_scs_section_size  }
0x9a: {  	s5 =	simm.s32 $_size__tile_overlayer_lowered;
	s6 =	simm.s32 $_tile_overlayer_lowered  }
0x9b: {  	s22 =	simm.s32 $0x1BFF;
	s21 =	sshll.u32 s6, $0x1;
	s3 =	sadd.s32 s4, s19  }
0x9c: {  	s7 =	simm.s32 $0x0;
	s20 =	sshll.u32 s5, $0x1;
	s5 =	sadd.s32 s21, s3  }
0x9d: {  	[timem:s7], [sflag:s22] =	dma.local [hbm:s5], s20  }
0x9e: {  	_ =	swait.ge [sflag:s22], s20  }
0x9f: {  	s4 =	ssub.s32 $0x0, s20;
	[sflag:s22] =	ssyncset.done $0x0  }
0xa0: {  	[sflag:s22] =	ssyncadd.s32 s4;
	_ =	sdelay $0x1  }
0xa1: {  	s23 =	simm.s32 $0x1B8B  }
0xa2: {  	_ =	swait.ge [sflag:s23], $0x1  }
0xa3: {  	[sflag:s23] =	ssyncset.done $0x0  }
0xa4: {  	s25 =	simm.s32 $0x1B8E;
	s24 =	sld [smem:$0x3FFE];
	[sflag:s23] =	ssyncadd.s32 $0xFFFFFFFF  }
0xa5: {  	s26 =	simm.s32 $execute0_lowered;
	[smem:$0x3FD2] =	sst s25  }
0xa6: {  	s5 =	sshll.u32 s26, $0x1;
	_ =	strace $0x80000046;
	[dreg:$0x1] =	wrdreg $0xFFFFFFFF  }
0xa7: {  	s28 =	simm.s32 $_size_execute0_lowered;
	s3 =	sadd.s32 s3, s5;
	[dreg:$0x0] =	wrdreg $0x0  }
0xa8: {  	s5 =	sshll.u32 s28, $0x1;
	[dreg:$0x2] =	wrdreg s3  }
0xa9: {  	[dreg:$0x3] =	wrdreg s5  }
0xaa: {  	[dreg:$0x4] =	wrdreg $0xC0  }
0xab: {  	_ =	task [dreg:s7], $0x5FFFF  }
0xac: {  	[dreg:$0x1] =	wrdreg $0xFFFFFFFF  }
0xad: {  	[dreg:$0x0] =	wrdreg $0x60  }
0xae: {  	[dreg:$0x2] =	wrdreg s24  }
0xaf: {  	[dreg:$0x3] =	wrdreg s2  }
0xb0: {  	[dreg:$0x4] =	wrdreg $0x9  }
0xb1: {  	_ =	task.clear_ibuf [dreg:s7], $0x5FFFF;
	_ =	strace $0x90000046  }
0xb2: {  	s29 =	simm.s32 $0x9;
	_ =	strace $0x80000048  }
0xb3: {  	_ =	swait.ge [sflag:s29], $0x1  }
0xb4: {  	[sflag:s29] =	ssyncadd.s32 $0xFFFFFFFF  }
0xb5: {  	_ =	strace $0x90000048  }
0xb6: {  	_ =	sfence  }
0xb7: {  	s30 =	sld [smem:$0x0];
	_ =	sdelay $0x2  }
0xb8: {  	s31 =	sshll.u32 s1, $0xD;
	s1 =	sshrl.u32 s1, $0x2  }
0xb9: {  	s3 =	sand.u32 $0x4000, s31;
	s1 =	sadd.s32 s1, s30  }
0xba: {  	s0 =	sor.u32 s3, s0;
	s1 =	sshll.u32 s1, $0x11  }
0xbb: {  	s0 =	sor.u32 s1, s0  }
0xbc: {  	s0 =	sadd.s32 $0x8F2B, s0  }
0xbd: {  	[sflag:s0] =	ssyncadd.remote.s32 $0x1  }
0xbe: {  	_ =	sfence.sel $0xFFFF  }
0xbf: {  	[dreg:$0x0] =	wrdreg $0xFFFFFFFF;
	(pc) =	sbr.abs _section_cstart, $3  }
0xc0: {  	[dreg:$0x1] =	wrdreg $0xFFFFFFFF  }
0xc1: {  	_ =	task.clear_ibuf [dreg:s7], $0x2FFFF;
	_ =	strace $0x9FFFFFFF  }
0xc2: {  	(tm) =	ssettm $0x7FFFFFFF  }
0xc3: {  	_ =	shalt  }
tec
execute0_lowered:
.L_overlay_start_1:
0x0: {  	(tag) =	ssettag $0x1  }
0x1: {  	s0 =	rddreg [dreg:$0x0]  }
0x2: {  	s1 =	rddreg [dreg:$0x1];
	s3 =	simm.s32 $0x0  }
0x3: {  	s13 =	stileid.u32;
	s5 =	srdreg.scid;
	s28 =	simm.s32 $0x1  }
0x4: {  	s29 =	simm.s32 $0x5000;
	s30 =	simm.s32 $0xC800;
	s31 =	simm.s32 $0x2  }
0x5: {  	[smem:$0x7FF] =	sst s3;
	s4 =	sadd.s32 $0x3200, s0;
	s2 =	sshrl.u32 s13, $0x2  }
0x6: {  	s6 =	sshll.u32 s13, $0x8;
	s5 =	sand.u32 $0x1, s5;
	s17 =	sshrl.u32 s13, $0x3  }
0x7: {  	s8 =	sadd.s32 $0x17000, s0;
	s10 =	sshll.u32 s13, $0x7;
	s13 =	smul.u32 $0x28, s13  }
0x8: {  	s16 =	sadd.s32 $0x17C00, s0;
	_ =	strace $0x80000047;
	s2 =	smul.u32 $0x14000, s2  }
0x9: {  	s12 =	sand.u32 $0x300, s6;
	s7 =	smul.u32 $0x28000, s5;
	[dreg:$0x3] =	wrdreg s8  }
0xa: {  	s9 =	smul.u32 $0x14000, s17;
	s6 =	sadd.s32 $0x17600, s0;
	s20 =	ssub.s32 $0x2, s5  }
0xb: {  	s19 =	sand.u32 $0x380, s10;
	s11 =	sshrl.u32 s20, $0x1;
	s23 =	sadd.s32 $0x28, s13  }
0xc: {  	s18 =	sor.u32 s12, s2;
	s7 =	sadd.s32 s7, s9;
	s17 =	ssub.s32 s20, s11  }
0xd: {  	s11 =	sshrl.u32 s13, $0x4;
	s8 =	sshrl.u32 s18, $0x3;
	s7 =	sor.u32 s19, s7  }
0xe: {  	s17 =	smax.u32 s17, $0x1;
	s21 =	sshrl.u32 s7, $0x3;
	s7 =	smul.u32 $0x27100, s5  }
0xf: {  	s18 =	simm.s32 $0x3;
	s8 =	sadd.s32 s8, s0;
	s5 =	smul.u32 $0xA0000, s5  }
0x10: {  	s19 =	simm.s32 $0x2800;
	s0 =	sadd.s32 s21, s0;
	s8 =	sadd.s32 $0xD000, s8  }
0x11: {  	s22 =	sshrl.u32 s7, $0x3;
	s2 =	sadd.s32 s5, s2;
	s13 =	sadd.s32 $0x1F40, s7  }
0x12: {  	s14 =	sadd.s32 $0x3FC00, s0;
	s9 =	sadd.s32 s4, s22;
	s10 =	sadd.s32 s1, s22  }
0x13: {  	s2 =	sor.u32 s12, s2;
	s12 =	sshrl.u32 s23, $0x4;
	s23 =	simm.s32 $0x400  }
0x14: {  	s22 =	simm.s32 $0x7800;
	s24 =	sadd.s32 $0x50000, s2;
	s25 =	sshrl.u32 s2, $0x3  }
0x15: {  	s2 =	simm.s32 $0x0;
	s26 =	sshrl.u32 s24, $0x3;
	s15 =	sadd.s32 s16, s25  }
0x16: {  	v0 =	vimm.f32 $0.0e+00;
	s25 =	simm.s32 $0x17800;
	s16 =	sadd.s32 s16, s26;
	s26 =	simm.s32 $0x19800  }
.LBB2_1:
0x17: {  	s0 =	rddreg [dreg:$0x3]  }
0x18: {  	[tilespmem:s3], [sflag:$0x3] =	stream.linear.gather [hbm4b:s0+s3], $0x2800, $0x38;
	[tilespmem:$0x1A800] =	vst v63  }
0x19: {  	_ =	swait.ge [sflag:s18], $0x2800  }
0x1a: {  	[sflag:s18] =	ssyncset.done $0x0  }
0x1b: {  	[sflag:s18] =	ssyncadd.s32 $0xFFFFD800  }
0x1c: {  	[tilespmem:s19], [sflag:$0x3] =	stream.linear.gather [hbm4b:s6+s3], $0x2800, $0x38;
	[tilespmem:$0x1A800] =	vst v63  }
0x1d: {  	_ =	swait.ge [sflag:s18], $0x2800  }
0x1e: {  	[sflag:s18] =	ssyncset.done $0x0  }
0x1f: {  	s21 =	simm.s32 $0x100;
	[sflag:s18] =	ssyncadd.s32 $0xFFFFD800  }
0x20: {  	[tilespmem:s22], [sflag:$0x3] =	stream.strided.gather [hbm4b:s8+s21], $0x5000, s23, s21, $0x38;
	[tilespmem:$0x1A800] =	vst v63  }
0x21: {  	_ =	swait.ge [sflag:s18], $0x5000  }
0x22: {  	s24 =	sand.u32 $0x70, s3;
	[sflag:s18] =	ssyncset.done $0x0  }
0x23: {  	s5 =	simm.s32 $0x0;
	s20 =	sand.u32 $0xFE00, s3;
	[sflag:s18] =	ssyncadd.s32 $0xFFFFB000  }
0x24: {  	s20 =	sor.u32 s24, s20;
	[tilespmem:s5+$0x5000] =	vst v0  }
0x25: {  	[tilespmem:s20+$0xC800] =	vst v0  }
0x26: {  	[tilespmem:s20+$0xC880] =	vst v0  }
0x27: {  	s0 =	simm.s32 $0x10;
	s5 =	simm.s32 $0x40;
	[tilespmem:s20+$0xC900] =	vst v0  }
.LBB2_2:
0x28: {  	s21 =	sand.u32 $0x70, s0;
	s23 =	sshra.s32 s5, $0x2;
	[tilespmem:s20+$0xC980] =	vst v0;
	p0 =	sne.s32 s0, $0x27F0  }
.Ltmp0:
0x29: {  	s20 =	sand.u32 $0xFE00, s5;
	s0 =	sadd.s32 $0x10, s0;
	(pc) =	sbr.rel @p0 .LBB2_2-.Ltmp0, $4  }
0x2a: {  	s20 =	sor.u32 s21, s20;
	[tilespmem:s23+$0x5000] =	vst v0  }
0x2b: {  	[tilespmem:s20+$0xC800] =	vst v0  }
0x2c: {  	[tilespmem:s20+$0xC880] =	vst v0  }
0x2d: {  	s5 =	sadd.s32 $0x40, s5;
	[tilespmem:s20+$0xC900] =	vst v0  }
.Ltmp1:
0x2e: {  	(pc) =	sbr.rel .LBB2_4-.Ltmp1, $4  }
0x2f: {  	[tilespmem:s20+$0xC980] =	vst v0;
	s20 =	simm.s32 $0x0;
	s0 =	simm.s32 $0x16800  }
0x30: {  	[tilespmem:s0], [sflag:$0x1] =	stream.linear.gather [hbm4b:s9+s20], $0xFA0, $0x38;
	[tilespmem:$0x1A800] =	vst v63  }
0x31: {  	s24 =	simm.s32 $0x18800  }
0x32: {  	[tilespmem:s24], [sflag:$0x1] =	stream.linear.gather [hbm4b:s10+s20], $0xFA0, $0x38;
	[tilespmem:$0x1A800] =	vst v63  }
.LBB2_22:
0x33: {  	s20 =	sadd.s32 $0x1, s20  }
0x34: {  	p0 =	sne.s32 s20, $0x14  }
.Ltmp2:
0x35: {  	_ = 	snop;
	(pc) =	sbr.rel @!p0 .LBB2_23-.Ltmp2, $2  }
0x36: {  	_ =	sdelay $0x2  }
0x37: {  	v0 =	vimm.f32 $0.0e+00  }
.LBB2_4:
0x38: {  	s23 =	sshllo.u32 s20, $0x1  }
0x39: {  	s0 =	smul.u32 $0xFA0, s23;
	_ =	sdelay $0x1  }
0x3a: {  	s0 =	sadd.s32 s7, s0  }
0x3b: {  	s0 =	sshrl.u32 s0, $0x3  }
0x3c: {  	s5 =	sadd.s32 s4, s0  }
0x3d: {  	[tilespmem:s25], [sflag:$0x2] =	stream.linear.gather [hbm4b:s5+s3], $0xFA0, $0x38;
	[tilespmem:$0x1A800] =	vst v63  }
0x3e: {  	s0 =	sadd.s32 s1, s0  }
0x3f: {  	[tilespmem:s26], [sflag:$0x2] =	stream.linear.gather [hbm4b:s0+s3], $0xFA0, $0x38;
	[tilespmem:$0x1A800] =	vst v63  }
0x40: {  	s0 =	sshll.u32 s20, $0x1  }
0x41: {  	p0 =	slt.u32 s0, s11  }
0x42: {  	p1 =	sge.u32 @!p0 s0, s12  }
0x43: {  	_ =	swait.ge [sflag:s28], $0xFA0;
	p1 =	por p0, p1  }
.Ltmp3:
0x44: {  	[sflag:s28] =	ssyncset.done $0x0;
	(pc) =	sbr.rel @p1 .LBB2_5-.Ltmp3, $4  }
0x45: {  	[sflag:s28] =	ssyncadd.s32 $0xFFFFF060  }
0x46: {  	_ =	swait.ge [sflag:s28], $0xFA0  }
0x47: {  	s21 =	simm.s32 $0xFFFFFFF8;
	[sflag:s28] =	ssyncset.done $0x0  }
0x48: {  	s24 =	simm.s32 $0x18840;
	s5 =	simm.s32 $0x16840;
	[sflag:s28] =	ssyncadd.s32 $0xFFFFF060  }
0x49: {  	v3 =	vld [tilespmem:s5+$0x30]  }
0x4a: {  	v14 =	vld [tilespmem:s24+$0x30]  }
0x4b: {  	v13 =	vld [tilespmem:s24+$0xFFFFFFC0]  }
0x4c: {  	v4 =	vld [tilespmem:s5+$0xFFFFFFD0]  }
0x4d: {  	v11 =	vld [tilespmem:s24+$0xFFFFFFD0]  }
0x4e: {  	v15 =	vld [tilespmem:s5+$0xFFFFFFE0]  }
0x4f: {  	v5 =	vld [tilespmem:s24+$0xFFFFFFE0]  }
0x50: {  	v16 =	vld [tilespmem:s5+$0xFFFFFFF0]  }
0x51: {  	v20 =	vld [tilespmem:s5+$0x0]  }
0x52: {  	v23 =	vld [tilespmem:s5+$0x10]  }
0x53: {  	v6 =	vand.u32 $0x7F, v13  }
0x54: {  	v26 =	vld [tilespmem:s5+$0x20];
	v1 =	vshll.u32 v13, $0x2;
	v2 =	vshll.u32 v4, $0x1;
	v7 =	vand.u32 $0x7F, v11  }
0x55: {  	v9 =	vshll.u32 v11, $0x2;
	v12 =	vshll.u32 v15, $0x1;
	v21 =	vshll.u32 v5, $0x2  }
0x56: {  	v10 =	vld [tilespmem:s24+$0xFFFFFFF0];
	v22 =	vand.u32 $0x7F, v16;
	v24 =	vshll.u32 v3, $0x1;
	v25 =	vshll.u32 v16, $0x1  }
0x57: {  	s0 =	simm.s32 $0x0;
	v29 =	vshll.u32 v20, $0x1;
	v30 =	vshll.u32 v23, $0x1;
	v19 =	vand.u32 $0xFFFFFF00, v12;
	v12 =	vld [tilespmem:s24+$0x0]  }
0x58: {  	v8 =	vand.u32 $0xFFFFFE00, v1;
	v1 =	vand.u32 $0x7F, v4;
	v2 =	vand.u32 $0xFFFFFF00, v2;
	v17 =	vld.idx.msk [tilespmem:v3+s0+$0x0], $0xffff  }
0x59: {  	v33 =	vshll.u32 v26, $0x1;
	v1 =	vor.u32 v1, v2;
	v2 =	vand.u32 $0x7F, v15;
	v18 =	vld.idx.msk [tilespmem:v14+s19+$0x0], $0xffff  }
0x5a: {  	v9 =	vand.u32 $0xFFFFFE00, v9;
	v24 =	vand.u32 $0xFFFFFF00, v24;
	v2 =	vor.u32 v2, v19;
	v19 =	vld [tilespmem:s24+$0x10]  }
0x5b: {  	v25 =	vand.u32 $0xFFFFFF00, v25;
	v6 =	vor.u32 v6, v8;
	v7 =	vor.u32 v7, v9;
	v31 =	vld.idx.msk [tilespmem:v4+s0+$0x0], $0xffff  }
0x5c: {  	v3 =	vand.u32 $0x7F, v3;
	v4 =	vand.u32 $0xFFFFFF00, v29;
	v29 =	vand.u32 $0xFFFFFF00, v30;
	v35 =	vld.idx.msk [tilespmem:v11+s19+$0x0], $0xffff  }
0x5d: {  	v30 =	vand.u32 $0x7F, v26;
	v36 =	vld.idx.msk [tilespmem:v15+s0+$0x0], $0xffff;
	v15 =	vshll.u32 v14, $0x2;
	v58 =	vor.u32 $0x100, v7  }
0x5e: {  	v38 =	vld.idx.msk [tilespmem:v5+s19+$0x0], $0xffff;
	v24 =	vor.u32 v3, v24;
	v27 =	vunpack.i.l.bf16.f32 v17;
	v28 =	vunpack.i.l.bf16.f32 v18  }
0x5f: {  	v16 =	vld.idx.msk [tilespmem:v16+s0+$0x0], $0xffff;
	v3 =	vunpack.i.u.bf16.f32 v17;
	v18 =	vunpack.i.u.bf16.f32 v18;
	v27 =	vmul.f32 v28, v27  }
0x60: {  	v40 =	vld.idx.msk [tilespmem:v10+s19+$0x0], $0xffff;
	v15 =	vand.u32 $0xFFFFFE00, v15;
	v17 =	vand.u32 $0xFFFFFE00, v21;
	v18 =	vmul.f32 v18, v3  }
0x61: {  	v26 =	vld.idx.msk [tilespmem:v26+s0+$0x0], $0xffff;
	v39 =	vunpack.i.l.bf16.f32 v31;
	v31 =	vunpack.i.u.bf16.f32 v31;
	vm0 =	vge.f32 v27, $1.000000000e+00  }
0x62: {  	v41 =	vunpack.i.l.bf16.f32 v35;
	v62 =	vunpack.i.l.bf16.f32 v36;
	v28 =	vld [tilespmem:s5+$0xFFFFFFC0];
	v18 =	vsel vm0, v27, v18  }
0x63: {  	v35 =	vunpack.i.u.bf16.f32 v35;
	v3 =	vor.u32 v22, v25;
	v22 =	vand.u32 $0x7F, v20;
	[tilespmem:v14+s29+$0x0] =	vst.idx.add.f32.msk $0xffff, v18  }
0x64: {  	v36 =	vunpack.i.u.bf16.f32 v36;
	v43 =	vunpack.i.l.bf16.f32 v38;
	v4 =	vor.u32 v22, v4;
	v22 =	vld.idx.msk [tilespmem:v24+s22+$0x0], $0xffff  }
0x65: {  	v21 =	vld [tilespmem:s24+$0x20];
	v44 =	vunpack.i.l.bf16.f32 v16;
	v16 =	vunpack.i.u.bf16.f32 v16;
	v45 =	vunpack.i.u.bf16.f32 v40  }
0x66: {  	v46 =	vunpack.i.l.bf16.f32 v40;
	v55 =	vunpack.i.l.bf16.f32 v26;
	v25 =	vld.idx.msk [tilespmem:v13+s19+$0x0], $0xffff;
	v14 =	vand.u32 $0x7F, v14  }
0x67: {  	v20 =	vld.idx.msk [tilespmem:v20+s0+$0x0], $0xffff;
	v39 =	vmul.f32 v41, v39;
	v27 =	vand.u32 $0x7F, v23;
	v14 =	vor.u32 v14, v15  }
0x68: {  	v42 =	vld.idx.msk [tilespmem:v12+s19+$0x0], $0xffff;
	v32 =	vshll.u32 v28, $0x1;
	v34 =	vand.u32 $0x7F, v28;
	v60 =	vor.u32 $0x100, v14  }
0x69: {  	v48 =	vld.idx.msk [tilespmem:v19+s19+$0x0], $0xffff;
	v24 =	vor.u32 $0x80, v24;
	v32 =	vand.u32 $0xFFFFFF00, v32;
	v61 =	vunpack.i.l.bf16.f32 v22  }
0x6a: {  	v23 =	vld.idx.msk [tilespmem:v23+s0+$0x0], $0xffff;
	v15 =	vor.u32 v34, v32;
	v22 =	vunpack.i.u.bf16.f32 v22;
	v34 =	vmul.f32 v61, v18  }
0x6b: {  	v26 =	vunpack.i.u.bf16.f32 v26;
	v41 =	vmul.f32 v43, v62;
	v28 =	vld.idx.msk [tilespmem:v28+s0+$0x0], $0xffff;
	v22 =	vmul.f32 v18, v22  }
0x6c: {  	v31 =	vmul.f32 v35, v31;
	v16 =	vmul.f32 v45, v16;
	vm1 =	vge.f32 v39, $1.000000000e+00;
	[tilespmem:v14+s30+$0x0] =	vst.idx.add.f32.msk $0xffff, v34  }
0x6d: {  	vm11 =	vge.f32 v41, $1.000000000e+00;
	v37 =	vunpack.i.l.bf16.f32 v25;
	v47 =	vunpack.i.u.bf16.f32 v20;
	[tilespmem:v60+s30+$0x0] =	vst.idx.add.f32.msk $0xffff, v22  }
0x6e: {  	v20 =	vunpack.i.l.bf16.f32 v20;
	v49 =	vunpack.i.u.bf16.f32 v42;
	v42 =	vunpack.i.l.bf16.f32 v42;
	v24 =	vld.idx.msk [tilespmem:v24+s22+$0x0], $0xffff  }
0x6f: {  	v25 =	vunpack.i.u.bf16.f32 v25;
	v50 =	vmul.f32 v42, v20;
	v32 =	vmul.f32 v46, v44  }
0x70: {  	v20 =	vor.u32 $0x80, v14;
	v63 =	vunpack.i.u.bf16.f32 v28;
	v28 =	vunpack.i.l.bf16.f32 v28  }
0x71: {  	v54 =	vunpack.i.l.bf16.f32 v48;
	vm12 =	vge.f32 v32, $1.000000000e+00;
	v22 =	vmul.f32 v37, v28  }
0x72: {  	v51 =	vld.idx.msk [tilespmem:v21+s19+$0x0], $0xffff;
	v16 =	vsel vm12, v32, v16;
	v14 =	vor.u32 $0x180, v14;
	v25 =	vmul.f32 v25, v63  }
0x73: {  	v53 =	vunpack.i.l.bf16.f32 v23;
	[tilespmem:v10+s29+$0x0] =	vst.idx.add.f32.msk $0xffff, v16;
	vm10 =	vge.f32 v22, $1.000000000e+00;
	v52 =	vunpack.i.l.bf16.f32 v24  }
0x74: {  	v56 =	vld.idx.msk [tilespmem:v3+s22+$0x0], $0xffff;
	v22 =	vsel vm10, v22, v25;
	v24 =	vunpack.i.u.bf16.f32 v24;
	v37 =	vmul.f32 v52, v18  }
0x75: {  	v23 =	vunpack.i.u.bf16.f32 v23;
	v28 =	vunpack.i.u.bf16.f32 v38;
	[tilespmem:v13+s29+$0x0] =	vst.idx.add.f32.msk $0xffff, v22;
	v18 =	vmul.f32 v24, v18  }
0x76: {  	vm13 =	vge.f32 v50, $1.000000000e+00;
	v34 =	vmul.f32 v49, v47;
	v28 =	vmul.f32 v28, v36;
	[tilespmem:v20+s30+$0x0] =	vst.idx.add.f32.msk $0xffff, v37  }
0x77: {  	v3 =	vor.u32 $0x80, v3;
	v38 =	vmul.f32 v54, v53;
	v20 =	vsel vm1, v39, v31;
	[tilespmem:v14+s30+$0x0] =	vst.idx.add.f32.msk $0xffff, v18  }
0x78: {  	v25 =	vunpack.i.u.bf16.f32 v51;
	v13 =	vunpack.i.l.bf16.f32 v51;
	v18 =	vsel vm11, v41, v28;
	[tilespmem:v11+s29+$0x0] =	vst.idx.add.f32.msk $0xffff, v20  }
0x79: {  	v13 =	vmul.f32 v13, v55;
	v24 =	vunpack.i.u.bf16.f32 v48;
	v14 =	vsel vm13, v50, v34;
	[tilespmem:v5+s29+$0x0] =	vst.idx.add.f32.msk $0xffff, v18  }
0x7a: {  	v11 =	vmul.f32 v24, v23;
	v24 =	vmul.f32 v25, v26;
	v26 =	vand.u32 $0xFFFFFF00, v33;
	[tilespmem:v12+s29+$0x0] =	vst.idx.add.f32.msk $0xffff, v14  }
0x7b: {  	vm14 =	vge.f32 v38, $1.000000000e+00;
	vm15 =	vge.f32 v13, $1.000000000e+00;
	v26 =	vor.u32 v30, v26;
	v30 =	vld.idx.msk [tilespmem:v1+s22+$0x0], $0xffff  }
0x7c: {  	v31 =	vor.u32 $0x100, v6;
	v25 =	vor.u32 v27, v29;
	v13 =	vsel vm15, v13, v24;
	v24 =	vld.idx.msk [tilespmem:v15+s22+$0x0], $0xffff  }
0x7d: {  	v23 =	vshll.u32 v10, $0x2;
	v27 =	vshll.u32 v12, $0x2;
	v28 =	vshll.u32 v19, $0x2;
	v8 =	vld.idx.msk [tilespmem:v2+s22+$0x0], $0xffff  }
0x7e: {  	v29 =	vshll.u32 v21, $0x2;
	v10 =	vand.u32 $0x7F, v10;
	v11 =	vsel vm14, v38, v11;
	v9 =	vld.idx.msk [tilespmem:v4+s22+$0x0], $0xffff  }
0x7f: {  	v23 =	vand.u32 $0xFFFFFE00, v23;
	v27 =	vand.u32 $0xFFFFFE00, v27;
	v5 =	vand.u32 $0x7F, v5;
	[tilespmem:v19+s29+$0x0] =	vst.idx.add.f32.msk $0xffff, v11  }
0x80: {  	v28 =	vand.u32 $0xFFFFFE00, v28;
	v5 =	vor.u32 v5, v17;
	[tilespmem:v21+s29+$0x0] =	vst.idx.add.f32.msk $0xffff, v13;
	v60 =	vunpack.i.l.bf16.f32 v30  }
0x81: {  	v23 =	vor.u32 v10, v23;
	v59 =	vld.idx.msk [tilespmem:v25+s22+$0x0], $0xffff;
	v57 =	vunpack.i.l.bf16.f32 v24;
	v62 =	vmul.f32 v60, v20  }
0x82: {  	v61 =	vor.u32 $0x100, v5;
	v17 =	vld.idx.msk [tilespmem:v26+s22+$0x0], $0xffff;
	v10 =	vunpack.i.l.bf16.f32 v8;
	v33 =	vmul.f32 v57, v22  }
0x83: {  	v12 =	vand.u32 $0x7F, v12;
	v24 =	vunpack.i.u.bf16.f32 v24;
	v10 =	vmul.f32 v10, v18;
	[tilespmem:v7+s30+$0x0] =	vst.idx.add.f32.msk $0xffff, v62  }
0x84: {  	v27 =	vor.u32 v12, v27;
	v8 =	vunpack.i.u.bf16.f32 v8;
	v24 =	vmul.f32 v22, v24;
	[tilespmem:v6+s30+$0x0] =	vst.idx.add.f32.msk $0xffff, v33  }
0x85: {  	v12 =	vunpack.i.l.bf16.f32 v56;
	v19 =	vand.u32 $0x7F, v19;
	v8 =	vmul.f32 v18, v8;
	[tilespmem:v5+s30+$0x0] =	vst.idx.add.f32.msk $0xffff, v10  }
0x86: {  	v19 =	vor.u32 v19, v28;
	v30 =	vunpack.i.u.bf16.f32 v30;
	v10 =	vmul.f32 v12, v16;
	[tilespmem:v31+s30+$0x0] =	vst.idx.add.f32.msk $0xffff, v24  }
0x87: {  	v12 =	vunpack.i.l.bf16.f32 v9;
	v24 =	vmul.f32 v20, v30;
	v30 =	vor.u32 $0x100, v23;
	[tilespmem:v61+s30+$0x0] =	vst.idx.add.f32.msk $0xffff, v8  }
0x88: {  	v15 =	vor.u32 $0x80, v15;
	v12 =	vmul.f32 v12, v14;
	[tilespmem:v23+s30+$0x0] =	vst.idx.add.f32.msk $0xffff, v10;
	v10 =	vunpack.i.l.bf16.f32 v59  }
0x89: {  	v31 =	vunpack.i.u.bf16.f32 v56;
	[tilespmem:v58+s30+$0x0] =	vst.idx.add.f32.msk $0xffff, v24;
	v24 =	vor.u32 $0x100, v27;
	v10 =	vmul.f32 v10, v11  }
0x8a: {  	v29 =	vand.u32 $0xFFFFFE00, v29;
	v1 =	vor.u32 $0x80, v1;
	v28 =	vmul.f32 v16, v31;
	[tilespmem:v27+s30+$0x0] =	vst.idx.add.f32.msk $0xffff, v12  }
0x8b: {  	v21 =	vand.u32 $0x7F, v21;
	v9 =	vunpack.i.u.bf16.f32 v9;
	v8 =	vor.u32 $0x100, v19;
	[tilespmem:v19+s30+$0x0] =	vst.idx.add.f32.msk $0xffff, v10  }
0x8c: {  	v63 =	vor.u32 $0x80, v7;
	v21 =	vor.u32 v21, v29;
	v9 =	vmul.f32 v14, v9;
	[tilespmem:v30+s30+$0x0] =	vst.idx.add.f32.msk $0xffff, v28  }
0x8d: {  	v29 =	vor.u32 $0x80, v6;
	v28 =	vunpack.i.u.bf16.f32 v59;
	v30 =	vor.u32 $0x180, v6;
	v6 =	vld.idx.msk [tilespmem:v15+s22+$0x0], $0xffff  }
0x8e: {  	v2 =	vor.u32 $0x80, v2;
	v12 =	vunpack.i.l.bf16.f32 v17;
	v28 =	vmul.f32 v11, v28;
	[tilespmem:v24+s30+$0x0] =	vst.idx.add.f32.msk $0xffff, v9  }
0x8f: {  	v25 =	vor.u32 $0x80, v25;
	v9 =	vmul.f32 v12, v13;
	v12 =	vor.u32 $0x180, v7;
	v7 =	vld.idx.msk [tilespmem:v1+s22+$0x0], $0xffff  }
0x90: {  	v15 =	vor.u32 $0x180, v27;
	[tilespmem:v8+s30+$0x0] =	vst.idx.add.f32.msk $0xffff, v28;
	v28 =	vor.u32 $0x80, v4  }
0x91: {  	v24 =	vor.u32 $0x100, v21;
	v1 =	vunpack.i.u.bf16.f32 v17;
	v17 =	vor.u32 $0x80, v27;
	v27 =	vld.idx.msk [tilespmem:v3+s22+$0x0], $0xffff  }
0x92: {  	v34 =	vor.u32 $0x80, v21;
	v26 =	vor.u32 $0x80, v26;
	v10 =	vor.u32 $0x80, v5;
	[tilespmem:v21+s30+$0x0] =	vst.idx.add.f32.msk $0xffff, v9  }
0x93: {  	v8 =	vor.u32 $0x80, v23;
	v9 =	vor.u32 $0x180, v5;
	v5 =	vor.u32 $0x180, v23;
	v23 =	vld.idx.msk [tilespmem:v2+s22+$0x0], $0xffff  }
0x94: {  	v3 =	vor.u32 $0x180, v19;
	v4 =	vor.u32 $0x80, v19;
	v19 =	vmul.f32 v13, v1;
	v25 =	vld.idx.msk [tilespmem:v25+s22+$0x0], $0xffff  }
0x95: {  	v35 =	vor.u32 $0x180, v21;
	v21 =	vunpack.i.u.bf16.f32 v6;
	v6 =	vunpack.i.l.bf16.f32 v6;
	v28 =	vld.idx.msk [tilespmem:v28+s22+$0x0], $0xffff  }
0x96: {  	v6 =	vmul.f32 v6, v22;
	v21 =	vmul.f32 v21, v22;
	[tilespmem:v24+s30+$0x0] =	vst.idx.add.f32.msk $0xffff, v19;
	v31 =	vunpack.i.l.bf16.f32 v7  }
0x97: {  	v24 =	vunpack.i.u.bf16.f32 v7;
	v22 =	vunpack.i.l.bf16.f32 v27;
	v19 =	vld.idx.msk [tilespmem:v26+s22+$0x0], $0xffff;
	v26 =	vmul.f32 v31, v20  }
0x98: {  	[tilespmem:v29+s30+$0x0] =	vst.idx.add.f32.msk $0xffff, v6;
	v6 =	vunpack.i.u.bf16.f32 v27;
	v31 =	vmul.f32 v24, v20;
	v7 =	vunpack.i.u.bf16.f32 v23  }
0x99: {  	v23 =	vunpack.i.l.bf16.f32 v23;
	[tilespmem:v30+s30+$0x0] =	vst.idx.add.f32.msk $0xffff, v21;
	v21 =	vunpack.i.u.bf16.f32 v25;
	v25 =	vunpack.i.l.bf16.f32 v25  }
0x9a: {  	s21 =	simm.s32 $0x0;
	s5 =	simm.s32 $0x168C0;
	[tilespmem:v63+s30+$0x0] =	vst.idx.add.f32.msk $0xffff, v26;
	v33 =	vmul.f32 v23, v18;
	v20 =	vunpack.i.u.bf16.f32 v28;
	v24 =	vunpack.i.l.bf16.f32 v28  }
.LBB2_10:
0x9b: {  	v41 =	vmul.f32 v7, v18  }
0x9c: {  	v54 =	vld [tilespmem:s5+$0x30];
	v42 =	vmul.f32 v22, v16;
	v18 =	vmul.f32 v6, v16  }
0x9d: {  	v27 =	vunpack.i.u.bf16.f32 v19;
	v16 =	vmul.f32 v24, v14;
	v14 =	vmul.f32 v20, v14;
	v38 =	vld [tilespmem:s5+$0xFFFFFFD0]  }
0x9e: {  	v7 =	vunpack.i.l.bf16.f32 v19;
	v20 =	vmul.f32 v25, v11;
	v19 =	vmul.f32 v21, v11;
	v11 =	vld [tilespmem:s5+$0xFFFFFFE0]  }
0x9f: {  	v44 =	vld [tilespmem:s5+$0xFFFFFFF0]  }
0xa0: {  	v46 =	vld [tilespmem:s5+$0x0]  }
0xa1: {  	v47 =	vld [tilespmem:s5+$0x10]  }
0xa2: {  	s24 =	sadd.s32 $0x80, s24;
	v48 =	vld [tilespmem:s5+$0x20]  }
0xa3: {  	v43 =	vld [tilespmem:s24+$0x30]  }
0xa4: {  	v26 =	vld [tilespmem:s24+$0xFFFFFFD0]  }
0xa5: {  	v0 =	vmul.f32 v27, v13;
	v27 =	vld [tilespmem:s24+$0xFFFFFFE0]  }
0xa6: {  	v23 =	vld [tilespmem:s24+$0xFFFFFFC0]  }
0xa7: {  	v7 =	vmul.f32 v7, v13;
	v32 =	vld [tilespmem:s24+$0xFFFFFFF0];
	v21 =	vshll.u32 v38, $0x1  }
0xa8: {  	v6 =	vmovc v34;
	v34 =	vld [tilespmem:s24+$0x0];
	v24 =	vshll.u32 v11, $0x1;
	v37 =	vshll.u32 v44, $0x1;
	v40 =	vshll.u32 v54, $0x1  }
0xa9: {  	v58 =	vand.u32 $0x7F, v46;
	v22 =	vshll.u32 v26, $0x2;
	v55 =	vand.u32 $0xFFFFFF00, v40;
	v40 =	vld [tilespmem:s24+$0x20]  }
0xaa: {  	v30 =	vand.u32 $0xFFFFFE00, v22;
	v22 =	vand.u32 $0xFFFFFF00, v24;
	v24 =	vshll.u32 v27, $0x2;
	v39 =	vld.idx.msk [tilespmem:v54+s0+$0x0], $0xffff  }
0xab: {  	v59 =	vshll.u32 v46, $0x1;
	v36 =	vand.u32 $0xFFFFFE00, v24;
	v24 =	vand.u32 $0xFFFFFF00, v37;
	v37 =	vld [tilespmem:s24+$0x10]  }
0xac: {  	v61 =	vshll.u32 v47, $0x1;
	v62 =	vand.u32 $0x7F, v47;
	v63 =	vand.u32 $0x7F, v48;
	v53 =	vld.idx.msk [tilespmem:v38+s0+$0x0], $0xffff  }
0xad: {  	v25 =	vand.u32 $0x7F, v23;
	v13 =	vshll.u32 v23, $0x2;
	v28 =	vand.u32 $0x7F, v26;
	v46 =	vld.idx.msk [tilespmem:v46+s0+$0x0], $0xffff  }
0xae: {  	v21 =	vand.u32 $0xFFFFFF00, v21;
	v60 =	vand.u32 $0xFFFFFF00, v59;
	v29 =	vand.u32 $0xFFFFFE00, v13;
	v45 =	vld.idx.msk [tilespmem:v43+s19+$0x0], $0xffff  }
0xaf: {  	[tilespmem:$0x1FFE0] =	vst v35;
	v13 =	vand.u32 $0x7F, v38;
	v35 =	vor.u32 v58, v60;
	v60 =	vshll.u32 v48, $0x1;
	v52 =	vld.idx.msk [tilespmem:v23+s19+$0x0], $0xffff  }
0xb0: {  	v58 =	vshll.u32 v43, $0x2;
	v21 =	vor.u32 v13, v21;
	v13 =	vand.u32 $0x7F, v11;
	v1 =	vld.idx.msk [tilespmem:v34+s19+$0x0], $0xffff  }
0xb1: {  	v58 =	vand.u32 $0xFFFFFE00, v58;
	v22 =	vor.u32 v13, v22;
	v13 =	vand.u32 $0x7F, v44;
	[tilespmem:v17+s30+$0x0] =	vst.idx.add.f32.msk $0xffff, v16  }
0xb2: {  	v24 =	vor.u32 v13, v24;
	v13 =	vand.u32 $0x7F, v54;
	[tilespmem:v15+s30+$0x0] =	vst.idx.add.f32.msk $0xffff, v14;
	v15 =	vor.u32 v25, v29  }
0xb3: {  	v47 =	vld.idx.msk [tilespmem:v47+s0+$0x0], $0xffff;
	v25 =	vor.u32 v28, v30;
	v51 =	vor.u32 v13, v55;
	v17 =	vand.u32 $0x7F, v40  }
0xb4: {  	v11 =	vld.idx.msk [tilespmem:v11+s0+$0x0], $0xffff;
	v49 =	vunpack.i.l.bf16.f32 v39;
	v13 =	vunpack.i.u.bf16.f32 v39;
	v50 =	vunpack.i.l.bf16.f32 v45  }
0xb5: {  	v56 =	vunpack.i.u.bf16.f32 v45;
	v45 =	vld [tilespmem:s5+$0xFFFFFFC0];
	v59 =	vunpack.i.l.bf16.f32 v52;
	v57 =	vmul.f32 v50, v49  }
0xb6: {  	v52 =	vunpack.i.u.bf16.f32 v52;
	v13 =	vmul.f32 v56, v13;
	v49 =	vand.u32 $0xFFFFFF00, v60;
	v60 =	vld.idx.msk [tilespmem:v27+s19+$0x0], $0xffff  }
0xb7: {  	v50 =	vand.u32 $0xFFFFFF00, v61;
	v61 =	vunpack.i.l.bf16.f32 v53;
	[tilespmem:v10+s30+$0x0] =	vst.idx.add.f32.msk $0xffff, v33;
	vm0 =	vge.f32 v57, $1.000000000e+00  }
0xb8: {  	v10 =	vunpack.i.l.bf16.f32 v47;
	v38 =	vor.u32 v62, v50;
	v54 =	vsel vm0, v57, v13;
	v57 =	vld.idx.msk [tilespmem:v26+s19+$0x0], $0xffff  }
0xb9: {  	v39 =	vor.u32 v63, v49;
	v62 =	vshll.u32 v37, $0x2;
	[tilespmem:v9+s30+$0x0] =	vst.idx.add.f32.msk $0xffff, v41;
	v9 =	vunpack.i.u.bf16.f32 v47  }
0xba: {  	v13 =	vshll.u32 v32, $0x2;
	[tilespmem:v43+s29+$0x0] =	vst.idx.add.f32.msk $0xffff, v54;
	v55 =	vand.u32 $0x7F, v45;
	v56 =	vshll.u32 v45, $0x1  }
0xbb: {  	v43 =	vand.u32 $0x7F, v43;
	v50 =	vld.idx.msk [tilespmem:v51+s22+$0x0], $0xffff;
	v49 =	vand.u32 $0xFFFFFF00, v56;
	v56 =	vshll.u32 v34, $0x2  }
0xbc: {  	v44 =	vld.idx.msk [tilespmem:v44+s0+$0x0], $0xffff;
	v58 =	vor.u32 v43, v58;
	v51 =	vor.u32 $0x80, v51;
	v2 =	vunpack.i.l.bf16.f32 v60  }
0xbd: {  	[tilespmem:$0x1FFF0] =	vst v0;
	v43 =	vor.u32 v55, v49;
	v49 =	vunpack.i.u.bf16.f32 v53;
	v0 =	vunpack.i.l.bf16.f32 v57  }
0xbe: {  	v53 =	vor.u32 $0x100, v58;
	v45 =	vld.idx.msk [tilespmem:v45+s0+$0x0], $0xffff;
	v57 =	vunpack.i.u.bf16.f32 v57;
	v0 =	vmul.f32 v0, v61  }
0xbf: {  	v55 =	vld.idx.msk [tilespmem:v32+s19+$0x0], $0xffff;
	v61 =	vunpack.i.l.bf16.f32 v11;
	v11 =	vunpack.i.u.bf16.f32 v11;
	v49 =	vmul.f32 v57, v49  }
0xc0: {  	v48 =	vld.idx.msk [tilespmem:v48+s0+$0x0], $0xffff;
	v57 =	vor.u32 $0x80, v58;
	v63 =	vunpack.i.l.bf16.f32 v50;
	v50 =	vunpack.i.u.bf16.f32 v50  }
0xc1: {  	[tilespmem:v12+s30+$0x0] =	vst.idx.add.f32.msk $0xffff, v31;
	v2 =	vmul.f32 v2, v61;
	v61 =	vunpack.i.l.bf16.f32 v44;
	v63 =	vmul.f32 v63, v54  }
0xc2: {  	[tilespmem:v8+s30+$0x0] =	vst.idx.add.f32.msk $0xffff, v42;
	v44 =	vunpack.i.u.bf16.f32 v44;
	v50 =	vmul.f32 v54, v50;
	vm1 =	vge.f32 v0, $1.000000000e+00  }
0xc3: {  	vm2 =	vge.f32 v2, $1.000000000e+00;
	[tilespmem:v58+s30+$0x0] =	vst.idx.add.f32.msk $0xffff, v63;
	v63 =	vunpack.i.u.bf16.f32 v45;
	v45 =	vunpack.i.l.bf16.f32 v45  }
0xc4: {  	[tilespmem:v5+s30+$0x0] =	vst.idx.add.f32.msk $0xffff, v18;
	v45 =	vmul.f32 v59, v45;
	v59 =	vunpack.i.u.bf16.f32 v55;
	v55 =	vunpack.i.l.bf16.f32 v55  }
0xc5: {  	[tilespmem:v53+s30+$0x0] =	vst.idx.add.f32.msk $0xffff, v50;
	v50 =	vunpack.i.u.bf16.f32 v60;
	v52 =	vmul.f32 v52, v63;
	v53 =	vmul.f32 v55, v61  }
0xc6: {  	v60 =	vld.idx.msk [tilespmem:v37+s19+$0x0], $0xffff;
	v55 =	vunpack.i.u.bf16.f32 v46;
	v46 =	vunpack.i.l.bf16.f32 v46;
	v11 =	vmul.f32 v50, v11  }
0xc7: {  	v51 =	vld.idx.msk [tilespmem:v51+s22+$0x0], $0xffff;
	v61 =	vunpack.i.u.bf16.f32 v1;
	v1 =	vunpack.i.l.bf16.f32 v1;
	v44 =	vmul.f32 v59, v44  }
0xc8: {  	v1 =	vmul.f32 v1, v46;
	v46 =	vld.idx.msk [tilespmem:v40+s19+$0x0], $0xffff;
	vm3 =	vge.f32 v53, $1.000000000e+00;
	v18 =	vsel vm2, v2, v11  }
0xc9: {  	v58 =	vor.u32 $0x180, v58;
	v12 =	vmul.f32 v61, v55;
	v16 =	vsel vm3, v53, v44;
	[tilespmem:v27+s29+$0x0] =	vst.idx.add.f32.msk $0xffff, v18  }
0xca: {  	v63 =	vunpack.i.l.bf16.f32 v48;
	vm15 =	vge.f32 v45, $1.000000000e+00;
	vm4 =	vge.f32 v1, $1.000000000e+00;
	[tilespmem:v32+s29+$0x0] =	vst.idx.add.f32.msk $0xffff, v16  }
0xcb: {  	v55 =	vor.u32 $0x80, v35;
	v61 =	vunpack.i.l.bf16.f32 v60;
	v14 =	vsel vm4, v1, v12;
	v53 =	vld.idx.msk [tilespmem:v22+s22+$0x0], $0xffff  }
0xcc: {  	v8 =	vunpack.i.u.bf16.f32 v60;
	v31 =	vunpack.i.l.bf16.f32 v51;
	v59 =	vunpack.i.u.bf16.f32 v51;
	[tilespmem:v34+s29+$0x0] =	vst.idx.add.f32.msk $0xffff, v14  }
0xcd: {  	v31 =	vmul.f32 v31, v54;
	v33 =	vmul.f32 v59, v54;
	v54 =	vor.u32 $0x80, v24;
	v24 =	vld.idx.msk [tilespmem:v24+s22+$0x0], $0xffff  }
0xce: {  	v1 =	vshll.u32 v40, $0x2;
	v12 =	vand.u32 $0x7F, v37;
	v10 =	vmul.f32 v61, v10;
	v35 =	vld.idx.msk [tilespmem:v35+s22+$0x0], $0xffff  }
0xcf: {  	v8 =	vmul.f32 v8, v9;
	v51 =	vunpack.i.u.bf16.f32 v46;
	v46 =	vunpack.i.l.bf16.f32 v46;
	[tilespmem:v57+s30+$0x0] =	vst.idx.add.f32.msk $0xffff, v31  }
0xd0: {  	v9 =	vmul.f32 v46, v63;
	v31 =	vunpack.i.u.bf16.f32 v48;
	[tilespmem:v58+s30+$0x0] =	vst.idx.add.f32.msk $0xffff, v33;
	v33 =	vsel vm15, v45, v52  }
0xd1: {  	v1 =	vand.u32 $0xFFFFFE00, v1;
	v5 =	vmul.f32 v51, v31;
	v31 =	vsel vm1, v0, v49;
	[tilespmem:v23+s29+$0x0] =	vst.idx.add.f32.msk $0xffff, v33  }
0xd2: {  	v1 =	vor.u32 v17, v1;
	vm5 =	vge.f32 v10, $1.000000000e+00;
	vm6 =	vge.f32 v9, $1.000000000e+00;
	[tilespmem:v26+s29+$0x0] =	vst.idx.add.f32.msk $0xffff, v31  }
0xd3: {  	v0 =	vand.u32 $0xFFFFFE00, v13;
	v13 =	vsel vm6, v9, v5;
	v5 =	vand.u32 $0xFFFFFE00, v62;
	v17 =	vld.idx.msk [tilespmem:v21+s22+$0x0], $0xffff  }
0xd4: {  	v2 =	vand.u32 $0xFFFFFE00, v56;
	v11 =	vsel vm5, v10, v8;
	v29 =	vor.u32 v12, v5;
	v5 =	vld.idx.msk [tilespmem:v43+s22+$0x0], $0xffff  }
0xd5: {  	v56 =	vor.u32 $0x80, v15;
	v60 =	vor.u32 $0x80, v25;
	v59 =	vor.u32 $0x180, v15;
	[tilespmem:v37+s29+$0x0] =	vst.idx.add.f32.msk $0xffff, v11  }
0xd6: {  	v8 =	vand.u32 $0x7F, v27;
	v10 =	vand.u32 $0x7F, v34;
	v57 =	vor.u32 $0x80, v38;
	v38 =	vld.idx.msk [tilespmem:v38+s22+$0x0], $0xffff  }
0xd7: {  	v27 =	vor.u32 $0x100, v25;
	v2 =	vor.u32 v10, v2;
	v58 =	vor.u32 $0x80, v39;
	[tilespmem:v4+s30+$0x0] =	vst.idx.add.f32.msk $0xffff, v20  }
0xd8: {  	v23 =	vor.u32 $0x100, v15;
	[tilespmem:v3+s30+$0x0] =	vst.idx.add.f32.msk $0xffff, v19;
	v63 =	vunpack.i.u.bf16.f32 v17;
	v17 =	vunpack.i.l.bf16.f32 v17  }
0xd9: {  	v26 =	vor.u32 v8, v36;
	[tilespmem:v40+s29+$0x0] =	vst.idx.add.f32.msk $0xffff, v13;
	v62 =	vunpack.i.l.bf16.f32 v5;
	v3 =	vmul.f32 v17, v31  }
0xda: {  	v9 =	vand.u32 $0x7F, v32;
	v39 =	vld.idx.msk [tilespmem:v39+s22+$0x0], $0xffff;
	v61 =	vunpack.i.u.bf16.f32 v5;
	v49 =	vmul.f32 v62, v33  }
0xdb: {  	v0 =	vor.u32 v9, v0;
	v40 =	vunpack.i.l.bf16.f32 v53;
	v4 =	vmul.f32 v33, v61;
	[tilespmem:v25+s30+$0x0] =	vst.idx.add.f32.msk $0xffff, v3  }
0xdc: {  	v28 =	vor.u32 $0x100, v26;
	v30 =	vor.u32 $0x100, v0;
	v3 =	vmul.f32 v40, v18;
	[tilespmem:v15+s30+$0x0] =	vst.idx.add.f32.msk $0xffff, v49  }
0xdd: {  	v32 =	vor.u32 $0x100, v2;
	v17 =	vunpack.i.l.bf16.f32 v24;
	[tilespmem:v23+s30+$0x0] =	vst.idx.add.f32.msk $0xffff, v4;
	v4 =	vmul.f32 v31, v63  }
0xde: {  	v10 =	vor.u32 $0x80, v26;
	v15 =	vunpack.i.u.bf16.f32 v24;
	[tilespmem:v26+s30+$0x0] =	vst.idx.add.f32.msk $0xffff, v3;
	v3 =	vmul.f32 v17, v16  }
0xdf: {  	v9 =	vor.u32 $0x180, v26;
	v23 =	vunpack.i.l.bf16.f32 v35;
	v26 =	vmul.f32 v16, v15;
	[tilespmem:v27+s30+$0x0] =	vst.idx.add.f32.msk $0xffff, v4  }
0xe0: {  	v36 =	vor.u32 $0x80, v43;
	v20 =	vunpack.i.u.bf16.f32 v53;
	v23 =	vmul.f32 v23, v14;
	[tilespmem:v0+s30+$0x0] =	vst.idx.add.f32.msk $0xffff, v3  }
0xe1: {  	v19 =	vunpack.i.u.bf16.f32 v35;
	v12 =	vor.u32 $0x180, v25;
	v4 =	vmul.f32 v18, v20;
	[tilespmem:v30+s30+$0x0] =	vst.idx.add.f32.msk $0xffff, v26  }
0xe2: {  	v19 =	vmul.f32 v14, v19;
	v34 =	vor.u32 $0x100, v29;
	v25 =	vunpack.i.l.bf16.f32 v38;
	[tilespmem:v2+s30+$0x0] =	vst.idx.add.f32.msk $0xffff, v23  }
0xe3: {  	v8 =	vor.u32 $0x80, v0;
	v5 =	vor.u32 $0x180, v0;
	v0 =	vmul.f32 v25, v11;
	[tilespmem:v28+s30+$0x0] =	vst.idx.add.f32.msk $0xffff, v4  }
0xe4: {  	v21 =	vor.u32 $0x80, v21;
	v24 =	vunpack.i.u.bf16.f32 v38;
	[tilespmem:v32+s30+$0x0] =	vst.idx.add.f32.msk $0xffff, v19  }
0xe5: {  	v52 =	vor.u32 $0x100, v1;
	v24 =	vmul.f32 v11, v24;
	v27 =	vunpack.i.l.bf16.f32 v39;
	[tilespmem:v29+s30+$0x0] =	vst.idx.add.f32.msk $0xffff, v0  }
0xe6: {  	v22 =	vor.u32 $0x80, v22;
	v25 =	vmul.f32 v27, v13;
	v0 =	vld.idx.msk [tilespmem:v36+s22+$0x0], $0xffff  }
0xe7: {  	v20 =	vunpack.i.u.bf16.f32 v39;
	[tilespmem:v34+s30+$0x0] =	vst.idx.add.f32.msk $0xffff, v24  }
0xe8: {  	v17 =	vor.u32 $0x80, v2;
	v20 =	vmul.f32 v13, v20;
	[tilespmem:v1+s30+$0x0] =	vst.idx.add.f32.msk $0xffff, v25  }
0xe9: {  	v15 =	vor.u32 $0x180, v2;
	v2 =	vor.u32 $0x80, v1;
	v23 =	vor.u32 $0x180, v1;
	v1 =	vld.idx.msk [tilespmem:v21+s22+$0x0], $0xffff  }
0xea: {  	[tilespmem:v52+s30+$0x0] =	vst.idx.add.f32.msk $0xffff, v20  }
0xeb: {  	v20 =	vld.idx.msk [tilespmem:v22+s22+$0x0], $0xffff  }
0xec: {  	v19 =	vld.idx.msk [tilespmem:v58+s22+$0x0], $0xffff  }
0xed: {  	[tilespmem:v6+s30+$0x0] =	vst.idx.add.f32.msk $0xffff, v7  }
0xee: {  	v6 =	vld [tilespmem:$0x1FFE0]  }
0xef: {  	v21 =	vld.idx.msk [tilespmem:v54+s22+$0x0], $0xffff  }
0xf0: {  	v24 =	vld.idx.msk [tilespmem:v55+s22+$0x0], $0xffff;
	v22 =	vunpack.i.u.bf16.f32 v0  }
0xf1: {  	s21 =	sadd.s32 $0x8, s21;
	v0 =	vunpack.i.l.bf16.f32 v0;
	v7 =	vunpack.i.u.bf16.f32 v20;
	v27 =	vunpack.i.l.bf16.f32 v20;
	v20 =	vld [tilespmem:$0x1FFF0]  }
0xf2: {  	p0 =	slt.u32 s21, $0xF0;
	v25 =	vld.idx.msk [tilespmem:v57+s22+$0x0], $0xffff;
	v0 =	vmul.f32 v0, v33  }
.Ltmp4:
0xf3: {  	v3 =	vor.u32 $0x180, v29;
	v34 =	vmov v2;
	v2 =	vmul.f32 v22, v33;
	(pc) =	sbr.rel @p0 .LBB2_10-.Ltmp4, $4  }
0xf4: {  	v4 =	vor.u32 $0x80, v29;
	v26 =	vunpack.i.u.bf16.f32 v1;
	v1 =	vunpack.i.l.bf16.f32 v1;
	[tilespmem:v56+s30+$0x0] =	vst.idx.add.f32.msk $0xffff, v0  }
0xf5: {  	v22 =	vunpack.i.l.bf16.f32 v21;
	v0 =	vmul.f32 v1, v31;
	v31 =	vmul.f32 v26, v31;
	[tilespmem:v59+s30+$0x0] =	vst.idx.add.f32.msk $0xffff, v2  }
0xf6: {  	v33 =	vmul.f32 v27, v18;
	[tilespmem:v6+s30+$0x0] =	vst.idx.add.f32.msk $0xffff, v20;
	v6 =	vunpack.i.u.bf16.f32 v21;
	v20 =	vunpack.i.u.bf16.f32 v24  }
0xf7: {  	s5 =	sadd.s32 $0x80, s5;
	v35 =	vmovc v23;
	[tilespmem:v60+s30+$0x0] =	vst.idx.add.f32.msk $0xffff, v0;
	v24 =	vunpack.i.l.bf16.f32 v24;
	v21 =	vunpack.i.u.bf16.f32 v25;
	v25 =	vunpack.i.l.bf16.f32 v25  }
0xf8: {  	_ =	sdelay $0x3  }
0xf9: {  	v0 =	vmul.f32 v7, v18;
	[tilespmem:v12+s30+$0x0] =	vst.idx.add.f32.msk $0xffff, v31  }
0xfa: {  	v1 =	vmul.f32 v22, v16;
	[tilespmem:v10+s30+$0x0] =	vst.idx.add.f32.msk $0xffff, v33  }
0xfb: {  	v58 =	vmul.f32 v24, v14;
	[tilespmem:v9+s30+$0x0] =	vst.idx.add.f32.msk $0xffff, v0  }
0xfc: {  	v60 =	vmul.f32 v25, v11;
	[tilespmem:v8+s30+$0x0] =	vst.idx.add.f32.msk $0xffff, v1  }
0xfd: {  	v2 =	vmul.f32 v6, v16;
	[tilespmem:v17+s30+$0x0] =	vst.idx.add.f32.msk $0xffff, v58  }
0xfe: {  	v59 =	vmul.f32 v20, v14;
	[tilespmem:v4+s30+$0x0] =	vst.idx.add.f32.msk $0xffff, v60  }
0xff: {  	v61 =	vunpack.i.l.bf16.f32 v19;
	v62 =	vmul.f32 v21, v11;
	[tilespmem:v5+s30+$0x0] =	vst.idx.add.f32.msk $0xffff, v2  }
0x100: {  	v63 =	vunpack.i.u.bf16.f32 v19;
	v0 =	vmul.f32 v61, v13;
	[tilespmem:v15+s30+$0x0] =	vst.idx.add.f32.msk $0xffff, v59  }
0x101: {  	v1 =	vmul.f32 v63, v13;
	[tilespmem:v3+s30+$0x0] =	vst.idx.add.f32.msk $0xffff, v62  }
0x102: {  	[tilespmem:v34+s30+$0x0] =	vst.idx.add.f32.msk $0xffff, v0  }
0x103: {  	[tilespmem:v35+s30+$0x0] =	vst.idx.add.f32.msk $0xffff, v1  }
.LBB2_12:
0x104: {  	s5 =	sshra.s32 s0, $0x2  }
0x105: {  	v0 =	vld [tilespmem:s5+$0x17780]  }
0x106: {  	v1 =	vld [tilespmem:s5+$0x19780];
	_ =	sdelay $0x6  }
0x107: {  	v2 =	vld.idx.msk [tilespmem:v0+s3+$0x0], $0xffff  }
0x108: {  	v3 =	vld.idx.msk [tilespmem:v1+s19+$0x0], $0xffff;
	_ =	sdelay $0x2  }
0x109: {  	v4 =	vand.u32 $0x7F, v0;
	v0 =	vshll.u32 v0, $0x1  }
0x10a: {  	v0 =	vand.u32 $0xFFFFFF00, v0  }
0x10b: {  	v5 =	vunpack.i.u.bf16.f32 v2;
	v2 =	vunpack.i.l.bf16.f32 v2;
	v6 =	vunpack.i.l.bf16.f32 v3  }
0x10c: {  	v0 =	vor.u32 v4, v0;
	v3 =	vunpack.i.u.bf16.f32 v3;
	v2 =	vmul.f32 v6, v2  }
0x10d: {  	v3 =	vmul.f32 v3, v5  }
0x10e: {  	vm0 =	vge.f32 v2, $1.000000000e+00  }
0x10f: {  	v2 =	vsel vm0, v2, v3  }
0x110: {  	[tilespmem:v1+s29+$0x0] =	vst.idx.add.f32.msk $0xffff, v2  }
0x111: {  	v59 =	vld.idx.msk [tilespmem:v0+s22+$0x0], $0xffff  }
0x112: {  	v60 =	vshll.u32 v1, $0x2  }
0x113: {  	v4 =	vand.u32 $0xFFFFFE00, v60;
	v1 =	vand.u32 $0x7F, v1  }
0x114: {  	v1 =	vor.u32 v1, v4  }
0x115: {  	v4 =	vor.u32 $0x100, v1  }
0x116: {  	v0 =	vor.u32 $0x80, v0;
	v61 =	vunpack.i.l.bf16.f32 v59  }
0x117: {  	v3 =	vunpack.i.u.bf16.f32 v59;
	v5 =	vmul.f32 v61, v2  }
0x118: {  	v3 =	vmul.f32 v2, v3  }
0x119: {  	[tilespmem:v1+s30+$0x0] =	vst.idx.add.f32.msk $0xffff, v5  }
0x11a: {  	[tilespmem:v4+s30+$0x0] =	vst.idx.add.f32.msk $0xffff, v3  }
0x11b: {  	v0 =	vld.idx.msk [tilespmem:v0+s22+$0x0], $0xffff;
	_ =	sdelay $0x2  }
0x11c: {  	v62 =	vor.u32 $0x80, v1  }
0x11d: {  	p0 =	seq.s32 s0, $0x40;
	v1 =	vor.u32 $0x180, v1  }
.Ltmp5:
0x11e: {  	v63 =	vunpack.i.l.bf16.f32 v0;
	(pc) =	sbr.rel @!p0 .LBB2_12-.Ltmp5, $4  }
0x11f: {  	v0 =	vunpack.i.u.bf16.f32 v0;
	v4 =	vmul.f32 v63, v2  }
0x120: {  	v0 =	vmul.f32 v0, v2  }
0x121: {  	[tilespmem:v62+s30+$0x0] =	vst.idx.add.f32.msk $0xffff, v4  }
0x122: {  	s0 =	sadd.s32 $0x40, s0;
	[tilespmem:v1+s30+$0x0] =	vst.idx.add.f32.msk $0xffff, v0  }
.Ltmp6:
0x123: {  	_ = 	snop;
	(pc) =	sbr.rel .LBB2_13-.Ltmp6, $1  }
0x124: {  	_ =	sdelay $0x3  }
.LBB2_5:
0x125: {  	s5 =	simm.s32 @p0 $0x16840  }
0x126: {  	s24 =	simm.s32 @p0 $0x18840;
	v0 =	vld [tilespmem:s5+$0x30]  }
0x127: {  	v7 =	vld [tilespmem:s24+$0x30]  }
0x128: {  	v9 =	vld [tilespmem:s24+$0xFFFFFFC0]  }
0x129: {  	v10 =	vld [tilespmem:s5+$0xFFFFFFD0]  }
0x12a: {  	v5 =	vld [tilespmem:s24+$0xFFFFFFD0]  }
0x12b: {  	v11 =	vld [tilespmem:s24+$0xFFFFFFF0]  }
0x12c: {  	v22 =	vld [tilespmem:s5+$0x0]  }
0x12d: {  	v23 =	vld [tilespmem:s5+$0x10]  }
0x12e: {  	v27 =	vld [tilespmem:s5+$0xFFFFFFC0]  }
0x12f: {  	v16 =	vld [tilespmem:s5+$0xFFFFFFE0]  }
0x130: {  	v4 =	vld [tilespmem:s24+$0xFFFFFFE0];
	v1 =	vshll.u32 v0, $0x1;
	v2 =	vshll.u32 v9, $0x2  }
0x131: {  	v3 =	vand.u32 $0x7F, v0;
	v6 =	vshll.u32 v10, $0x1;
	v8 =	vand.u32 $0x7F, v10  }
0x132: {  	v20 =	vand.u32 $0x7F, v9;
	v28 =	vshll.u32 v23, $0x1;
	v31 =	vand.u32 $0x7F, v22  }
0x133: {  	v17 =	vld [tilespmem:s5+$0xFFFFFFF0];
	v32 =	vand.u32 $0x7F, v23;
	v33 =	vand.u32 $0x7F, v27;
	v63 =	vshll.u32 v11, $0x2  }
0x134: {  	s0 =	simm.s32 $0x0;
	v14 =	vld [tilespmem:s24+$0x0];
	v1 =	vand.u32 $0xFFFFFF00, v1;
	v12 =	vand.u32 $0xFFFFFE00, v2;
	v2 =	vshll.u32 v5, $0x2  }
0x135: {  	v18 =	vor.u32 v3, v1;
	v1 =	vand.u32 $0xFFFFFF00, v6;
	v3 =	vand.u32 $0x7F, v16;
	v0 =	vld.idx.msk [tilespmem:v0+s0+$0x0], $0xffff  }
0x136: {  	v6 =	vshll.u32 v16, $0x1;
	v13 =	vand.u32 $0xFFFFFE00, v2;
	v12 =	vor.u32 v20, v12;
	v19 =	vld.idx.msk [tilespmem:v7+s19+$0x0], $0xffff  }
0x137: {  	v20 =	vand.u32 $0xFFFFFE00, v63;
	v1 =	vor.u32 v8, v1;
	v2 =	vand.u32 $0xFFFFFF00, v6;
	v29 =	vld.idx.msk [tilespmem:v10+s0+$0x0], $0xffff  }
0x138: {  	v6 =	vshll.u32 v4, $0x2;
	v8 =	vshll.u32 v17, $0x1;
	v62 =	vld.idx.msk [tilespmem:v4+s19+$0x0], $0xffff;
	v4 =	vand.u32 $0x7F, v4  }
0x139: {  	v46 =	vld.idx.msk [tilespmem:v11+s19+$0x0], $0xffff;
	v11 =	vand.u32 $0x7F, v11;
	v2 =	vor.u32 v3, v2;
	v3 =	vand.u32 $0x7F, v17  }
0x13a: {  	v16 =	vld.idx.msk [tilespmem:v16+s0+$0x0], $0xffff;
	v8 =	vand.u32 $0xFFFFFF00, v8;
	v15 =	vand.u32 $0xFFFFFE00, v6;
	v11 =	vor.u32 v11, v20  }
0x13b: {  	v6 =	vld [tilespmem:s24+$0x10];
	v3 =	vor.u32 v3, v8;
	v8 =	vshll.u32 v7, $0x2;
	v4 =	vor.u32 v4, v15  }
0x13c: {  	v17 =	vld.idx.msk [tilespmem:v17+s0+$0x0], $0xffff;
	v7 =	vand.u32 $0x7F, v7;
	v8 =	vand.u32 $0xFFFFFE00, v8;
	v60 =	vor.u32 $0x100, v4  }
0x13d: {  	v21 =	vld.idx.msk [tilespmem:v18+s22+$0x0], $0xffff;
	v26 =	vor.u32 v7, v8;
	v18 =	vor.u32 $0x80, v18;
	v24 =	vunpack.i.l.bf16.f32 v0  }
0x13e: {  	v8 =	vld [tilespmem:s24+$0x20];
	v25 =	vunpack.i.l.bf16.f32 v19;
	v0 =	vunpack.i.u.bf16.f32 v0;
	v19 =	vunpack.i.u.bf16.f32 v19  }
0x13f: {  	v38 =	vunpack.i.l.bf16.f32 v16;
	v16 =	vunpack.i.u.bf16.f32 v16;
	v48 =	vunpack.i.l.bf16.f32 v46;
	v54 =	vld.idx.msk [tilespmem:v1+s22+$0x0], $0xffff  }
0x140: {  	v1 =	vor.u32 $0x80, v1;
	v24 =	vmul.f32 v25, v24;
	v25 =	vld [tilespmem:s5+$0x20];
	v0 =	vmul.f32 v19, v0  }
0x141: {  	v19 =	vshll.u32 v22, $0x1;
	v35 =	vshll.u32 v6, $0x2;
	v22 =	vld.idx.msk [tilespmem:v22+s0+$0x0], $0xffff;
	v47 =	vunpack.i.l.bf16.f32 v17  }
0x142: {  	v17 =	vunpack.i.u.bf16.f32 v17;
	v43 =	vld.idx.msk [tilespmem:v2+s22+$0x0], $0xffff;
	v2 =	vor.u32 $0x80, v2;
	vm0 =	vge.f32 v24, $1.000000000e+00  }
0x143: {  	v7 =	vand.u32 $0xFFFFFF00, v19;
	v19 =	vor.u32 $0x100, v26;
	v0 =	vsel vm0, v24, v0;
	v24 =	vld.idx.msk [tilespmem:v9+s19+$0x0], $0xffff  }
0x144: {  	v9 =	vunpack.i.l.bf16.f32 v21;
	v10 =	vunpack.i.u.bf16.f32 v21;
	v21 =	vand.u32 $0xFFFFFF00, v28;
	v28 =	vld.idx.msk [tilespmem:v5+s19+$0x0], $0xffff  }
0x145: {  	v36 =	vshll.u32 v8, $0x2;
	v41 =	vld.idx.msk [tilespmem:v6+s19+$0x0], $0xffff;
	v5 =	vand.u32 $0x7F, v5;
	v6 =	vand.u32 $0x7F, v6  }
0x146: {  	v9 =	vmul.f32 v0, v9;
	v10 =	vmul.f32 v0, v10;
	v5 =	vor.u32 v5, v13  }
0x147: {  	v30 =	vshll.u32 v25, $0x1;
	v34 =	vand.u32 $0x7F, v25;
	v49 =	vunpack.i.l.bf16.f32 v22  }
0x148: {  	v22 =	vunpack.i.u.bf16.f32 v22;
	v58 =	vunpack.i.l.bf16.f32 v43;
	[tilespmem:v26+s30+$0x0] =	vst.idx.add.f32.msk $0xffff, v9;
	v9 =	vshll.u32 v27, $0x1  }
0x149: {  	v30 =	vand.u32 $0xFFFFFF00, v30;
	[tilespmem:v19+s30+$0x0] =	vst.idx.add.f32.msk $0xffff, v10;
	v10 =	vand.u32 $0xFFFFFF00, v9;
	v9 =	vor.u32 v31, v7  }
0x14a: {  	v7 =	vor.u32 v32, v21;
	v32 =	vunpack.i.u.bf16.f32 v62;
	v19 =	vunpack.i.l.bf16.f32 v24  }
0x14b: {  	v27 =	vld.idx.msk [tilespmem:v27+s0+$0x0], $0xffff;
	v21 =	vor.u32 v33, v10;
	v10 =	vor.u32 v34, v30;
	v24 =	vunpack.i.u.bf16.f32 v24  }
0x14c: {  	v42 =	vld.idx.msk [tilespmem:v8+s19+$0x0], $0xffff;
	v30 =	vunpack.i.u.bf16.f32 v29;
	v29 =	vunpack.i.l.bf16.f32 v29;
	v31 =	vunpack.i.l.bf16.f32 v28  }
0x14d: {  	v39 =	vld.idx.msk [tilespmem:v14+s19+$0x0], $0xffff;
	v28 =	vunpack.i.u.bf16.f32 v28;
	v34 =	vunpack.i.u.bf16.f32 v46;
	v16 =	vmul.f32 v32, v16  }
0x14e: {  	v18 =	vld.idx.msk [tilespmem:v18+s22+$0x0], $0xffff;
	v51 =	vunpack.i.l.bf16.f32 v41;
	v53 =	vunpack.i.u.bf16.f32 v41;
	v29 =	vmul.f32 v31, v29  }
0x14f: {  	v28 =	vmul.f32 v28, v30;
	v30 =	vor.u32 $0x80, v26;
	v31 =	vshll.u32 v14, $0x2  }
0x150: {  	v26 =	vor.u32 $0x180, v26;
	v17 =	vmul.f32 v34, v17;
	vm14 =	vge.f32 v29, $1.000000000e+00  }
0x151: {  	v40 =	vunpack.i.l.bf16.f32 v27;
	v27 =	vunpack.i.u.bf16.f32 v27;
	v55 =	vunpack.i.l.bf16.f32 v42  }
0x152: {  	v24 =	vmul.f32 v24, v27;
	v27 =	vunpack.i.l.bf16.f32 v39;
	v39 =	vunpack.i.u.bf16.f32 v39  }
0x153: {  	v57 =	vld.idx.msk [tilespmem:v9+s22+$0x0], $0xffff;
	v9 =	vor.u32 $0x80, v9;
	v37 =	vunpack.i.l.bf16.f32 v18;
	v27 =	vmul.f32 v27, v49  }
0x154: {  	v18 =	vunpack.i.u.bf16.f32 v18;
	v52 =	vld.idx.msk [tilespmem:v21+s22+$0x0], $0xffff;
	v22 =	vmul.f32 v39, v22;
	v37 =	vmul.f32 v37, v0  }
0x155: {  	v0 =	vmul.f32 v18, v0;
	v18 =	vmul.f32 v19, v40;
	v19 =	vld.idx.msk [tilespmem:v23+s0+$0x0], $0xffff;
	v23 =	vunpack.i.l.bf16.f32 v62  }
0x156: {  	v56 =	vld.idx.msk [tilespmem:v3+s22+$0x0], $0xffff;
	v62 =	vor.u32 $0x100, v11;
	v23 =	vmul.f32 v23, v38;
	v38 =	vmul.f32 v48, v47  }
0x157: {  	vm5 =	vge.f32 v27, $1.000000000e+00;
	vm2 =	vge.f32 v18, $1.000000000e+00;
	[tilespmem:v30+s30+$0x0] =	vst.idx.add.f32.msk $0xffff, v37;
	v30 =	vand.u32 $0xFFFFFE00, v31  }
0x158: {  	v25 =	vld.idx.msk [tilespmem:v25+s0+$0x0], $0xffff;
	vm3 =	vge.f32 v23, $1.000000000e+00;
	vm4 =	vge.f32 v38, $1.000000000e+00;
	v24 =	vsel vm2, v18, v24  }
0x159: {  	[tilespmem:v26+s30+$0x0] =	vst.idx.add.f32.msk $0xffff, v0;
	v0 =	vand.u32 $0x7F, v14;
	v44 =	vunpack.i.u.bf16.f32 v52;
	v34 =	vunpack.i.l.bf16.f32 v52  }
0x15a: {  	v18 =	vsel vm3, v23, v16;
	v23 =	vunpack.i.u.bf16.f32 v43;
	v17 =	vsel vm4, v38, v17  }
0x15b: {  	v16 =	vsel vm5, v27, v22;
	v27 =	vunpack.i.l.bf16.f32 v56;
	v0 =	vor.u32 v0, v30  }
0x15c: {  	v30 =	vunpack.i.l.bf16.f32 v57;
	v50 =	vunpack.i.u.bf16.f32 v19;
	v14 =	vmul.f32 v24, v34  }
0x15d: {  	v19 =	vunpack.i.l.bf16.f32 v19;
	v31 =	vmul.f32 v18, v58;
	v27 =	vmul.f32 v17, v27  }
0x15e: {  	v13 =	vld.idx.msk [tilespmem:v7+s22+$0x0], $0xffff;
	v30 =	vmul.f32 v16, v30;
	v32 =	vmul.f32 v51, v19;
	v19 =	vunpack.i.l.bf16.f32 v25  }
0x15f: {  	v15 =	vld.idx.msk [tilespmem:v10+s22+$0x0], $0xffff;
	v40 =	vmul.f32 v55, v19;
	v19 =	vunpack.i.u.bf16.f32 v25;
	v25 =	vunpack.i.u.bf16.f32 v42  }
0x160: {  	[tilespmem:v12+s30+$0x0] =	vst.idx.add.f32.msk $0xffff, v14;
	v25 =	vmul.f32 v25, v19;
	v19 =	vsel vm14, v29, v28;
	v29 =	vunpack.i.l.bf16.f32 v54  }
0x161: {  	v22 =	vunpack.i.u.bf16.f32 v56;
	v23 =	vmul.f32 v18, v23;
	[tilespmem:v4+s30+$0x0] =	vst.idx.add.f32.msk $0xffff, v31;
	v29 =	vmul.f32 v19, v29  }
0x162: {  	v14 =	vor.u32 $0x100, v12;
	v31 =	vand.u32 $0xFFFFFE00, v35;
	[tilespmem:v11+s30+$0x0] =	vst.idx.add.f32.msk $0xffff, v27;
	v28 =	vunpack.i.u.bf16.f32 v54  }
0x163: {  	v31 =	vor.u32 v6, v31;
	v6 =	vand.u32 $0x7F, v8;
	[tilespmem:v5+s30+$0x0] =	vst.idx.add.f32.msk $0xffff, v29;
	v29 =	vor.u32 $0x100, v5  }
0x164: {  	v8 =	vmul.f32 v17, v22;
	[tilespmem:v60+s30+$0x0] =	vst.idx.add.f32.msk $0xffff, v23;
	v27 =	vmul.f32 v19, v28;
	v28 =	vor.u32 $0x100, v0  }
0x165: {  	v26 =	vunpack.i.u.bf16.f32 v57;
	v61 =	vmul.f32 v24, v44;
	v39 =	vmul.f32 v53, v50;
	[tilespmem:v0+s30+$0x0] =	vst.idx.add.f32.msk $0xffff, v30  }
0x166: {  	v59 =	vunpack.i.u.bf16.f32 v13;
	v13 =	vunpack.i.l.bf16.f32 v13;
	vm1 =	vge.f32 v32, $1.000000000e+00;
	[tilespmem:v62+s30+$0x0] =	vst.idx.add.f32.msk $0xffff, v8  }
0x167: {  	v26 =	vmul.f32 v16, v26;
	v20 =	vsel vm1, v32, v39;
	v30 =	vand.u32 $0xFFFFFE00, v36;
	[tilespmem:v14+s30+$0x0] =	vst.idx.add.f32.msk $0xffff, v61  }
0x168: {  	[tilespmem:v29+s30+$0x0] =	vst.idx.add.f32.msk $0xffff, v27;
	v27 =	vor.u32 v6, v30;
	v6 =	vmul.f32 v20, v13;
	v13 =	vor.u32 $0x80, v21  }
0x169: {  	vm15 =	vge.f32 v40, $1.000000000e+00;
	[tilespmem:v28+s30+$0x0] =	vst.idx.add.f32.msk $0xffff, v26  }
0x16a: {  	v3 =	vor.u32 $0x80, v3;
	v22 =	vsel vm15, v40, v25;
	v14 =	vor.u32 $0x100, v31;
	v25 =	vld.idx.msk [tilespmem:v9+s22+$0x0], $0xffff  }
0x16b: {  	v63 =	vor.u32 $0x80, v10;
	v10 =	vor.u32 $0x180, v4;
	v8 =	vunpack.i.l.bf16.f32 v15;
	v30 =	vld.idx.msk [tilespmem:v2+s22+$0x0], $0xffff  }
0x16c: {  	v8 =	vmul.f32 v22, v8;
	v26 =	vor.u32 $0x80, v7;
	v28 =	vor.u32 $0x80, v12;
	v1 =	vld.idx.msk [tilespmem:v1+s22+$0x0], $0xffff  }
0x16d: {  	v7 =	vor.u32 $0x180, v11;
	v21 =	vmul.f32 v20, v59;
	v23 =	vor.u32 $0x100, v27;
	v29 =	vld.idx.msk [tilespmem:v13+s22+$0x0], $0xffff  }
0x16e: {  	s21 =	simm.s32 @p0 $0xFFFFFFF8;
	v37 =	vor.u32 $0x80, v27;
	v2 =	vor.u32 $0x180, v27;
	[tilespmem:v31+s30+$0x0] =	vst.idx.add.f32.msk $0xffff, v6;
	v6 =	vunpack.i.u.bf16.f32 v15  }
0x16f: {  	s21 =	sadd.s32 $0x8, s21;
	v15 =	vor.u32 $0x80, v5;
	[tilespmem:v14+s30+$0x0] =	vst.idx.add.f32.msk $0xffff, v21;
	v21 =	vmul.f32 v22, v6;
	v14 =	vor.u32 $0x180, v12  }
0x170: {  	p0 =	slt.u32 s21, $0xF0;
	v6 =	vor.u32 $0x80, v0;
	v13 =	vor.u32 $0x180, v5;
	v5 =	vor.u32 $0x180, v0;
	v0 =	vld.idx.msk [tilespmem:v3+s22+$0x0], $0xffff  }
.Ltmp7:
0x171: {  	v12 =	vor.u32 $0x80, v4;
	v4 =	vor.u32 $0x80, v31;
	[tilespmem:v27+s30+$0x0] =	vst.idx.add.f32.msk $0xffff, v8;
	v8 =	vor.u32 $0x80, v11;
	(pc) =	sbr.rel @!p0 .LBB2_7-.Ltmp7, $4  }
0x172: {  	v3 =	vor.u32 $0x180, v31;
	[tilespmem:v23+s30+$0x0] =	vst.idx.add.f32.msk $0xffff, v21;
	v27 =	vunpack.i.u.bf16.f32 v1;
	v11 =	vunpack.i.l.bf16.f32 v29  }
0x173: {  	v23 =	vld.idx.msk [tilespmem:v26+s22+$0x0], $0xffff;
	v31 =	vunpack.i.l.bf16.f32 v1;
	v9 =	vunpack.i.u.bf16.f32 v29;
	v26 =	vmul.f32 v11, v24  }
0x174: {  	v21 =	vld.idx.msk [tilespmem:v63+s22+$0x0], $0xffff;
	v29 =	vunpack.i.l.bf16.f32 v30;
	v24 =	vmul.f32 v9, v24;
	v11 =	vunpack.i.u.bf16.f32 v30  }
0x175: {  	s5 =	sadd.s32 $0x80, s5;
	v9 =	vunpack.i.u.bf16.f32 v0;
	[tilespmem:v28+s30+$0x0] =	vst.idx.add.f32.msk $0xffff, v26;
	v26 =	vmul.f32 v31, v19;
	v28 =	vunpack.i.l.bf16.f32 v0  }
.LBB2_6:
0x176: {  	v0 =	vld [tilespmem:s5+$0x30];
	v1 =	vmul.f32 v27, v19  }
0x177: {  	v46 =	vld [tilespmem:s5+$0xFFFFFFD0]  }
0x178: {  	v50 =	vld [tilespmem:s5+$0x0];
	[tilespmem:$0x1FF70] =	vst v1;
	v1 =	vmul.f32 v29, v18  }
0x179: {  	s24 =	sadd.s32 $0x80, s24;
	v52 =	vld [tilespmem:s5+$0x20]  }
0x17a: {  	v44 =	vld [tilespmem:s24+$0x30];
	[tilespmem:$0x1FF80] =	vst v1;
	v1 =	vmul.f32 v11, v18  }
0x17b: {  	v28 =	vmul.f32 v28, v17;
	v45 =	vld [tilespmem:s24+$0xFFFFFFC0];
	v19 =	vunpack.i.u.bf16.f32 v25;
	v25 =	vunpack.i.l.bf16.f32 v25  }
0x17c: {  	v9 =	vmul.f32 v9, v17;
	v31 =	vld [tilespmem:s24+$0xFFFFFFE0];
	v27 =	vunpack.i.u.bf16.f32 v23;
	[tilespmem:$0x1FF90] =	vst v1;
	v1 =	vmul.f32 v25, v16  }
0x17d: {  	v29 =	vld [tilespmem:s24+$0xFFFFFFD0];
	v23 =	vunpack.i.l.bf16.f32 v23;
	v18 =	vunpack.i.u.bf16.f32 v21;
	v11 =	vunpack.i.l.bf16.f32 v21  }
0x17e: {  	v41 =	vld [tilespmem:s24+$0xFFFFFFF0];
	v27 =	vmul.f32 v27, v20;
	v17 =	vshll.u32 v0, $0x1;
	[tilespmem:$0x1FFA0] =	vst v1;
	v1 =	vmul.f32 v19, v16  }
0x17f: {  	v11 =	vmul.f32 v11, v22;
	v21 =	vand.u32 $0x7F, v46;
	v53 =	vshll.u32 v50, $0x1;
	v16 =	vld [tilespmem:s5+$0xFFFFFFE0]  }
0x180: {  	v43 =	vld [tilespmem:s24+$0x0];
	v56 =	vshll.u32 v52, $0x1;
	v57 =	vand.u32 $0x7F, v50;
	[tilespmem:$0x1FFB0] =	vst v1;
	v1 =	vmul.f32 v23, v20  }
0x181: {  	v60 =	vand.u32 $0x7F, v52;
	v17 =	vand.u32 $0xFFFFFF00, v17;
	v19 =	vld [tilespmem:s5+$0xFFFFFFF0];
	v20 =	vand.u32 $0x7F, v0  }
0x182: {  	s0 =	simm.s32 $0x0;
	v47 =	vld [tilespmem:s24+$0x10];
	v17 =	vor.u32 v20, v17;
	v20 =	vshll.u32 v29, $0x2;
	[tilespmem:$0x1FFC0] =	vst v1;
	v1 =	vmul.f32 v18, v22  }
0x183: {  	v0 =	vld.idx.msk [tilespmem:v0+s0+$0x0], $0xffff;
	v18 =	vshll.u32 v45, $0x2;
	v22 =	vshll.u32 v46, $0x1;
	v39 =	vand.u32 $0xFFFFFE00, v20  }
0x184: {  	v38 =	vand.u32 $0xFFFFFE00, v18;
	v18 =	vand.u32 $0xFFFFFF00, v22;
	v22 =	vld.idx.msk [tilespmem:v44+s19+$0x0], $0xffff;
	v23 =	vshll.u32 v16, $0x1  }
0x185: {  	v36 =	vld.idx.msk [tilespmem:v46+s0+$0x0], $0xffff;
	v21 =	vor.u32 v21, v18;
	v18 =	vand.u32 $0x7F, v16;
	v20 =	vand.u32 $0xFFFFFF00, v23  }
0x186: {  	v25 =	vshll.u32 v31, $0x2;
	v50 =	vld.idx.msk [tilespmem:v50+s0+$0x0], $0xffff;
	v23 =	vor.u32 v18, v20;
	v20 =	vshll.u32 v19, $0x1  }
0x187: {  	v40 =	vand.u32 $0xFFFFFE00, v25;
	v52 =	vld.idx.msk [tilespmem:v52+s0+$0x0], $0xffff;
	v18 =	vand.u32 $0x7F, v19;
	v20 =	vand.u32 $0xFFFFFF00, v20  }
0x188: {  	v49 =	vunpack.i.l.bf16.f32 v0;
	v0 =	vunpack.i.u.bf16.f32 v0;
	v48 =	vld.idx.msk [tilespmem:v17+s22+$0x0], $0xffff;
	v25 =	vor.u32 v18, v20  }
0x189: {  	v54 =	vld.idx.msk [tilespmem:v45+s19+$0x0], $0xffff;
	v20 =	vand.u32 $0x7F, v44;
	v44 =	vshll.u32 v44, $0x2;
	v51 =	vunpack.i.l.bf16.f32 v22  }
0x18a: {  	v30 =	vld.idx.msk [tilespmem:v43+s19+$0x0], $0xffff;
	v44 =	vand.u32 $0xFFFFFE00, v44;
	v22 =	vunpack.i.u.bf16.f32 v22;
	v51 =	vmul.f32 v51, v49  }
0x18b: {  	v0 =	vmul.f32 v22, v0;
	v20 =	vor.u32 v20, v44;
	v22 =	vld [tilespmem:s5+$0xFFFFFFC0]  }
0x18c: {  	v55 =	vld.idx.msk [tilespmem:v29+s19+$0x0], $0xffff;
	v34 =	vor.u32 $0x100, v20;
	vm0 =	vge.f32 v51, $1.000000000e+00  }
0x18d: {  	v17 =	vor.u32 $0x80, v17;
	v16 =	vld.idx.msk [tilespmem:v16+s0+$0x0], $0xffff;
	v35 =	vunpack.i.l.bf16.f32 v48;
	v0 =	vsel vm0, v51, v0  }
0x18e: {  	v42 =	vand.u32 $0x7F, v45;
	v18 =	vld [tilespmem:s5+$0x10];
	v48 =	vunpack.i.u.bf16.f32 v48;
	v45 =	vmul.f32 v0, v35  }
0x18f: {  	v49 =	vld [tilespmem:s24+$0x20];
	v48 =	vmul.f32 v0, v48  }
0x190: {  	[tilespmem:v20+s30+$0x0] =	vst.idx.add.f32.msk $0xffff, v45  }
0x191: {  	v44 =	vand.u32 $0xFFFFFF00, v53;
	[tilespmem:v34+s30+$0x0] =	vst.idx.add.f32.msk $0xffff, v48  }
0x192: {  	v44 =	vor.u32 v57, v44;
	v17 =	vld.idx.msk [tilespmem:v17+s22+$0x0], $0xffff  }
0x193: {  	v63 =	vshll.u32 v18, $0x1;
	v59 =	vand.u32 $0x7F, v22;
	v32 =	vshll.u32 v22, $0x1;
	v22 =	vld.idx.msk [tilespmem:v22+s0+$0x0], $0xffff  }
0x194: {  	v19 =	vld.idx.msk [tilespmem:v19+s0+$0x0], $0xffff;
	v58 =	vand.u32 $0x7F, v18;
	v46 =	vand.u32 $0xFFFFFF00, v63;
	v33 =	vand.u32 $0xFFFFFF00, v32  }
0x195: {  	v56 =	vand.u32 $0xFFFFFF00, v56;
	v45 =	vor.u32 v58, v46;
	v58 =	vld.idx.msk [tilespmem:v31+s19+$0x0], $0xffff;
	v48 =	vor.u32 v59, v33  }
0x196: {  	v53 =	vunpack.i.l.bf16.f32 v54;
	v54 =	vunpack.i.u.bf16.f32 v54;
	v51 =	vunpack.i.l.bf16.f32 v36;
	v18 =	vld.idx.msk [tilespmem:v18+s0+$0x0], $0xffff  }
0x197: {  	v46 =	vor.u32 v60, v56;
	v56 =	vor.u32 $0x80, v20;
	v34 =	vunpack.i.u.bf16.f32 v36;
	v36 =	vld.idx.msk [tilespmem:v41+s19+$0x0], $0xffff  }
0x198: {  	v33 =	vld.idx.msk [tilespmem:v44+s22+$0x0], $0xffff;
	v63 =	vunpack.i.l.bf16.f32 v17;
	v17 =	vunpack.i.u.bf16.f32 v17;
	v32 =	vunpack.i.u.bf16.f32 v22  }
0x199: {  	v57 =	vld.idx.msk [tilespmem:v49+s19+$0x0], $0xffff;
	v22 =	vunpack.i.l.bf16.f32 v22;
	v63 =	vmul.f32 v63, v0;
	v0 =	vmul.f32 v17, v0  }
0x19a: {  	v17 =	vmul.f32 v53, v22;
	v22 =	vunpack.i.l.bf16.f32 v58;
	v53 =	vunpack.i.u.bf16.f32 v58;
	v58 =	vld.idx.msk [tilespmem:v48+s22+$0x0], $0xffff  }
0x19b: {  	v20 =	vor.u32 $0x180, v20;
	v32 =	vmul.f32 v54, v32;
	v54 =	vld.idx.msk [tilespmem:v25+s22+$0x0], $0xffff  }
0x19c: {  	v35 =	vunpack.i.u.bf16.f32 v55;
	v55 =	vunpack.i.l.bf16.f32 v55;
	[tilespmem:v56+s30+$0x0] =	vst.idx.add.f32.msk $0xffff, v63  }
0x19d: {  	[tilespmem:$0x1FFD0] =	vst v1;
	v1 =	vunpack.i.l.bf16.f32 v16;
	v16 =	vunpack.i.u.bf16.f32 v16;
	v51 =	vmul.f32 v55, v51;
	v56 =	vld.idx.msk [tilespmem:v47+s19+$0x0], $0xffff  }
0x19e: {  	v60 =	vshll.u32 v43, $0x2;
	v55 =	vmul.f32 v35, v34;
	[tilespmem:v8+s30+$0x0] =	vst.idx.add.f32.msk $0xffff, v28;
	v1 =	vmul.f32 v22, v1  }
0x19f: {  	v22 =	vunpack.i.l.bf16.f32 v19;
	v16 =	vmul.f32 v53, v16;
	[tilespmem:v7+s30+$0x0] =	vst.idx.add.f32.msk $0xffff, v9;
	v9 =	vand.u32 $0xFFFFFE00, v60  }
0x1a0: {  	[tilespmem:v20+s30+$0x0] =	vst.idx.add.f32.msk $0xffff, v0;
	v0 =	vunpack.i.u.bf16.f32 v19;
	v19 =	vunpack.i.u.bf16.f32 v36;
	v20 =	vunpack.i.l.bf16.f32 v36  }
0x1a1: {  	[tilespmem:v14+s30+$0x0] =	vst.idx.add.f32.msk $0xffff, v24;
	v36 =	vunpack.i.u.bf16.f32 v18;
	v18 =	vunpack.i.l.bf16.f32 v18;
	vm3 =	vge.f32 v1, $1.000000000e+00  }
0x1a2: {  	v53 =	vld.idx.msk [tilespmem:v23+s22+$0x0], $0xffff;
	v0 =	vmul.f32 v19, v0;
	v19 =	vunpack.i.u.bf16.f32 v56;
	v56 =	vunpack.i.l.bf16.f32 v56  }
0x1a3: {  	v60 =	vld [tilespmem:$0x1FFA0];
	v56 =	vmul.f32 v56, v18;
	v18 =	vunpack.i.u.bf16.f32 v52;
	v52 =	vunpack.i.l.bf16.f32 v52  }
0x1a4: {  	v63 =	vld.idx.msk [tilespmem:v21+s22+$0x0], $0xffff;
	v34 =	vmul.f32 v19, v36;
	v19 =	vunpack.i.u.bf16.f32 v57;
	v57 =	vunpack.i.l.bf16.f32 v57  }
0x1a5: {  	v52 =	vmul.f32 v57, v52;
	v57 =	vmul.f32 v19, v18;
	v18 =	vsel vm3, v1, v16;
	v16 =	vld [tilespmem:$0x1FF70]  }
0x1a6: {  	v35 =	vunpack.i.u.bf16.f32 v30;
	[tilespmem:v15+s30+$0x0] =	vst.idx.add.f32.msk $0xffff, v26;
	v20 =	vmul.f32 v20, v22;
	v22 =	vunpack.i.u.bf16.f32 v50  }
0x1a7: {  	vm14 =	vge.f32 v51, $1.000000000e+00;
	v22 =	vmul.f32 v35, v22;
	v35 =	vld.idx.msk [tilespmem:v45+s22+$0x0], $0xffff  }
0x1a8: {  	v61 =	vshll.u32 v47, $0x2;
	v62 =	vshll.u32 v49, $0x2;
	v19 =	vsel vm14, v51, v55;
	v51 =	vld [tilespmem:$0x1FFC0]  }
0x1a9: {  	v43 =	vand.u32 $0x7F, v43;
	v59 =	vshll.u32 v41, $0x2;
	v30 =	vunpack.i.l.bf16.f32 v30;
	v36 =	vld.idx.msk [tilespmem:v46+s22+$0x0], $0xffff  }
0x1aa: {  	v24 =	vunpack.i.u.bf16.f32 v33;
	v7 =	vand.u32 $0xFFFFFE00, v59;
	v50 =	vunpack.i.l.bf16.f32 v50;
	[tilespmem:v13+s30+$0x0] =	vst.idx.add.f32.msk $0xffff, v16  }
0x1ab: {  	vm4 =	vge.f32 v17, $1.000000000e+00;
	v9 =	vor.u32 v43, v9;
	v30 =	vmul.f32 v30, v50;
	v16 =	vld [tilespmem:$0x1FF80]  }
0x1ac: {  	v50 =	vsel vm4, v17, v32;
	v32 =	vunpack.i.u.bf16.f32 v58;
	v58 =	vunpack.i.l.bf16.f32 v58;
	[tilespmem:v6+s30+$0x0] =	vst.idx.add.f32.msk $0xffff, v60  }
0x1ad: {  	vm2 =	vge.f32 v20, $1.000000000e+00;
	v6 =	vand.u32 $0x7F, v29;
	v29 =	vand.u32 $0xFFFFFE00, v61;
	[tilespmem:v4+s30+$0x0] =	vst.idx.add.f32.msk $0xffff, v51  }
0x1ae: {  	vm1 =	vge.f32 v30, $1.000000000e+00;
	v14 =	vunpack.i.u.bf16.f32 v63;
	[tilespmem:v3+s30+$0x0] =	vst.idx.add.f32.msk $0xffff, v27;
	v3 =	vor.u32 v42, v38  }
0x1af: {  	v15 =	vunpack.i.l.bf16.f32 v63;
	v17 =	vsel vm2, v20, v0;
	v20 =	vld [tilespmem:$0x1FF90];
	v63 =	vand.u32 $0xFFFFFE00, v62  }
0x1b0: {  	v6 =	vor.u32 v6, v39;
	v1 =	vunpack.i.u.bf16.f32 v53;
	v28 =	vunpack.i.u.bf16.f32 v36;
	[tilespmem:v12+s30+$0x0] =	vst.idx.add.f32.msk $0xffff, v16  }
0x1b1: {  	v4 =	vmul.f32 v50, v58;
	v16 =	vsel vm1, v30, v22;
	v30 =	vunpack.i.l.bf16.f32 v36;
	v36 =	vld [tilespmem:$0x1FFB0]  }
0x1b2: {  	vm5 =	vge.f32 v56, $1.000000000e+00;
	v15 =	vmul.f32 v19, v15;
	vm15 =	vge.f32 v52, $1.000000000e+00  }
0x1b3: {  	v13 =	vunpack.i.l.bf16.f32 v53;
	v53 =	vand.u32 $0x7F, v49;
	[tilespmem:v3+s30+$0x0] =	vst.idx.add.f32.msk $0xffff, v4;
	v4 =	vor.u32 $0x100, v3  }
0x1b4: {  	v27 =	vmul.f32 v50, v32;
	[tilespmem:v10+s30+$0x0] =	vst.idx.add.f32.msk $0xffff, v20;
	v10 =	vunpack.i.l.bf16.f32 v33;
	v33 =	vor.u32 v53, v63  }
0x1b5: {  	[tilespmem:v6+s30+$0x0] =	vst.idx.add.f32.msk $0xffff, v15;
	v22 =	vsel vm15, v52, v57;
	v57 =	vor.u32 $0x100, v9;
	v10 =	vmul.f32 v16, v10  }
0x1b6: {  	v52 =	vand.u32 $0x7F, v47;
	v20 =	vsel vm5, v56, v34;
	v59 =	vor.u32 $0x100, v33;
	[tilespmem:v5+s30+$0x0] =	vst.idx.add.f32.msk $0xffff, v36  }
0x1b7: {  	v8 =	vunpack.i.l.bf16.f32 v35;
	v29 =	vor.u32 v52, v29;
	v30 =	vmul.f32 v22, v30;
	[tilespmem:v9+s30+$0x0] =	vst.idx.add.f32.msk $0xffff, v10  }
0x1b8: {  	v24 =	vmul.f32 v16, v24;
	v58 =	vor.u32 $0x100, v29;
	v5 =	vand.u32 $0x7F, v31;
	[tilespmem:v4+s30+$0x0] =	vst.idx.add.f32.msk $0xffff, v27  }
0x1b9: {  	v28 =	vmul.f32 v22, v28;
	v31 =	vand.u32 $0x7F, v41;
	v5 =	vor.u32 v5, v40;
	[tilespmem:v33+s30+$0x0] =	vst.idx.add.f32.msk $0xffff, v30  }
0x1ba: {  	v26 =	vunpack.i.u.bf16.f32 v35;
	v7 =	vor.u32 v31, v7;
	v31 =	vmul.f32 v20, v8;
	[tilespmem:v57+s30+$0x0] =	vst.idx.add.f32.msk $0xffff, v24  }
0x1bb: {  	v26 =	vmul.f32 v20, v26;
	v8 =	vor.u32 $0x100, v6;
	[tilespmem:v59+s30+$0x0] =	vst.idx.add.f32.msk $0xffff, v28  }
0x1bc: {  	v60 =	vor.u32 $0x80, v48;
	v13 =	vmul.f32 v18, v13;
	v12 =	vunpack.i.l.bf16.f32 v54;
	[tilespmem:v29+s30+$0x0] =	vst.idx.add.f32.msk $0xffff, v31  }
0x1bd: {  	v21 =	vor.u32 $0x80, v21;
	v12 =	vmul.f32 v17, v12;
	v55 =	vor.u32 $0x100, v5;
	[tilespmem:v58+s30+$0x0] =	vst.idx.add.f32.msk $0xffff, v26  }
0x1be: {  	v0 =	vunpack.i.u.bf16.f32 v54;
	v54 =	vmul.f32 v19, v14;
	v56 =	vor.u32 $0x100, v7;
	[tilespmem:v5+s30+$0x0] =	vst.idx.add.f32.msk $0xffff, v13  }
0x1bf: {  	v0 =	vmul.f32 v17, v0;
	v1 =	vmul.f32 v18, v1;
	v15 =	vor.u32 $0x80, v6;
	[tilespmem:v7+s30+$0x0] =	vst.idx.add.f32.msk $0xffff, v12  }
0x1c0: {  	v27 =	vor.u32 $0x80, v46;
	v10 =	vor.u32 $0x180, v5;
	[tilespmem:v8+s30+$0x0] =	vst.idx.add.f32.msk $0xffff, v54;
	v13 =	vor.u32 $0x180, v6  }
0x1c1: {  	v12 =	vor.u32 $0x80, v5;
	v6 =	vor.u32 $0x80, v9;
	v5 =	vor.u32 $0x180, v9;
	v9 =	vld.idx.msk [tilespmem:v60+s22+$0x0], $0xffff  }
0x1c2: {  	v23 =	vor.u32 $0x80, v23;
	[tilespmem:v55+s30+$0x0] =	vst.idx.add.f32.msk $0xffff, v1  }
0x1c3: {  	[tilespmem:v56+s30+$0x0] =	vst.idx.add.f32.msk $0xffff, v0  }
0x1c4: {  	v25 =	vor.u32 $0x80, v25;
	v24 =	vld.idx.msk [tilespmem:v21+s22+$0x0], $0xffff  }
0x1c5: {  	v21 =	vld.idx.msk [tilespmem:v27+s22+$0x0], $0xffff  }
0x1c6: {  	v61 =	vor.u32 $0x80, v44;
	[tilespmem:v37+s30+$0x0] =	vst.idx.add.f32.msk $0xffff, v11  }
0x1c7: {  	v62 =	vor.u32 $0x80, v45;
	v0 =	vor.u32 $0x80, v33;
	v26 =	vld.idx.msk [tilespmem:v23+s22+$0x0], $0xffff  }
0x1c8: {  	s21 =	sadd.s32 $0x8, s21;
	v37 =	vmov v0;
	v0 =	vld [tilespmem:$0x1FFD0]  }
0x1c9: {  	p0 =	slt.u32 s21, $0xF0;
	v14 =	vor.u32 $0x180, v3;
	v63 =	vor.u32 $0x80, v3;
	v3 =	vor.u32 $0x180, v29;
	v28 =	vld.idx.msk [tilespmem:v25+s22+$0x0], $0xffff  }
.Ltmp8:
0x1ca: {  	v4 =	vor.u32 $0x80, v29;
	v8 =	vor.u32 $0x80, v7;
	v7 =	vor.u32 $0x180, v7;
	(pc) =	sbr.rel @p0 .LBB2_6-.Ltmp8, $4  }
0x1cb: {  	v1 =	vor.u32 $0x180, v33;
	v25 =	vld.idx.msk [tilespmem:v61+s22+$0x0], $0xffff;
	v29 =	vunpack.i.u.bf16.f32 v9;
	v9 =	vunpack.i.l.bf16.f32 v9  }
0x1cc: {  	v23 =	vld.idx.msk [tilespmem:v62+s22+$0x0], $0xffff;
	v9 =	vmul.f32 v9, v50;
	v27 =	vunpack.i.u.bf16.f32 v24;
	v30 =	vunpack.i.l.bf16.f32 v24  }
0x1cd: {  	v24 =	vmul.f32 v29, v50;
	v11 =	vunpack.i.u.bf16.f32 v26;
	v29 =	vunpack.i.l.bf16.f32 v26;
	[tilespmem:v2+s30+$0x0] =	vst.idx.add.f32.msk $0xffff, v0  }
0x1ce: {  	s5 =	sadd.s32 $0x80, s5;
	v2 =	vmovc v1;
	v26 =	vmul.f32 v30, v19;
	[tilespmem:v63+s30+$0x0] =	vst.idx.add.f32.msk $0xffff, v9;
	v9 =	vunpack.i.u.bf16.f32 v28;
	v28 =	vunpack.i.l.bf16.f32 v28  }
.LBB2_7:
0x1cf: {  	_ =	sdelay $0x3  }
0x1d0: {  	v0 =	vmul.f32 v27, v19;
	[tilespmem:v14+s30+$0x0] =	vst.idx.add.f32.msk $0xffff, v24  }
0x1d1: {  	v1 =	vmul.f32 v29, v18;
	[tilespmem:v15+s30+$0x0] =	vst.idx.add.f32.msk $0xffff, v26  }
0x1d2: {  	v54 =	vmul.f32 v28, v17;
	[tilespmem:v13+s30+$0x0] =	vst.idx.add.f32.msk $0xffff, v0  }
0x1d3: {  	v11 =	vmul.f32 v11, v18;
	[tilespmem:v12+s30+$0x0] =	vst.idx.add.f32.msk $0xffff, v1  }
0x1d4: {  	v9 =	vmul.f32 v9, v17;
	v55 =	vunpack.i.l.bf16.f32 v25;
	[tilespmem:v8+s30+$0x0] =	vst.idx.add.f32.msk $0xffff, v54  }
0x1d5: {  	v56 =	vunpack.i.u.bf16.f32 v25;
	v1 =	vmul.f32 v55, v16;
	[tilespmem:v10+s30+$0x0] =	vst.idx.add.f32.msk $0xffff, v11  }
0x1d6: {  	v57 =	vunpack.i.l.bf16.f32 v23;
	v58 =	vmul.f32 v56, v16;
	[tilespmem:v7+s30+$0x0] =	vst.idx.add.f32.msk $0xffff, v9  }
0x1d7: {  	v59 =	vunpack.i.u.bf16.f32 v23;
	v0 =	vmul.f32 v57, v20;
	[tilespmem:v6+s30+$0x0] =	vst.idx.add.f32.msk $0xffff, v1  }
0x1d8: {  	v60 =	vunpack.i.l.bf16.f32 v21;
	v61 =	vmul.f32 v59, v20;
	[tilespmem:v5+s30+$0x0] =	vst.idx.add.f32.msk $0xffff, v58  }
0x1d9: {  	v62 =	vunpack.i.u.bf16.f32 v21;
	v1 =	vmul.f32 v60, v22;
	[tilespmem:v4+s30+$0x0] =	vst.idx.add.f32.msk $0xffff, v0  }
0x1da: {  	v63 =	vmul.f32 v62, v22;
	[tilespmem:v3+s30+$0x0] =	vst.idx.add.f32.msk $0xffff, v61  }
0x1db: {  	[tilespmem:v37+s30+$0x0] =	vst.idx.add.f32.msk $0xffff, v1  }
0x1dc: {  	[tilespmem:v2+s30+$0x0] =	vst.idx.add.f32.msk $0xffff, v63  }
.LBB2_8:
0x1dd: {  	s5 =	sshra.s32 s0, $0x2  }
0x1de: {  	v0 =	vld [tilespmem:s5+$0x17780]  }
0x1df: {  	v1 =	vld [tilespmem:s5+$0x19780];
	_ =	sdelay $0x4  }
0x1e0: {  	v2 =	vshll.u32 v0, $0x1  }
0x1e1: {  	v3 =	vand.u32 $0x7F, v0;
	v2 =	vand.u32 $0xFFFFFF00, v2  }
0x1e2: {  	v2 =	vor.u32 v3, v2;
	v0 =	vld.idx.msk [tilespmem:v0+s3+$0x0], $0xffff  }
0x1e3: {  	v59 =	vld.idx.msk [tilespmem:v1+s19+$0x0], $0xffff;
	_ =	sdelay $0x3  }
0x1e4: {  	v6 =	vand.u32 $0x7F, v1;
	v1 =	vshll.u32 v1, $0x2;
	v5 =	vld.idx.msk [tilespmem:v2+s22+$0x0], $0xffff  }
0x1e5: {  	v4 =	vunpack.i.u.bf16.f32 v0;
	v0 =	vunpack.i.l.bf16.f32 v0;
	v7 =	vunpack.i.l.bf16.f32 v59  }
0x1e6: {  	v1 =	vand.u32 $0xFFFFFE00, v1;
	v3 =	vunpack.i.u.bf16.f32 v59;
	v0 =	vmul.f32 v7, v0  }
0x1e7: {  	v1 =	vor.u32 v6, v1;
	v3 =	vmul.f32 v3, v4  }
0x1e8: {  	v60 =	vor.u32 $0x100, v1;
	vm0 =	vge.f32 v0, $1.000000000e+00  }
0x1e9: {  	v2 =	vor.u32 $0x80, v2;
	v0 =	vsel vm0, v0, v3;
	v61 =	vunpack.i.l.bf16.f32 v5  }
0x1ea: {  	v5 =	vunpack.i.u.bf16.f32 v5;
	v3 =	vmul.f32 v0, v61  }
0x1eb: {  	v5 =	vmul.f32 v0, v5  }
0x1ec: {  	[tilespmem:v1+s30+$0x0] =	vst.idx.add.f32.msk $0xffff, v3  }
0x1ed: {  	[tilespmem:v60+s30+$0x0] =	vst.idx.add.f32.msk $0xffff, v5  }
0x1ee: {  	v2 =	vld.idx.msk [tilespmem:v2+s22+$0x0], $0xffff;
	_ =	sdelay $0x2  }
0x1ef: {  	v62 =	vor.u32 $0x80, v1  }
0x1f0: {  	p0 =	sne.s32 s0, $0x40;
	v1 =	vor.u32 $0x180, v1  }
.Ltmp9:
0x1f1: {  	v63 =	vunpack.i.l.bf16.f32 v2;
	(pc) =	sbr.rel @p0 .LBB2_8-.Ltmp9, $4  }
0x1f2: {  	v2 =	vunpack.i.u.bf16.f32 v2;
	v4 =	vmul.f32 v63, v0  }
0x1f3: {  	v0 =	vmul.f32 v2, v0  }
0x1f4: {  	[tilespmem:v62+s30+$0x0] =	vst.idx.add.f32.msk $0xffff, v4  }
0x1f5: {  	s0 =	sadd.s32 $0x40, s0;
	[tilespmem:v1+s30+$0x0] =	vst.idx.add.f32.msk $0xffff, v0  }
.LBB2_13:
0x1f6: {  	p0 =	seq.s32 s20, $0x13  }
0x1f7: {  	s0 =	smul.u32 @!p0 $0x1F40, s20;
	_ =	sdelay $0x1  }
0x1f8: {  	s0 =	sadd.s32 @!p0 s0, s13  }
0x1f9: {  	s0 =	sshrl.u32 @!p0 s0, $0x3  }
0x1fa: {  	s21 =	simm.s32 @!p0 $0x0;
	s24 =	simm.s32 @!p0 $0x16800;
	s5 =	sadd.s32 @!p0 s4, s0  }
0x1fb: {  	[tilespmem:s24], [sflag:$0x1] =	stream.linear.gather @!p0 [hbm4b:s5+s21], $0xFA0, $0x38;
	[tilespmem:$0x1A800] =	vst v63  }
0x1fc: {  	s0 =	sadd.s32 @!p0 s1, s0;
	s5 =	simm.s32 @!p0 $0x18800  }
0x1fd: {  	[tilespmem:s5], [sflag:$0x1] =	stream.linear.gather @!p0 [hbm4b:s0+s21], $0xFA0, $0x38;
	[tilespmem:$0x1A800] =	vst v63  }
0x1fe: {  	p0 =	slt.u32 s23, s11  }
0x1ff: {  	p1 =	sge.u32 @!p0 s23, s12  }
0x200: {  	_ =	swait.ge [sflag:s31], $0xFA0;
	p1 =	por p0, p1  }
.Ltmp10:
0x201: {  	[sflag:s31] =	ssyncset.done $0x0;
	(pc) =	sbr.rel @p1 .LBB2_14-.Ltmp10, $4  }
0x202: {  	[sflag:s31] =	ssyncadd.s32 $0xFFFFF060  }
0x203: {  	_ =	swait.ge [sflag:s31], $0xFA0  }
0x204: {  	s21 =	simm.s32 $0xFFFFFFF8;
	[sflag:s31] =	ssyncset.done $0x0  }
0x205: {  	s5 =	simm.s32 $0x17840;
	s23 =	simm.s32 $0x19840;
	[sflag:s31] =	ssyncadd.s32 $0xFFFFF060  }
0x206: {  	v0 =	vld [tilespmem:s5+$0x30]  }
0x207: {  	v14 =	vld [tilespmem:s23+$0x30]  }
0x208: {  	v13 =	vld [tilespmem:s23+$0xFFFFFFC0]  }
0x209: {  	v4 =	vld [tilespmem:s5+$0xFFFFFFD0]  }
0x20a: {  	v11 =	vld [tilespmem:s23+$0xFFFFFFD0]  }
0x20b: {  	v15 =	vld [tilespmem:s5+$0xFFFFFFE0]  }
0x20c: {  	v5 =	vld [tilespmem:s23+$0xFFFFFFE0]  }
0x20d: {  	v16 =	vld [tilespmem:s5+$0xFFFFFFF0]  }
0x20e: {  	v23 =	vld [tilespmem:s5+$0x10]  }
0x20f: {  	v25 =	vld [tilespmem:s5+$0x20]  }
0x210: {  	v6 =	vand.u32 $0x7F, v13;
	v1 =	vshll.u32 v13, $0x2  }
0x211: {  	v10 =	vld [tilespmem:s23+$0xFFFFFFF0];
	v2 =	vshll.u32 v4, $0x1;
	v7 =	vand.u32 $0x7F, v11;
	v9 =	vshll.u32 v11, $0x2  }
0x212: {  	s0 =	simm.s32 $0x0;
	v18 =	vld [tilespmem:s5+$0x0];
	v12 =	vshll.u32 v15, $0x1;
	v20 =	vshll.u32 v5, $0x2;
	v22 =	vand.u32 $0x7F, v16  }
0x213: {  	v21 =	vshll.u32 v0, $0x1;
	v24 =	vshll.u32 v16, $0x1;
	v29 =	vshll.u32 v23, $0x1;
	v3 =	vld.idx.msk [tilespmem:v0+s0+$0x0], $0xffff  }
0x214: {  	v32 =	vshll.u32 v25, $0x1;
	v8 =	vand.u32 $0xFFFFFE00, v1;
	v1 =	vand.u32 $0x7F, v4;
	v17 =	vld.idx.msk [tilespmem:v14+s19+$0x0], $0xffff  }
0x215: {  	v2 =	vand.u32 $0xFFFFFF00, v2;
	v9 =	vand.u32 $0xFFFFFE00, v9;
	v19 =	vand.u32 $0xFFFFFF00, v12;
	v30 =	vld.idx.msk [tilespmem:v4+s0+$0x0], $0xffff  }
0x216: {  	v21 =	vand.u32 $0xFFFFFF00, v21;
	v1 =	vor.u32 v1, v2;
	v2 =	vand.u32 $0x7F, v15;
	v34 =	vld.idx.msk [tilespmem:v11+s19+$0x0], $0xffff  }
0x217: {  	v6 =	vor.u32 v6, v8;
	v7 =	vor.u32 v7, v9;
	v2 =	vor.u32 v2, v19;
	v35 =	vld.idx.msk [tilespmem:v15+s0+$0x0], $0xffff  }
0x218: {  	v0 =	vand.u32 $0x7F, v0;
	v15 =	vshll.u32 v14, $0x2;
	v37 =	vld.idx.msk [tilespmem:v5+s19+$0x0], $0xffff;
	v58 =	vor.u32 $0x100, v7  }
0x219: {  	v39 =	vld.idx.msk [tilespmem:v10+s19+$0x0], $0xffff;
	v0 =	vor.u32 v0, v21;
	v15 =	vand.u32 $0xFFFFFE00, v15;
	v26 =	vunpack.i.l.bf16.f32 v3  }
0x21a: {  	v27 =	vunpack.i.l.bf16.f32 v17;
	v3 =	vunpack.i.u.bf16.f32 v3;
	v28 =	vunpack.i.u.bf16.f32 v17  }
0x21b: {  	v12 =	vld [tilespmem:s23+$0x0];
	v17 =	vand.u32 $0xFFFFFE00, v20;
	v20 =	vand.u32 $0xFFFFFF00, v24;
	v38 =	vunpack.i.l.bf16.f32 v30  }
0x21c: {  	v19 =	vld [tilespmem:s23+$0x10];
	v30 =	vunpack.i.u.bf16.f32 v30;
	v40 =	vunpack.i.l.bf16.f32 v34;
	v63 =	vunpack.i.l.bf16.f32 v35  }
0x21d: {  	v16 =	vld.idx.msk [tilespmem:v16+s0+$0x0], $0xffff;
	v34 =	vunpack.i.u.bf16.f32 v34;
	v35 =	vunpack.i.u.bf16.f32 v35;
	v26 =	vmul.f32 v27, v26  }
0x21e: {  	v42 =	vunpack.i.l.bf16.f32 v37;
	v46 =	vunpack.i.u.bf16.f32 v39;
	v27 =	vld [tilespmem:s5+$0xFFFFFFC0];
	v24 =	vmul.f32 v28, v3  }
0x21f: {  	v47 =	vunpack.i.l.bf16.f32 v39;
	v3 =	vor.u32 v22, v20;
	v22 =	vld.idx.msk [tilespmem:v13+s19+$0x0], $0xffff;
	vm0 =	vge.f32 v26, $1.000000000e+00  }
0x220: {  	v20 =	vand.u32 $0x7F, v18;
	v28 =	vshll.u32 v18, $0x1;
	v18 =	vld.idx.msk [tilespmem:v18+s0+$0x0], $0xffff;
	v24 =	vsel vm0, v26, v24  }
0x221: {  	v38 =	vmul.f32 v40, v38;
	v40 =	vmul.f32 v42, v63;
	v4 =	vand.u32 $0xFFFFFF00, v28;
	[tilespmem:v14+s29+$0x0] =	vst.idx.add.f32.msk $0xffff, v24  }
0x222: {  	v30 =	vmul.f32 v34, v30;
	v28 =	vand.u32 $0xFFFFFF00, v29;
	v4 =	vor.u32 v20, v4;
	v20 =	vld.idx.msk [tilespmem:v0+s22+$0x0], $0xffff  }
0x223: {  	v21 =	vld [tilespmem:s23+$0x20];
	v29 =	vand.u32 $0x7F, v25;
	vm1 =	vge.f32 v38, $1.000000000e+00;
	vm11 =	vge.f32 v40, $1.000000000e+00  }
0x224: {  	v41 =	vld.idx.msk [tilespmem:v12+s19+$0x0], $0xffff;
	v26 =	vand.u32 $0x7F, v23;
	v14 =	vand.u32 $0x7F, v14;
	v31 =	vshll.u32 v27, $0x1  }
0x225: {  	v25 =	vld.idx.msk [tilespmem:v25+s0+$0x0], $0xffff;
	v33 =	vand.u32 $0x7F, v27;
	v14 =	vor.u32 v14, v15;
	v31 =	vand.u32 $0xFFFFFF00, v31  }
0x226: {  	v36 =	vunpack.i.l.bf16.f32 v22;
	v15 =	vor.u32 v33, v31;
	v31 =	vor.u32 $0x100, v14;
	v27 =	vld.idx.msk [tilespmem:v27+s0+$0x0], $0xffff  }
0x227: {  	v49 =	vld.idx.msk [tilespmem:v19+s19+$0x0], $0xffff;
	v0 =	vor.u32 $0x80, v0;
	v48 =	vunpack.i.u.bf16.f32 v18;
	v62 =	vunpack.i.l.bf16.f32 v20  }
0x228: {  	v23 =	vld.idx.msk [tilespmem:v23+s0+$0x0], $0xffff;
	v18 =	vunpack.i.l.bf16.f32 v18;
	v20 =	vunpack.i.u.bf16.f32 v20;
	v33 =	vmul.f32 v62, v24  }
0x229: {  	v50 =	vunpack.i.u.bf16.f32 v41;
	v41 =	vunpack.i.l.bf16.f32 v41;
	v20 =	vmul.f32 v24, v20  }
0x22a: {  	v22 =	vunpack.i.u.bf16.f32 v22;
	v51 =	vmul.f32 v41, v18;
	v18 =	vor.u32 $0x80, v14;
	[tilespmem:v14+s30+$0x0] =	vst.idx.add.f32.msk $0xffff, v33  }
0x22b: {  	v56 =	vunpack.i.l.bf16.f32 v25;
	v45 =	vunpack.i.u.bf16.f32 v27;
	v27 =	vunpack.i.l.bf16.f32 v27;
	[tilespmem:v31+s30+$0x0] =	vst.idx.add.f32.msk $0xffff, v20  }
0x22c: {  	v25 =	vunpack.i.u.bf16.f32 v25;
	v55 =	vunpack.i.l.bf16.f32 v49;
	v20 =	vmul.f32 v36, v27;
	v0 =	vld.idx.msk [tilespmem:v0+s22+$0x0], $0xffff  }
0x22d: {  	v54 =	vunpack.i.l.bf16.f32 v23;
	v31 =	vunpack.i.l.bf16.f32 v16;
	v22 =	vmul.f32 v22, v45  }
0x22e: {  	v52 =	vld.idx.msk [tilespmem:v21+s19+$0x0], $0xffff;
	v16 =	vunpack.i.u.bf16.f32 v16;
	v31 =	vmul.f32 v47, v31;
	vm10 =	vge.f32 v20, $1.000000000e+00  }
0x22f: {  	v23 =	vunpack.i.u.bf16.f32 v23;
	v16 =	vmul.f32 v46, v16;
	v22 =	vsel vm10, v20, v22  }
0x230: {  	v14 =	vor.u32 $0x180, v14;
	v20 =	vsel vm1, v38, v30;
	vm12 =	vge.f32 v31, $1.000000000e+00;
	[tilespmem:v13+s29+$0x0] =	vst.idx.add.f32.msk $0xffff, v22  }
0x231: {  	v27 =	vunpack.i.u.bf16.f32 v37;
	[tilespmem:v11+s29+$0x0] =	vst.idx.add.f32.msk $0xffff, v20;
	v16 =	vsel vm12, v31, v16;
	v53 =	vunpack.i.l.bf16.f32 v0  }
0x232: {  	v37 =	vmul.f32 v55, v54;
	[tilespmem:v10+s29+$0x0] =	vst.idx.add.f32.msk $0xffff, v16;
	v0 =	vunpack.i.u.bf16.f32 v0;
	v36 =	vmul.f32 v53, v24  }
0x233: {  	v27 =	vmul.f32 v27, v35;
	v13 =	vunpack.i.l.bf16.f32 v52;
	v31 =	vld.idx.msk [tilespmem:v3+s22+$0x0], $0xffff;
	v0 =	vmul.f32 v0, v24  }
0x234: {  	vm13 =	vge.f32 v51, $1.000000000e+00;
	v33 =	vmul.f32 v50, v48;
	v13 =	vmul.f32 v13, v56;
	[tilespmem:v18+s30+$0x0] =	vst.idx.add.f32.msk $0xffff, v36  }
0x235: {  	vm14 =	vge.f32 v37, $1.000000000e+00;
	v30 =	vor.u32 $0x100, v6;
	v18 =	vsel vm11, v40, v27;
	[tilespmem:v14+s30+$0x0] =	vst.idx.add.f32.msk $0xffff, v0  }
0x236: {  	v24 =	vunpack.i.u.bf16.f32 v49;
	vm15 =	vge.f32 v13, $1.000000000e+00;
	[tilespmem:v5+s29+$0x0] =	vst.idx.add.f32.msk $0xffff, v18;
	v14 =	vsel vm13, v51, v33  }
0x237: {  	v11 =	vmul.f32 v24, v23;
	v23 =	vshll.u32 v10, $0x2;
	v0 =	vunpack.i.u.bf16.f32 v52;
	[tilespmem:v12+s29+$0x0] =	vst.idx.add.f32.msk $0xffff, v14  }
0x238: {  	v24 =	vor.u32 v26, v28;
	v0 =	vmul.f32 v0, v25;
	v25 =	vand.u32 $0xFFFFFF00, v32;
	v8 =	vld.idx.msk [tilespmem:v2+s22+$0x0], $0xffff  }
0x239: {  	v26 =	vshll.u32 v12, $0x2;
	v28 =	vshll.u32 v21, $0x2;
	v25 =	vor.u32 v29, v25;
	v29 =	vld.idx.msk [tilespmem:v1+s22+$0x0], $0xffff  }
0x23a: {  	v11 =	vsel vm14, v37, v11;
	v5 =	vand.u32 $0x7F, v5;
	v13 =	vsel vm15, v13, v0;
	v0 =	vld.idx.msk [tilespmem:v15+s22+$0x0], $0xffff  }
0x23b: {  	v10 =	vand.u32 $0x7F, v10;
	v27 =	vshll.u32 v19, $0x2;
	[tilespmem:v19+s29+$0x0] =	vst.idx.add.f32.msk $0xffff, v11;
	v5 =	vor.u32 v5, v17  }
0x23c: {  	v23 =	vand.u32 $0xFFFFFE00, v23;
	v26 =	vand.u32 $0xFFFFFE00, v26;
	v28 =	vand.u32 $0xFFFFFE00, v28;
	v9 =	vld.idx.msk [tilespmem:v4+s22+$0x0], $0xffff  }
0x23d: {  	v27 =	vand.u32 $0xFFFFFE00, v27;
	v23 =	vor.u32 v10, v23;
	v59 =	vld.idx.msk [tilespmem:v24+s22+$0x0], $0xffff;
	v10 =	vunpack.i.l.bf16.f32 v8  }
0x23e: {  	v12 =	vand.u32 $0x7F, v12;
	[tilespmem:v21+s29+$0x0] =	vst.idx.add.f32.msk $0xffff, v13;
	v60 =	vunpack.i.l.bf16.f32 v29;
	v10 =	vmul.f32 v10, v18  }
0x23f: {  	v19 =	vand.u32 $0x7F, v19;
	v17 =	vld.idx.msk [tilespmem:v25+s22+$0x0], $0xffff;
	v57 =	vunpack.i.l.bf16.f32 v0;
	v62 =	vmul.f32 v60, v20  }
0x240: {  	v61 =	vor.u32 $0x100, v5;
	v0 =	vunpack.i.u.bf16.f32 v0;
	v32 =	vmul.f32 v57, v22;
	[tilespmem:v5+s30+$0x0] =	vst.idx.add.f32.msk $0xffff, v10  }
0x241: {  	v26 =	vor.u32 v12, v26;
	v12 =	vunpack.i.l.bf16.f32 v31;
	v0 =	vmul.f32 v22, v0;
	[tilespmem:v7+s30+$0x0] =	vst.idx.add.f32.msk $0xffff, v62  }
0x242: {  	v19 =	vor.u32 v19, v27;
	v29 =	vunpack.i.u.bf16.f32 v29;
	v10 =	vmul.f32 v12, v16;
	[tilespmem:v6+s30+$0x0] =	vst.idx.add.f32.msk $0xffff, v32  }
0x243: {  	v1 =	vor.u32 $0x80, v1;
	v12 =	vunpack.i.l.bf16.f32 v9;
	[tilespmem:v30+s30+$0x0] =	vst.idx.add.f32.msk $0xffff, v0;
	v0 =	vmul.f32 v20, v29  }
0x244: {  	v8 =	vunpack.i.u.bf16.f32 v8;
	v12 =	vmul.f32 v12, v14;
	[tilespmem:v23+s30+$0x0] =	vst.idx.add.f32.msk $0xffff, v10;
	v29 =	vor.u32 $0x100, v23  }
0x245: {  	v10 =	vunpack.i.l.bf16.f32 v59;
	[tilespmem:v58+s30+$0x0] =	vst.idx.add.f32.msk $0xffff, v0;
	v0 =	vmul.f32 v18, v8;
	v8 =	vor.u32 $0x100, v26  }
0x246: {  	v21 =	vand.u32 $0x7F, v21;
	v30 =	vunpack.i.u.bf16.f32 v31;
	v10 =	vmul.f32 v10, v11;
	[tilespmem:v26+s30+$0x0] =	vst.idx.add.f32.msk $0xffff, v12  }
0x247: {  	v9 =	vunpack.i.u.bf16.f32 v9;
	v27 =	vmul.f32 v16, v30;
	[tilespmem:v61+s30+$0x0] =	vst.idx.add.f32.msk $0xffff, v0;
	v0 =	vor.u32 $0x100, v19  }
0x248: {  	v3 =	vor.u32 $0x80, v3;
	v21 =	vor.u32 v21, v28;
	v9 =	vmul.f32 v14, v9;
	[tilespmem:v19+s30+$0x0] =	vst.idx.add.f32.msk $0xffff, v10  }
0x249: {  	v2 =	vor.u32 $0x80, v2;
	v15 =	vor.u32 $0x80, v15;
	[tilespmem:v29+s30+$0x0] =	vst.idx.add.f32.msk $0xffff, v27;
	v27 =	vunpack.i.u.bf16.f32 v59  }
0x24a: {  	v24 =	vor.u32 $0x80, v24;
	v12 =	vunpack.i.l.bf16.f32 v17;
	v27 =	vmul.f32 v11, v27;
	[tilespmem:v8+s30+$0x0] =	vst.idx.add.f32.msk $0xffff, v9  }
0x24b: {  	v30 =	vor.u32 $0x80, v7;
	v8 =	vmul.f32 v12, v13;
	v12 =	vor.u32 $0x180, v7;
	v7 =	vld.idx.msk [tilespmem:v1+s22+$0x0], $0xffff  }
0x24c: {  	v28 =	vor.u32 $0x100, v21;
	v25 =	vor.u32 $0x80, v25;
	v10 =	vor.u32 $0x80, v5;
	[tilespmem:v0+s30+$0x0] =	vst.idx.add.f32.msk $0xffff, v27  }
0x24d: {  	v29 =	vor.u32 $0x180, v6;
	v9 =	vor.u32 $0x180, v5;
	v5 =	vor.u32 $0x180, v23;
	[tilespmem:v21+s30+$0x0] =	vst.idx.add.f32.msk $0xffff, v8  }
0x24e: {  	v1 =	vunpack.i.u.bf16.f32 v17;
	v0 =	vor.u32 $0x80, v4;
	v27 =	vor.u32 $0x80, v6;
	v6 =	vld.idx.msk [tilespmem:v15+s22+$0x0], $0xffff  }
0x24f: {  	v17 =	vor.u32 $0x80, v26;
	v8 =	vor.u32 $0x80, v23;
	v23 =	vld.idx.msk [tilespmem:v2+s22+$0x0], $0xffff;
	v15 =	vor.u32 $0x180, v26  }
0x250: {  	v4 =	vor.u32 $0x80, v19;
	v26 =	vld.idx.msk [tilespmem:v3+s22+$0x0], $0xffff;
	v3 =	vor.u32 $0x180, v19;
	v19 =	vmul.f32 v13, v1  }
0x251: {  	v63 =	vld.idx.msk [tilespmem:v24+s22+$0x0], $0xffff  }
0x252: {  	v34 =	vor.u32 $0x80, v21;
	[tilespmem:v28+s30+$0x0] =	vst.idx.add.f32.msk $0xffff, v19  }
0x253: {  	v35 =	vor.u32 $0x180, v21;
	v24 =	vunpack.i.u.bf16.f32 v7;
	v28 =	vunpack.i.l.bf16.f32 v7;
	v0 =	vld.idx.msk [tilespmem:v0+s22+$0x0], $0xffff  }
0x254: {  	v19 =	vld.idx.msk [tilespmem:v25+s22+$0x0], $0xffff;
	v25 =	vmul.f32 v28, v20;
	v21 =	vunpack.i.u.bf16.f32 v6;
	v6 =	vunpack.i.l.bf16.f32 v6  }
0x255: {  	v31 =	vmul.f32 v24, v20;
	v7 =	vunpack.i.u.bf16.f32 v23;
	v6 =	vmul.f32 v6, v22  }
0x256: {  	v23 =	vunpack.i.l.bf16.f32 v23;
	v21 =	vmul.f32 v21, v22;
	v22 =	vunpack.i.l.bf16.f32 v26;
	[tilespmem:v30+s30+$0x0] =	vst.idx.add.f32.msk $0xffff, v25  }
0x257: {  	v33 =	vmul.f32 v23, v18;
	v25 =	vunpack.i.l.bf16.f32 v63;
	[tilespmem:v27+s30+$0x0] =	vst.idx.add.f32.msk $0xffff, v6;
	v6 =	vunpack.i.u.bf16.f32 v26  }
0x258: {  	s21 =	simm.s32 $0x0;
	s5 =	simm.s32 $0x178C0;
	[tilespmem:v29+s30+$0x0] =	vst.idx.add.f32.msk $0xffff, v21;
	v21 =	vunpack.i.u.bf16.f32 v63;
	v20 =	vunpack.i.u.bf16.f32 v0;
	v24 =	vunpack.i.l.bf16.f32 v0  }
.LBB2_19:
0x259: {  	v41 =	vmul.f32 v7, v18  }
0x25a: {  	v0 =	vld [tilespmem:s5+$0x30];
	v42 =	vmul.f32 v22, v16;
	v18 =	vmul.f32 v6, v16  }
0x25b: {  	v27 =	vunpack.i.u.bf16.f32 v19;
	v16 =	vmul.f32 v24, v14;
	v14 =	vmul.f32 v20, v14;
	v57 =	vld [tilespmem:s5+$0xFFFFFFD0]  }
0x25c: {  	v7 =	vunpack.i.l.bf16.f32 v19;
	v20 =	vmul.f32 v25, v11;
	v19 =	vmul.f32 v21, v11;
	v11 =	vld [tilespmem:s5+$0xFFFFFFE0]  }
0x25d: {  	v44 =	vld [tilespmem:s5+$0xFFFFFFF0]  }
0x25e: {  	v45 =	vld [tilespmem:s5+$0x0]  }
0x25f: {  	v46 =	vld [tilespmem:s5+$0x10]  }
0x260: {  	v47 =	vld [tilespmem:s5+$0x20]  }
0x261: {  	s23 =	sadd.s32 $0x80, s23;
	v63 =	vld [tilespmem:s5+$0xFFFFFFC0]  }
0x262: {  	v23 =	vld [tilespmem:s23+$0xFFFFFFC0]  }
0x263: {  	v43 =	vld [tilespmem:s23+$0x30]  }
0x264: {  	v26 =	vld [tilespmem:s23+$0xFFFFFFD0]  }
0x265: {  	v1 =	vmul.f32 v27, v13;
	v27 =	vld [tilespmem:s23+$0xFFFFFFE0]  }
0x266: {  	v6 =	vmov v34;
	v34 =	vld [tilespmem:s23+$0x0]  }
0x267: {  	v7 =	vmul.f32 v7, v13;
	v21 =	vshll.u32 v57, $0x1;
	v13 =	vshll.u32 v23, $0x2;
	v38 =	vld.idx.msk [tilespmem:v0+s0+$0x0], $0xffff  }
0x268: {  	v21 =	vand.u32 $0xFFFFFF00, v21;
	v29 =	vand.u32 $0xFFFFFE00, v13;
	v13 =	vand.u32 $0x7F, v57;
	v52 =	vld.idx.msk [tilespmem:v57+s0+$0x0], $0xffff  }
0x269: {  	v24 =	vshll.u32 v11, $0x1;
	v21 =	vor.u32 v13, v21;
	v13 =	vand.u32 $0x7F, v11;
	v11 =	vld.idx.msk [tilespmem:v11+s0+$0x0], $0xffff  }
0x26a: {  	v37 =	vshll.u32 v44, $0x1;
	v58 =	vand.u32 $0x7F, v45;
	v50 =	vshll.u32 v45, $0x1;
	v45 =	vld.idx.msk [tilespmem:v45+s0+$0x0], $0xffff  }
0x26b: {  	v40 =	vshll.u32 v0, $0x1;
	v60 =	vshll.u32 v46, $0x1;
	v53 =	vand.u32 $0x7F, v46;
	v46 =	vld.idx.msk [tilespmem:v46+s0+$0x0], $0xffff  }
0x26c: {  	v55 =	vshll.u32 v63, $0x1;
	v25 =	vand.u32 $0x7F, v23;
	v28 =	vand.u32 $0x7F, v26;
	v39 =	vld.idx.msk [tilespmem:v43+s19+$0x0], $0xffff  }
0x26d: {  	v22 =	vshll.u32 v26, $0x2;
	v59 =	vand.u32 $0xFFFFFF00, v50;
	v50 =	vand.u32 $0xFFFFFF00, v60;
	v51 =	vld.idx.msk [tilespmem:v23+s19+$0x0], $0xffff  }
0x26e: {  	v30 =	vand.u32 $0xFFFFFE00, v22;
	v22 =	vand.u32 $0xFFFFFF00, v24;
	v24 =	vshll.u32 v27, $0x2;
	v56 =	vld.idx.msk [tilespmem:v26+s19+$0x0], $0xffff  }
0x26f: {  	[tilespmem:$0x1FF50] =	vst v35;
	v35 =	vor.u32 v58, v59;
	v36 =	vand.u32 $0xFFFFFE00, v24;
	v24 =	vand.u32 $0xFFFFFF00, v37;
	v59 =	vld.idx.msk [tilespmem:v27+s19+$0x0], $0xffff  }
0x270: {  	[tilespmem:$0x1FF60] =	vst v1;
	v0 =	vand.u32 $0x7F, v0;
	v22 =	vor.u32 v13, v22;
	v13 =	vand.u32 $0x7F, v44;
	v1 =	vld.idx.msk [tilespmem:v34+s19+$0x0], $0xffff  }
0x271: {  	v57 =	vshll.u32 v43, $0x2;
	[tilespmem:v17+s30+$0x0] =	vst.idx.add.f32.msk $0xffff, v16;
	v24 =	vor.u32 v13, v24;
	v13 =	vand.u32 $0xFFFFFF00, v40  }
0x272: {  	v57 =	vand.u32 $0xFFFFFE00, v57;
	[tilespmem:v15+s30+$0x0] =	vst.idx.add.f32.msk $0xffff, v14;
	v15 =	vor.u32 v25, v29;
	v0 =	vor.u32 v0, v13  }
0x273: {  	v44 =	vld.idx.msk [tilespmem:v44+s0+$0x0], $0xffff;
	v48 =	vunpack.i.l.bf16.f32 v38;
	v13 =	vunpack.i.u.bf16.f32 v38;
	v38 =	vor.u32 v53, v50  }
0x274: {  	[tilespmem:v10+s30+$0x0] =	vst.idx.add.f32.msk $0xffff, v33;
	v53 =	vand.u32 $0x7F, v63;
	v60 =	vunpack.i.l.bf16.f32 v52;
	v49 =	vunpack.i.l.bf16.f32 v39  }
0x275: {  	v40 =	vld [tilespmem:s23+$0x20];
	v10 =	vunpack.i.l.bf16.f32 v46;
	v61 =	vunpack.i.u.bf16.f32 v39;
	v62 =	vmul.f32 v49, v48  }
0x276: {  	[tilespmem:v9+s30+$0x0] =	vst.idx.add.f32.msk $0xffff, v41;
	v9 =	vunpack.i.u.bf16.f32 v46;
	v58 =	vunpack.i.l.bf16.f32 v51;
	v13 =	vmul.f32 v61, v13  }
0x277: {  	v32 =	vld [tilespmem:s23+$0xFFFFFFF0];
	v51 =	vunpack.i.u.bf16.f32 v51;
	v2 =	vunpack.i.l.bf16.f32 v59;
	vm0 =	vge.f32 v62, $1.000000000e+00  }
0x278: {  	v61 =	vand.u32 $0x7F, v47;
	v48 =	vld.idx.msk [tilespmem:v63+s0+$0x0], $0xffff;
	v63 =	vunpack.i.l.bf16.f32 v56;
	v54 =	vsel vm0, v62, v13  }
0x279: {  	v56 =	vunpack.i.u.bf16.f32 v56;
	v60 =	vmul.f32 v63, v60;
	v63 =	vunpack.i.l.bf16.f32 v11;
	[tilespmem:v43+s29+$0x0] =	vst.idx.add.f32.msk $0xffff, v54  }
0x27a: {  	v17 =	vand.u32 $0x7F, v40;
	v11 =	vunpack.i.u.bf16.f32 v11;
	v2 =	vmul.f32 v2, v63;
	v50 =	vld.idx.msk [tilespmem:v0+s22+$0x0], $0xffff  }
0x27b: {  	v63 =	vunpack.i.l.bf16.f32 v44;
	v44 =	vunpack.i.u.bf16.f32 v44;
	v62 =	vshll.u32 v47, $0x1  }
0x27c: {  	v37 =	vld [tilespmem:s23+$0x10];
	v13 =	vshll.u32 v32, $0x2;
	v49 =	vand.u32 $0xFFFFFF00, v62;
	v43 =	vand.u32 $0x7F, v43  }
0x27d: {  	v39 =	vor.u32 v61, v49;
	v49 =	vand.u32 $0xFFFFFF00, v55;
	v57 =	vor.u32 v43, v57  }
0x27e: {  	v43 =	vor.u32 v53, v49;
	v49 =	vunpack.i.u.bf16.f32 v52;
	v52 =	vor.u32 $0x100, v57  }
0x27f: {  	vm1 =	vge.f32 v60, $1.000000000e+00;
	vm2 =	vge.f32 v2, $1.000000000e+00;
	v53 =	vld.idx.msk [tilespmem:v32+s19+$0x0], $0xffff;
	v62 =	vunpack.i.l.bf16.f32 v50  }
0x280: {  	[tilespmem:v12+s30+$0x0] =	vst.idx.add.f32.msk $0xffff, v31;
	v55 =	vshll.u32 v34, $0x2;
	v50 =	vunpack.i.u.bf16.f32 v50;
	v62 =	vmul.f32 v62, v54  }
0x281: {  	v47 =	vld.idx.msk [tilespmem:v47+s0+$0x0], $0xffff;
	v61 =	vshll.u32 v37, $0x2;
	v0 =	vor.u32 $0x80, v0;
	v50 =	vmul.f32 v54, v50  }
0x282: {  	v49 =	vmul.f32 v56, v49;
	[tilespmem:v57+s30+$0x0] =	vst.idx.add.f32.msk $0xffff, v62;
	v62 =	vunpack.i.u.bf16.f32 v48;
	v48 =	vunpack.i.l.bf16.f32 v48  }
0x283: {  	v56 =	vor.u32 $0x80, v57;
	[tilespmem:v52+s30+$0x0] =	vst.idx.add.f32.msk $0xffff, v50;
	v48 =	vmul.f32 v58, v48;
	v50 =	vunpack.i.u.bf16.f32 v59  }
0x284: {  	[tilespmem:v8+s30+$0x0] =	vst.idx.add.f32.msk $0xffff, v42;
	v58 =	vunpack.i.u.bf16.f32 v53;
	v53 =	vunpack.i.l.bf16.f32 v53;
	v51 =	vmul.f32 v51, v62  }
0x285: {  	[tilespmem:v5+s30+$0x0] =	vst.idx.add.f32.msk $0xffff, v18;
	v62 =	vunpack.i.u.bf16.f32 v1;
	v1 =	vunpack.i.l.bf16.f32 v1;
	v52 =	vmul.f32 v53, v63  }
0x286: {  	v59 =	vld.idx.msk [tilespmem:v37+s19+$0x0], $0xffff;
	v53 =	vunpack.i.u.bf16.f32 v45;
	v45 =	vunpack.i.l.bf16.f32 v45;
	v11 =	vmul.f32 v50, v11  }
0x287: {  	v0 =	vld.idx.msk [tilespmem:v0+s22+$0x0], $0xffff;
	v44 =	vmul.f32 v58, v44;
	v58 =	vor.u32 $0x180, v57;
	vm15 =	vge.f32 v48, $1.000000000e+00  }
0x288: {  	v63 =	vunpack.i.l.bf16.f32 v47;
	v1 =	vmul.f32 v1, v45;
	v45 =	vld.idx.msk [tilespmem:v40+s19+$0x0], $0xffff;
	v33 =	vsel vm15, v48, v51  }
0x289: {  	v12 =	vmul.f32 v62, v53;
	vm3 =	vge.f32 v52, $1.000000000e+00;
	v18 =	vsel vm2, v2, v11;
	[tilespmem:v23+s29+$0x0] =	vst.idx.add.f32.msk $0xffff, v33  }
0x28a: {  	v2 =	vand.u32 $0xFFFFFE00, v55;
	v55 =	vor.u32 $0x80, v35;
	v16 =	vsel vm3, v52, v44;
	[tilespmem:v27+s29+$0x0] =	vst.idx.add.f32.msk $0xffff, v18  }
0x28b: {  	vm4 =	vge.f32 v1, $1.000000000e+00;
	v62 =	vunpack.i.l.bf16.f32 v59;
	v8 =	vunpack.i.u.bf16.f32 v59;
	[tilespmem:v32+s29+$0x0] =	vst.idx.add.f32.msk $0xffff, v16  }
0x28c: {  	v14 =	vsel vm4, v1, v12;
	v1 =	vshll.u32 v40, $0x2;
	v53 =	vld.idx.msk [tilespmem:v22+s22+$0x0], $0xffff;
	v31 =	vunpack.i.l.bf16.f32 v0  }
0x28d: {  	v12 =	vand.u32 $0x7F, v37;
	v0 =	vunpack.i.u.bf16.f32 v0;
	[tilespmem:v34+s29+$0x0] =	vst.idx.add.f32.msk $0xffff, v14;
	v31 =	vmul.f32 v31, v54  }
0x28e: {  	v10 =	vmul.f32 v62, v10;
	v0 =	vmul.f32 v0, v54;
	v54 =	vor.u32 $0x80, v24;
	v24 =	vld.idx.msk [tilespmem:v24+s22+$0x0], $0xffff  }
0x28f: {  	v1 =	vand.u32 $0xFFFFFE00, v1;
	[tilespmem:v56+s30+$0x0] =	vst.idx.add.f32.msk $0xffff, v31;
	v31 =	vunpack.i.u.bf16.f32 v47;
	v47 =	vunpack.i.l.bf16.f32 v45  }
0x290: {  	v46 =	vunpack.i.u.bf16.f32 v45;
	[tilespmem:v58+s30+$0x0] =	vst.idx.add.f32.msk $0xffff, v0;
	v0 =	vmul.f32 v8, v9;
	v8 =	vmul.f32 v47, v63  }
0x291: {  	v35 =	vld.idx.msk [tilespmem:v35+s22+$0x0], $0xffff;
	vm5 =	vge.f32 v10, $1.000000000e+00;
	v5 =	vmul.f32 v46, v31;
	v31 =	vsel vm1, v60, v49  }
0x292: {  	v1 =	vor.u32 v17, v1;
	[tilespmem:v26+s29+$0x0] =	vst.idx.add.f32.msk $0xffff, v31;
	vm6 =	vge.f32 v8, $1.000000000e+00;
	v11 =	vsel vm5, v10, v0  }
0x293: {  	v0 =	vand.u32 $0xFFFFFE00, v13;
	v17 =	vld.idx.msk [tilespmem:v21+s22+$0x0], $0xffff;
	v13 =	vsel vm6, v8, v5;
	v5 =	vand.u32 $0xFFFFFE00, v61  }
0x294: {  	v25 =	vor.u32 v28, v30;
	v57 =	vor.u32 $0x80, v38;
	v29 =	vor.u32 v12, v5;
	v5 =	vld.idx.msk [tilespmem:v43+s22+$0x0], $0xffff  }
0x295: {  	v23 =	vor.u32 $0x100, v15;
	v59 =	vor.u32 $0x180, v15;
	v56 =	vor.u32 $0x80, v15;
	[tilespmem:v37+s29+$0x0] =	vst.idx.add.f32.msk $0xffff, v11  }
0x296: {  	v9 =	vand.u32 $0x7F, v32;
	v58 =	vor.u32 $0x80, v39;
	v60 =	vor.u32 $0x80, v25;
	[tilespmem:v40+s29+$0x0] =	vst.idx.add.f32.msk $0xffff, v13  }
0x297: {  	v10 =	vand.u32 $0x7F, v34;
	v8 =	vand.u32 $0x7F, v27;
	v27 =	vor.u32 $0x100, v25;
	v38 =	vld.idx.msk [tilespmem:v38+s22+$0x0], $0xffff  }
0x298: {  	v26 =	vor.u32 v8, v36;
	[tilespmem:v4+s30+$0x0] =	vst.idx.add.f32.msk $0xffff, v20;
	v63 =	vunpack.i.u.bf16.f32 v17;
	v17 =	vunpack.i.l.bf16.f32 v17  }
0x299: {  	v0 =	vor.u32 v9, v0;
	[tilespmem:v3+s30+$0x0] =	vst.idx.add.f32.msk $0xffff, v19;
	v3 =	vmul.f32 v17, v31;
	v62 =	vunpack.i.l.bf16.f32 v5  }
0x29a: {  	v2 =	vor.u32 v10, v2;
	v40 =	vunpack.i.l.bf16.f32 v53;
	v39 =	vld.idx.msk [tilespmem:v39+s22+$0x0], $0xffff;
	v49 =	vmul.f32 v62, v33  }
0x29b: {  	v30 =	vor.u32 $0x100, v0;
	v61 =	vunpack.i.u.bf16.f32 v5;
	[tilespmem:v25+s30+$0x0] =	vst.idx.add.f32.msk $0xffff, v3;
	v3 =	vmul.f32 v40, v18  }
0x29c: {  	v32 =	vor.u32 $0x100, v2;
	v17 =	vunpack.i.l.bf16.f32 v24;
	v4 =	vmul.f32 v33, v61;
	[tilespmem:v15+s30+$0x0] =	vst.idx.add.f32.msk $0xffff, v49  }
0x29d: {  	v36 =	vor.u32 $0x80, v43;
	v28 =	vor.u32 $0x100, v26;
	[tilespmem:v26+s30+$0x0] =	vst.idx.add.f32.msk $0xffff, v3;
	v3 =	vmul.f32 v17, v16  }
0x29e: {  	v10 =	vor.u32 $0x80, v26;
	v15 =	vunpack.i.u.bf16.f32 v24;
	[tilespmem:v23+s30+$0x0] =	vst.idx.add.f32.msk $0xffff, v4;
	v4 =	vmul.f32 v31, v63  }
0x29f: {  	v9 =	vor.u32 $0x180, v26;
	v23 =	vunpack.i.l.bf16.f32 v35;
	v26 =	vmul.f32 v16, v15;
	[tilespmem:v0+s30+$0x0] =	vst.idx.add.f32.msk $0xffff, v3  }
0x2a0: {  	v12 =	vor.u32 $0x180, v25;
	v25 =	vunpack.i.l.bf16.f32 v38;
	v23 =	vmul.f32 v23, v14;
	[tilespmem:v27+s30+$0x0] =	vst.idx.add.f32.msk $0xffff, v4  }
0x2a1: {  	v8 =	vor.u32 $0x80, v0;
	v5 =	vor.u32 $0x180, v0;
	v0 =	vmul.f32 v25, v11;
	[tilespmem:v30+s30+$0x0] =	vst.idx.add.f32.msk $0xffff, v26  }
0x2a2: {  	v20 =	vunpack.i.u.bf16.f32 v53;
	v34 =	vor.u32 $0x100, v29;
	[tilespmem:v2+s30+$0x0] =	vst.idx.add.f32.msk $0xffff, v23  }
0x2a3: {  	v19 =	vunpack.i.u.bf16.f32 v35;
	v4 =	vmul.f32 v18, v20;
	[tilespmem:v29+s30+$0x0] =	vst.idx.add.f32.msk $0xffff, v0  }
0x2a4: {  	v21 =	vor.u32 $0x80, v21;
	v19 =	vmul.f32 v14, v19;
	v24 =	vunpack.i.u.bf16.f32 v38;
	v0 =	vld.idx.msk [tilespmem:v36+s22+$0x0], $0xffff  }
0x2a5: {  	v52 =	vor.u32 $0x100, v1;
	v24 =	vmul.f32 v11, v24;
	v27 =	vunpack.i.l.bf16.f32 v39;
	[tilespmem:v28+s30+$0x0] =	vst.idx.add.f32.msk $0xffff, v4  }
0x2a6: {  	v22 =	vor.u32 $0x80, v22;
	v25 =	vmul.f32 v27, v13;
	[tilespmem:v32+s30+$0x0] =	vst.idx.add.f32.msk $0xffff, v19  }
0x2a7: {  	v20 =	vunpack.i.u.bf16.f32 v39;
	[tilespmem:v34+s30+$0x0] =	vst.idx.add.f32.msk $0xffff, v24  }
0x2a8: {  	v17 =	vor.u32 $0x80, v2;
	v20 =	vmul.f32 v13, v20;
	[tilespmem:v1+s30+$0x0] =	vst.idx.add.f32.msk $0xffff, v25  }
0x2a9: {  	v15 =	vor.u32 $0x180, v2;
	v2 =	vor.u32 $0x80, v1;
	v23 =	vor.u32 $0x180, v1;
	v1 =	vld.idx.msk [tilespmem:v21+s22+$0x0], $0xffff  }
0x2aa: {  	[tilespmem:v52+s30+$0x0] =	vst.idx.add.f32.msk $0xffff, v20  }
0x2ab: {  	v20 =	vld.idx.msk [tilespmem:v22+s22+$0x0], $0xffff  }
0x2ac: {  	v19 =	vld.idx.msk [tilespmem:v58+s22+$0x0], $0xffff  }
0x2ad: {  	[tilespmem:v6+s30+$0x0] =	vst.idx.add.f32.msk $0xffff, v7  }
0x2ae: {  	v6 =	vld [tilespmem:$0x1FF50]  }
0x2af: {  	v21 =	vld.idx.msk [tilespmem:v54+s22+$0x0], $0xffff  }
0x2b0: {  	v24 =	vld.idx.msk [tilespmem:v55+s22+$0x0], $0xffff;
	v22 =	vunpack.i.u.bf16.f32 v0  }
0x2b1: {  	s21 =	sadd.s32 $0x8, s21;
	v0 =	vunpack.i.l.bf16.f32 v0;
	v7 =	vunpack.i.u.bf16.f32 v20;
	v27 =	vunpack.i.l.bf16.f32 v20;
	v20 =	vld [tilespmem:$0x1FF60]  }
0x2b2: {  	p0 =	slt.u32 s21, $0xF0;
	v25 =	vld.idx.msk [tilespmem:v57+s22+$0x0], $0xffff;
	v0 =	vmul.f32 v0, v33  }
.Ltmp11:
0x2b3: {  	v3 =	vor.u32 $0x180, v29;
	v34 =	vmov v2;
	v2 =	vmul.f32 v22, v33;
	(pc) =	sbr.rel @p0 .LBB2_19-.Ltmp11, $4  }
0x2b4: {  	v4 =	vor.u32 $0x80, v29;
	v26 =	vunpack.i.u.bf16.f32 v1;
	v1 =	vunpack.i.l.bf16.f32 v1;
	[tilespmem:v56+s30+$0x0] =	vst.idx.add.f32.msk $0xffff, v0  }
0x2b5: {  	v22 =	vunpack.i.l.bf16.f32 v21;
	v0 =	vmul.f32 v1, v31;
	v31 =	vmul.f32 v26, v31;
	[tilespmem:v59+s30+$0x0] =	vst.idx.add.f32.msk $0xffff, v2  }
0x2b6: {  	v33 =	vmul.f32 v27, v18;
	[tilespmem:v6+s30+$0x0] =	vst.idx.add.f32.msk $0xffff, v20;
	v6 =	vunpack.i.u.bf16.f32 v21;
	v20 =	vunpack.i.u.bf16.f32 v24  }
0x2b7: {  	s5 =	sadd.s32 $0x80, s5;
	v35 =	vmovc v23;
	[tilespmem:v60+s30+$0x0] =	vst.idx.add.f32.msk $0xffff, v0;
	v24 =	vunpack.i.l.bf16.f32 v24;
	v21 =	vunpack.i.u.bf16.f32 v25;
	v25 =	vunpack.i.l.bf16.f32 v25  }
0x2b8: {  	_ =	sdelay $0x3  }
0x2b9: {  	v0 =	vmul.f32 v7, v18;
	[tilespmem:v12+s30+$0x0] =	vst.idx.add.f32.msk $0xffff, v31  }
0x2ba: {  	v1 =	vmul.f32 v22, v16;
	[tilespmem:v10+s30+$0x0] =	vst.idx.add.f32.msk $0xffff, v33  }
0x2bb: {  	v58 =	vmul.f32 v24, v14;
	[tilespmem:v9+s30+$0x0] =	vst.idx.add.f32.msk $0xffff, v0  }
0x2bc: {  	v60 =	vmul.f32 v25, v11;
	[tilespmem:v8+s30+$0x0] =	vst.idx.add.f32.msk $0xffff, v1  }
0x2bd: {  	v2 =	vmul.f32 v6, v16;
	[tilespmem:v17+s30+$0x0] =	vst.idx.add.f32.msk $0xffff, v58  }
0x2be: {  	v59 =	vmul.f32 v20, v14;
	[tilespmem:v4+s30+$0x0] =	vst.idx.add.f32.msk $0xffff, v60  }
0x2bf: {  	v61 =	vunpack.i.l.bf16.f32 v19;
	v62 =	vmul.f32 v21, v11;
	[tilespmem:v5+s30+$0x0] =	vst.idx.add.f32.msk $0xffff, v2  }
0x2c0: {  	v63 =	vunpack.i.u.bf16.f32 v19;
	v0 =	vmul.f32 v61, v13;
	[tilespmem:v15+s30+$0x0] =	vst.idx.add.f32.msk $0xffff, v59  }
0x2c1: {  	v1 =	vmul.f32 v63, v13;
	[tilespmem:v3+s30+$0x0] =	vst.idx.add.f32.msk $0xffff, v62  }
0x2c2: {  	[tilespmem:v34+s30+$0x0] =	vst.idx.add.f32.msk $0xffff, v0  }
0x2c3: {  	[tilespmem:v35+s30+$0x0] =	vst.idx.add.f32.msk $0xffff, v1  }
.LBB2_21:
0x2c4: {  	s5 =	sshra.s32 s0, $0x2  }
0x2c5: {  	v0 =	vld [tilespmem:s5+$0x18780]  }
0x2c6: {  	v1 =	vld [tilespmem:s5+$0x1A780];
	_ =	sdelay $0x6  }
0x2c7: {  	v2 =	vld.idx.msk [tilespmem:v0+s3+$0x0], $0xffff  }
0x2c8: {  	v3 =	vld.idx.msk [tilespmem:v1+s19+$0x0], $0xffff;
	_ =	sdelay $0x2  }
0x2c9: {  	v4 =	vand.u32 $0x7F, v0;
	v0 =	vshll.u32 v0, $0x1  }
0x2ca: {  	v0 =	vand.u32 $0xFFFFFF00, v0  }
0x2cb: {  	v5 =	vunpack.i.u.bf16.f32 v2;
	v2 =	vunpack.i.l.bf16.f32 v2;
	v6 =	vunpack.i.l.bf16.f32 v3  }
0x2cc: {  	v0 =	vor.u32 v4, v0;
	v3 =	vunpack.i.u.bf16.f32 v3;
	v2 =	vmul.f32 v6, v2  }
0x2cd: {  	v3 =	vmul.f32 v3, v5  }
0x2ce: {  	vm0 =	vge.f32 v2, $1.000000000e+00  }
0x2cf: {  	v2 =	vsel vm0, v2, v3  }
0x2d0: {  	[tilespmem:v1+s29+$0x0] =	vst.idx.add.f32.msk $0xffff, v2  }
0x2d1: {  	v59 =	vld.idx.msk [tilespmem:v0+s22+$0x0], $0xffff  }
0x2d2: {  	v60 =	vshll.u32 v1, $0x2  }
0x2d3: {  	v4 =	vand.u32 $0xFFFFFE00, v60;
	v1 =	vand.u32 $0x7F, v1  }
0x2d4: {  	v1 =	vor.u32 v1, v4  }
0x2d5: {  	v4 =	vor.u32 $0x100, v1  }
0x2d6: {  	v0 =	vor.u32 $0x80, v0;
	v61 =	vunpack.i.l.bf16.f32 v59  }
0x2d7: {  	v3 =	vunpack.i.u.bf16.f32 v59;
	v5 =	vmul.f32 v61, v2  }
0x2d8: {  	v3 =	vmul.f32 v2, v3  }
0x2d9: {  	[tilespmem:v1+s30+$0x0] =	vst.idx.add.f32.msk $0xffff, v5  }
0x2da: {  	[tilespmem:v4+s30+$0x0] =	vst.idx.add.f32.msk $0xffff, v3  }
0x2db: {  	v0 =	vld.idx.msk [tilespmem:v0+s22+$0x0], $0xffff;
	_ =	sdelay $0x2  }
0x2dc: {  	v62 =	vor.u32 $0x80, v1  }
0x2dd: {  	p0 =	seq.s32 s0, $0x40;
	v1 =	vor.u32 $0x180, v1  }
.Ltmp12:
0x2de: {  	v63 =	vunpack.i.l.bf16.f32 v0;
	(pc) =	sbr.rel @!p0 .LBB2_21-.Ltmp12, $4  }
0x2df: {  	v0 =	vunpack.i.u.bf16.f32 v0;
	v4 =	vmul.f32 v63, v2  }
0x2e0: {  	v0 =	vmul.f32 v0, v2  }
0x2e1: {  	[tilespmem:v62+s30+$0x0] =	vst.idx.add.f32.msk $0xffff, v4  }
0x2e2: {  	s0 =	sadd.s32 $0x40, s0;
	[tilespmem:v1+s30+$0x0] =	vst.idx.add.f32.msk $0xffff, v0  }
.Ltmp13:
0x2e3: {  	_ = 	snop;
	(pc) =	sbr.rel .LBB2_22-.Ltmp13, $1  }
0x2e4: {  	_ =	sdelay $0x3  }
.LBB2_14:
0x2e5: {  	s5 =	simm.s32 @p0 $0x17840  }
0x2e6: {  	s23 =	simm.s32 @p0 $0x19840;
	v0 =	vld [tilespmem:s5+$0x30]  }
0x2e7: {  	v7 =	vld [tilespmem:s23+$0x30]  }
0x2e8: {  	v9 =	vld [tilespmem:s23+$0xFFFFFFC0]  }
0x2e9: {  	v10 =	vld [tilespmem:s5+$0xFFFFFFD0]  }
0x2ea: {  	v5 =	vld [tilespmem:s23+$0xFFFFFFD0]  }
0x2eb: {  	v11 =	vld [tilespmem:s23+$0xFFFFFFF0]  }
0x2ec: {  	v22 =	vld [tilespmem:s5+$0x0]  }
0x2ed: {  	v23 =	vld [tilespmem:s5+$0x10]  }
0x2ee: {  	v27 =	vld [tilespmem:s5+$0xFFFFFFC0]  }
0x2ef: {  	v16 =	vld [tilespmem:s5+$0xFFFFFFE0]  }
0x2f0: {  	v4 =	vld [tilespmem:s23+$0xFFFFFFE0];
	v1 =	vshll.u32 v0, $0x1;
	v2 =	vshll.u32 v9, $0x2  }
0x2f1: {  	v3 =	vand.u32 $0x7F, v0;
	v6 =	vshll.u32 v10, $0x1;
	v8 =	vand.u32 $0x7F, v10  }
0x2f2: {  	v20 =	vand.u32 $0x7F, v9;
	v28 =	vshll.u32 v23, $0x1;
	v31 =	vand.u32 $0x7F, v22  }
0x2f3: {  	v17 =	vld [tilespmem:s5+$0xFFFFFFF0];
	v32 =	vand.u32 $0x7F, v23;
	v33 =	vand.u32 $0x7F, v27;
	v63 =	vshll.u32 v11, $0x2  }
0x2f4: {  	s0 =	simm.s32 $0x0;
	v14 =	vld [tilespmem:s23+$0x0];
	v1 =	vand.u32 $0xFFFFFF00, v1;
	v12 =	vand.u32 $0xFFFFFE00, v2;
	v2 =	vshll.u32 v5, $0x2  }
0x2f5: {  	v18 =	vor.u32 v3, v1;
	v1 =	vand.u32 $0xFFFFFF00, v6;
	v3 =	vand.u32 $0x7F, v16;
	v0 =	vld.idx.msk [tilespmem:v0+s0+$0x0], $0xffff  }
0x2f6: {  	v6 =	vshll.u32 v16, $0x1;
	v13 =	vand.u32 $0xFFFFFE00, v2;
	v12 =	vor.u32 v20, v12;
	v19 =	vld.idx.msk [tilespmem:v7+s19+$0x0], $0xffff  }
0x2f7: {  	v20 =	vand.u32 $0xFFFFFE00, v63;
	v1 =	vor.u32 v8, v1;
	v2 =	vand.u32 $0xFFFFFF00, v6;
	v29 =	vld.idx.msk [tilespmem:v10+s0+$0x0], $0xffff  }
0x2f8: {  	v6 =	vshll.u32 v4, $0x2;
	v8 =	vshll.u32 v17, $0x1;
	v62 =	vld.idx.msk [tilespmem:v4+s19+$0x0], $0xffff;
	v4 =	vand.u32 $0x7F, v4  }
0x2f9: {  	v46 =	vld.idx.msk [tilespmem:v11+s19+$0x0], $0xffff;
	v11 =	vand.u32 $0x7F, v11;
	v2 =	vor.u32 v3, v2;
	v3 =	vand.u32 $0x7F, v17  }
0x2fa: {  	v16 =	vld.idx.msk [tilespmem:v16+s0+$0x0], $0xffff;
	v8 =	vand.u32 $0xFFFFFF00, v8;
	v15 =	vand.u32 $0xFFFFFE00, v6;
	v11 =	vor.u32 v11, v20  }
0x2fb: {  	v6 =	vld [tilespmem:s23+$0x10];
	v3 =	vor.u32 v3, v8;
	v8 =	vshll.u32 v7, $0x2;
	v4 =	vor.u32 v4, v15  }
0x2fc: {  	v17 =	vld.idx.msk [tilespmem:v17+s0+$0x0], $0xffff;
	v7 =	vand.u32 $0x7F, v7;
	v8 =	vand.u32 $0xFFFFFE00, v8;
	v60 =	vor.u32 $0x100, v4  }
0x2fd: {  	v21 =	vld.idx.msk [tilespmem:v18+s22+$0x0], $0xffff;
	v26 =	vor.u32 v7, v8;
	v18 =	vor.u32 $0x80, v18;
	v24 =	vunpack.i.l.bf16.f32 v0  }
0x2fe: {  	v8 =	vld [tilespmem:s23+$0x20];
	v25 =	vunpack.i.l.bf16.f32 v19;
	v0 =	vunpack.i.u.bf16.f32 v0;
	v19 =	vunpack.i.u.bf16.f32 v19  }
0x2ff: {  	v38 =	vunpack.i.l.bf16.f32 v16;
	v16 =	vunpack.i.u.bf16.f32 v16;
	v48 =	vunpack.i.l.bf16.f32 v46;
	v54 =	vld.idx.msk [tilespmem:v1+s22+$0x0], $0xffff  }
0x300: {  	v1 =	vor.u32 $0x80, v1;
	v24 =	vmul.f32 v25, v24;
	v25 =	vld [tilespmem:s5+$0x20];
	v0 =	vmul.f32 v19, v0  }
0x301: {  	v19 =	vshll.u32 v22, $0x1;
	v35 =	vshll.u32 v6, $0x2;
	v22 =	vld.idx.msk [tilespmem:v22+s0+$0x0], $0xffff;
	v47 =	vunpack.i.l.bf16.f32 v17  }
0x302: {  	v17 =	vunpack.i.u.bf16.f32 v17;
	v43 =	vld.idx.msk [tilespmem:v2+s22+$0x0], $0xffff;
	v2 =	vor.u32 $0x80, v2;
	vm0 =	vge.f32 v24, $1.000000000e+00  }
0x303: {  	v7 =	vand.u32 $0xFFFFFF00, v19;
	v19 =	vor.u32 $0x100, v26;
	v0 =	vsel vm0, v24, v0;
	v24 =	vld.idx.msk [tilespmem:v9+s19+$0x0], $0xffff  }
0x304: {  	v9 =	vunpack.i.l.bf16.f32 v21;
	v10 =	vunpack.i.u.bf16.f32 v21;
	v21 =	vand.u32 $0xFFFFFF00, v28;
	v28 =	vld.idx.msk [tilespmem:v5+s19+$0x0], $0xffff  }
0x305: {  	v36 =	vshll.u32 v8, $0x2;
	v41 =	vld.idx.msk [tilespmem:v6+s19+$0x0], $0xffff;
	v5 =	vand.u32 $0x7F, v5;
	v6 =	vand.u32 $0x7F, v6  }
0x306: {  	v9 =	vmul.f32 v0, v9;
	v10 =	vmul.f32 v0, v10;
	v5 =	vor.u32 v5, v13  }
0x307: {  	v30 =	vshll.u32 v25, $0x1;
	v34 =	vand.u32 $0x7F, v25;
	v49 =	vunpack.i.l.bf16.f32 v22  }
0x308: {  	v22 =	vunpack.i.u.bf16.f32 v22;
	v58 =	vunpack.i.l.bf16.f32 v43;
	[tilespmem:v26+s30+$0x0] =	vst.idx.add.f32.msk $0xffff, v9;
	v9 =	vshll.u32 v27, $0x1  }
0x309: {  	v30 =	vand.u32 $0xFFFFFF00, v30;
	[tilespmem:v19+s30+$0x0] =	vst.idx.add.f32.msk $0xffff, v10;
	v10 =	vand.u32 $0xFFFFFF00, v9;
	v9 =	vor.u32 v31, v7  }
0x30a: {  	v7 =	vor.u32 v32, v21;
	v32 =	vunpack.i.u.bf16.f32 v62;
	v19 =	vunpack.i.l.bf16.f32 v24  }
0x30b: {  	v27 =	vld.idx.msk [tilespmem:v27+s0+$0x0], $0xffff;
	v21 =	vor.u32 v33, v10;
	v10 =	vor.u32 v34, v30;
	v24 =	vunpack.i.u.bf16.f32 v24  }
0x30c: {  	v42 =	vld.idx.msk [tilespmem:v8+s19+$0x0], $0xffff;
	v30 =	vunpack.i.u.bf16.f32 v29;
	v29 =	vunpack.i.l.bf16.f32 v29;
	v31 =	vunpack.i.l.bf16.f32 v28  }
0x30d: {  	v39 =	vld.idx.msk [tilespmem:v14+s19+$0x0], $0xffff;
	v28 =	vunpack.i.u.bf16.f32 v28;
	v34 =	vunpack.i.u.bf16.f32 v46;
	v16 =	vmul.f32 v32, v16  }
0x30e: {  	v18 =	vld.idx.msk [tilespmem:v18+s22+$0x0], $0xffff;
	v51 =	vunpack.i.l.bf16.f32 v41;
	v53 =	vunpack.i.u.bf16.f32 v41;
	v29 =	vmul.f32 v31, v29  }
0x30f: {  	v28 =	vmul.f32 v28, v30;
	v30 =	vor.u32 $0x80, v26;
	v31 =	vshll.u32 v14, $0x2  }
0x310: {  	v26 =	vor.u32 $0x180, v26;
	v17 =	vmul.f32 v34, v17;
	vm14 =	vge.f32 v29, $1.000000000e+00  }
0x311: {  	v40 =	vunpack.i.l.bf16.f32 v27;
	v27 =	vunpack.i.u.bf16.f32 v27;
	v55 =	vunpack.i.l.bf16.f32 v42  }
0x312: {  	v24 =	vmul.f32 v24, v27;
	v27 =	vunpack.i.l.bf16.f32 v39;
	v39 =	vunpack.i.u.bf16.f32 v39  }
0x313: {  	v57 =	vld.idx.msk [tilespmem:v9+s22+$0x0], $0xffff;
	v9 =	vor.u32 $0x80, v9;
	v37 =	vunpack.i.l.bf16.f32 v18;
	v27 =	vmul.f32 v27, v49  }
0x314: {  	v18 =	vunpack.i.u.bf16.f32 v18;
	v52 =	vld.idx.msk [tilespmem:v21+s22+$0x0], $0xffff;
	v22 =	vmul.f32 v39, v22;
	v37 =	vmul.f32 v37, v0  }
0x315: {  	v0 =	vmul.f32 v18, v0;
	v18 =	vmul.f32 v19, v40;
	v19 =	vld.idx.msk [tilespmem:v23+s0+$0x0], $0xffff;
	v23 =	vunpack.i.l.bf16.f32 v62  }
0x316: {  	v56 =	vld.idx.msk [tilespmem:v3+s22+$0x0], $0xffff;
	v62 =	vor.u32 $0x100, v11;
	v23 =	vmul.f32 v23, v38;
	v38 =	vmul.f32 v48, v47  }
0x317: {  	vm5 =	vge.f32 v27, $1.000000000e+00;
	vm2 =	vge.f32 v18, $1.000000000e+00;
	[tilespmem:v30+s30+$0x0] =	vst.idx.add.f32.msk $0xffff, v37;
	v30 =	vand.u32 $0xFFFFFE00, v31  }
0x318: {  	v25 =	vld.idx.msk [tilespmem:v25+s0+$0x0], $0xffff;
	vm3 =	vge.f32 v23, $1.000000000e+00;
	vm4 =	vge.f32 v38, $1.000000000e+00;
	v24 =	vsel vm2, v18, v24  }
0x319: {  	[tilespmem:v26+s30+$0x0] =	vst.idx.add.f32.msk $0xffff, v0;
	v0 =	vand.u32 $0x7F, v14;
	v44 =	vunpack.i.u.bf16.f32 v52;
	v34 =	vunpack.i.l.bf16.f32 v52  }
0x31a: {  	v18 =	vsel vm3, v23, v16;
	v23 =	vunpack.i.u.bf16.f32 v43;
	v17 =	vsel vm4, v38, v17  }
0x31b: {  	v16 =	vsel vm5, v27, v22;
	v27 =	vunpack.i.l.bf16.f32 v56;
	v0 =	vor.u32 v0, v30  }
0x31c: {  	v30 =	vunpack.i.l.bf16.f32 v57;
	v50 =	vunpack.i.u.bf16.f32 v19;
	v14 =	vmul.f32 v24, v34  }
0x31d: {  	v19 =	vunpack.i.l.bf16.f32 v19;
	v31 =	vmul.f32 v18, v58;
	v27 =	vmul.f32 v17, v27  }
0x31e: {  	v13 =	vld.idx.msk [tilespmem:v7+s22+$0x0], $0xffff;
	v30 =	vmul.f32 v16, v30;
	v32 =	vmul.f32 v51, v19;
	v19 =	vunpack.i.l.bf16.f32 v25  }
0x31f: {  	v15 =	vld.idx.msk [tilespmem:v10+s22+$0x0], $0xffff;
	v40 =	vmul.f32 v55, v19;
	v19 =	vunpack.i.u.bf16.f32 v25;
	v25 =	vunpack.i.u.bf16.f32 v42  }
0x320: {  	[tilespmem:v12+s30+$0x0] =	vst.idx.add.f32.msk $0xffff, v14;
	v25 =	vmul.f32 v25, v19;
	v19 =	vsel vm14, v29, v28;
	v29 =	vunpack.i.l.bf16.f32 v54  }
0x321: {  	v22 =	vunpack.i.u.bf16.f32 v56;
	v23 =	vmul.f32 v18, v23;
	[tilespmem:v4+s30+$0x0] =	vst.idx.add.f32.msk $0xffff, v31;
	v29 =	vmul.f32 v19, v29  }
0x322: {  	v14 =	vor.u32 $0x100, v12;
	v31 =	vand.u32 $0xFFFFFE00, v35;
	[tilespmem:v11+s30+$0x0] =	vst.idx.add.f32.msk $0xffff, v27;
	v28 =	vunpack.i.u.bf16.f32 v54  }
0x323: {  	v31 =	vor.u32 v6, v31;
	v6 =	vand.u32 $0x7F, v8;
	[tilespmem:v5+s30+$0x0] =	vst.idx.add.f32.msk $0xffff, v29;
	v29 =	vor.u32 $0x100, v5  }
0x324: {  	v8 =	vmul.f32 v17, v22;
	[tilespmem:v60+s30+$0x0] =	vst.idx.add.f32.msk $0xffff, v23;
	v27 =	vmul.f32 v19, v28;
	v28 =	vor.u32 $0x100, v0  }
0x325: {  	v26 =	vunpack.i.u.bf16.f32 v57;
	v61 =	vmul.f32 v24, v44;
	v39 =	vmul.f32 v53, v50;
	[tilespmem:v0+s30+$0x0] =	vst.idx.add.f32.msk $0xffff, v30  }
0x326: {  	v59 =	vunpack.i.u.bf16.f32 v13;
	v13 =	vunpack.i.l.bf16.f32 v13;
	vm1 =	vge.f32 v32, $1.000000000e+00;
	[tilespmem:v62+s30+$0x0] =	vst.idx.add.f32.msk $0xffff, v8  }
0x327: {  	v26 =	vmul.f32 v16, v26;
	v20 =	vsel vm1, v32, v39;
	v30 =	vand.u32 $0xFFFFFE00, v36;
	[tilespmem:v14+s30+$0x0] =	vst.idx.add.f32.msk $0xffff, v61  }
0x328: {  	[tilespmem:v29+s30+$0x0] =	vst.idx.add.f32.msk $0xffff, v27;
	v27 =	vor.u32 v6, v30;
	v6 =	vmul.f32 v20, v13;
	v13 =	vor.u32 $0x80, v21  }
0x329: {  	vm15 =	vge.f32 v40, $1.000000000e+00;
	[tilespmem:v28+s30+$0x0] =	vst.idx.add.f32.msk $0xffff, v26  }
0x32a: {  	v3 =	vor.u32 $0x80, v3;
	v22 =	vsel vm15, v40, v25;
	v14 =	vor.u32 $0x100, v31;
	v25 =	vld.idx.msk [tilespmem:v9+s22+$0x0], $0xffff  }
0x32b: {  	v63 =	vor.u32 $0x80, v10;
	v10 =	vor.u32 $0x180, v4;
	v8 =	vunpack.i.l.bf16.f32 v15;
	v30 =	vld.idx.msk [tilespmem:v2+s22+$0x0], $0xffff  }
0x32c: {  	v8 =	vmul.f32 v22, v8;
	v26 =	vor.u32 $0x80, v7;
	v28 =	vor.u32 $0x80, v12;
	v1 =	vld.idx.msk [tilespmem:v1+s22+$0x0], $0xffff  }
0x32d: {  	v7 =	vor.u32 $0x180, v11;
	v21 =	vmul.f32 v20, v59;
	v23 =	vor.u32 $0x100, v27;
	v29 =	vld.idx.msk [tilespmem:v13+s22+$0x0], $0xffff  }
0x32e: {  	s21 =	simm.s32 @p0 $0xFFFFFFF8;
	v37 =	vor.u32 $0x80, v27;
	v2 =	vor.u32 $0x180, v27;
	[tilespmem:v31+s30+$0x0] =	vst.idx.add.f32.msk $0xffff, v6;
	v6 =	vunpack.i.u.bf16.f32 v15  }
0x32f: {  	s21 =	sadd.s32 $0x8, s21;
	v15 =	vor.u32 $0x80, v5;
	[tilespmem:v14+s30+$0x0] =	vst.idx.add.f32.msk $0xffff, v21;
	v21 =	vmul.f32 v22, v6;
	v14 =	vor.u32 $0x180, v12  }
0x330: {  	p0 =	slt.u32 s21, $0xF0;
	v6 =	vor.u32 $0x80, v0;
	v13 =	vor.u32 $0x180, v5;
	v5 =	vor.u32 $0x180, v0;
	v0 =	vld.idx.msk [tilespmem:v3+s22+$0x0], $0xffff  }
.Ltmp14:
0x331: {  	v12 =	vor.u32 $0x80, v4;
	v4 =	vor.u32 $0x80, v31;
	[tilespmem:v27+s30+$0x0] =	vst.idx.add.f32.msk $0xffff, v8;
	v8 =	vor.u32 $0x80, v11;
	(pc) =	sbr.rel @!p0 .LBB2_16-.Ltmp14, $4  }
0x332: {  	v3 =	vor.u32 $0x180, v31;
	[tilespmem:v23+s30+$0x0] =	vst.idx.add.f32.msk $0xffff, v21;
	v27 =	vunpack.i.u.bf16.f32 v1;
	v11 =	vunpack.i.l.bf16.f32 v29  }
0x333: {  	v23 =	vld.idx.msk [tilespmem:v26+s22+$0x0], $0xffff;
	v31 =	vunpack.i.l.bf16.f32 v1;
	v9 =	vunpack.i.u.bf16.f32 v29;
	v26 =	vmul.f32 v11, v24  }
0x334: {  	v21 =	vld.idx.msk [tilespmem:v63+s22+$0x0], $0xffff;
	v29 =	vunpack.i.l.bf16.f32 v30;
	v24 =	vmul.f32 v9, v24;
	v11 =	vunpack.i.u.bf16.f32 v30  }
0x335: {  	s5 =	sadd.s32 $0x80, s5;
	v9 =	vunpack.i.u.bf16.f32 v0;
	[tilespmem:v28+s30+$0x0] =	vst.idx.add.f32.msk $0xffff, v26;
	v26 =	vmul.f32 v31, v19;
	v28 =	vunpack.i.l.bf16.f32 v0  }
.LBB2_15:
0x336: {  	v0 =	vld [tilespmem:s5+$0x30];
	v1 =	vmul.f32 v27, v19  }
0x337: {  	v46 =	vld [tilespmem:s5+$0xFFFFFFD0]  }
0x338: {  	v50 =	vld [tilespmem:s5+$0x0];
	[tilespmem:$0x1FEE0] =	vst v1;
	v1 =	vmul.f32 v29, v18  }
0x339: {  	s23 =	sadd.s32 $0x80, s23;
	v52 =	vld [tilespmem:s5+$0x20]  }
0x33a: {  	v44 =	vld [tilespmem:s23+$0x30];
	[tilespmem:$0x1FEF0] =	vst v1;
	v1 =	vmul.f32 v11, v18  }
0x33b: {  	v28 =	vmul.f32 v28, v17;
	v45 =	vld [tilespmem:s23+$0xFFFFFFC0];
	v19 =	vunpack.i.u.bf16.f32 v25;
	v25 =	vunpack.i.l.bf16.f32 v25  }
0x33c: {  	v9 =	vmul.f32 v9, v17;
	v31 =	vld [tilespmem:s23+$0xFFFFFFE0];
	v27 =	vunpack.i.u.bf16.f32 v23;
	[tilespmem:$0x1FF00] =	vst v1;
	v1 =	vmul.f32 v25, v16  }
0x33d: {  	v29 =	vld [tilespmem:s23+$0xFFFFFFD0];
	v23 =	vunpack.i.l.bf16.f32 v23;
	v18 =	vunpack.i.u.bf16.f32 v21;
	v11 =	vunpack.i.l.bf16.f32 v21  }
0x33e: {  	v41 =	vld [tilespmem:s23+$0xFFFFFFF0];
	v27 =	vmul.f32 v27, v20;
	v17 =	vshll.u32 v0, $0x1;
	[tilespmem:$0x1FF10] =	vst v1;
	v1 =	vmul.f32 v19, v16  }
0x33f: {  	v11 =	vmul.f32 v11, v22;
	v21 =	vand.u32 $0x7F, v46;
	v53 =	vshll.u32 v50, $0x1;
	v16 =	vld [tilespmem:s5+$0xFFFFFFE0]  }
0x340: {  	v43 =	vld [tilespmem:s23+$0x0];
	v56 =	vshll.u32 v52, $0x1;
	v57 =	vand.u32 $0x7F, v50;
	[tilespmem:$0x1FF20] =	vst v1;
	v1 =	vmul.f32 v23, v20  }
0x341: {  	v60 =	vand.u32 $0x7F, v52;
	v17 =	vand.u32 $0xFFFFFF00, v17;
	v19 =	vld [tilespmem:s5+$0xFFFFFFF0];
	v20 =	vand.u32 $0x7F, v0  }
0x342: {  	s0 =	simm.s32 $0x0;
	v47 =	vld [tilespmem:s23+$0x10];
	v17 =	vor.u32 v20, v17;
	v20 =	vshll.u32 v29, $0x2;
	[tilespmem:$0x1FF30] =	vst v1;
	v1 =	vmul.f32 v18, v22  }
0x343: {  	v0 =	vld.idx.msk [tilespmem:v0+s0+$0x0], $0xffff;
	v18 =	vshll.u32 v45, $0x2;
	v22 =	vshll.u32 v46, $0x1;
	v39 =	vand.u32 $0xFFFFFE00, v20  }
0x344: {  	v38 =	vand.u32 $0xFFFFFE00, v18;
	v18 =	vand.u32 $0xFFFFFF00, v22;
	v22 =	vld.idx.msk [tilespmem:v44+s19+$0x0], $0xffff;
	v23 =	vshll.u32 v16, $0x1  }
0x345: {  	v36 =	vld.idx.msk [tilespmem:v46+s0+$0x0], $0xffff;
	v21 =	vor.u32 v21, v18;
	v18 =	vand.u32 $0x7F, v16;
	v20 =	vand.u32 $0xFFFFFF00, v23  }
0x346: {  	v25 =	vshll.u32 v31, $0x2;
	v50 =	vld.idx.msk [tilespmem:v50+s0+$0x0], $0xffff;
	v23 =	vor.u32 v18, v20;
	v20 =	vshll.u32 v19, $0x1  }
0x347: {  	v40 =	vand.u32 $0xFFFFFE00, v25;
	v52 =	vld.idx.msk [tilespmem:v52+s0+$0x0], $0xffff;
	v18 =	vand.u32 $0x7F, v19;
	v20 =	vand.u32 $0xFFFFFF00, v20  }
0x348: {  	v49 =	vunpack.i.l.bf16.f32 v0;
	v0 =	vunpack.i.u.bf16.f32 v0;
	v48 =	vld.idx.msk [tilespmem:v17+s22+$0x0], $0xffff;
	v25 =	vor.u32 v18, v20  }
0x349: {  	v54 =	vld.idx.msk [tilespmem:v45+s19+$0x0], $0xffff;
	v20 =	vand.u32 $0x7F, v44;
	v44 =	vshll.u32 v44, $0x2;
	v51 =	vunpack.i.l.bf16.f32 v22  }
0x34a: {  	v30 =	vld.idx.msk [tilespmem:v43+s19+$0x0], $0xffff;
	v44 =	vand.u32 $0xFFFFFE00, v44;
	v22 =	vunpack.i.u.bf16.f32 v22;
	v51 =	vmul.f32 v51, v49  }
0x34b: {  	v0 =	vmul.f32 v22, v0;
	v20 =	vor.u32 v20, v44;
	v22 =	vld [tilespmem:s5+$0xFFFFFFC0]  }
0x34c: {  	v55 =	vld.idx.msk [tilespmem:v29+s19+$0x0], $0xffff;
	v34 =	vor.u32 $0x100, v20;
	vm0 =	vge.f32 v51, $1.000000000e+00  }
0x34d: {  	v17 =	vor.u32 $0x80, v17;
	v16 =	vld.idx.msk [tilespmem:v16+s0+$0x0], $0xffff;
	v35 =	vunpack.i.l.bf16.f32 v48;
	v0 =	vsel vm0, v51, v0  }
0x34e: {  	v42 =	vand.u32 $0x7F, v45;
	v18 =	vld [tilespmem:s5+$0x10];
	v48 =	vunpack.i.u.bf16.f32 v48;
	v45 =	vmul.f32 v0, v35  }
0x34f: {  	v49 =	vld [tilespmem:s23+$0x20];
	v48 =	vmul.f32 v0, v48  }
0x350: {  	[tilespmem:v20+s30+$0x0] =	vst.idx.add.f32.msk $0xffff, v45  }
0x351: {  	v44 =	vand.u32 $0xFFFFFF00, v53;
	[tilespmem:v34+s30+$0x0] =	vst.idx.add.f32.msk $0xffff, v48  }
0x352: {  	v44 =	vor.u32 v57, v44;
	v17 =	vld.idx.msk [tilespmem:v17+s22+$0x0], $0xffff  }
0x353: {  	v63 =	vshll.u32 v18, $0x1;
	v59 =	vand.u32 $0x7F, v22;
	v32 =	vshll.u32 v22, $0x1;
	v22 =	vld.idx.msk [tilespmem:v22+s0+$0x0], $0xffff  }
0x354: {  	v19 =	vld.idx.msk [tilespmem:v19+s0+$0x0], $0xffff;
	v58 =	vand.u32 $0x7F, v18;
	v46 =	vand.u32 $0xFFFFFF00, v63;
	v33 =	vand.u32 $0xFFFFFF00, v32  }
0x355: {  	v56 =	vand.u32 $0xFFFFFF00, v56;
	v45 =	vor.u32 v58, v46;
	v58 =	vld.idx.msk [tilespmem:v31+s19+$0x0], $0xffff;
	v48 =	vor.u32 v59, v33  }
0x356: {  	v53 =	vunpack.i.l.bf16.f32 v54;
	v54 =	vunpack.i.u.bf16.f32 v54;
	v51 =	vunpack.i.l.bf16.f32 v36;
	v18 =	vld.idx.msk [tilespmem:v18+s0+$0x0], $0xffff  }
0x357: {  	v46 =	vor.u32 v60, v56;
	v56 =	vor.u32 $0x80, v20;
	v34 =	vunpack.i.u.bf16.f32 v36;
	v36 =	vld.idx.msk [tilespmem:v41+s19+$0x0], $0xffff  }
0x358: {  	v33 =	vld.idx.msk [tilespmem:v44+s22+$0x0], $0xffff;
	v63 =	vunpack.i.l.bf16.f32 v17;
	v17 =	vunpack.i.u.bf16.f32 v17;
	v32 =	vunpack.i.u.bf16.f32 v22  }
0x359: {  	v57 =	vld.idx.msk [tilespmem:v49+s19+$0x0], $0xffff;
	v22 =	vunpack.i.l.bf16.f32 v22;
	v63 =	vmul.f32 v63, v0;
	v0 =	vmul.f32 v17, v0  }
0x35a: {  	v17 =	vmul.f32 v53, v22;
	v22 =	vunpack.i.l.bf16.f32 v58;
	v53 =	vunpack.i.u.bf16.f32 v58;
	v58 =	vld.idx.msk [tilespmem:v48+s22+$0x0], $0xffff  }
0x35b: {  	v20 =	vor.u32 $0x180, v20;
	v32 =	vmul.f32 v54, v32;
	v54 =	vld.idx.msk [tilespmem:v25+s22+$0x0], $0xffff  }
0x35c: {  	v35 =	vunpack.i.u.bf16.f32 v55;
	v55 =	vunpack.i.l.bf16.f32 v55;
	[tilespmem:v56+s30+$0x0] =	vst.idx.add.f32.msk $0xffff, v63  }
0x35d: {  	[tilespmem:$0x1FF40] =	vst v1;
	v1 =	vunpack.i.l.bf16.f32 v16;
	v16 =	vunpack.i.u.bf16.f32 v16;
	v51 =	vmul.f32 v55, v51;
	v56 =	vld.idx.msk [tilespmem:v47+s19+$0x0], $0xffff  }
0x35e: {  	v60 =	vshll.u32 v43, $0x2;
	v55 =	vmul.f32 v35, v34;
	[tilespmem:v8+s30+$0x0] =	vst.idx.add.f32.msk $0xffff, v28;
	v1 =	vmul.f32 v22, v1  }
0x35f: {  	v22 =	vunpack.i.l.bf16.f32 v19;
	v16 =	vmul.f32 v53, v16;
	[tilespmem:v7+s30+$0x0] =	vst.idx.add.f32.msk $0xffff, v9;
	v9 =	vand.u32 $0xFFFFFE00, v60  }
0x360: {  	[tilespmem:v20+s30+$0x0] =	vst.idx.add.f32.msk $0xffff, v0;
	v0 =	vunpack.i.u.bf16.f32 v19;
	v19 =	vunpack.i.u.bf16.f32 v36;
	v20 =	vunpack.i.l.bf16.f32 v36  }
0x361: {  	[tilespmem:v14+s30+$0x0] =	vst.idx.add.f32.msk $0xffff, v24;
	v36 =	vunpack.i.u.bf16.f32 v18;
	v18 =	vunpack.i.l.bf16.f32 v18;
	vm3 =	vge.f32 v1, $1.000000000e+00  }
0x362: {  	v53 =	vld.idx.msk [tilespmem:v23+s22+$0x0], $0xffff;
	v0 =	vmul.f32 v19, v0;
	v19 =	vunpack.i.u.bf16.f32 v56;
	v56 =	vunpack.i.l.bf16.f32 v56  }
0x363: {  	v60 =	vld [tilespmem:$0x1FF10];
	v56 =	vmul.f32 v56, v18;
	v18 =	vunpack.i.u.bf16.f32 v52;
	v52 =	vunpack.i.l.bf16.f32 v52  }
0x364: {  	v63 =	vld.idx.msk [tilespmem:v21+s22+$0x0], $0xffff;
	v34 =	vmul.f32 v19, v36;
	v19 =	vunpack.i.u.bf16.f32 v57;
	v57 =	vunpack.i.l.bf16.f32 v57  }
0x365: {  	v52 =	vmul.f32 v57, v52;
	v57 =	vmul.f32 v19, v18;
	v18 =	vsel vm3, v1, v16;
	v16 =	vld [tilespmem:$0x1FEE0]  }
0x366: {  	v35 =	vunpack.i.u.bf16.f32 v30;
	[tilespmem:v15+s30+$0x0] =	vst.idx.add.f32.msk $0xffff, v26;
	v20 =	vmul.f32 v20, v22;
	v22 =	vunpack.i.u.bf16.f32 v50  }
0x367: {  	vm14 =	vge.f32 v51, $1.000000000e+00;
	v22 =	vmul.f32 v35, v22;
	v35 =	vld.idx.msk [tilespmem:v45+s22+$0x0], $0xffff  }
0x368: {  	v61 =	vshll.u32 v47, $0x2;
	v62 =	vshll.u32 v49, $0x2;
	v19 =	vsel vm14, v51, v55;
	v51 =	vld [tilespmem:$0x1FF30]  }
0x369: {  	v43 =	vand.u32 $0x7F, v43;
	v59 =	vshll.u32 v41, $0x2;
	v30 =	vunpack.i.l.bf16.f32 v30;
	v36 =	vld.idx.msk [tilespmem:v46+s22+$0x0], $0xffff  }
0x36a: {  	v24 =	vunpack.i.u.bf16.f32 v33;
	v7 =	vand.u32 $0xFFFFFE00, v59;
	v50 =	vunpack.i.l.bf16.f32 v50;
	[tilespmem:v13+s30+$0x0] =	vst.idx.add.f32.msk $0xffff, v16  }
0x36b: {  	vm4 =	vge.f32 v17, $1.000000000e+00;
	v9 =	vor.u32 v43, v9;
	v30 =	vmul.f32 v30, v50;
	v16 =	vld [tilespmem:$0x1FEF0]  }
0x36c: {  	v50 =	vsel vm4, v17, v32;
	v32 =	vunpack.i.u.bf16.f32 v58;
	v58 =	vunpack.i.l.bf16.f32 v58;
	[tilespmem:v6+s30+$0x0] =	vst.idx.add.f32.msk $0xffff, v60  }
0x36d: {  	vm2 =	vge.f32 v20, $1.000000000e+00;
	v6 =	vand.u32 $0x7F, v29;
	v29 =	vand.u32 $0xFFFFFE00, v61;
	[tilespmem:v4+s30+$0x0] =	vst.idx.add.f32.msk $0xffff, v51  }
0x36e: {  	vm1 =	vge.f32 v30, $1.000000000e+00;
	v14 =	vunpack.i.u.bf16.f32 v63;
	[tilespmem:v3+s30+$0x0] =	vst.idx.add.f32.msk $0xffff, v27;
	v3 =	vor.u32 v42, v38  }
0x36f: {  	v15 =	vunpack.i.l.bf16.f32 v63;
	v17 =	vsel vm2, v20, v0;
	v20 =	vld [tilespmem:$0x1FF00];
	v63 =	vand.u32 $0xFFFFFE00, v62  }
0x370: {  	v6 =	vor.u32 v6, v39;
	v1 =	vunpack.i.u.bf16.f32 v53;
	v28 =	vunpack.i.u.bf16.f32 v36;
	[tilespmem:v12+s30+$0x0] =	vst.idx.add.f32.msk $0xffff, v16  }
0x371: {  	v4 =	vmul.f32 v50, v58;
	v16 =	vsel vm1, v30, v22;
	v30 =	vunpack.i.l.bf16.f32 v36;
	v36 =	vld [tilespmem:$0x1FF20]  }
0x372: {  	vm5 =	vge.f32 v56, $1.000000000e+00;
	v15 =	vmul.f32 v19, v15;
	vm15 =	vge.f32 v52, $1.000000000e+00  }
0x373: {  	v13 =	vunpack.i.l.bf16.f32 v53;
	v53 =	vand.u32 $0x7F, v49;
	[tilespmem:v3+s30+$0x0] =	vst.idx.add.f32.msk $0xffff, v4;
	v4 =	vor.u32 $0x100, v3  }
0x374: {  	v27 =	vmul.f32 v50, v32;
	[tilespmem:v10+s30+$0x0] =	vst.idx.add.f32.msk $0xffff, v20;
	v10 =	vunpack.i.l.bf16.f32 v33;
	v33 =	vor.u32 v53, v63  }
0x375: {  	[tilespmem:v6+s30+$0x0] =	vst.idx.add.f32.msk $0xffff, v15;
	v22 =	vsel vm15, v52, v57;
	v57 =	vor.u32 $0x100, v9;
	v10 =	vmul.f32 v16, v10  }
0x376: {  	v52 =	vand.u32 $0x7F, v47;
	v20 =	vsel vm5, v56, v34;
	v59 =	vor.u32 $0x100, v33;
	[tilespmem:v5+s30+$0x0] =	vst.idx.add.f32.msk $0xffff, v36  }
0x377: {  	v8 =	vunpack.i.l.bf16.f32 v35;
	v29 =	vor.u32 v52, v29;
	v30 =	vmul.f32 v22, v30;
	[tilespmem:v9+s30+$0x0] =	vst.idx.add.f32.msk $0xffff, v10  }
0x378: {  	v24 =	vmul.f32 v16, v24;
	v58 =	vor.u32 $0x100, v29;
	v5 =	vand.u32 $0x7F, v31;
	[tilespmem:v4+s30+$0x0] =	vst.idx.add.f32.msk $0xffff, v27  }
0x379: {  	v28 =	vmul.f32 v22, v28;
	v31 =	vand.u32 $0x7F, v41;
	v5 =	vor.u32 v5, v40;
	[tilespmem:v33+s30+$0x0] =	vst.idx.add.f32.msk $0xffff, v30  }
0x37a: {  	v26 =	vunpack.i.u.bf16.f32 v35;
	v7 =	vor.u32 v31, v7;
	v31 =	vmul.f32 v20, v8;
	[tilespmem:v57+s30+$0x0] =	vst.idx.add.f32.msk $0xffff, v24  }
0x37b: {  	v26 =	vmul.f32 v20, v26;
	v8 =	vor.u32 $0x100, v6;
	[tilespmem:v59+s30+$0x0] =	vst.idx.add.f32.msk $0xffff, v28  }
0x37c: {  	v60 =	vor.u32 $0x80, v48;
	v13 =	vmul.f32 v18, v13;
	v12 =	vunpack.i.l.bf16.f32 v54;
	[tilespmem:v29+s30+$0x0] =	vst.idx.add.f32.msk $0xffff, v31  }
0x37d: {  	v21 =	vor.u32 $0x80, v21;
	v12 =	vmul.f32 v17, v12;
	v55 =	vor.u32 $0x100, v5;
	[tilespmem:v58+s30+$0x0] =	vst.idx.add.f32.msk $0xffff, v26  }
0x37e: {  	v0 =	vunpack.i.u.bf16.f32 v54;
	v54 =	vmul.f32 v19, v14;
	v56 =	vor.u32 $0x100, v7;
	[tilespmem:v5+s30+$0x0] =	vst.idx.add.f32.msk $0xffff, v13  }
0x37f: {  	v0 =	vmul.f32 v17, v0;
	v1 =	vmul.f32 v18, v1;
	v15 =	vor.u32 $0x80, v6;
	[tilespmem:v7+s30+$0x0] =	vst.idx.add.f32.msk $0xffff, v12  }
0x380: {  	v27 =	vor.u32 $0x80, v46;
	v10 =	vor.u32 $0x180, v5;
	[tilespmem:v8+s30+$0x0] =	vst.idx.add.f32.msk $0xffff, v54;
	v13 =	vor.u32 $0x180, v6  }
0x381: {  	v12 =	vor.u32 $0x80, v5;
	v6 =	vor.u32 $0x80, v9;
	v5 =	vor.u32 $0x180, v9;
	v9 =	vld.idx.msk [tilespmem:v60+s22+$0x0], $0xffff  }
0x382: {  	v23 =	vor.u32 $0x80, v23;
	[tilespmem:v55+s30+$0x0] =	vst.idx.add.f32.msk $0xffff, v1  }
0x383: {  	[tilespmem:v56+s30+$0x0] =	vst.idx.add.f32.msk $0xffff, v0  }
0x384: {  	v25 =	vor.u32 $0x80, v25;
	v24 =	vld.idx.msk [tilespmem:v21+s22+$0x0], $0xffff  }
0x385: {  	v21 =	vld.idx.msk [tilespmem:v27+s22+$0x0], $0xffff  }
0x386: {  	v61 =	vor.u32 $0x80, v44;
	[tilespmem:v37+s30+$0x0] =	vst.idx.add.f32.msk $0xffff, v11  }
0x387: {  	v62 =	vor.u32 $0x80, v45;
	v0 =	vor.u32 $0x80, v33;
	v26 =	vld.idx.msk [tilespmem:v23+s22+$0x0], $0xffff  }
0x388: {  	s21 =	sadd.s32 $0x8, s21;
	v37 =	vmov v0;
	v0 =	vld [tilespmem:$0x1FF40]  }
0x389: {  	p0 =	slt.u32 s21, $0xF0;
	v14 =	vor.u32 $0x180, v3;
	v63 =	vor.u32 $0x80, v3;
	v3 =	vor.u32 $0x180, v29;
	v28 =	vld.idx.msk [tilespmem:v25+s22+$0x0], $0xffff  }
.Ltmp15:
0x38a: {  	v4 =	vor.u32 $0x80, v29;
	v8 =	vor.u32 $0x80, v7;
	v7 =	vor.u32 $0x180, v7;
	(pc) =	sbr.rel @p0 .LBB2_15-.Ltmp15, $4  }
0x38b: {  	v1 =	vor.u32 $0x180, v33;
	v25 =	vld.idx.msk [tilespmem:v61+s22+$0x0], $0xffff;
	v29 =	vunpack.i.u.bf16.f32 v9;
	v9 =	vunpack.i.l.bf16.f32 v9  }
0x38c: {  	v23 =	vld.idx.msk [tilespmem:v62+s22+$0x0], $0xffff;
	v9 =	vmul.f32 v9, v50;
	v27 =	vunpack.i.u.bf16.f32 v24;
	v30 =	vunpack.i.l.bf16.f32 v24  }
0x38d: {  	v24 =	vmul.f32 v29, v50;
	v11 =	vunpack.i.u.bf16.f32 v26;
	v29 =	vunpack.i.l.bf16.f32 v26;
	[tilespmem:v2+s30+$0x0] =	vst.idx.add.f32.msk $0xffff, v0  }
0x38e: {  	s5 =	sadd.s32 $0x80, s5;
	v2 =	vmovc v1;
	v26 =	vmul.f32 v30, v19;
	[tilespmem:v63+s30+$0x0] =	vst.idx.add.f32.msk $0xffff, v9;
	v9 =	vunpack.i.u.bf16.f32 v28;
	v28 =	vunpack.i.l.bf16.f32 v28  }
.LBB2_16:
0x38f: {  	_ =	sdelay $0x3  }
0x390: {  	v0 =	vmul.f32 v27, v19;
	[tilespmem:v14+s30+$0x0] =	vst.idx.add.f32.msk $0xffff, v24  }
0x391: {  	v1 =	vmul.f32 v29, v18;
	[tilespmem:v15+s30+$0x0] =	vst.idx.add.f32.msk $0xffff, v26  }
0x392: {  	v54 =	vmul.f32 v28, v17;
	[tilespmem:v13+s30+$0x0] =	vst.idx.add.f32.msk $0xffff, v0  }
0x393: {  	v11 =	vmul.f32 v11, v18;
	[tilespmem:v12+s30+$0x0] =	vst.idx.add.f32.msk $0xffff, v1  }
0x394: {  	v9 =	vmul.f32 v9, v17;
	v55 =	vunpack.i.l.bf16.f32 v25;
	[tilespmem:v8+s30+$0x0] =	vst.idx.add.f32.msk $0xffff, v54  }
0x395: {  	v56 =	vunpack.i.u.bf16.f32 v25;
	v1 =	vmul.f32 v55, v16;
	[tilespmem:v10+s30+$0x0] =	vst.idx.add.f32.msk $0xffff, v11  }
0x396: {  	v57 =	vunpack.i.l.bf16.f32 v23;
	v58 =	vmul.f32 v56, v16;
	[tilespmem:v7+s30+$0x0] =	vst.idx.add.f32.msk $0xffff, v9  }
0x397: {  	v59 =	vunpack.i.u.bf16.f32 v23;
	v0 =	vmul.f32 v57, v20;
	[tilespmem:v6+s30+$0x0] =	vst.idx.add.f32.msk $0xffff, v1  }
0x398: {  	v60 =	vunpack.i.l.bf16.f32 v21;
	v61 =	vmul.f32 v59, v20;
	[tilespmem:v5+s30+$0x0] =	vst.idx.add.f32.msk $0xffff, v58  }
0x399: {  	v62 =	vunpack.i.u.bf16.f32 v21;
	v1 =	vmul.f32 v60, v22;
	[tilespmem:v4+s30+$0x0] =	vst.idx.add.f32.msk $0xffff, v0  }
0x39a: {  	v63 =	vmul.f32 v62, v22;
	[tilespmem:v3+s30+$0x0] =	vst.idx.add.f32.msk $0xffff, v61  }
0x39b: {  	[tilespmem:v37+s30+$0x0] =	vst.idx.add.f32.msk $0xffff, v1  }
0x39c: {  	[tilespmem:v2+s30+$0x0] =	vst.idx.add.f32.msk $0xffff, v63  }
.LBB2_17:
0x39d: {  	s5 =	sshra.s32 s0, $0x2  }
0x39e: {  	v0 =	vld [tilespmem:s5+$0x18780]  }
0x39f: {  	v1 =	vld [tilespmem:s5+$0x1A780];
	_ =	sdelay $0x4  }
0x3a0: {  	v2 =	vshll.u32 v0, $0x1  }
0x3a1: {  	v3 =	vand.u32 $0x7F, v0;
	v2 =	vand.u32 $0xFFFFFF00, v2  }
0x3a2: {  	v2 =	vor.u32 v3, v2;
	v0 =	vld.idx.msk [tilespmem:v0+s3+$0x0], $0xffff  }
0x3a3: {  	v59 =	vld.idx.msk [tilespmem:v1+s19+$0x0], $0xffff;
	_ =	sdelay $0x3  }
0x3a4: {  	v6 =	vand.u32 $0x7F, v1;
	v1 =	vshll.u32 v1, $0x2;
	v5 =	vld.idx.msk [tilespmem:v2+s22+$0x0], $0xffff  }
0x3a5: {  	v4 =	vunpack.i.u.bf16.f32 v0;
	v0 =	vunpack.i.l.bf16.f32 v0;
	v7 =	vunpack.i.l.bf16.f32 v59  }
0x3a6: {  	v1 =	vand.u32 $0xFFFFFE00, v1;
	v3 =	vunpack.i.u.bf16.f32 v59;
	v0 =	vmul.f32 v7, v0  }
0x3a7: {  	v1 =	vor.u32 v6, v1;
	v3 =	vmul.f32 v3, v4  }
0x3a8: {  	v60 =	vor.u32 $0x100, v1;
	vm0 =	vge.f32 v0, $1.000000000e+00  }
0x3a9: {  	v2 =	vor.u32 $0x80, v2;
	v0 =	vsel vm0, v0, v3;
	v61 =	vunpack.i.l.bf16.f32 v5  }
0x3aa: {  	v5 =	vunpack.i.u.bf16.f32 v5;
	v3 =	vmul.f32 v0, v61  }
0x3ab: {  	v5 =	vmul.f32 v0, v5  }
0x3ac: {  	[tilespmem:v1+s30+$0x0] =	vst.idx.add.f32.msk $0xffff, v3  }
0x3ad: {  	[tilespmem:v60+s30+$0x0] =	vst.idx.add.f32.msk $0xffff, v5  }
0x3ae: {  	v2 =	vld.idx.msk [tilespmem:v2+s22+$0x0], $0xffff;
	_ =	sdelay $0x2  }
0x3af: {  	v62 =	vor.u32 $0x80, v1  }
0x3b0: {  	p0 =	sne.s32 s0, $0x40;
	v1 =	vor.u32 $0x180, v1  }
.Ltmp16:
0x3b1: {  	v63 =	vunpack.i.l.bf16.f32 v2;
	(pc) =	sbr.rel @p0 .LBB2_17-.Ltmp16, $4  }
0x3b2: {  	v2 =	vunpack.i.u.bf16.f32 v2;
	v4 =	vmul.f32 v63, v0  }
0x3b3: {  	v0 =	vmul.f32 v2, v0  }
0x3b4: {  	[tilespmem:v62+s30+$0x0] =	vst.idx.add.f32.msk $0xffff, v4  }
0x3b5: {  	s0 =	sadd.s32 $0x40, s0;
	[tilespmem:v1+s30+$0x0] =	vst.idx.add.f32.msk $0xffff, v0  }
.Ltmp17:
0x3b6: {  	_ = 	snop;
	(pc) =	sbr.rel .LBB2_22-.Ltmp17, $1  }
0x3b7: {  	_ =	sdelay $0x3  }
.LBB2_23:
0x3b8: {  	s23 =	simm.s32 $0x400;
	s0 =	simm.s32 $0x80  }
0x3b9: {  	[hbm4b:s14+s0] =	stream.strided.scatter [tilespmem:s29], [sflag:$0x3], $0x2800, s23, s0, $0x38;
	[tilespmem:$0x1A800] =	vst v63  }
0x3ba: {  	_ =	swait.ge [sflag:s18], $0x2800  }
0x3bb: {  	s5 =	simm.s32 $0x80;
	s21 =	sadd.s32 $0x0, s15;
	[sflag:s18] =	ssyncset.done $0x0  }
0x3bc: {  	s20 =	simm.s32 $0xCA00;
	s0 =	simm.s32 $0xC800;
	[sflag:s18] =	ssyncadd.s32 $0xFFFFD800  }
.LBB2_24:
0x3bd: {  	[hbm4b:s21+s3] =	stream.linear.scatter [tilespmem:s0], [sflag:$0x3], $0x100, $0x38;
	[tilespmem:$0x1A800] =	vst v63  }
0x3be: {  	s21 =	smov.u32 s5;
	s0 =	smov.u32 s20;
	p0 =	sne.s32 s5, $0x2780  }
.Ltmp18:
0x3bf: {  	s5 =	sadd.s32 $0x80, s5;
	(pc) =	sbr.rel @p0 .LBB2_24-.Ltmp18, $2  }
0x3c0: {  	_ =	sdelay $0x2  }
0x3c1: {  	s20 =	sadd.s32 $0x200, s20;
	s21 =	sadd.s32 s21, s15  }
0x3c2: {  	[hbm4b:s21+s3] =	stream.linear.scatter [tilespmem:s0], [sflag:$0x3], $0x100, $0x38;
	[tilespmem:$0x1A800] =	vst v63  }
0x3c3: {  	_ =	swait.ge [sflag:s18], $0x5000  }
0x3c4: {  	s0 =	simm.s32 $0xC900;
	s5 =	simm.s32 $0x80;
	[sflag:s18] =	ssyncset.done $0x0  }
0x3c5: {  	s21 =	sadd.s32 $0x0, s16;
	s20 =	simm.s32 $0xCB00;
	[sflag:s18] =	ssyncadd.s32 $0xFFFFB000  }
.LBB2_26:
0x3c6: {  	[hbm4b:s21+s3] =	stream.linear.scatter [tilespmem:s0], [sflag:$0x3], $0x100, $0x38;
	[tilespmem:$0x1A800] =	vst v63  }
0x3c7: {  	s21 =	smov.u32 s5;
	s0 =	smov.u32 s20;
	p0 =	sne.s32 s5, $0x2780  }
.Ltmp19:
0x3c8: {  	s5 =	sadd.s32 $0x80, s5;
	(pc) =	sbr.rel @p0 .LBB2_26-.Ltmp19, $2  }
0x3c9: {  	_ =	sdelay $0x2  }
0x3ca: {  	s20 =	sadd.s32 $0x200, s20;
	s21 =	sadd.s32 s21, s16  }
0x3cb: {  	s2 =	sadd.s32 $0x1, s2  }
0x3cc: {  	p0 =	sne.s32 s2, s17  }
.Ltmp20:
0x3cd: {  	_ = 	snop;
	(pc) =	sbr.rel @p0 .LBB2_1-.Ltmp20, $4  }
0x3ce: {  	[hbm4b:s21+s3] =	stream.linear.scatter [tilespmem:s0], [sflag:$0x3], $0x100, $0x38;
	[tilespmem:$0x1A800] =	vst v63  }
0x3cf: {  	_ =	swait.ge [sflag:s18], $0x5000  }
0x3d0: {  	[sflag:s18] =	ssyncset.done $0x0  }
0x3d1: {  	[sflag:s18] =	ssyncadd.s32 $0xFFFFB000  }
0x3d2: {  	_ =	sfence.sel $0x180000  }
0x3d3: {  	[bflag:$0x0] =	sbarrier.arrive $0xFFFF  }
0x3d4: {  	_ =	strace $0x90000047  }
0x3d5: {  	s0 =	stileid.u32;
	[bflag:$0x2] =	sbarrier.arrive $0xFFFF  }
0x3d6: {  	p0 =	sne.s32 s0, $0x0;
	s0 =	rddreg [dreg:$0x2]  }
0x3d7: {  	s0 =	sadd.s32 @!p0 $0x100000, s0  }
0x3d8: {  	[sflag:s0] =	ssyncadd.tile.s32 @!p0 $0x1;
	_ =	shalt  }
.Lfunc_end2:
_tile_overlayer_lowered:
.L_overlay_start_2:
0x3d9: {  	(tag) =	ssettag $0x2  }
0x3da: {  	s0 =	rddreg [dreg:$0x0];
	s2 =	stileid.u32  }
0x3db: {  	s1 =	rddreg [dreg:$0x1];
	p0 =	sne.s32 s2, $0x0  }
0x3dc: {  	s3 =	rddreg [dreg:$0x2];
	[bflag:$0x3] =	sbarrier.arrive $0xFFFF;
	s2 =	simm.s32 @!p0 $0x1C03  }
0x3dd: {  	[timem:s3], [sflag:s2] =	dma.local @!p0 [hbm:s0], s1  }
0x3de: {  	s0 =	simm.s32 @!p0 $0x3  }
0x3df: {  	_ =	swait.ge @!p0 [sflag:s0], s1  }
0x3e0: {  	s1 =	ssub.s32 @!p0 $0x0, s1;
	[sflag:s0] =	ssyncset.done @!p0 $0x0  }
0x3e1: {  	[sflag:s0] =	ssyncadd.s32 @!p0 s1  }
0x3e2: {  	[bflag:$0x3] =	sbarrier.arrive $0xFFFF  }
0x3e3: {  	_ =	shalt  }

</sc_bundles>
